<compile_context>
chip_gen: v7x
topology: tpu7x:2x2x1
jax: 0.10.2.dev20260603
libtpu: 0.0.44.dev20260713+nightly
codegen_flags: <defaults>
</compile_context>

<pallas_src>
import functools

import jax
import jax.numpy as jnp
from jax import lax
from jax.experimental import pallas as pl
from jax.experimental.pallas import tpu as pltpu
from jax.experimental.pallas import tpu_sc as plsc

B = 16384
D = 128
NC = 2
NS = 16
NW = NC * NS
BPW = B // NW
CH = 128
NCHUNK = BPW // CH
L = 16
RU = 4


def _scores_kernel(users_hbm, pos_hbm, neg_hbm, ut_hbm, it_hbm,
                   pos_out, neg_out,
                   uidx, pidx, nidx,
                   ubuf0, pbuf0, nbuf0, ubuf1, pbuf1, nbuf1,
                   psc, nsc, sem0, sem1):
    wid = lax.axis_index("s") * NC + lax.axis_index("c")
    base = wid * BPW
    ubufs = (ubuf0, ubuf1)
    pbufs = (pbuf0, pbuf1)
    nbufs = (nbuf0, nbuf1)
    sems = (sem0, sem1)

    h0 = (pltpu.async_copy(users_hbm.at[pl.ds(base, CH)],
                           uidx.at[pl.ds(0, CH)], sem0),
          pltpu.async_copy(pos_hbm.at[pl.ds(base, CH)],
                           pidx.at[pl.ds(0, CH)], sem0),
          pltpu.async_copy(neg_hbm.at[pl.ds(base, CH)],
                           nidx.at[pl.ds(0, CH)], sem0))
    rest = BPW - CH
    h1 = (pltpu.async_copy(users_hbm.at[pl.ds(base + CH, rest)],
                           uidx.at[pl.ds(CH, rest)], sem1),
          pltpu.async_copy(pos_hbm.at[pl.ds(base + CH, rest)],
                           pidx.at[pl.ds(CH, rest)], sem1),
          pltpu.async_copy(neg_hbm.at[pl.ds(base + CH, rest)],
                           nidx.at[pl.ds(CH, rest)], sem1))

    def fire(c, s):
        sl = pl.ds(c * CH, CH)
        return (pltpu.async_copy(ut_hbm.at[uidx.at[sl]], ubufs[s], sems[s]),
                pltpu.async_copy(it_hbm.at[pidx.at[sl]], pbufs[s], sems[s]),
                pltpu.async_copy(it_hbm.at[nidx.at[sl]], nbufs[s], sems[s]))

    for h in h0:
        h.wait()
    inflight = {0: fire(0, 0)}
    for h in h1:
        h.wait()
    for c in range(NCHUNK):
        s = c % 2
        if c + 1 < NCHUNK:
            inflight[c + 1] = fire(c + 1, (c + 1) % 2)
        for h in inflight.pop(c):
            h.wait()
        ubuf, pbuf, nbuf = ubufs[s], pbufs[s], nbufs[s]

        last_lane = lax.iota(jnp.int32, L) == (L - 1)

        def ablock(b):
            accs = []
            for k in range(RU):
                r = b * RU + k
                u0 = ubuf[r, pl.ds(0, L)]
                ap = u0 * pbuf[r, pl.ds(0, L)]
                an = u0 * nbuf[r, pl.ds(0, L)]
                for j in range(1, D // L):
                    u = ubuf[r, pl.ds(j * L, L)]
                    ap = ap + u * pbuf[r, pl.ds(j * L, L)]
                    an = an + u * nbuf[r, pl.ds(j * L, L)]
                accs += [ap, an]
            return tuple(accs)

        def finish(b, accs, c=c):
            for k in range(RU):
                off = c * CH + b * RU + k
                plsc.store_compressed(psc.at[pl.ds(off, L)],
                                      plsc.cumsum(accs[2 * k]),
                                      mask=last_lane)
                plsc.store_compressed(nsc.at[pl.ds(off, L)],
                                      plsc.cumsum(accs[2 * k + 1]),
                                      mask=last_lane)

        def rblock(b, carry):
            finish(b - 1, carry)
            return ablock(b)

        nblk = CH // RU
        tail = lax.fori_loop(1, nblk, rblock, ablock(0))
        finish(nblk - 1, tail)

    pltpu.sync_copy(psc.at[pl.ds(0, BPW)], pos_out.at[pl.ds(base, BPW)])
    pltpu.sync_copy(nsc.at[pl.ds(0, BPW)], neg_out.at[pl.ds(base, BPW)])


@jax.jit
def _scores(users, posItems, negItems, embedUserTable, embedItemTable):
    mesh = plsc.VectorSubcoreMesh(core_axis_name="c", subcore_axis_name="s")
    run = functools.partial(
        pl.kernel,
        mesh=mesh,
        compiler_params=pltpu.CompilerParams(needs_layout_passes=False),
        out_type=(
            jax.ShapeDtypeStruct((B,), jnp.float32),
            jax.ShapeDtypeStruct((B,), jnp.float32),
        ),
        scratch_types=[
            pltpu.VMEM((BPW,), jnp.int32),
            pltpu.VMEM((BPW,), jnp.int32),
            pltpu.VMEM((BPW,), jnp.int32),
            pltpu.VMEM((CH, D), jnp.float32),
            pltpu.VMEM((CH, D), jnp.float32),
            pltpu.VMEM((CH, D), jnp.float32),
            pltpu.VMEM((CH, D), jnp.float32),
            pltpu.VMEM((CH, D), jnp.float32),
            pltpu.VMEM((CH, D), jnp.float32),
            pltpu.VMEM((BPW + L,), jnp.float32),
            pltpu.VMEM((BPW + L,), jnp.float32),
            pltpu.SemaphoreType.DMA,
            pltpu.SemaphoreType.DMA,
        ],
    )(_scores_kernel)
    return run(users, posItems, negItems, embedUserTable, embedItemTable)


def kernel(users, seqs, posItems, negItems, embedUserTable, embedItemTable):
    del seqs
    return _scores(users.astype(jnp.int32), posItems.astype(jnp.int32),
                   negItems.astype(jnp.int32), embedUserTable, embedItemTable)

# --- scband reference (transcript-rebuilt; emitter-appended) ---
"""Pipeline reference for scband-fed-avg-one-60730837565586 (READ-ONLY COPY).

The authoritative reference and input builder live on the scoring server;
editing this copy changes nothing except your own understanding.
"""

import jax, jax.numpy as jnp
import numpy as np

USER_COUNT = 100000
ITEM_COUNT = 100000
EMBED_SIZE = 128
BATCH = 16384
HIST_LEN = 50


def setup_inputs(seed: int = 0) -> dict:
    key = jax.random.key(seed)
    k_users, k_seqs, k_pos, k_neg, k_ut, k_it = jax.random.split(key, 6)
    users = jax.random.randint(k_users, (BATCH,), 0, USER_COUNT, dtype=jnp.int64 if jax.config.jax_enable_x64 else jnp.int32)
    seqs = jax.random.randint(k_seqs, (BATCH, HIST_LEN), 0, ITEM_COUNT, dtype=users.dtype)
    posItems = jax.random.randint(k_pos, (BATCH,), 0, ITEM_COUNT, dtype=users.dtype)
    negItems = jax.random.randint(k_neg, (BATCH,), 0, ITEM_COUNT, dtype=users.dtype)
    embedUserTable = jax.random.normal(k_ut, (USER_COUNT, EMBED_SIZE), dtype=jnp.float32) * 0.02
    embedItemTable = jax.random.normal(k_it, (ITEM_COUNT, EMBED_SIZE), dtype=jnp.float32) * 0.02
    return {
        "users": users,
        "seqs": seqs,
        "posItems": posItems,
        "negItems": negItems,
        "embedUserTable": embedUserTable,
        "embedItemTable": embedItemTable,
    }


def reference(users, seqs, posItems, negItems, embedUserTable, embedItemTable):
    # Faithful translation of FedAvgOne.forward: three embedding gathers +
    # elementwise-product dot scores. seqs is accepted but unused, as in the
    # original module.
    embedUser = jnp.take(embedUserTable, users, axis=0)
    embedPosItem = jnp.take(embedItemTable, posItems, axis=0)
    embedNegItem = jnp.take(embedItemTable, negItems, axis=0)
    posScores = (embedUser * embedPosItem).sum(axis=-1)
    negScores = (embedUser * embedNegItem).sum(axis=-1)
    return (posScores, negScores)

if __name__ == "__main__":
    import jax
    _d = setup_inputs()
    print(jax.jit(kernel)(*tuple(_d.values())))

</pallas_src>

<mosaic_0001>
#map = affine_map<(d0, d1) -> (0)>
#map1 = affine_map<(d0, d1) -> (0, 0)>
module attributes {stable_mosaic.version = 14 : i64} {
  func.func @_scores_kernel(%arg0: i32, %arg1: i32, %arg2: memref<16384xi32, #tpu.memory_space<hbm>>, %arg3: memref<16384xi32, #tpu.memory_space<hbm>>, %arg4: memref<16384xi32, #tpu.memory_space<hbm>>, %arg5: memref<100000x128xf32, #tpu.memory_space<hbm>>, %arg6: memref<100000x128xf32, #tpu.memory_space<hbm>>, %arg7: memref<16384xf32, #tpu.memory_space<hbm>>, %arg8: memref<16384xf32, #tpu.memory_space<hbm>>, %arg9: memref<512xi32, #tpu.memory_space<vmem>>, %arg10: memref<512xi32, #tpu.memory_space<vmem>>, %arg11: memref<512xi32, #tpu.memory_space<vmem>>, %arg12: memref<128x128xf32, #tpu.memory_space<vmem>>, %arg13: memref<128x128xf32, #tpu.memory_space<vmem>>, %arg14: memref<128x128xf32, #tpu.memory_space<vmem>>, %arg15: memref<128x128xf32, #tpu.memory_space<vmem>>, %arg16: memref<128x128xf32, #tpu.memory_space<vmem>>, %arg17: memref<128x128xf32, #tpu.memory_space<vmem>>, %arg18: memref<528xf32, #tpu.memory_space<vmem>>, %arg19: memref<528xf32, #tpu.memory_space<vmem>>, %arg20: memref<!tpu.dma_semaphore, #tpu.memory_space<semaphore_mem>>, %arg21: memref<!tpu.dma_semaphore, #tpu.memory_space<semaphore_mem>>) attributes {dimension_semantics = [#tpu.dimension_semantics<core_parallel>, #tpu.dimension_semantics<subcore_parallel>], iteration_bounds = array<i64: 2, 16>, scalar_prefetch = 0 : i64, scratch_operands = 13 : i64, tpu.core_type = #tpu.core_type<sc_vector_subcore>, window_params = [{transform_indices = #map}, {transform_indices = #map}, {transform_indices = #map}, {transform_indices = #map1}, {transform_indices = #map1}, {transform_indices = #map}, {transform_indices = #map}]} {
    %mul3A = arith.constant 2 : i32
    %mul3A_0 = arith.muli %arg1, %mul3A : i32
    %add3A = arith.addi %mul3A_0, %arg0 : i32
    %mul3A_1 = arith.constant 512 : i32
    %mul3A_2 = arith.muli %add3A, %mul3A_1 : i32
    %dma_start3A = arith.constant 0 : i32
    %dma_start3A_3 = tpu.memref_slice %arg9[%dma_start3A] : memref<512xi32, #tpu.memory_space<vmem>> -> memref<128xi32, #tpu.memory_space<vmem>>
    %dma_start3A_4 = tpu.memref_slice %arg2[%mul3A_2] : memref<16384xi32, #tpu.memory_space<hbm>> -> memref<128xi32, #tpu.memory_space<hbm>>
    %dma_start3A_5 = arith.constant 0 : i32
    %dma_start3A_6 = tpu.memref_slice %arg9[%dma_start3A_5] : memref<512xi32, #tpu.memory_space<vmem>> -> memref<128xi32, #tpu.memory_space<vmem>>
    %dma_start3A_7 = tpu.memref_slice %arg2[%mul3A_2] : memref<16384xi32, #tpu.memory_space<hbm>> -> memref<128xi32, #tpu.memory_space<hbm>>
    tpu.enqueue_dma source(%dma_start3A_7 : memref<128xi32, #tpu.memory_space<hbm>>) target(%dma_start3A_6 : memref<128xi32, #tpu.memory_space<vmem>>) target_semaphore(%arg20 : memref<!tpu.dma_semaphore, #tpu.memory_space<semaphore_mem>>)
    %dma_start3A_8 = arith.constant 0 : i32
    %dma_start3A_9 = tpu.memref_slice %arg10[%dma_start3A_8] : memref<512xi32, #tpu.memory_space<vmem>> -> memref<128xi32, #tpu.memory_space<vmem>>
    %dma_start3A_10 = tpu.memref_slice %arg3[%mul3A_2] : memref<16384xi32, #tpu.memory_space<hbm>> -> memref<128xi32, #tpu.memory_space<hbm>>
    %dma_start3A_11 = arith.constant 0 : i32
    %dma_start3A_12 = tpu.memref_slice %arg10[%dma_start3A_11] : memref<512xi32, #tpu.memory_space<vmem>> -> memref<128xi32, #tpu.memory_space<vmem>>
    %dma_start3A_13 = tpu.memref_slice %arg3[%mul3A_2] : memref<16384xi32, #tpu.memory_space<hbm>> -> memref<128xi32, #tpu.memory_space<hbm>>
    tpu.enqueue_dma source(%dma_start3A_13 : memref<128xi32, #tpu.memory_space<hbm>>) target(%dma_start3A_12 : memref<128xi32, #tpu.memory_space<vmem>>) target_semaphore(%arg20 : memref<!tpu.dma_semaphore, #tpu.memory_space<semaphore_mem>>)
    %dma_start3A_14 = arith.constant 0 : i32
    %dma_start3A_15 = tpu.memref_slice %arg11[%dma_start3A_14] : memref<512xi32, #tpu.memory_space<vmem>> -> memref<128xi32, #tpu.memory_space<vmem>>
    %dma_start3A_16 = tpu.memref_slice %arg4[%mul3A_2] : memref<16384xi32, #tpu.memory_space<hbm>> -> memref<128xi32, #tpu.memory_space<hbm>>
    %dma_start3A_17 = arith.constant 0 : i32
    %dma_start3A_18 = tpu.memref_slice %arg11[%dma_start3A_17] : memref<512xi32, #tpu.memory_space<vmem>> -> memref<128xi32, #tpu.memory_space<vmem>>
    %dma_start3A_19 = tpu.memref_slice %arg4[%mul3A_2] : memref<16384xi32, #tpu.memory_space<hbm>> -> memref<128xi32, #tpu.memory_space<hbm>>
    tpu.enqueue_dma source(%dma_start3A_19 : memref<128xi32, #tpu.memory_space<hbm>>) target(%dma_start3A_18 : memref<128xi32, #tpu.memory_space<vmem>>) target_semaphore(%arg20 : memref<!tpu.dma_semaphore, #tpu.memory_space<semaphore_mem>>)
    %add3A_20 = arith.constant 128 : i32
    %add3A_21 = arith.addi %mul3A_2, %add3A_20 : i32
    %dma_start3A_22 = arith.constant 128 : i32
    %dma_start3A_23 = tpu.memref_slice %arg9[%dma_start3A_22] : memref<512xi32, #tpu.memory_space<vmem>> -> memref<384xi32, #tpu.memory_space<vmem>>
    %dma_start3A_24 = tpu.memref_slice %arg2[%add3A_21] : memref<16384xi32, #tpu.memory_space<hbm>> -> memref<384xi32, #tpu.memory_space<hbm>>
    %dma_start3A_25 = arith.constant 128 : i32
    %dma_start3A_26 = tpu.memref_slice %arg9[%dma_start3A_25] : memref<512xi32, #tpu.memory_space<vmem>> -> memref<384xi32, #tpu.memory_space<vmem>>
    %dma_start3A_27 = tpu.memref_slice %arg2[%add3A_21] : memref<16384xi32, #tpu.memory_space<hbm>> -> memref<384xi32, #tpu.memory_space<hbm>>
    tpu.enqueue_dma source(%dma_start3A_27 : memref<384xi32, #tpu.memory_space<hbm>>) target(%dma_start3A_26 : memref<384xi32, #tpu.memory_space<vmem>>) target_semaphore(%arg21 : memref<!tpu.dma_semaphore, #tpu.memory_space<semaphore_mem>>)
    %add3A_28 = arith.constant 128 : i32
    %add3A_29 = arith.addi %mul3A_2, %add3A_28 : i32
    %dma_start3A_30 = arith.constant 128 : i32
    %dma_start3A_31 = tpu.memref_slice %arg10[%dma_start3A_30] : memref<512xi32, #tpu.memory_space<vmem>> -> memref<384xi32, #tpu.memory_space<vmem>>
    %dma_start3A_32 = tpu.memref_slice %arg3[%add3A_29] : memref<16384xi32, #tpu.memory_space<hbm>> -> memref<384xi32, #tpu.memory_space<hbm>>
    %dma_start3A_33 = arith.constant 128 : i32
    %dma_start3A_34 = tpu.memref_slice %arg10[%dma_start3A_33] : memref<512xi32, #tpu.memory_space<vmem>> -> memref<384xi32, #tpu.memory_space<vmem>>
    %dma_start3A_35 = tpu.memref_slice %arg3[%add3A_29] : memref<16384xi32, #tpu.memory_space<hbm>> -> memref<384xi32, #tpu.memory_space<hbm>>
    tpu.enqueue_dma source(%dma_start3A_35 : memref<384xi32, #tpu.memory_space<hbm>>) target(%dma_start3A_34 : memref<384xi32, #tpu.memory_space<vmem>>) target_semaphore(%arg21 : memref<!tpu.dma_semaphore, #tpu.memory_space<semaphore_mem>>)
    %add3A_36 = arith.constant 128 : i32
    %add3A_37 = arith.addi %mul3A_2, %add3A_36 : i32
    %dma_start3A_38 = arith.constant 128 : i32
    %dma_start3A_39 = tpu.memref_slice %arg11[%dma_start3A_38] : memref<512xi32, #tpu.memory_space<vmem>> -> memref<384xi32, #tpu.memory_space<vmem>>
    %dma_start3A_40 = tpu.memref_slice %arg4[%add3A_37] : memref<16384xi32, #tpu.memory_space<hbm>> -> memref<384xi32, #tpu.memory_space<hbm>>
    %dma_start3A_41 = arith.constant 128 : i32
    %dma_start3A_42 = tpu.memref_slice %arg11[%dma_start3A_41] : memref<512xi32, #tpu.memory_space<vmem>> -> memref<384xi32, #tpu.memory_space<vmem>>
    %dma_start3A_43 = tpu.memref_slice %arg4[%add3A_37] : memref<16384xi32, #tpu.memory_space<hbm>> -> memref<384xi32, #tpu.memory_space<hbm>>
    tpu.enqueue_dma source(%dma_start3A_43 : memref<384xi32, #tpu.memory_space<hbm>>) target(%dma_start3A_42 : memref<384xi32, #tpu.memory_space<vmem>>) target_semaphore(%arg21 : memref<!tpu.dma_semaphore, #tpu.memory_space<semaphore_mem>>)
    %dma_wait3A = arith.constant 0 : i32
    %dma_wait3A_44 = tpu.memref_slice %arg9[%dma_wait3A] : memref<512xi32, #tpu.memory_space<vmem>> -> memref<128xi32, #tpu.memory_space<vmem>>
    %dma_wait3A_45 = tpu.memref_slice %arg2[%mul3A_2] : memref<16384xi32, #tpu.memory_space<hbm>> -> memref<128xi32, #tpu.memory_space<hbm>>
    %dma_wait3A_46 = arith.constant 0 : i32
    %dma_wait3A_47 = tpu.memref_slice %arg9[%dma_wait3A_46] : memref<512xi32, #tpu.memory_space<vmem>> -> memref<128xi32, #tpu.memory_space<vmem>>
    %dma_wait3A_48 = tpu.memref_slice %arg2[%mul3A_2] : memref<16384xi32, #tpu.memory_space<hbm>> -> memref<128xi32, #tpu.memory_space<hbm>>
    tpu.wait_dma2 semaphore(%arg20 : memref<!tpu.dma_semaphore, #tpu.memory_space<semaphore_mem>>) src(%dma_wait3A_48 : memref<128xi32, #tpu.memory_space<hbm>>) dst(%dma_wait3A_47 : memref<128xi32, #tpu.memory_space<vmem>>)
    %dma_wait3A_49 = arith.constant 0 : i32
    %dma_wait3A_50 = tpu.memref_slice %arg10[%dma_wait3A_49] : memref<512xi32, #tpu.memory_space<vmem>> -> memref<128xi32, #tpu.memory_space<vmem>>
    %dma_wait3A_51 = tpu.memref_slice %arg3[%mul3A_2] : memref<16384xi32, #tpu.memory_space<hbm>> -> memref<128xi32, #tpu.memory_space<hbm>>
    %dma_wait3A_52 = arith.constant 0 : i32
    %dma_wait3A_53 = tpu.memref_slice %arg10[%dma_wait3A_52] : memref<512xi32, #tpu.memory_space<vmem>> -> memref<128xi32, #tpu.memory_space<vmem>>
    %dma_wait3A_54 = tpu.memref_slice %arg3[%mul3A_2] : memref<16384xi32, #tpu.memory_space<hbm>> -> memref<128xi32, #tpu.memory_space<hbm>>
    tpu.wait_dma2 semaphore(%arg20 : memref<!tpu.dma_semaphore, #tpu.memory_space<semaphore_mem>>) src(%dma_wait3A_54 : memref<128xi32, #tpu.memory_space<hbm>>) dst(%dma_wait3A_53 : memref<128xi32, #tpu.memory_space<vmem>>)
    %dma_wait3A_55 = arith.constant 0 : i32
    %dma_wait3A_56 = tpu.memref_slice %arg11[%dma_wait3A_55] : memref<512xi32, #tpu.memory_space<vmem>> -> memref<128xi32, #tpu.memory_space<vmem>>
    %dma_wait3A_57 = tpu.memref_slice %arg4[%mul3A_2] : memref<16384xi32, #tpu.memory_space<hbm>> -> memref<128xi32, #tpu.memory_space<hbm>>
    %dma_wait3A_58 = arith.constant 0 : i32
    %dma_wait3A_59 = tpu.memref_slice %arg11[%dma_wait3A_58] : memref<512xi32, #tpu.memory_space<vmem>> -> memref<128xi32, #tpu.memory_space<vmem>>
    %dma_wait3A_60 = tpu.memref_slice %arg4[%mul3A_2] : memref<16384xi32, #tpu.memory_space<hbm>> -> memref<128xi32, #tpu.memory_space<hbm>>
    tpu.wait_dma2 semaphore(%arg20 : memref<!tpu.dma_semaphore, #tpu.memory_space<semaphore_mem>>) src(%dma_wait3A_60 : memref<128xi32, #tpu.memory_space<hbm>>) dst(%dma_wait3A_59 : memref<128xi32, #tpu.memory_space<vmem>>)
    %dma_start3A_61 = arith.constant 0 : i32
    %dma_start3A_62 = tpu.memref_slice %arg9[%dma_start3A_61] : memref<512xi32, #tpu.memory_space<vmem>> -> memref<128xi32, #tpu.memory_space<vmem>>
    %dma_start3A_63 = arith.constant 0 : i32
    %dma_start3A_64 = arith.constant 0 : i32
    %dma_start3A_65 = tpu.memref_slice %arg5[%dma_start3A_63, %dma_start3A_64] : memref<100000x128xf32, #tpu.memory_space<hbm>> -> memref<100000x128xf32, #tpu.memory_space<hbm>>
    tpu.enqueue_indirect_dma source(%dma_start3A_65 : memref<100000x128xf32, #tpu.memory_space<hbm>>) target(%arg12 : memref<128x128xf32, #tpu.memory_space<vmem>>) offsets(%dma_start3A_62 : memref<128xi32, #tpu.memory_space<vmem>>) semaphore(%arg20 : memref<!tpu.dma_semaphore, #tpu.memory_space<semaphore_mem>>)
    %dma_start3A_66 = arith.constant 0 : i32
    %dma_start3A_67 = tpu.memref_slice %arg10[%dma_start3A_66] : memref<512xi32, #tpu.memory_space<vmem>> -> memref<128xi32, #tpu.memory_space<vmem>>
    %dma_start3A_68 = arith.constant 0 : i32
    %dma_start3A_69 = arith.constant 0 : i32
    %dma_start3A_70 = tpu.memref_slice %arg6[%dma_start3A_68, %dma_start3A_69] : memref<100000x128xf32, #tpu.memory_space<hbm>> -> memref<100000x128xf32, #tpu.memory_space<hbm>>
    tpu.enqueue_indirect_dma source(%dma_start3A_70 : memref<100000x128xf32, #tpu.memory_space<hbm>>) target(%arg13 : memref<128x128xf32, #tpu.memory_space<vmem>>) offsets(%dma_start3A_67 : memref<128xi32, #tpu.memory_space<vmem>>) semaphore(%arg20 : memref<!tpu.dma_semaphore, #tpu.memory_space<semaphore_mem>>)
    %dma_start3A_71 = arith.constant 0 : i32
    %dma_start3A_72 = tpu.memref_slice %arg11[%dma_start3A_71] : memref<512xi32, #tpu.memory_space<vmem>> -> memref<128xi32, #tpu.memory_space<vmem>>
    %dma_start3A_73 = arith.constant 0 : i32
    %dma_start3A_74 = arith.constant 0 : i32
    %dma_start3A_75 = tpu.memref_slice %arg6[%dma_start3A_73, %dma_start3A_74] : memref<100000x128xf32, #tpu.memory_space<hbm>> -> memref<100000x128xf32, #tpu.memory_space<hbm>>
    tpu.enqueue_indirect_dma source(%dma_start3A_75 : memref<100000x128xf32, #tpu.memory_space<hbm>>) target(%arg14 : memref<128x128xf32, #tpu.memory_space<vmem>>) offsets(%dma_start3A_72 : memref<128xi32, #tpu.memory_space<vmem>>) semaphore(%arg20 : memref<!tpu.dma_semaphore, #tpu.memory_space<semaphore_mem>>)
    %dma_wait3A_76 = arith.constant 128 : i32
    %dma_wait3A_77 = tpu.memref_slice %arg9[%dma_wait3A_76] : memref<512xi32, #tpu.memory_space<vmem>> -> memref<384xi32, #tpu.memory_space<vmem>>
    %dma_wait3A_78 = tpu.memref_slice %arg2[%add3A_21] : memref<16384xi32, #tpu.memory_space<hbm>> -> memref<384xi32, #tpu.memory_space<hbm>>
    %dma_wait3A_79 = arith.constant 128 : i32
    %dma_wait3A_80 = tpu.memref_slice %arg9[%dma_wait3A_79] : memref<512xi32, #tpu.memory_space<vmem>> -> memref<384xi32, #tpu.memory_space<vmem>>
    %dma_wait3A_81 = tpu.memref_slice %arg2[%add3A_21] : memref<16384xi32, #tpu.memory_space<hbm>> -> memref<384xi32, #tpu.memory_space<hbm>>
    tpu.wait_dma2 semaphore(%arg21 : memref<!tpu.dma_semaphore, #tpu.memory_space<semaphore_mem>>) src(%dma_wait3A_81 : memref<384xi32, #tpu.memory_space<hbm>>) dst(%dma_wait3A_80 : memref<384xi32, #tpu.memory_space<vmem>>)
    %dma_wait3A_82 = arith.constant 128 : i32
    %dma_wait3A_83 = tpu.memref_slice %arg10[%dma_wait3A_82] : memref<512xi32, #tpu.memory_space<vmem>> -> memref<384xi32, #tpu.memory_space<vmem>>
    %dma_wait3A_84 = tpu.memref_slice %arg3[%add3A_29] : memref<16384xi32, #tpu.memory_space<hbm>> -> memref<384xi32, #tpu.memory_space<hbm>>
    %dma_wait3A_85 = arith.constant 128 : i32
    %dma_wait3A_86 = tpu.memref_slice %arg10[%dma_wait3A_85] : memref<512xi32, #tpu.memory_space<vmem>> -> memref<384xi32, #tpu.memory_space<vmem>>
    %dma_wait3A_87 = tpu.memref_slice %arg3[%add3A_29] : memref<16384xi32, #tpu.memory_space<hbm>> -> memref<384xi32, #tpu.memory_space<hbm>>
    tpu.wait_dma2 semaphore(%arg21 : memref<!tpu.dma_semaphore, #tpu.memory_space<semaphore_mem>>) src(%dma_wait3A_87 : memref<384xi32, #tpu.memory_space<hbm>>) dst(%dma_wait3A_86 : memref<384xi32, #tpu.memory_space<vmem>>)
    %dma_wait3A_88 = arith.constant 128 : i32
    %dma_wait3A_89 = tpu.memref_slice %arg11[%dma_wait3A_88] : memref<512xi32, #tpu.memory_space<vmem>> -> memref<384xi32, #tpu.memory_space<vmem>>
    %dma_wait3A_90 = tpu.memref_slice %arg4[%add3A_37] : memref<16384xi32, #tpu.memory_space<hbm>> -> memref<384xi32, #tpu.memory_space<hbm>>
    %dma_wait3A_91 = arith.constant 128 : i32
    %dma_wait3A_92 = tpu.memref_slice %arg11[%dma_wait3A_91] : memref<512xi32, #tpu.memory_space<vmem>> -> memref<384xi32, #tpu.memory_space<vmem>>
    %dma_wait3A_93 = tpu.memref_slice %arg4[%add3A_37] : memref<16384xi32, #tpu.memory_space<hbm>> -> memref<384xi32, #tpu.memory_space<hbm>>
    tpu.wait_dma2 semaphore(%arg21 : memref<!tpu.dma_semaphore, #tpu.memory_space<semaphore_mem>>) src(%dma_wait3A_93 : memref<384xi32, #tpu.memory_space<hbm>>) dst(%dma_wait3A_92 : memref<384xi32, #tpu.memory_space<vmem>>)
    %dma_start3A_94 = arith.constant 128 : i32
    %dma_start3A_95 = tpu.memref_slice %arg9[%dma_start3A_94] : memref<512xi32, #tpu.memory_space<vmem>> -> memref<128xi32, #tpu.memory_space<vmem>>
    %dma_start3A_96 = arith.constant 0 : i32
    %dma_start3A_97 = arith.constant 0 : i32
    %dma_start3A_98 = tpu.memref_slice %arg5[%dma_start3A_96, %dma_start3A_97] : memref<100000x128xf32, #tpu.memory_space<hbm>> -> memref<100000x128xf32, #tpu.memory_space<hbm>>
    tpu.enqueue_indirect_dma source(%dma_start3A_98 : memref<100000x128xf32, #tpu.memory_space<hbm>>) target(%arg15 : memref<128x128xf32, #tpu.memory_space<vmem>>) offsets(%dma_start3A_95 : memref<128xi32, #tpu.memory_space<vmem>>) semaphore(%arg21 : memref<!tpu.dma_semaphore, #tpu.memory_space<semaphore_mem>>)
    %dma_start3A_99 = arith.constant 128 : i32
    %dma_start3A_100 = tpu.memref_slice %arg10[%dma_start3A_99] : memref<512xi32, #tpu.memory_space<vmem>> -> memref<128xi32, #tpu.memory_space<vmem>>
    %dma_start3A_101 = arith.constant 0 : i32
    %dma_start3A_102 = arith.constant 0 : i32
    %dma_start3A_103 = tpu.memref_slice %arg6[%dma_start3A_101, %dma_start3A_102] : memref<100000x128xf32, #tpu.memory_space<hbm>> -> memref<100000x128xf32, #tpu.memory_space<hbm>>
    tpu.enqueue_indirect_dma source(%dma_start3A_103 : memref<100000x128xf32, #tpu.memory_space<hbm>>) target(%arg16 : memref<128x128xf32, #tpu.memory_space<vmem>>) offsets(%dma_start3A_100 : memref<128xi32, #tpu.memory_space<vmem>>) semaphore(%arg21 : memref<!tpu.dma_semaphore, #tpu.memory_space<semaphore_mem>>)
    %dma_start3A_104 = arith.constant 128 : i32
    %dma_start3A_105 = tpu.memref_slice %arg11[%dma_start3A_104] : memref<512xi32, #tpu.memory_space<vmem>> -> memref<128xi32, #tpu.memory_space<vmem>>
    %dma_start3A_106 = arith.constant 0 : i32
    %dma_start3A_107 = arith.constant 0 : i32
    %dma_start3A_108 = tpu.memref_slice %arg6[%dma_start3A_106, %dma_start3A_107] : memref<100000x128xf32, #tpu.memory_space<hbm>> -> memref<100000x128xf32, #tpu.memory_space<hbm>>
    tpu.enqueue_indirect_dma source(%dma_start3A_108 : memref<100000x128xf32, #tpu.memory_space<hbm>>) target(%arg17 : memref<128x128xf32, #tpu.memory_space<vmem>>) offsets(%dma_start3A_105 : memref<128xi32, #tpu.memory_space<vmem>>) semaphore(%arg21 : memref<!tpu.dma_semaphore, #tpu.memory_space<semaphore_mem>>)
    %dma_wait3A_109 = arith.constant 0 : i32
    %dma_wait3A_110 = tpu.memref_slice %arg9[%dma_wait3A_109] : memref<512xi32, #tpu.memory_space<vmem>> -> memref<128xi32, #tpu.memory_space<vmem>>
    %dma_wait3A_111 = arith.constant 0 : i32
    %dma_wait3A_112 = arith.constant 0 : i32
    %dma_wait3A_113 = tpu.memref_slice %arg5[%dma_wait3A_111, %dma_wait3A_112] : memref<100000x128xf32, #tpu.memory_space<hbm>> -> memref<100000x128xf32, #tpu.memory_space<hbm>>
    tpu.wait_indirect_dma semaphore(%arg20 : memref<!tpu.dma_semaphore, #tpu.memory_space<semaphore_mem>>) src(%dma_wait3A_113 : memref<100000x128xf32, #tpu.memory_space<hbm>>) dst(%arg12 : memref<128x128xf32, #tpu.memory_space<vmem>>)
    %dma_wait3A_114 = arith.constant 0 : i32
    %dma_wait3A_115 = tpu.memref_slice %arg10[%dma_wait3A_114] : memref<512xi32, #tpu.memory_space<vmem>> -> memref<128xi32, #tpu.memory_space<vmem>>
    %dma_wait3A_116 = arith.constant 0 : i32
    %dma_wait3A_117 = arith.constant 0 : i32
    %dma_wait3A_118 = tpu.memref_slice %arg6[%dma_wait3A_116, %dma_wait3A_117] : memref<100000x128xf32, #tpu.memory_space<hbm>> -> memref<100000x128xf32, #tpu.memory_space<hbm>>
    tpu.wait_indirect_dma semaphore(%arg20 : memref<!tpu.dma_semaphore, #tpu.memory_space<semaphore_mem>>) src(%dma_wait3A_118 : memref<100000x128xf32, #tpu.memory_space<hbm>>) dst(%arg13 : memref<128x128xf32, #tpu.memory_space<vmem>>)
    %dma_wait3A_119 = arith.constant 0 : i32
    %dma_wait3A_120 = tpu.memref_slice %arg11[%dma_wait3A_119] : memref<512xi32, #tpu.memory_space<vmem>> -> memref<128xi32, #tpu.memory_space<vmem>>
    %dma_wait3A_121 = arith.constant 0 : i32
    %dma_wait3A_122 = arith.constant 0 : i32
    %dma_wait3A_123 = tpu.memref_slice %arg6[%dma_wait3A_121, %dma_wait3A_122] : memref<100000x128xf32, #tpu.memory_space<hbm>> -> memref<100000x128xf32, #tpu.memory_space<hbm>>
    tpu.wait_indirect_dma semaphore(%arg20 : memref<!tpu.dma_semaphore, #tpu.memory_space<semaphore_mem>>) src(%dma_wait3A_123 : memref<100000x128xf32, #tpu.memory_space<hbm>>) dst(%arg14 : memref<128x128xf32, #tpu.memory_space<vmem>>)
    %iota3A = tpu.iota {dimensions = array<i32: 0>} : vector<16xi32>
    %eq3A = arith.constant 15 : i32
    %eq3A_124 = vector.broadcast %eq3A : i32 to vector<16xi32>
    %eq3A_125 = arith.cmpi eq, %iota3A, %eq3A_124 : vector<16xi32>
    %get3A = arith.constant 0 : i32
    %get3A_126 = arith.index_cast %get3A : i32 to index
    %get3A_127 = arith.constant 0 : index
    %get3A_128 = tpu.vector_load %arg12[%get3A_126, %get3A_127] {strides = array<i32>} : memref<128x128xf32, #tpu.memory_space<vmem>>, vector<16xf32>,
    %get3A_129 = arith.constant 0 : i32
    %get3A_130 = arith.index_cast %get3A_129 : i32 to index
    %get3A_131 = arith.constant 0 : index
    %get3A_132 = tpu.vector_load %arg13[%get3A_130, %get3A_131] {strides = array<i32>} : memref<128x128xf32, #tpu.memory_space<vmem>>, vector<16xf32>,
    %mul3A_133 = arith.mulf %get3A_128, %get3A_132 : vector<16xf32>
    %get3A_134 = arith.constant 0 : i32
    %get3A_135 = arith.index_cast %get3A_134 : i32 to index
    %get3A_136 = arith.constant 0 : index
    %get3A_137 = tpu.vector_load %arg14[%get3A_135, %get3A_136] {strides = array<i32>} : memref<128x128xf32, #tpu.memory_space<vmem>>, vector<16xf32>,
    %mul3A_138 = arith.mulf %get3A_128, %get3A_137 : vector<16xf32>
    %get3A_139 = arith.constant 0 : i32
    %get3A_140 = arith.index_cast %get3A_139 : i32 to index
    %get3A_141 = arith.constant 16 : index
    %get3A_142 = tpu.vector_load %arg12[%get3A_140, %get3A_141] {strides = array<i32>} : memref<128x128xf32, #tpu.memory_space<vmem>>, vector<16xf32>,
    %get3A_143 = arith.constant 0 : i32
    %get3A_144 = arith.index_cast %get3A_143 : i32 to index
    %get3A_145 = arith.constant 16 : index
    %get3A_146 = tpu.vector_load %arg13[%get3A_144, %get3A_145] {strides = array<i32>} : memref<128x128xf32, #tpu.memory_space<vmem>>, vector<16xf32>,
    %mul3A_147 = arith.mulf %get3A_142, %get3A_146 : vector<16xf32>
    %add3A_148 = arith.addf %mul3A_133, %mul3A_147 : vector<16xf32>
    %get3A_149 = arith.constant 0 : i32
    %get3A_150 = arith.index_cast %get3A_149 : i32 to index
    %get3A_151 = arith.constant 16 : index
    %get3A_152 = tpu.vector_load %arg14[%get3A_150, %get3A_151] {strides = array<i32>} : memref<128x128xf32, #tpu.memory_space<vmem>>, vector<16xf32>,
    %mul3A_153 = arith.mulf %get3A_142, %get3A_152 : vector<16xf32>
    %add3A_154 = arith.addf %mul3A_138, %mul3A_153 : vector<16xf32>
    %get3A_155 = arith.constant 0 : i32
    %get3A_156 = arith.index_cast %get3A_155 : i32 to index
    %get3A_157 = arith.constant 32 : index
    %get3A_158 = tpu.vector_load %arg12[%get3A_156, %get3A_157] {strides = array<i32>} : memref<128x128xf32, #tpu.memory_space<vmem>>, vector<16xf32>,
    %get3A_159 = arith.constant 0 : i32
    %get3A_160 = arith.index_cast %get3A_159 : i32 to index
    %get3A_161 = arith.constant 32 : index
    %get3A_162 = tpu.vector_load %arg13[%get3A_160, %get3A_161] {strides = array<i32>} : memref<128x128xf32, #tpu.memory_space<vmem>>, vector<16xf32>,
    %mul3A_163 = arith.mulf %get3A_158, %get3A_162 : vector<16xf32>
    %add3A_164 = arith.addf %add3A_148, %mul3A_163 : vector<16xf32>
    %get3A_165 = arith.constant 0 : i32
    %get3A_166 = arith.index_cast %get3A_165 : i32 to index
    %get3A_167 = arith.constant 32 : index
    %get3A_168 = tpu.vector_load %arg14[%get3A_166, %get3A_167] {strides = array<i32>} : memref<128x128xf32, #tpu.memory_space<vmem>>, vector<16xf32>,
    %mul3A_169 = arith.mulf %get3A_158, %get3A_168 : vector<16xf32>
    %add3A_170 = arith.addf %add3A_154, %mul3A_169 : vector<16xf32>
    %get3A_171 = arith.constant 0 : i32
    %get3A_172 = arith.index_cast %get3A_171 : i32 to index
    %get3A_173 = arith.constant 48 : index
    %get3A_174 = tpu.vector_load %arg12[%get3A_172, %get3A_173] {strides = array<i32>} : memref<128x128xf32, #tpu.memory_space<vmem>>, vector<16xf32>,
    %get3A_175 = arith.constant 0 : i32
    %get3A_176 = arith.index_cast %get3A_175 : i32 to index
    %get3A_177 = arith.constant 48 : index
    %get3A_178 = tpu.vector_load %arg13[%get3A_176, %get3A_177] {strides = array<i32>} : memref<128x128xf32, #tpu.memory_space<vmem>>, vector<16xf32>,
    %mul3A_179 = arith.mulf %get3A_174, %get3A_178 : vector<16xf32>
    %add3A_180 = arith.addf %add3A_164, %mul3A_179 : vector<16xf32>
    %get3A_181 = arith.constant 0 : i32
    %get3A_182 = arith.index_cast %get3A_181 : i32 to index
    %get3A_183 = arith.constant 48 : index
    %get3A_184 = tpu.vector_load %arg14[%get3A_182, %get3A_183] {strides = array<i32>} : memref<128x128xf32, #tpu.memory_space<vmem>>, vector<16xf32>,
    %mul3A_185 = arith.mulf %get3A_174, %get3A_184 : vector<16xf32>
    %add3A_186 = arith.addf %add3A_170, %mul3A_185 : vector<16xf32>
    %get3A_187 = arith.constant 0 : i32
    %get3A_188 = arith.index_cast %get3A_187 : i32 to index
    %get3A_189 = arith.constant 64 : index
    %get3A_190 = tpu.vector_load %arg12[%get3A_188, %get3A_189] {strides = array<i32>} : memref<128x128xf32, #tpu.memory_space<vmem>>, vector<16xf32>,
    %get3A_191 = arith.constant 0 : i32
    %get3A_192 = arith.index_cast %get3A_191 : i32 to index
    %get3A_193 = arith.constant 64 : index
    %get3A_194 = tpu.vector_load %arg13[%get3A_192, %get3A_193] {strides = array<i32>} : memref<128x128xf32, #tpu.memory_space<vmem>>, vector<16xf32>,
    %mul3A_195 = arith.mulf %get3A_190, %get3A_194 : vector<16xf32>
    %add3A_196 = arith.addf %add3A_180, %mul3A_195 : vector<16xf32>
    %get3A_197 = arith.constant 0 : i32
    %get3A_198 = arith.index_cast %get3A_197 : i32 to index
    %get3A_199 = arith.constant 64 : index
    %get3A_200 = tpu.vector_load %arg14[%get3A_198, %get3A_199] {strides = array<i32>} : memref<128x128xf32, #tpu.memory_space<vmem>>, vector<16xf32>,
    %mul3A_201 = arith.mulf %get3A_190, %get3A_200 : vector<16xf32>
    %add3A_202 = arith.addf %add3A_186, %mul3A_201 : vector<16xf32>
    %get3A_203 = arith.constant 0 : i32
    %get3A_204 = arith.index_cast %get3A_203 : i32 to index
    %get3A_205 = arith.constant 80 : index
    %get3A_206 = tpu.vector_load %arg12[%get3A_204, %get3A_205] {strides = array<i32>} : memref<128x128xf32, #tpu.memory_space<vmem>>, vector<16xf32>,
    %get3A_207 = arith.constant 0 : i32
    %get3A_208 = arith.index_cast %get3A_207 : i32 to index
    %get3A_209 = arith.constant 80 : index
    %get3A_210 = tpu.vector_load %arg13[%get3A_208, %get3A_209] {strides = array<i32>} : memref<128x128xf32, #tpu.memory_space<vmem>>, vector<16xf32>,
    %mul3A_211 = arith.mulf %get3A_206, %get3A_210 : vector<16xf32>
    %add3A_212 = arith.addf %add3A_196, %mul3A_211 : vector<16xf32>
    %get3A_213 = arith.constant 0 : i32
    %get3A_214 = arith.index_cast %get3A_213 : i32 to index
    %get3A_215 = arith.constant 80 : index
    %get3A_216 = tpu.vector_load %arg14[%get3A_214, %get3A_215] {strides = array<i32>} : memref<128x128xf32, #tpu.memory_space<vmem>>, vector<16xf32>,
    %mul3A_217 = arith.mulf %get3A_206, %get3A_216 : vector<16xf32>
    %add3A_218 = arith.addf %add3A_202, %mul3A_217 : vector<16xf32>
    %get3A_219 = arith.constant 0 : i32
    %get3A_220 = arith.index_cast %get3A_219 : i32 to index
    %get3A_221 = arith.constant 96 : index
    %get3A_222 = tpu.vector_load %arg12[%get3A_220, %get3A_221] {strides = array<i32>} : memref<128x128xf32, #tpu.memory_space<vmem>>, vector<16xf32>,
    %get3A_223 = arith.constant 0 : i32
    %get3A_224 = arith.index_cast %get3A_223 : i32 to index
    %get3A_225 = arith.constant 96 : index
    %get3A_226 = tpu.vector_load %arg13[%get3A_224, %get3A_225] {strides = array<i32>} : memref<128x128xf32, #tpu.memory_space<vmem>>, vector<16xf32>,
    %mul3A_227 = arith.mulf %get3A_222, %get3A_226 : vector<16xf32>
    %add3A_228 = arith.addf %add3A_212, %mul3A_227 : vector<16xf32>
    %get3A_229 = arith.constant 0 : i32
    %get3A_230 = arith.index_cast %get3A_229 : i32 to index
    %get3A_231 = arith.constant 96 : index
    %get3A_232 = tpu.vector_load %arg14[%get3A_230, %get3A_231] {strides = array<i32>} : memref<128x128xf32, #tpu.memory_space<vmem>>, vector<16xf32>,
    %mul3A_233 = arith.mulf %get3A_222, %get3A_232 : vector<16xf32>
    %add3A_234 = arith.addf %add3A_218, %mul3A_233 : vector<16xf32>
    %get3A_235 = arith.constant 0 : i32
    %get3A_236 = arith.index_cast %get3A_235 : i32 to index
    %get3A_237 = arith.constant 112 : index
    %get3A_238 = tpu.vector_load %arg12[%get3A_236, %get3A_237] {strides = array<i32>} : memref<128x128xf32, #tpu.memory_space<vmem>>, vector<16xf32>,
    %get3A_239 = arith.constant 0 : i32
    %get3A_240 = arith.index_cast %get3A_239 : i32 to index
    %get3A_241 = arith.constant 112 : index
    %get3A_242 = tpu.vector_load %arg13[%get3A_240, %get3A_241] {strides = array<i32>} : memref<128x128xf32, #tpu.memory_space<vmem>>, vector<16xf32>,
    %mul3A_243 = arith.mulf %get3A_238, %get3A_242 : vector<16xf32>
    %add3A_244 = arith.addf %add3A_228, %mul3A_243 : vector<16xf32>
    %get3A_245 = arith.constant 0 : i32
    %get3A_246 = arith.index_cast %get3A_245 : i32 to index
    %get3A_247 = arith.constant 112 : index
    %get3A_248 = tpu.vector_load %arg14[%get3A_246, %get3A_247] {strides = array<i32>} : memref<128x128xf32, #tpu.memory_space<vmem>>, vector<16xf32>,
    %mul3A_249 = arith.mulf %get3A_238, %get3A_248 : vector<16xf32>
    %add3A_250 = arith.addf %add3A_234, %mul3A_249 : vector<16xf32>
    %get3A_251 = arith.constant 1 : i32
    %get3A_252 = arith.index_cast %get3A_251 : i32 to index
    %get3A_253 = arith.constant 0 : index
    %get3A_254 = tpu.vector_load %arg12[%get3A_252, %get3A_253] {strides = array<i32>} : memref<128x128xf32, #tpu.memory_space<vmem>>, vector<16xf32>,
    %get3A_255 = arith.constant 1 : i32
    %get3A_256 = arith.index_cast %get3A_255 : i32 to index
    %get3A_257 = arith.constant 0 : index
    %get3A_258 = tpu.vector_load %arg13[%get3A_256, %get3A_257] {strides = array<i32>} : memref<128x128xf32, #tpu.memory_space<vmem>>, vector<16xf32>,
    %mul3A_259 = arith.mulf %get3A_254, %get3A_258 : vector<16xf32>
    %get3A_260 = arith.constant 1 : i32
    %get3A_261 = arith.index_cast %get3A_260 : i32 to index
    %get3A_262 = arith.constant 0 : index
    %get3A_263 = tpu.vector_load %arg14[%get3A_261, %get3A_262] {strides = array<i32>} : memref<128x128xf32, #tpu.memory_space<vmem>>, vector<16xf32>,
    %mul3A_264 = arith.mulf %get3A_254, %get3A_263 : vector<16xf32>
    %get3A_265 = arith.constant 1 : i32
    %get3A_266 = arith.index_cast %get3A_265 : i32 to index
    %get3A_267 = arith.constant 16 : index
    %get3A_268 = tpu.vector_load %arg12[%get3A_266, %get3A_267] {strides = array<i32>} : memref<128x128xf32, #tpu.memory_space<vmem>>, vector<16xf32>,
    %get3A_269 = arith.constant 1 : i32
    %get3A_270 = arith.index_cast %get3A_269 : i32 to index
    %get3A_271 = arith.constant 16 : index
    %get3A_272 = tpu.vector_load %arg13[%get3A_270, %get3A_271] {strides = array<i32>} : memref<128x128xf32, #tpu.memory_space<vmem>>, vector<16xf32>,
    %mul3A_273 = arith.mulf %get3A_268, %get3A_272 : vector<16xf32>
    %add3A_274 = arith.addf %mul3A_259, %mul3A_273 : vector<16xf32>
    %get3A_275 = arith.constant 1 : i32
    %get3A_276 = arith.index_cast %get3A_275 : i32 to index
    %get3A_277 = arith.constant 16 : index
    %get3A_278 = tpu.vector_load %arg14[%get3A_276, %get3A_277] {strides = array<i32>} : memref<128x128xf32, #tpu.memory_space<vmem>>, vector<16xf32>,
    %mul3A_279 = arith.mulf %get3A_268, %get3A_278 : vector<16xf32>
    %add3A_280 = arith.addf %mul3A_264, %mul3A_279 : vector<16xf32>
    %get3A_281 = arith.constant 1 : i32
    %get3A_282 = arith.index_cast %get3A_281 : i32 to index
    %get3A_283 = arith.constant 32 : index
    %get3A_284 = tpu.vector_load %arg12[%get3A_282, %get3A_283] {strides = array<i32>} : memref<128x128xf32, #tpu.memory_space<vmem>>, vector<16xf32>,
    %get3A_285 = arith.constant 1 : i32
    %get3A_286 = arith.index_cast %get3A_285 : i32 to index
    %get3A_287 = arith.constant 32 : index
    %get3A_288 = tpu.vector_load %arg13[%get3A_286, %get3A_287] {strides = array<i32>} : memref<128x128xf32, #tpu.memory_space<vmem>>, vector<16xf32>,
    %mul3A_289 = arith.mulf %get3A_284, %get3A_288 : vector<16xf32>
    %add3A_290 = arith.addf %add3A_274, %mul3A_289 : vector<16xf32>
    %get3A_291 = arith.constant 1 : i32
    %get3A_292 = arith.index_cast %get3A_291 : i32 to index
    %get3A_293 = arith.constant 32 : index
    %get3A_294 = tpu.vector_load %arg14[%get3A_292, %get3A_293] {strides = array<i32>} : memref<128x128xf32, #tpu.memory_space<vmem>>, vector<16xf32>,
    %mul3A_295 = arith.mulf %get3A_284, %get3A_294 : vector<16xf32>
    %add3A_296 = arith.addf %add3A_280, %mul3A_295 : vector<16xf32>
    %get3A_297 = arith.constant 1 : i32
    %get3A_298 = arith.index_cast %get3A_297 : i32 to index
    %get3A_299 = arith.constant 48 : index
    %get3A_300 = tpu.vector_load %arg12[%get3A_298, %get3A_299] {strides = array<i32>} : memref<128x128xf32, #tpu.memory_space<vmem>>, vector<16xf32>,
    %get3A_301 = arith.constant 1 : i32
    %get3A_302 = arith.index_cast %get3A_301 : i32 to index
    %get3A_303 = arith.constant 48 : index
    %get3A_304 = tpu.vector_load %arg13[%get3A_302, %get3A_303] {strides = array<i32>} : memref<128x128xf32, #tpu.memory_space<vmem>>, vector<16xf32>,
    %mul3A_305 = arith.mulf %get3A_300, %get3A_304 : vector<16xf32>
    %add3A_306 = arith.addf %add3A_290, %mul3A_305 : vector<16xf32>
    %get3A_307 = arith.constant 1 : i32
    %get3A_308 = arith.index_cast %get3A_307 : i32 to index
    %get3A_309 = arith.constant 48 : index
    %get3A_310 = tpu.vector_load %arg14[%get3A_308, %get3A_309] {strides = array<i32>} : memref<128x128xf32, #tpu.memory_space<vmem>>, vector<16xf32>,
    %mul3A_311 = arith.mulf %get3A_300, %get3A_310 : vector<16xf32>
    %add3A_312 = arith.addf %add3A_296, %mul3A_311 : vector<16xf32>
    %get3A_313 = arith.constant 1 : i32
    %get3A_314 = arith.index_cast %get3A_313 : i32 to index
    %get3A_315 = arith.constant 64 : index
    %get3A_316 = tpu.vector_load %arg12[%get3A_314, %get3A_315] {strides = array<i32>} : memref<128x128xf32, #tpu.memory_space<vmem>>, vector<16xf32>,
    %get3A_317 = arith.constant 1 : i32
    %get3A_318 = arith.index_cast %get3A_317 : i32 to index
    %get3A_319 = arith.constant 64 : index
    %get3A_320 = tpu.vector_load %arg13[%get3A_318, %get3A_319] {strides = array<i32>} : memref<128x128xf32, #tpu.memory_space<vmem>>, vector<16xf32>,
    %mul3A_321 = arith.mulf %get3A_316, %get3A_320 : vector<16xf32>
    %add3A_322 = arith.addf %add3A_306, %mul3A_321 : vector<16xf32>
    %get3A_323 = arith.constant 1 : i32
    %get3A_324 = arith.index_cast %get3A_323 : i32 to index
    %get3A_325 = arith.constant 64 : index
    %get3A_326 = tpu.vector_load %arg14[%get3A_324, %get3A_325] {strides = array<i32>} : memref<128x128xf32, #tpu.memory_space<vmem>>, vector<16xf32>,
    %mul3A_327 = arith.mulf %get3A_316, %get3A_326 : vector<16xf32>
    %add3A_328 = arith.addf %add3A_312, %mul3A_327 : vector<16xf32>
    %get3A_329 = arith.constant 1 : i32
    %get3A_330 = arith.index_cast %get3A_329 : i32 to index
    %get3A_331 = arith.constant 80 : index
    %get3A_332 = tpu.vector_load %arg12[%get3A_330, %get3A_331] {strides = array<i32>} : memref<128x128xf32, #tpu.memory_space<vmem>>, vector<16xf32>,
    %get3A_333 = arith.constant 1 : i32
    %get3A_334 = arith.index_cast %get3A_333 : i32 to index
    %get3A_335 = arith.constant 80 : index
    %get3A_336 = tpu.vector_load %arg13[%get3A_334, %get3A_335] {strides = array<i32>} : memref<128x128xf32, #tpu.memory_space<vmem>>, vector<16xf32>,
    %mul3A_337 = arith.mulf %get3A_332, %get3A_336 : vector<16xf32>
    %add3A_338 = arith.addf %add3A_322, %mul3A_337 : vector<16xf32>
    %get3A_339 = arith.constant 1 : i32
    %get3A_340 = arith.index_cast %get3A_339 : i32 to index
    %get3A_341 = arith.constant 80 : index
    %get3A_342 = tpu.vector_load %arg14[%get3A_340, %get3A_341] {strides = array<i32>} : memref<128x128xf32, #tpu.memory_space<vmem>>, vector<16xf32>,
    %mul3A_343 = arith.mulf %get3A_332, %get3A_342 : vector<16xf32>
    %add3A_344 = arith.addf %add3A_328, %mul3A_343 : vector<16xf32>
    %get3A_345 = arith.constant 1 : i32
    %get3A_346 = arith.index_cast %get3A_345 : i32 to index
    %get3A_347 = arith.constant 96 : index
    %get3A_348 = tpu.vector_load %arg12[%get3A_346, %get3A_347] {strides = array<i32>} : memref<128x128xf32, #tpu.memory_space<vmem>>, vector<16xf32>,
    %get3A_349 = arith.constant 1 : i32
    %get3A_350 = arith.index_cast %get3A_349 : i32 to index
    %get3A_351 = arith.constant 96 : index
    %get3A_352 = tpu.vector_load %arg13[%get3A_350, %get3A_351] {strides = array<i32>} : memref<128x128xf32, #tpu.memory_space<vmem>>, vector<16xf32>,
    %mul3A_353 = arith.mulf %get3A_348, %get3A_352 : vector<16xf32>
    %add3A_354 = arith.addf %add3A_338, %mul3A_353 : vector<16xf32>
    %get3A_355 = arith.constant 1 : i32
    %get3A_356 = arith.index_cast %get3A_355 : i32 to index
    %get3A_357 = arith.constant 96 : index
    %get3A_358 = tpu.vector_load %arg14[%get3A_356, %get3A_357] {strides = array<i32>} : memref<128x128xf32, #tpu.memory_space<vmem>>, vector<16xf32>,
    %mul3A_359 = arith.mulf %get3A_348, %get3A_358 : vector<16xf32>
    %add3A_360 = arith.addf %add3A_344, %mul3A_359 : vector<16xf32>
    %get3A_361 = arith.constant 1 : i32
    %get3A_362 = arith.index_cast %get3A_361 : i32 to index
    %get3A_363 = arith.constant 112 : index
    %get3A_364 = tpu.vector_load %arg12[%get3A_362, %get3A_363] {strides = array<i32>} : memref<128x128xf32, #tpu.memory_space<vmem>>, vector<16xf32>,
    %get3A_365 = arith.constant 1 : i32
    %get3A_366 = arith.index_cast %get3A_365 : i32 to index
    %get3A_367 = arith.constant 112 : index
    %get3A_368 = tpu.vector_load %arg13[%get3A_366, %get3A_367] {strides = array<i32>} : memref<128x128xf32, #tpu.memory_space<vmem>>, vector<16xf32>,
    %mul3A_369 = arith.mulf %get3A_364, %get3A_368 : vector<16xf32>
    %add3A_370 = arith.addf %add3A_354, %mul3A_369 : vector<16xf32>
    %get3A_371 = arith.constant 1 : i32
    %get3A_372 = arith.index_cast %get3A_371 : i32 to index
    %get3A_373 = arith.constant 112 : index
    %get3A_374 = tpu.vector_load %arg14[%get3A_372, %get3A_373] {strides = array<i32>} : memref<128x128xf32, #tpu.memory_space<vmem>>, vector<16xf32>,
    %mul3A_375 = arith.mulf %get3A_364, %get3A_374 : vector<16xf32>
    %add3A_376 = arith.addf %add3A_360, %mul3A_375 : vector<16xf32>
    %get3A_377 = arith.constant 2 : i32
    %get3A_378 = arith.index_cast %get3A_377 : i32 to index
    %get3A_379 = arith.constant 0 : index
    %get3A_380 = tpu.vector_load %arg12[%get3A_378, %get3A_379] {strides = array<i32>} : memref<128x128xf32, #tpu.memory_space<vmem>>, vector<16xf32>,
    %get3A_381 = arith.constant 2 : i32
    %get3A_382 = arith.index_cast %get3A_381 : i32 to index
    %get3A_383 = arith.constant 0 : index
    %get3A_384 = tpu.vector_load %arg13[%get3A_382, %get3A_383] {strides = array<i32>} : memref<128x128xf32, #tpu.memory_space<vmem>>, vector<16xf32>,
    %mul3A_385 = arith.mulf %get3A_380, %get3A_384 : vector<16xf32>
    %get3A_386 = arith.constant 2 : i32
    %get3A_387 = arith.index_cast %get3A_386 : i32 to index
    %get3A_388 = arith.constant 0 : index
    %get3A_389 = tpu.vector_load %arg14[%get3A_387, %get3A_388] {strides = array<i32>} : memref<128x128xf32, #tpu.memory_space<vmem>>, vector<16xf32>,
    %mul3A_390 = arith.mulf %get3A_380, %get3A_389 : vector<16xf32>
    %get3A_391 = arith.constant 2 : i32
    %get3A_392 = arith.index_cast %get3A_391 : i32 to index
    %get3A_393 = arith.constant 16 : index
    %get3A_394 = tpu.vector_load %arg12[%get3A_392, %get3A_393] {strides = array<i32>} : memref<128x128xf32, #tpu.memory_space<vmem>>, vector<16xf32>,
    %get3A_395 = arith.constant 2 : i32
    %get3A_396 = arith.index_cast %get3A_395 : i32 to index
    %get3A_397 = arith.constant 16 : index
    %get3A_398 = tpu.vector_load %arg13[%get3A_396, %get3A_397] {strides = array<i32>} : memref<128x128xf32, #tpu.memory_space<vmem>>, vector<16xf32>,
    %mul3A_399 = arith.mulf %get3A_394, %get3A_398 : vector<16xf32>
    %add3A_400 = arith.addf %mul3A_385, %mul3A_399 : vector<16xf32>
    %get3A_401 = arith.constant 2 : i32
    %get3A_402 = arith.index_cast %get3A_401 : i32 to index
    %get3A_403 = arith.constant 16 : index
    %get3A_404 = tpu.vector_load %arg14[%get3A_402, %get3A_403] {strides = array<i32>} : memref<128x128xf32, #tpu.memory_space<vmem>>, vector<16xf32>,
    %mul3A_405 = arith.mulf %get3A_394, %get3A_404 : vector<16xf32>
    %add3A_406 = arith.addf %mul3A_390, %mul3A_405 : vector<16xf32>
    %get3A_407 = arith.constant 2 : i32
    %get3A_408 = arith.index_cast %get3A_407 : i32 to index
    %get3A_409 = arith.constant 32 : index
    %get3A_410 = tpu.vector_load %arg12[%get3A_408, %get3A_409] {strides = array<i32>} : memref<128x128xf32, #tpu.memory_space<vmem>>, vector<16xf32>,
    %get3A_411 = arith.constant 2 : i32
    %get3A_412 = arith.index_cast %get3A_411 : i32 to index
    %get3A_413 = arith.constant 32 : index
    %get3A_414 = tpu.vector_load %arg13[%get3A_412, %get3A_413] {strides = array<i32>} : memref<128x128xf32, #tpu.memory_space<vmem>>, vector<16xf32>,
    %mul3A_415 = arith.mulf %get3A_410, %get3A_414 : vector<16xf32>
    %add3A_416 = arith.addf %add3A_400, %mul3A_415 : vector<16xf32>
    %get3A_417 = arith.constant 2 : i32
    %get3A_418 = arith.index_cast %get3A_417 : i32 to index
    %get3A_419 = arith.constant 32 : index
    %get3A_420 = tpu.vector_load %arg14[%get3A_418, %get3A_419] {strides = array<i32>} : memref<128x128xf32, #tpu.memory_space<vmem>>, vector<16xf32>,
    %mul3A_421 = arith.mulf %get3A_410, %get3A_420 : vector<16xf32>
    %add3A_422 = arith.addf %add3A_406, %mul3A_421 : vector<16xf32>
    %get3A_423 = arith.constant 2 : i32
    %get3A_424 = arith.index_cast %get3A_423 : i32 to index
    %get3A_425 = arith.constant 48 : index
    %get3A_426 = tpu.vector_load %arg12[%get3A_424, %get3A_425] {strides = array<i32>} : memref<128x128xf32, #tpu.memory_space<vmem>>, vector<16xf32>,
    %get3A_427 = arith.constant 2 : i32
    %get3A_428 = arith.index_cast %get3A_427 : i32 to index
    %get3A_429 = arith.constant 48 : index
    %get3A_430 = tpu.vector_load %arg13[%get3A_428, %get3A_429] {strides = array<i32>} : memref<128x128xf32, #tpu.memory_space<vmem>>, vector<16xf32>,
    %mul3A_431 = arith.mulf %get3A_426, %get3A_430 : vector<16xf32>
    %add3A_432 = arith.addf %add3A_416, %mul3A_431 : vector<16xf32>
    %get3A_433 = arith.constant 2 : i32
    %get3A_434 = arith.index_cast %get3A_433 : i32 to index
    %get3A_435 = arith.constant 48 : index
    %get3A_436 = tpu.vector_load %arg14[%get3A_434, %get3A_435] {strides = array<i32>} : memref<128x128xf32, #tpu.memory_space<vmem>>, vector<16xf32>,
    %mul3A_437 = arith.mulf %get3A_426, %get3A_436 : vector<16xf32>
    %add3A_438 = arith.addf %add3A_422, %mul3A_437 : vector<16xf32>
    %get3A_439 = arith.constant 2 : i32
    %get3A_440 = arith.index_cast %get3A_439 : i32 to index
    %get3A_441 = arith.constant 64 : index
    %get3A_442 = tpu.vector_load %arg12[%get3A_440, %get3A_441] {strides = array<i32>} : memref<128x128xf32, #tpu.memory_space<vmem>>, vector<16xf32>,
    %get3A_443 = arith.constant 2 : i32
    %get3A_444 = arith.index_cast %get3A_443 : i32 to index
    %get3A_445 = arith.constant 64 : index
    %get3A_446 = tpu.vector_load %arg13[%get3A_444, %get3A_445] {strides = array<i32>} : memref<128x128xf32, #tpu.memory_space<vmem>>, vector<16xf32>,
    %mul3A_447 = arith.mulf %get3A_442, %get3A_446 : vector<16xf32>
    %add3A_448 = arith.addf %add3A_432, %mul3A_447 : vector<16xf32>
    %get3A_449 = arith.constant 2 : i32
    %get3A_450 = arith.index_cast %get3A_449 : i32 to index
    %get3A_451 = arith.constant 64 : index
    %get3A_452 = tpu.vector_load %arg14[%get3A_450, %get3A_451] {strides = array<i32>} : memref<128x128xf32, #tpu.memory_space<vmem>>, vector<16xf32>,
    %mul3A_453 = arith.mulf %get3A_442, %get3A_452 : vector<16xf32>
    %add3A_454 = arith.addf %add3A_438, %mul3A_453 : vector<16xf32>
    %get3A_455 = arith.constant 2 : i32
    %get3A_456 = arith.index_cast %get3A_455 : i32 to index
    %get3A_457 = arith.constant 80 : index
    %get3A_458 = tpu.vector_load %arg12[%get3A_456, %get3A_457] {strides = array<i32>} : memref<128x128xf32, #tpu.memory_space<vmem>>, vector<16xf32>,
    %get3A_459 = arith.constant 2 : i32
    %get3A_460 = arith.index_cast %get3A_459 : i32 to index
    %get3A_461 = arith.constant 80 : index
    %get3A_462 = tpu.vector_load %arg13[%get3A_460, %get3A_461] {strides = array<i32>} : memref<128x128xf32, #tpu.memory_space<vmem>>, vector<16xf32>,
    %mul3A_463 = arith.mulf %get3A_458, %get3A_462 : vector<16xf32>
    %add3A_464 = arith.addf %add3A_448, %mul3A_463 : vector<16xf32>
    %get3A_465 = arith.constant 2 : i32
    %get3A_466 = arith.index_cast %get3A_465 : i32 to index
    %get3A_467 = arith.constant 80 : index
    %get3A_468 = tpu.vector_load %arg14[%get3A_466, %get3A_467] {strides = array<i32>} : memref<128x128xf32, #tpu.memory_space<vmem>>, vector<16xf32>,
    %mul3A_469 = arith.mulf %get3A_458, %get3A_468 : vector<16xf32>
    %add3A_470 = arith.addf %add3A_454, %mul3A_469 : vector<16xf32>
    %get3A_471 = arith.constant 2 : i32
    %get3A_472 = arith.index_cast %get3A_471 : i32 to index
    %get3A_473 = arith.constant 96 : index
    %get3A_474 = tpu.vector_load %arg12[%get3A_472, %get3A_473] {strides = array<i32>} : memref<128x128xf32, #tpu.memory_space<vmem>>, vector<16xf32>,
    %get3A_475 = arith.constant 2 : i32
    %get3A_476 = arith.index_cast %get3A_475 : i32 to index
    %get3A_477 = arith.constant 96 : index
    %get3A_478 = tpu.vector_load %arg13[%get3A_476, %get3A_477] {strides = array<i32>} : memref<128x128xf32, #tpu.memory_space<vmem>>, vector<16xf32>,
    %mul3A_479 = arith.mulf %get3A_474, %get3A_478 : vector<16xf32>
    %add3A_480 = arith.addf %add3A_464, %mul3A_479 : vector<16xf32>
    %get3A_481 = arith.constant 2 : i32
    %get3A_482 = arith.index_cast %get3A_481 : i32 to index
    %get3A_483 = arith.constant 96 : index
    %get3A_484 = tpu.vector_load %arg14[%get3A_482, %get3A_483] {strides = array<i32>} : memref<128x128xf32, #tpu.memory_space<vmem>>, vector<16xf32>,
    %mul3A_485 = arith.mulf %get3A_474, %get3A_484 : vector<16xf32>
    %add3A_486 = arith.addf %add3A_470, %mul3A_485 : vector<16xf32>
    %get3A_487 = arith.constant 2 : i32
    %get3A_488 = arith.index_cast %get3A_487 : i32 to index
    %get3A_489 = arith.constant 112 : index
    %get3A_490 = tpu.vector_load %arg12[%get3A_488, %get3A_489] {strides = array<i32>} : memref<128x128xf32, #tpu.memory_space<vmem>>, vector<16xf32>,
    %get3A_491 = arith.constant 2 : i32
    %get3A_492 = arith.index_cast %get3A_491 : i32 to index
    %get3A_493 = arith.constant 112 : index
    %get3A_494 = tpu.vector_load %arg13[%get3A_492, %get3A_493] {strides = array<i32>} : memref<128x128xf32, #tpu.memory_space<vmem>>, vector<16xf32>,
    %mul3A_495 = arith.mulf %get3A_490, %get3A_494 : vector<16xf32>
    %add3A_496 = arith.addf %add3A_480, %mul3A_495 : vector<16xf32>
    %get3A_497 = arith.constant 2 : i32
    %get3A_498 = arith.index_cast %get3A_497 : i32 to index
    %get3A_499 = arith.constant 112 : index
    %get3A_500 = tpu.vector_load %arg14[%get3A_498, %get3A_499] {strides = array<i32>} : memref<128x128xf32, #tpu.memory_space<vmem>>, vector<16xf32>,
    %mul3A_501 = arith.mulf %get3A_490, %get3A_500 : vector<16xf32>
    %add3A_502 = arith.addf %add3A_486, %mul3A_501 : vector<16xf32>
    %get3A_503 = arith.constant 3 : i32
    %get3A_504 = arith.index_cast %get3A_503 : i32 to index
    %get3A_505 = arith.constant 0 : index
    %get3A_506 = tpu.vector_load %arg12[%get3A_504, %get3A_505] {strides = array<i32>} : memref<128x128xf32, #tpu.memory_space<vmem>>, vector<16xf32>,
    %get3A_507 = arith.constant 3 : i32
    %get3A_508 = arith.index_cast %get3A_507 : i32 to index
    %get3A_509 = arith.constant 0 : index
    %get3A_510 = tpu.vector_load %arg13[%get3A_508, %get3A_509] {strides = array<i32>} : memref<128x128xf32, #tpu.memory_space<vmem>>, vector<16xf32>,
    %mul3A_511 = arith.mulf %get3A_506, %get3A_510 : vector<16xf32>
    %get3A_512 = arith.constant 3 : i32
    %get3A_513 = arith.index_cast %get3A_512 : i32 to index
    %get3A_514 = arith.constant 0 : index
    %get3A_515 = tpu.vector_load %arg14[%get3A_513, %get3A_514] {strides = array<i32>} : memref<128x128xf32, #tpu.memory_space<vmem>>, vector<16xf32>,
    %mul3A_516 = arith.mulf %get3A_506, %get3A_515 : vector<16xf32>
    %get3A_517 = arith.constant 3 : i32
    %get3A_518 = arith.index_cast %get3A_517 : i32 to index
    %get3A_519 = arith.constant 16 : index
    %get3A_520 = tpu.vector_load %arg12[%get3A_518, %get3A_519] {strides = array<i32>} : memref<128x128xf32, #tpu.memory_space<vmem>>, vector<16xf32>,
    %get3A_521 = arith.constant 3 : i32
    %get3A_522 = arith.index_cast %get3A_521 : i32 to index
    %get3A_523 = arith.constant 16 : index
    %get3A_524 = tpu.vector_load %arg13[%get3A_522, %get3A_523] {strides = array<i32>} : memref<128x128xf32, #tpu.memory_space<vmem>>, vector<16xf32>,
    %mul3A_525 = arith.mulf %get3A_520, %get3A_524 : vector<16xf32>
    %add3A_526 = arith.addf %mul3A_511, %mul3A_525 : vector<16xf32>
    %get3A_527 = arith.constant 3 : i32
    %get3A_528 = arith.index_cast %get3A_527 : i32 to index
    %get3A_529 = arith.constant 16 : index
    %get3A_530 = tpu.vector_load %arg14[%get3A_528, %get3A_529] {strides = array<i32>} : memref<128x128xf32, #tpu.memory_space<vmem>>, vector<16xf32>,
    %mul3A_531 = arith.mulf %get3A_520, %get3A_530 : vector<16xf32>
    %add3A_532 = arith.addf %mul3A_516, %mul3A_531 : vector<16xf32>
    %get3A_533 = arith.constant 3 : i32
    %get3A_534 = arith.index_cast %get3A_533 : i32 to index
    %get3A_535 = arith.constant 32 : index
    %get3A_536 = tpu.vector_load %arg12[%get3A_534, %get3A_535] {strides = array<i32>} : memref<128x128xf32, #tpu.memory_space<vmem>>, vector<16xf32>,
    %get3A_537 = arith.constant 3 : i32
    %get3A_538 = arith.index_cast %get3A_537 : i32 to index
    %get3A_539 = arith.constant 32 : index
    %get3A_540 = tpu.vector_load %arg13[%get3A_538, %get3A_539] {strides = array<i32>} : memref<128x128xf32, #tpu.memory_space<vmem>>, vector<16xf32>,
    %mul3A_541 = arith.mulf %get3A_536, %get3A_540 : vector<16xf32>
    %add3A_542 = arith.addf %add3A_526, %mul3A_541 : vector<16xf32>
    %get3A_543 = arith.constant 3 : i32
    %get3A_544 = arith.index_cast %get3A_543 : i32 to index
    %get3A_545 = arith.constant 32 : index
    %get3A_546 = tpu.vector_load %arg14[%get3A_544, %get3A_545] {strides = array<i32>} : memref<128x128xf32, #tpu.memory_space<vmem>>, vector<16xf32>,
    %mul3A_547 = arith.mulf %get3A_536, %get3A_546 : vector<16xf32>
    %add3A_548 = arith.addf %add3A_532, %mul3A_547 : vector<16xf32>
    %get3A_549 = arith.constant 3 : i32
    %get3A_550 = arith.index_cast %get3A_549 : i32 to index
    %get3A_551 = arith.constant 48 : index
    %get3A_552 = tpu.vector_load %arg12[%get3A_550, %get3A_551] {strides = array<i32>} : memref<128x128xf32, #tpu.memory_space<vmem>>, vector<16xf32>,
    %get3A_553 = arith.constant 3 : i32
    %get3A_554 = arith.index_cast %get3A_553 : i32 to index
    %get3A_555 = arith.constant 48 : index
    %get3A_556 = tpu.vector_load %arg13[%get3A_554, %get3A_555] {strides = array<i32>} : memref<128x128xf32, #tpu.memory_space<vmem>>, vector<16xf32>,
    %mul3A_557 = arith.mulf %get3A_552, %get3A_556 : vector<16xf32>
    %add3A_558 = arith.addf %add3A_542, %mul3A_557 : vector<16xf32>
    %get3A_559 = arith.constant 3 : i32
    %get3A_560 = arith.index_cast %get3A_559 : i32 to index
    %get3A_561 = arith.constant 48 : index
    %get3A_562 = tpu.vector_load %arg14[%get3A_560, %get3A_561] {strides = array<i32>} : memref<128x128xf32, #tpu.memory_space<vmem>>, vector<16xf32>,
    %mul3A_563 = arith.mulf %get3A_552, %get3A_562 : vector<16xf32>
    %add3A_564 = arith.addf %add3A_548, %mul3A_563 : vector<16xf32>
    %get3A_565 = arith.constant 3 : i32
    %get3A_566 = arith.index_cast %get3A_565 : i32 to index
    %get3A_567 = arith.constant 64 : index
    %get3A_568 = tpu.vector_load %arg12[%get3A_566, %get3A_567] {strides = array<i32>} : memref<128x128xf32, #tpu.memory_space<vmem>>, vector<16xf32>,
    %get3A_569 = arith.constant 3 : i32
    %get3A_570 = arith.index_cast %get3A_569 : i32 to index
    %get3A_571 = arith.constant 64 : index
    %get3A_572 = tpu.vector_load %arg13[%get3A_570, %get3A_571] {strides = array<i32>} : memref<128x128xf32, #tpu.memory_space<vmem>>, vector<16xf32>,
    %mul3A_573 = arith.mulf %get3A_568, %get3A_572 : vector<16xf32>
    %add3A_574 = arith.addf %add3A_558, %mul3A_573 : vector<16xf32>
    %get3A_575 = arith.constant 3 : i32
    %get3A_576 = arith.index_cast %get3A_575 : i32 to index
    %get3A_577 = arith.constant 64 : index
    %get3A_578 = tpu.vector_load %arg14[%get3A_576, %get3A_577] {strides = array<i32>} : memref<128x128xf32, #tpu.memory_space<vmem>>, vector<16xf32>,
    %mul3A_579 = arith.mulf %get3A_568, %get3A_578 : vector<16xf32>
    %add3A_580 = arith.addf %add3A_564, %mul3A_579 : vector<16xf32>
    %get3A_581 = arith.constant 3 : i32
    %get3A_582 = arith.index_cast %get3A_581 : i32 to index
    %get3A_583 = arith.constant 80 : index
    %get3A_584 = tpu.vector_load %arg12[%get3A_582, %get3A_583] {strides = array<i32>} : memref<128x128xf32, #tpu.memory_space<vmem>>, vector<16xf32>,
    %get3A_585 = arith.constant 3 : i32
    %get3A_586 = arith.index_cast %get3A_585 : i32 to index
    %get3A_587 = arith.constant 80 : index
    %get3A_588 = tpu.vector_load %arg13[%get3A_586, %get3A_587] {strides = array<i32>} : memref<128x128xf32, #tpu.memory_space<vmem>>, vector<16xf32>,
    %mul3A_589 = arith.mulf %get3A_584, %get3A_588 : vector<16xf32>
    %add3A_590 = arith.addf %add3A_574, %mul3A_589 : vector<16xf32>
    %get3A_591 = arith.constant 3 : i32
    %get3A_592 = arith.index_cast %get3A_591 : i32 to index
    %get3A_593 = arith.constant 80 : index
    %get3A_594 = tpu.vector_load %arg14[%get3A_592, %get3A_593] {strides = array<i32>} : memref<128x128xf32, #tpu.memory_space<vmem>>, vector<16xf32>,
    %mul3A_595 = arith.mulf %get3A_584, %get3A_594 : vector<16xf32>
    %add3A_596 = arith.addf %add3A_580, %mul3A_595 : vector<16xf32>
    %get3A_597 = arith.constant 3 : i32
    %get3A_598 = arith.index_cast %get3A_597 : i32 to index
    %get3A_599 = arith.constant 96 : index
    %get3A_600 = tpu.vector_load %arg12[%get3A_598, %get3A_599] {strides = array<i32>} : memref<128x128xf32, #tpu.memory_space<vmem>>, vector<16xf32>,
    %get3A_601 = arith.constant 3 : i32
    %get3A_602 = arith.index_cast %get3A_601 : i32 to index
    %get3A_603 = arith.constant 96 : index
    %get3A_604 = tpu.vector_load %arg13[%get3A_602, %get3A_603] {strides = array<i32>} : memref<128x128xf32, #tpu.memory_space<vmem>>, vector<16xf32>,
    %mul3A_605 = arith.mulf %get3A_600, %get3A_604 : vector<16xf32>
    %add3A_606 = arith.addf %add3A_590, %mul3A_605 : vector<16xf32>
    %get3A_607 = arith.constant 3 : i32
    %get3A_608 = arith.index_cast %get3A_607 : i32 to index
    %get3A_609 = arith.constant 96 : index
    %get3A_610 = tpu.vector_load %arg14[%get3A_608, %get3A_609] {strides = array<i32>} : memref<128x128xf32, #tpu.memory_space<vmem>>, vector<16xf32>,
    %mul3A_611 = arith.mulf %get3A_600, %get3A_610 : vector<16xf32>
    %add3A_612 = arith.addf %add3A_596, %mul3A_611 : vector<16xf32>
    %get3A_613 = arith.constant 3 : i32
    %get3A_614 = arith.index_cast %get3A_613 : i32 to index
    %get3A_615 = arith.constant 112 : index
    %get3A_616 = tpu.vector_load %arg12[%get3A_614, %get3A_615] {strides = array<i32>} : memref<128x128xf32, #tpu.memory_space<vmem>>, vector<16xf32>,
    %get3A_617 = arith.constant 3 : i32
    %get3A_618 = arith.index_cast %get3A_617 : i32 to index
    %get3A_619 = arith.constant 112 : index
    %get3A_620 = tpu.vector_load %arg13[%get3A_618, %get3A_619] {strides = array<i32>} : memref<128x128xf32, #tpu.memory_space<vmem>>, vector<16xf32>,
    %mul3A_621 = arith.mulf %get3A_616, %get3A_620 : vector<16xf32>
    %add3A_622 = arith.addf %add3A_606, %mul3A_621 : vector<16xf32>
    %get3A_623 = arith.constant 3 : i32
    %get3A_624 = arith.index_cast %get3A_623 : i32 to index
    %get3A_625 = arith.constant 112 : index
    %get3A_626 = tpu.vector_load %arg14[%get3A_624, %get3A_625] {strides = array<i32>} : memref<128x128xf32, #tpu.memory_space<vmem>>, vector<16xf32>,
    %mul3A_627 = arith.mulf %get3A_616, %get3A_626 : vector<16xf32>
    %add3A_628 = arith.addf %add3A_612, %mul3A_627 : vector<16xf32>
    %scan3A = arith.constant 1 : i32
    %scan3A_629 = arith.constant 31 : i32
    %scan3A_630 = arith.addi %scan3A, %scan3A_629 : i32
    %scan3A_631 = arith.constant 1 : i32
    %scan3A_632:8 = scf.for %scan3A_2408 = %scan3A to %scan3A_630 step %scan3A_631 iter_args(%scan3A_2409 = %add3A_244, %scan3A_2410 = %add3A_250, %scan3A_2411 = %add3A_370, %scan3A_2412 = %add3A_376, %scan3A_2413 = %add3A_496, %scan3A_2414 = %add3A_502, %scan3A_2415 = %add3A_622, %scan3A_2416 = %add3A_628) -> (vector<16xf32>, vector<16xf32>, vector<16xf32>, vector<16xf32>, vector<16xf32>, vector<16xf32>, vector<16xf32>, vector<16xf32>)  : i32 {
      %sub3A = arith.constant 1 : i32
      %sub3A_2417 = arith.subi %scan3A_2408, %sub3A : i32
      %mul3A_2418 = arith.constant 4 : i32
      %mul3A_2419 = arith.muli %sub3A_2417, %mul3A_2418 : i32
      %add3A_2420 = arith.constant 0 : i32
      %add3A_2421 = arith.addi %add3A_2420, %mul3A_2419 : i32
      %add3A_2422 = arith.constant 0 : i32
      %add3A_2423 = arith.addi %add3A_2421, %add3A_2422 : i32
      %broadcast_in_dim3A_2424 = arith.constant true
      %broadcast_in_dim3A_2425 = vector.broadcast %broadcast_in_dim3A_2424 : i1 to vector<16xi1>
      %masked_cumsum3A_2426 = tpu.scan <sum>, %scan3A_2409 masked %broadcast_in_dim3A_2425 : vector<16xf32>, vector<16xi1> -> vector<16xf32>
      %swap3A_2427 = arith.index_cast %add3A_2423 : i32 to index
      %swap3A_2428 = tpu.vector_load %arg18[%swap3A_2427] masked %eq3A_125 {strides = array<i32>} : memref<528xf32, #tpu.memory_space<vmem>>, vector<16xf32>, vector<16xi1>
      tpu.vector_store %arg18[%swap3A_2427], %masked_cumsum3A_2426 masked %eq3A_125 {strides = array<i32>} : memref<528xf32, #tpu.memory_space<vmem>>, vector<16xf32>, vector<16xi1>
      %broadcast_in_dim3A_2429 = arith.constant true
      %broadcast_in_dim3A_2430 = vector.broadcast %broadcast_in_dim3A_2429 : i1 to vector<16xi1>
      %masked_cumsum3A_2431 = tpu.scan <sum>, %scan3A_2410 masked %broadcast_in_dim3A_2430 : vector<16xf32>, vector<16xi1> -> vector<16xf32>
      %swap3A_2432 = arith.index_cast %add3A_2423 : i32 to index
      %swap3A_2433 = tpu.vector_load %arg19[%swap3A_2432] masked %eq3A_125 {strides = array<i32>} : memref<528xf32, #tpu.memory_space<vmem>>, vector<16xf32>, vector<16xi1>
      tpu.vector_store %arg19[%swap3A_2432], %masked_cumsum3A_2431 masked %eq3A_125 {strides = array<i32>} : memref<528xf32, #tpu.memory_space<vmem>>, vector<16xf32>, vector<16xi1>
      %mul3A_2434 = arith.constant 4 : i32
      %mul3A_2435 = arith.muli %sub3A_2417, %mul3A_2434 : i32
      %add3A_2436 = arith.constant 0 : i32
      %add3A_2437 = arith.addi %add3A_2436, %mul3A_2435 : i32
      %add3A_2438 = arith.constant 1 : i32
      %add3A_2439 = arith.addi %add3A_2437, %add3A_2438 : i32
      %broadcast_in_dim3A_2440 = arith.constant true
      %broadcast_in_dim3A_2441 = vector.broadcast %broadcast_in_dim3A_2440 : i1 to vector<16xi1>
      %masked_cumsum3A_2442 = tpu.scan <sum>, %scan3A_2411 masked %broadcast_in_dim3A_2441 : vector<16xf32>, vector<16xi1> -> vector<16xf32>
      %swap3A_2443 = arith.index_cast %add3A_2439 : i32 to index
      %swap3A_2444 = tpu.vector_load %arg18[%swap3A_2443] masked %eq3A_125 {strides = array<i32>} : memref<528xf32, #tpu.memory_space<vmem>>, vector<16xf32>, vector<16xi1>
      tpu.vector_store %arg18[%swap3A_2443], %masked_cumsum3A_2442 masked %eq3A_125 {strides = array<i32>} : memref<528xf32, #tpu.memory_space<vmem>>, vector<16xf32>, vector<16xi1>
      %broadcast_in_dim3A_2445 = arith.constant true
      %broadcast_in_dim3A_2446 = vector.broadcast %broadcast_in_dim3A_2445 : i1 to vector<16xi1>
      %masked_cumsum3A_2447 = tpu.scan <sum>, %scan3A_2412 masked %broadcast_in_dim3A_2446 : vector<16xf32>, vector<16xi1> -> vector<16xf32>
      %swap3A_2448 = arith.index_cast %add3A_2439 : i32 to index
      %swap3A_2449 = tpu.vector_load %arg19[%swap3A_2448] masked %eq3A_125 {strides = array<i32>} : memref<528xf32, #tpu.memory_space<vmem>>, vector<16xf32>, vector<16xi1>
      tpu.vector_store %arg19[%swap3A_2448], %masked_cumsum3A_2447 masked %eq3A_125 {strides = array<i32>} : memref<528xf32, #tpu.memory_space<vmem>>, vector<16xf32>, vector<16xi1>
      %mul3A_2450 = arith.constant 4 : i32
      %mul3A_2451 = arith.muli %sub3A_2417, %mul3A_2450 : i32
      %add3A_2452 = arith.constant 0 : i32
      %add3A_2453 = arith.addi %add3A_2452, %mul3A_2451 : i32
      %add3A_2454 = arith.constant 2 : i32
      %add3A_2455 = arith.addi %add3A_2453, %add3A_2454 : i32
      %broadcast_in_dim3A_2456 = arith.constant true
      %broadcast_in_dim3A_2457 = vector.broadcast %broadcast_in_dim3A_2456 : i1 to vector<16xi1>
      %masked_cumsum3A_2458 = tpu.scan <sum>, %scan3A_2413 masked %broadcast_in_dim3A_2457 : vector<16xf32>, vector<16xi1> -> vector<16xf32>
      %swap3A_2459 = arith.index_cast %add3A_2455 : i32 to index
      %swap3A_2460 = tpu.vector_load %arg18[%swap3A_2459] masked %eq3A_125 {strides = array<i32>} : memref<528xf32, #tpu.memory_space<vmem>>, vector<16xf32>, vector<16xi1>
      tpu.vector_store %arg18[%swap3A_2459], %masked_cumsum3A_2458 masked %eq3A_125 {strides = array<i32>} : memref<528xf32, #tpu.memory_space<vmem>>, vector<16xf32>, vector<16xi1>
      %broadcast_in_dim3A_2461 = arith.constant true
      %broadcast_in_dim3A_2462 = vector.broadcast %broadcast_in_dim3A_2461 : i1 to vector<16xi1>
      %masked_cumsum3A_2463 = tpu.scan <sum>, %scan3A_2414 masked %broadcast_in_dim3A_2462 : vector<16xf32>, vector<16xi1> -> vector<16xf32>
      %swap3A_2464 = arith.index_cast %add3A_2455 : i32 to index
      %swap3A_2465 = tpu.vector_load %arg19[%swap3A_2464] masked %eq3A_125 {strides = array<i32>} : memref<528xf32, #tpu.memory_space<vmem>>, vector<16xf32>, vector<16xi1>
      tpu.vector_store %arg19[%swap3A_2464], %masked_cumsum3A_2463 masked %eq3A_125 {strides = array<i32>} : memref<528xf32, #tpu.memory_space<vmem>>, vector<16xf32>, vector<16xi1>
      %mul3A_2466 = arith.constant 4 : i32
      %mul3A_2467 = arith.muli %sub3A_2417, %mul3A_2466 : i32
      %add3A_2468 = arith.constant 0 : i32
      %add3A_2469 = arith.addi %add3A_2468, %mul3A_2467 : i32
      %add3A_2470 = arith.constant 3 : i32
      %add3A_2471 = arith.addi %add3A_2469, %add3A_2470 : i32
      %broadcast_in_dim3A_2472 = arith.constant true
      %broadcast_in_dim3A_2473 = vector.broadcast %broadcast_in_dim3A_2472 : i1 to vector<16xi1>
      %masked_cumsum3A_2474 = tpu.scan <sum>, %scan3A_2415 masked %broadcast_in_dim3A_2473 : vector<16xf32>, vector<16xi1> -> vector<16xf32>
      %swap3A_2475 = arith.index_cast %add3A_2471 : i32 to index
      %swap3A_2476 = tpu.vector_load %arg18[%swap3A_2475] masked %eq3A_125 {strides = array<i32>} : memref<528xf32, #tpu.memory_space<vmem>>, vector<16xf32>, vector<16xi1>
      tpu.vector_store %arg18[%swap3A_2475], %masked_cumsum3A_2474 masked %eq3A_125 {strides = array<i32>} : memref<528xf32, #tpu.memory_space<vmem>>, vector<16xf32>, vector<16xi1>
      %broadcast_in_dim3A_2477 = arith.constant true
      %broadcast_in_dim3A_2478 = vector.broadcast %broadcast_in_dim3A_2477 : i1 to vector<16xi1>
      %masked_cumsum3A_2479 = tpu.scan <sum>, %scan3A_2416 masked %broadcast_in_dim3A_2478 : vector<16xf32>, vector<16xi1> -> vector<16xf32>
      %swap3A_2480 = arith.index_cast %add3A_2471 : i32 to index
      %swap3A_2481 = tpu.vector_load %arg19[%swap3A_2480] masked %eq3A_125 {strides = array<i32>} : memref<528xf32, #tpu.memory_space<vmem>>, vector<16xf32>, vector<16xi1>
      tpu.vector_store %arg19[%swap3A_2480], %masked_cumsum3A_2479 masked %eq3A_125 {strides = array<i32>} : memref<528xf32, #tpu.memory_space<vmem>>, vector<16xf32>, vector<16xi1>
      %mul3A_2482 = arith.constant 4 : i32
      %mul3A_2483 = arith.muli %scan3A_2408, %mul3A_2482 : i32
      %add3A_2484 = arith.constant 0 : i32
      %add3A_2485 = arith.addi %mul3A_2483, %add3A_2484 : i32
      %get3A_2486 = arith.index_cast %add3A_2485 : i32 to index
      %get3A_2487 = arith.constant 0 : index
      %get3A_2488 = tpu.vector_load %arg12[%get3A_2486, %get3A_2487] {strides = array<i32>} : memref<128x128xf32, #tpu.memory_space<vmem>>, vector<16xf32>,
      %get3A_2489 = arith.index_cast %add3A_2485 : i32 to index
      %get3A_2490 = arith.constant 0 : index
      %get3A_2491 = tpu.vector_load %arg13[%get3A_2489, %get3A_2490] {strides = array<i32>} : memref<128x128xf32, #tpu.memory_space<vmem>>, vector<16xf32>,
      %mul3A_2492 = arith.mulf %get3A_2488, %get3A_2491 : vector<16xf32>
      %get3A_2493 = arith.index_cast %add3A_2485 : i32 to index
      %get3A_2494 = arith.constant 0 : index
      %get3A_2495 = tpu.vector_load %arg14[%get3A_2493, %get3A_2494] {strides = array<i32>} : memref<128x128xf32, #tpu.memory_space<vmem>>, vector<16xf32>,
      %mul3A_2496 = arith.mulf %get3A_2488, %get3A_2495 : vector<16xf32>
      %get3A_2497 = arith.index_cast %add3A_2485 : i32 to index
      %get3A_2498 = arith.constant 16 : index
      %get3A_2499 = tpu.vector_load %arg12[%get3A_2497, %get3A_2498] {strides = array<i32>} : memref<128x128xf32, #tpu.memory_space<vmem>>, vector<16xf32>,
      %get3A_2500 = arith.index_cast %add3A_2485 : i32 to index
      %get3A_2501 = arith.constant 16 : index
      %get3A_2502 = tpu.vector_load %arg13[%get3A_2500, %get3A_2501] {strides = array<i32>} : memref<128x128xf32, #tpu.memory_space<vmem>>, vector<16xf32>,
      %mul3A_2503 = arith.mulf %get3A_2499, %get3A_2502 : vector<16xf32>
      %add3A_2504 = arith.addf %mul3A_2492, %mul3A_2503 : vector<16xf32>
      %get3A_2505 = arith.index_cast %add3A_2485 : i32 to index
      %get3A_2506 = arith.constant 16 : index
      %get3A_2507 = tpu.vector_load %arg14[%get3A_2505, %get3A_2506] {strides = array<i32>} : memref<128x128xf32, #tpu.memory_space<vmem>>, vector<16xf32>,
      %mul3A_2508 = arith.mulf %get3A_2499, %get3A_2507 : vector<16xf32>
      %add3A_2509 = arith.addf %mul3A_2496, %mul3A_2508 : vector<16xf32>
      %get3A_2510 = arith.index_cast %add3A_2485 : i32 to index
      %get3A_2511 = arith.constant 32 : index
      %get3A_2512 = tpu.vector_load %arg12[%get3A_2510, %get3A_2511] {strides = array<i32>} : memref<128x128xf32, #tpu.memory_space<vmem>>, vector<16xf32>,
      %get3A_2513 = arith.index_cast %add3A_2485 : i32 to index
      %get3A_2514 = arith.constant 32 : index
      %get3A_2515 = tpu.vector_load %arg13[%get3A_2513, %get3A_2514] {strides = array<i32>} : memref<128x128xf32, #tpu.memory_space<vmem>>, vector<16xf32>,
      %mul3A_2516 = arith.mulf %get3A_2512, %get3A_2515 : vector<16xf32>
      %add3A_2517 = arith.addf %add3A_2504, %mul3A_2516 : vector<16xf32>
      %get3A_2518 = arith.index_cast %add3A_2485 : i32 to index
      %get3A_2519 = arith.constant 32 : index
      %get3A_2520 = tpu.vector_load %arg14[%get3A_2518, %get3A_2519] {strides = array<i32>} : memref<128x128xf32, #tpu.memory_space<vmem>>, vector<16xf32>,
      %mul3A_2521 = arith.mulf %get3A_2512, %get3A_2520 : vector<16xf32>
      %add3A_2522 = arith.addf %add3A_2509, %mul3A_2521 : vector<16xf32>
      %get3A_2523 = arith.index_cast %add3A_2485 : i32 to index
      %get3A_2524 = arith.constant 48 : index
      %get3A_2525 = tpu.vector_load %arg12[%get3A_2523, %get3A_2524] {strides = array<i32>} : memref<128x128xf32, #tpu.memory_space<vmem>>, vector<16xf32>,
      %get3A_2526 = arith.index_cast %add3A_2485 : i32 to index
      %get3A_2527 = arith.constant 48 : index
      %get3A_2528 = tpu.vector_load %arg13[%get3A_2526, %get3A_2527] {strides = array<i32>} : memref<128x128xf32, #tpu.memory_space<vmem>>, vector<16xf32>,
      %mul3A_2529 = arith.mulf %get3A_2525, %get3A_2528 : vector<16xf32>
      %add3A_2530 = arith.addf %add3A_2517, %mul3A_2529 : vector<16xf32>
      %get3A_2531 = arith.index_cast %add3A_2485 : i32 to index
      %get3A_2532 = arith.constant 48 : index
      %get3A_2533 = tpu.vector_load %arg14[%get3A_2531, %get3A_2532] {strides = array<i32>} : memref<128x128xf32, #tpu.memory_space<vmem>>, vector<16xf32>,
      %mul3A_2534 = arith.mulf %get3A_2525, %get3A_2533 : vector<16xf32>
      %add3A_2535 = arith.addf %add3A_2522, %mul3A_2534 : vector<16xf32>
      %get3A_2536 = arith.index_cast %add3A_2485 : i32 to index
      %get3A_2537 = arith.constant 64 : index
      %get3A_2538 = tpu.vector_load %arg12[%get3A_2536, %get3A_2537] {strides = array<i32>} : memref<128x128xf32, #tpu.memory_space<vmem>>, vector<16xf32>,
      %get3A_2539 = arith.index_cast %add3A_2485 : i32 to index
      %get3A_2540 = arith.constant 64 : index
      %get3A_2541 = tpu.vector_load %arg13[%get3A_2539, %get3A_2540] {strides = array<i32>} : memref<128x128xf32, #tpu.memory_space<vmem>>, vector<16xf32>,
      %mul3A_2542 = arith.mulf %get3A_2538, %get3A_2541 : vector<16xf32>
      %add3A_2543 = arith.addf %add3A_2530, %mul3A_2542 : vector<16xf32>
      %get3A_2544 = arith.index_cast %add3A_2485 : i32 to index
      %get3A_2545 = arith.constant 64 : index
      %get3A_2546 = tpu.vector_load %arg14[%get3A_2544, %get3A_2545] {strides = array<i32>} : memref<128x128xf32, #tpu.memory_space<vmem>>, vector<16xf32>,
      %mul3A_2547 = arith.mulf %get3A_2538, %get3A_2546 : vector<16xf32>
      %add3A_2548 = arith.addf %add3A_2535, %mul3A_2547 : vector<16xf32>
      %get3A_2549 = arith.index_cast %add3A_2485 : i32 to index
      %get3A_2550 = arith.constant 80 : index
      %get3A_2551 = tpu.vector_load %arg12[%get3A_2549, %get3A_2550] {strides = array<i32>} : memref<128x128xf32, #tpu.memory_space<vmem>>, vector<16xf32>,
      %get3A_2552 = arith.index_cast %add3A_2485 : i32 to index
      %get3A_2553 = arith.constant 80 : index
      %get3A_2554 = tpu.vector_load %arg13[%get3A_2552, %get3A_2553] {strides = array<i32>} : memref<128x128xf32, #tpu.memory_space<vmem>>, vector<16xf32>,
      %mul3A_2555 = arith.mulf %get3A_2551, %get3A_2554 : vector<16xf32>
      %add3A_2556 = arith.addf %add3A_2543, %mul3A_2555 : vector<16xf32>
      %get3A_2557 = arith.index_cast %add3A_2485 : i32 to index
      %get3A_2558 = arith.constant 80 : index
      %get3A_2559 = tpu.vector_load %arg14[%get3A_2557, %get3A_2558] {strides = array<i32>} : memref<128x128xf32, #tpu.memory_space<vmem>>, vector<16xf32>,
      %mul3A_2560 = arith.mulf %get3A_2551, %get3A_2559 : vector<16xf32>
      %add3A_2561 = arith.addf %add3A_2548, %mul3A_2560 : vector<16xf32>
      %get3A_2562 = arith.index_cast %add3A_2485 : i32 to index
      %get3A_2563 = arith.constant 96 : index
      %get3A_2564 = tpu.vector_load %arg12[%get3A_2562, %get3A_2563] {strides = array<i32>} : memref<128x128xf32, #tpu.memory_space<vmem>>, vector<16xf32>,
      %get3A_2565 = arith.index_cast %add3A_2485 : i32 to index
      %get3A_2566 = arith.constant 96 : index
      %get3A_2567 = tpu.vector_load %arg13[%get3A_2565, %get3A_2566] {strides = array<i32>} : memref<128x128xf32, #tpu.memory_space<vmem>>, vector<16xf32>,
      %mul3A_2568 = arith.mulf %get3A_2564, %get3A_2567 : vector<16xf32>
      %add3A_2569 = arith.addf %add3A_2556, %mul3A_2568 : vector<16xf32>
      %get3A_2570 = arith.index_cast %add3A_2485 : i32 to index
      %get3A_2571 = arith.constant 96 : index
      %get3A_2572 = tpu.vector_load %arg14[%get3A_2570, %get3A_2571] {strides = array<i32>} : memref<128x128xf32, #tpu.memory_space<vmem>>, vector<16xf32>,
      %mul3A_2573 = arith.mulf %get3A_2564, %get3A_2572 : vector<16xf32>
      %add3A_2574 = arith.addf %add3A_2561, %mul3A_2573 : vector<16xf32>
      %get3A_2575 = arith.index_cast %add3A_2485 : i32 to index
      %get3A_2576 = arith.constant 112 : index
      %get3A_2577 = tpu.vector_load %arg12[%get3A_2575, %get3A_2576] {strides = array<i32>} : memref<128x128xf32, #tpu.memory_space<vmem>>, vector<16xf32>,
      %get3A_2578 = arith.index_cast %add3A_2485 : i32 to index
      %get3A_2579 = arith.constant 112 : index
      %get3A_2580 = tpu.vector_load %arg13[%get3A_2578, %get3A_2579] {strides = array<i32>} : memref<128x128xf32, #tpu.memory_space<vmem>>, vector<16xf32>,
      %mul3A_2581 = arith.mulf %get3A_2577, %get3A_2580 : vector<16xf32>
      %add3A_2582 = arith.addf %add3A_2569, %mul3A_2581 : vector<16xf32>
      %get3A_2583 = arith.index_cast %add3A_2485 : i32 to index
      %get3A_2584 = arith.constant 112 : index
      %get3A_2585 = tpu.vector_load %arg14[%get3A_2583, %get3A_2584] {strides = array<i32>} : memref<128x128xf32, #tpu.memory_space<vmem>>, vector<16xf32>,
      %mul3A_2586 = arith.mulf %get3A_2577, %get3A_2585 : vector<16xf32>
      %add3A_2587 = arith.addf %add3A_2574, %mul3A_2586 : vector<16xf32>
      %mul3A_2588 = arith.constant 4 : i32
      %mul3A_2589 = arith.muli %scan3A_2408, %mul3A_2588 : i32
      %add3A_2590 = arith.constant 1 : i32
      %add3A_2591 = arith.addi %mul3A_2589, %add3A_2590 : i32
      %get3A_2592 = arith.index_cast %add3A_2591 : i32 to index
      %get3A_2593 = arith.constant 0 : index
      %get3A_2594 = tpu.vector_load %arg12[%get3A_2592, %get3A_2593] {strides = array<i32>} : memref<128x128xf32, #tpu.memory_space<vmem>>, vector<16xf32>,
      %get3A_2595 = arith.index_cast %add3A_2591 : i32 to index
      %get3A_2596 = arith.constant 0 : index
      %get3A_2597 = tpu.vector_load %arg13[%get3A_2595, %get3A_2596] {strides = array<i32>} : memref<128x128xf32, #tpu.memory_space<vmem>>, vector<16xf32>,
      %mul3A_2598 = arith.mulf %get3A_2594, %get3A_2597 : vector<16xf32>
      %get3A_2599 = arith.index_cast %add3A_2591 : i32 to index
      %get3A_2600 = arith.constant 0 : index
      %get3A_2601 = tpu.vector_load %arg14[%get3A_2599, %get3A_2600] {strides = array<i32>} : memref<128x128xf32, #tpu.memory_space<vmem>>, vector<16xf32>,
      %mul3A_2602 = arith.mulf %get3A_2594, %get3A_2601 : vector<16xf32>
      %get3A_2603 = arith.index_cast %add3A_2591 : i32 to index
      %get3A_2604 = arith.constant 16 : index
      %get3A_2605 = tpu.vector_load %arg12[%get3A_2603, %get3A_2604] {strides = array<i32>} : memref<128x128xf32, #tpu.memory_space<vmem>>, vector<16xf32>,
      %get3A_2606 = arith.index_cast %add3A_2591 : i32 to index
      %get3A_2607 = arith.constant 16 : index
      %get3A_2608 = tpu.vector_load %arg13[%get3A_2606, %get3A_2607] {strides = array<i32>} : memref<128x128xf32, #tpu.memory_space<vmem>>, vector<16xf32>,
      %mul3A_2609 = arith.mulf %get3A_2605, %get3A_2608 : vector<16xf32>
      %add3A_2610 = arith.addf %mul3A_2598, %mul3A_2609 : vector<16xf32>
      %get3A_2611 = arith.index_cast %add3A_2591 : i32 to index
      %get3A_2612 = arith.constant 16 : index
      %get3A_2613 = tpu.vector_load %arg14[%get3A_2611, %get3A_2612] {strides = array<i32>} : memref<128x128xf32, #tpu.memory_space<vmem>>, vector<16xf32>,
      %mul3A_2614 = arith.mulf %get3A_2605, %get3A_2613 : vector<16xf32>
      %add3A_2615 = arith.addf %mul3A_2602, %mul3A_2614 : vector<16xf32>
      %get3A_2616 = arith.index_cast %add3A_2591 : i32 to index
      %get3A_2617 = arith.constant 32 : index
      %get3A_2618 = tpu.vector_load %arg12[%get3A_2616, %get3A_2617] {strides = array<i32>} : memref<128x128xf32, #tpu.memory_space<vmem>>, vector<16xf32>,
      %get3A_2619 = arith.index_cast %add3A_2591 : i32 to index
      %get3A_2620 = arith.constant 32 : index
      %get3A_2621 = tpu.vector_load %arg13[%get3A_2619, %get3A_2620] {strides = array<i32>} : memref<128x128xf32, #tpu.memory_space<vmem>>, vector<16xf32>,
      %mul3A_2622 = arith.mulf %get3A_2618, %get3A_2621 : vector<16xf32>
      %add3A_2623 = arith.addf %add3A_2610, %mul3A_2622 : vector<16xf32>
      %get3A_2624 = arith.index_cast %add3A_2591 : i32 to index
      %get3A_2625 = arith.constant 32 : index
      %get3A_2626 = tpu.vector_load %arg14[%get3A_2624, %get3A_2625] {strides = array<i32>} : memref<128x128xf32, #tpu.memory_space<vmem>>, vector<16xf32>,
      %mul3A_2627 = arith.mulf %get3A_2618, %get3A_2626 : vector<16xf32>
      %add3A_2628 = arith.addf %add3A_2615, %mul3A_2627 : vector<16xf32>
      %get3A_2629 = arith.index_cast %add3A_2591 : i32 to index
      %get3A_2630 = arith.constant 48 : index
      %get3A_2631 = tpu.vector_load %arg12[%get3A_2629, %get3A_2630] {strides = array<i32>} : memref<128x128xf32, #tpu.memory_space<vmem>>, vector<16xf32>,
      %get3A_2632 = arith.index_cast %add3A_2591 : i32 to index
      %get3A_2633 = arith.constant 48 : index
      %get3A_2634 = tpu.vector_load %arg13[%get3A_2632, %get3A_2633] {strides = array<i32>} : memref<128x128xf32, #tpu.memory_space<vmem>>, vector<16xf32>,
      %mul3A_2635 = arith.mulf %get3A_2631, %get3A_2634 : vector<16xf32>
      %add3A_2636 = arith.addf %add3A_2623, %mul3A_2635 : vector<16xf32>
      %get3A_2637 = arith.index_cast %add3A_2591 : i32 to index
      %get3A_2638 = arith.constant 48 : index
      %get3A_2639 = tpu.vector_load %arg14[%get3A_2637, %get3A_2638] {strides = array<i32>} : memref<128x128xf32, #tpu.memory_space<vmem>>, vector<16xf32>,
      %mul3A_2640 = arith.mulf %get3A_2631, %get3A_2639 : vector<16xf32>
      %add3A_2641 = arith.addf %add3A_2628, %mul3A_2640 : vector<16xf32>
      %get3A_2642 = arith.index_cast %add3A_2591 : i32 to index
      %get3A_2643 = arith.constant 64 : index
      %get3A_2644 = tpu.vector_load %arg12[%get3A_2642, %get3A_2643] {strides = array<i32>} : memref<128x128xf32, #tpu.memory_space<vmem>>, vector<16xf32>,
      %get3A_2645 = arith.index_cast %add3A_2591 : i32 to index
      %get3A_2646 = arith.constant 64 : index
      %get3A_2647 = tpu.vector_load %arg13[%get3A_2645, %get3A_2646] {strides = array<i32>} : memref<128x128xf32, #tpu.memory_space<vmem>>, vector<16xf32>,
      %mul3A_2648 = arith.mulf %get3A_2644, %get3A_2647 : vector<16xf32>
      %add3A_2649 = arith.addf %add3A_2636, %mul3A_2648 : vector<16xf32>
      %get3A_2650 = arith.index_cast %add3A_2591 : i32 to index
      %get3A_2651 = arith.constant 64 : index
      %get3A_2652 = tpu.vector_load %arg14[%get3A_2650, %get3A_2651] {strides = array<i32>} : memref<128x128xf32, #tpu.memory_space<vmem>>, vector<16xf32>,
      %mul3A_2653 = arith.mulf %get3A_2644, %get3A_2652 : vector<16xf32>
      %add3A_2654 = arith.addf %add3A_2641, %mul3A_2653 : vector<16xf32>
      %get3A_2655 = arith.index_cast %add3A_2591 : i32 to index
      %get3A_2656 = arith.constant 80 : index
      %get3A_2657 = tpu.vector_load %arg12[%get3A_2655, %get3A_2656] {strides = array<i32>} : memref<128x128xf32, #tpu.memory_space<vmem>>, vector<16xf32>,
      %get3A_2658 = arith.index_cast %add3A_2591 : i32 to index
      %get3A_2659 = arith.constant 80 : index
      %get3A_2660 = tpu.vector_load %arg13[%get3A_2658, %get3A_2659] {strides = array<i32>} : memref<128x128xf32, #tpu.memory_space<vmem>>, vector<16xf32>,
      %mul3A_2661 = arith.mulf %get3A_2657, %get3A_2660 : vector<16xf32>
      %add3A_2662 = arith.addf %add3A_2649, %mul3A_2661 : vector<16xf32>
      %get3A_2663 = arith.index_cast %add3A_2591 : i32 to index
      %get3A_2664 = arith.constant 80 : index
      %get3A_2665 = tpu.vector_load %arg14[%get3A_2663, %get3A_2664] {strides = array<i32>} : memref<128x128xf32, #tpu.memory_space<vmem>>, vector<16xf32>,
      %mul3A_2666 = arith.mulf %get3A_2657, %get3A_2665 : vector<16xf32>
      %add3A_2667 = arith.addf %add3A_2654, %mul3A_2666 : vector<16xf32>
      %get3A_2668 = arith.index_cast %add3A_2591 : i32 to index
      %get3A_2669 = arith.constant 96 : index
      %get3A_2670 = tpu.vector_load %arg12[%get3A_2668, %get3A_2669] {strides = array<i32>} : memref<128x128xf32, #tpu.memory_space<vmem>>, vector<16xf32>,
      %get3A_2671 = arith.index_cast %add3A_2591 : i32 to index
      %get3A_2672 = arith.constant 96 : index
      %get3A_2673 = tpu.vector_load %arg13[%get3A_2671, %get3A_2672] {strides = array<i32>} : memref<128x128xf32, #tpu.memory_space<vmem>>, vector<16xf32>,
      %mul3A_2674 = arith.mulf %get3A_2670, %get3A_2673 : vector<16xf32>
      %add3A_2675 = arith.addf %add3A_2662, %mul3A_2674 : vector<16xf32>
      %get3A_2676 = arith.index_cast %add3A_2591 : i32 to index
      %get3A_2677 = arith.constant 96 : index
      %get3A_2678 = tpu.vector_load %arg14[%get3A_2676, %get3A_2677] {strides = array<i32>} : memref<128x128xf32, #tpu.memory_space<vmem>>, vector<16xf32>,
      %mul3A_2679 = arith.mulf %get3A_2670, %get3A_2678 : vector<16xf32>
      %add3A_2680 = arith.addf %add3A_2667, %mul3A_2679 : vector<16xf32>
      %get3A_2681 = arith.index_cast %add3A_2591 : i32 to index
      %get3A_2682 = arith.constant 112 : index
      %get3A_2683 = tpu.vector_load %arg12[%get3A_2681, %get3A_2682] {strides = array<i32>} : memref<128x128xf32, #tpu.memory_space<vmem>>, vector<16xf32>,
      %get3A_2684 = arith.index_cast %add3A_2591 : i32 to index
      %get3A_2685 = arith.constant 112 : index
      %get3A_2686 = tpu.vector_load %arg13[%get3A_2684, %get3A_2685] {strides = array<i32>} : memref<128x128xf32, #tpu.memory_space<vmem>>, vector<16xf32>,
      %mul3A_2687 = arith.mulf %get3A_2683, %get3A_2686 : vector<16xf32>
      %add3A_2688 = arith.addf %add3A_2675, %mul3A_2687 : vector<16xf32>
      %get3A_2689 = arith.index_cast %add3A_2591 : i32 to index
      %get3A_2690 = arith.constant 112 : index
      %get3A_2691 = tpu.vector_load %arg14[%get3A_2689, %get3A_2690] {strides = array<i32>} : memref<128x128xf32, #tpu.memory_space<vmem>>, vector<16xf32>,
      %mul3A_2692 = arith.mulf %get3A_2683, %get3A_2691 : vector<16xf32>
      %add3A_2693 = arith.addf %add3A_2680, %mul3A_2692 : vector<16xf32>
      %mul3A_2694 = arith.constant 4 : i32
      %mul3A_2695 = arith.muli %scan3A_2408, %mul3A_2694 : i32
      %add3A_2696 = arith.constant 2 : i32
      %add3A_2697 = arith.addi %mul3A_2695, %add3A_2696 : i32
      %get3A_2698 = arith.index_cast %add3A_2697 : i32 to index
      %get3A_2699 = arith.constant 0 : index
      %get3A_2700 = tpu.vector_load %arg12[%get3A_2698, %get3A_2699] {strides = array<i32>} : memref<128x128xf32, #tpu.memory_space<vmem>>, vector<16xf32>,
      %get3A_2701 = arith.index_cast %add3A_2697 : i32 to index
      %get3A_2702 = arith.constant 0 : index
      %get3A_2703 = tpu.vector_load %arg13[%get3A_2701, %get3A_2702] {strides = array<i32>} : memref<128x128xf32, #tpu.memory_space<vmem>>, vector<16xf32>,
      %mul3A_2704 = arith.mulf %get3A_2700, %get3A_2703 : vector<16xf32>
      %get3A_2705 = arith.index_cast %add3A_2697 : i32 to index
      %get3A_2706 = arith.constant 0 : index
      %get3A_2707 = tpu.vector_load %arg14[%get3A_2705, %get3A_2706] {strides = array<i32>} : memref<128x128xf32, #tpu.memory_space<vmem>>, vector<16xf32>,
      %mul3A_2708 = arith.mulf %get3A_2700, %get3A_2707 : vector<16xf32>
      %get3A_2709 = arith.index_cast %add3A_2697 : i32 to index
      %get3A_2710 = arith.constant 16 : index
      %get3A_2711 = tpu.vector_load %arg12[%get3A_2709, %get3A_2710] {strides = array<i32>} : memref<128x128xf32, #tpu.memory_space<vmem>>, vector<16xf32>,
      %get3A_2712 = arith.index_cast %add3A_2697 : i32 to index
      %get3A_2713 = arith.constant 16 : index
      %get3A_2714 = tpu.vector_load %arg13[%get3A_2712, %get3A_2713] {strides = array<i32>} : memref<128x128xf32, #tpu.memory_space<vmem>>, vector<16xf32>,
      %mul3A_2715 = arith.mulf %get3A_2711, %get3A_2714 : vector<16xf32>
      %add3A_2716 = arith.addf %mul3A_2704, %mul3A_2715 : vector<16xf32>
      %get3A_2717 = arith.index_cast %add3A_2697 : i32 to index
      %get3A_2718 = arith.constant 16 : index
      %get3A_2719 = tpu.vector_load %arg14[%get3A_2717, %get3A_2718] {strides = array<i32>} : memref<128x128xf32, #tpu.memory_space<vmem>>, vector<16xf32>,
      %mul3A_2720 = arith.mulf %get3A_2711, %get3A_2719 : vector<16xf32>
      %add3A_2721 = arith.addf %mul3A_2708, %mul3A_2720 : vector<16xf32>
      %get3A_2722 = arith.index_cast %add3A_2697 : i32 to index
      %get3A_2723 = arith.constant 32 : index
      %get3A_2724 = tpu.vector_load %arg12[%get3A_2722, %get3A_2723] {strides = array<i32>} : memref<128x128xf32, #tpu.memory_space<vmem>>, vector<16xf32>,
      %get3A_2725 = arith.index_cast %add3A_2697 : i32 to index
      %get3A_2726 = arith.constant 32 : index
      %get3A_2727 = tpu.vector_load %arg13[%get3A_2725, %get3A_2726] {strides = array<i32>} : memref<128x128xf32, #tpu.memory_space<vmem>>, vector<16xf32>,
      %mul3A_2728 = arith.mulf %get3A_2724, %get3A_2727 : vector<16xf32>
      %add3A_2729 = arith.addf %add3A_2716, %mul3A_2728 : vector<16xf32>
      %get3A_2730 = arith.index_cast %add3A_2697 : i32 to index
      %get3A_2731 = arith.constant 32 : index
      %get3A_2732 = tpu.vector_load %arg14[%get3A_2730, %get3A_2731] {strides = array<i32>} : memref<128x128xf32, #tpu.memory_space<vmem>>, vector<16xf32>,
      %mul3A_2733 = arith.mulf %get3A_2724, %get3A_2732 : vector<16xf32>
      %add3A_2734 = arith.addf %add3A_2721, %mul3A_2733 : vector<16xf32>
      %get3A_2735 = arith.index_cast %add3A_2697 : i32 to index
      %get3A_2736 = arith.constant 48 : index
      %get3A_2737 = tpu.vector_load %arg12[%get3A_2735, %get3A_2736] {strides = array<i32>} : memref<128x128xf32, #tpu.memory_space<vmem>>, vector<16xf32>,
      %get3A_2738 = arith.index_cast %add3A_2697 : i32 to index
      %get3A_2739 = arith.constant 48 : index
      %get3A_2740 = tpu.vector_load %arg13[%get3A_2738, %get3A_2739] {strides = array<i32>} : memref<128x128xf32, #tpu.memory_space<vmem>>, vector<16xf32>,
      %mul3A_2741 = arith.mulf %get3A_2737, %get3A_2740 : vector<16xf32>
      %add3A_2742 = arith.addf %add3A_2729, %mul3A_2741 : vector<16xf32>
      %get3A_2743 = arith.index_cast %add3A_2697 : i32 to index
      %get3A_2744 = arith.constant 48 : index
      %get3A_2745 = tpu.vector_load %arg14[%get3A_2743, %get3A_2744] {strides = array<i32>} : memref<128x128xf32, #tpu.memory_space<vmem>>, vector<16xf32>,
      %mul3A_2746 = arith.mulf %get3A_2737, %get3A_2745 : vector<16xf32>
      %add3A_2747 = arith.addf %add3A_2734, %mul3A_2746 : vector<16xf32>
      %get3A_2748 = arith.index_cast %add3A_2697 : i32 to index
      %get3A_2749 = arith.constant 64 : index
      %get3A_2750 = tpu.vector_load %arg12[%get3A_2748, %get3A_2749] {strides = array<i32>} : memref<128x128xf32, #tpu.memory_space<vmem>>, vector<16xf32>,
      %get3A_2751 = arith.index_cast %add3A_2697 : i32 to index
      %get3A_2752 = arith.constant 64 : index
      %get3A_2753 = tpu.vector_load %arg13[%get3A_2751, %get3A_2752] {strides = array<i32>} : memref<128x128xf32, #tpu.memory_space<vmem>>, vector<16xf32>,
      %mul3A_2754 = arith.mulf %get3A_2750, %get3A_2753 : vector<16xf32>
      %add3A_2755 = arith.addf %add3A_2742, %mul3A_2754 : vector<16xf32>
      %get3A_2756 = arith.index_cast %add3A_2697 : i32 to index
      %get3A_2757 = arith.constant 64 : index
      %get3A_2758 = tpu.vector_load %arg14[%get3A_2756, %get3A_2757] {strides = array<i32>} : memref<128x128xf32, #tpu.memory_space<vmem>>, vector<16xf32>,
      %mul3A_2759 = arith.mulf %get3A_2750, %get3A_2758 : vector<16xf32>
      %add3A_2760 = arith.addf %add3A_2747, %mul3A_2759 : vector<16xf32>
      %get3A_2761 = arith.index_cast %add3A_2697 : i32 to index
      %get3A_2762 = arith.constant 80 : index
      %get3A_2763 = tpu.vector_load %arg12[%get3A_2761, %get3A_2762] {strides = array<i32>} : memref<128x128xf32, #tpu.memory_space<vmem>>, vector<16xf32>,
      %get3A_2764 = arith.index_cast %add3A_2697 : i32 to index
      %get3A_2765 = arith.constant 80 : index
      %get3A_2766 = tpu.vector_load %arg13[%get3A_2764, %get3A_2765] {strides = array<i32>} : memref<128x128xf32, #tpu.memory_space<vmem>>, vector<16xf32>,
      %mul3A_2767 = arith.mulf %get3A_2763, %get3A_2766 : vector<16xf32>
      %add3A_2768 = arith.addf %add3A_2755, %mul3A_2767 : vector<16xf32>
      %get3A_2769 = arith.index_cast %add3A_2697 : i32 to index
      %get3A_2770 = arith.constant 80 : index
      %get3A_2771 = tpu.vector_load %arg14[%get3A_2769, %get3A_2770] {strides = array<i32>} : memref<128x128xf32, #tpu.memory_space<vmem>>, vector<16xf32>,
      %mul3A_2772 = arith.mulf %get3A_2763, %get3A_2771 : vector<16xf32>
      %add3A_2773 = arith.addf %add3A_2760, %mul3A_2772 : vector<16xf32>
      %get3A_2774 = arith.index_cast %add3A_2697 : i32 to index
      %get3A_2775 = arith.constant 96 : index
      %get3A_2776 = tpu.vector_load %arg12[%get3A_2774, %get3A_2775] {strides = array<i32>} : memref<128x128xf32, #tpu.memory_space<vmem>>, vector<16xf32>,
      %get3A_2777 = arith.index_cast %add3A_2697 : i32 to index
      %get3A_2778 = arith.constant 96 : index
      %get3A_2779 = tpu.vector_load %arg13[%get3A_2777, %get3A_2778] {strides = array<i32>} : memref<128x128xf32, #tpu.memory_space<vmem>>, vector<16xf32>,
      %mul3A_2780 = arith.mulf %get3A_2776, %get3A_2779 : vector<16xf32>
      %add3A_2781 = arith.addf %add3A_2768, %mul3A_2780 : vector<16xf32>
      %get3A_2782 = arith.index_cast %add3A_2697 : i32 to index
      %get3A_2783 = arith.constant 96 : index
      %get3A_2784 = tpu.vector_load %arg14[%get3A_2782, %get3A_2783] {strides = array<i32>} : memref<128x128xf32, #tpu.memory_space<vmem>>, vector<16xf32>,
      %mul3A_2785 = arith.mulf %get3A_2776, %get3A_2784 : vector<16xf32>
      %add3A_2786 = arith.addf %add3A_2773, %mul3A_2785 : vector<16xf32>
      %get3A_2787 = arith.index_cast %add3A_2697 : i32 to index
      %get3A_2788 = arith.constant 112 : index
      %get3A_2789 = tpu.vector_load %arg12[%get3A_2787, %get3A_2788] {strides = array<i32>} : memref<128x128xf32, #tpu.memory_space<vmem>>, vector<16xf32>,
      %get3A_2790 = arith.index_cast %add3A_2697 : i32 to index
      %get3A_2791 = arith.constant 112 : index
      %get3A_2792 = tpu.vector_load %arg13[%get3A_2790, %get3A_2791] {strides = array<i32>} : memref<128x128xf32, #tpu.memory_space<vmem>>, vector<16xf32>,
      %mul3A_2793 = arith.mulf %get3A_2789, %get3A_2792 : vector<16xf32>
      %add3A_2794 = arith.addf %add3A_2781, %mul3A_2793 : vector<16xf32>
      %get3A_2795 = arith.index_cast %add3A_2697 : i32 to index
      %get3A_2796 = arith.constant 112 : index
      %get3A_2797 = tpu.vector_load %arg14[%get3A_2795, %get3A_2796] {strides = array<i32>} : memref<128x128xf32, #tpu.memory_space<vmem>>, vector<16xf32>,
      %mul3A_2798 = arith.mulf %get3A_2789, %get3A_2797 : vector<16xf32>
      %add3A_2799 = arith.addf %add3A_2786, %mul3A_2798 : vector<16xf32>
      %mul3A_2800 = arith.constant 4 : i32
      %mul3A_2801 = arith.muli %scan3A_2408, %mul3A_2800 : i32
      %add3A_2802 = arith.constant 3 : i32
      %add3A_2803 = arith.addi %mul3A_2801, %add3A_2802 : i32
      %get3A_2804 = arith.index_cast %add3A_2803 : i32 to index
      %get3A_2805 = arith.constant 0 : index
      %get3A_2806 = tpu.vector_load %arg12[%get3A_2804, %get3A_2805] {strides = array<i32>} : memref<128x128xf32, #tpu.memory_space<vmem>>, vector<16xf32>,
      %get3A_2807 = arith.index_cast %add3A_2803 : i32 to index
      %get3A_2808 = arith.constant 0 : index
      %get3A_2809 = tpu.vector_load %arg13[%get3A_2807, %get3A_2808] {strides = array<i32>} : memref<128x128xf32, #tpu.memory_space<vmem>>, vector<16xf32>,
      %mul3A_2810 = arith.mulf %get3A_2806, %get3A_2809 : vector<16xf32>
      %get3A_2811 = arith.index_cast %add3A_2803 : i32 to index
      %get3A_2812 = arith.constant 0 : index
      %get3A_2813 = tpu.vector_load %arg14[%get3A_2811, %get3A_2812] {strides = array<i32>} : memref<128x128xf32, #tpu.memory_space<vmem>>, vector<16xf32>,
      %mul3A_2814 = arith.mulf %get3A_2806, %get3A_2813 : vector<16xf32>
      %get3A_2815 = arith.index_cast %add3A_2803 : i32 to index
      %get3A_2816 = arith.constant 16 : index
      %get3A_2817 = tpu.vector_load %arg12[%get3A_2815, %get3A_2816] {strides = array<i32>} : memref<128x128xf32, #tpu.memory_space<vmem>>, vector<16xf32>,
      %get3A_2818 = arith.index_cast %add3A_2803 : i32 to index
      %get3A_2819 = arith.constant 16 : index
      %get3A_2820 = tpu.vector_load %arg13[%get3A_2818, %get3A_2819] {strides = array<i32>} : memref<128x128xf32, #tpu.memory_space<vmem>>, vector<16xf32>,
      %mul3A_2821 = arith.mulf %get3A_2817, %get3A_2820 : vector<16xf32>
      %add3A_2822 = arith.addf %mul3A_2810, %mul3A_2821 : vector<16xf32>
      %get3A_2823 = arith.index_cast %add3A_2803 : i32 to index
      %get3A_2824 = arith.constant 16 : index
      %get3A_2825 = tpu.vector_load %arg14[%get3A_2823, %get3A_2824] {strides = array<i32>} : memref<128x128xf32, #tpu.memory_space<vmem>>, vector<16xf32>,
      %mul3A_2826 = arith.mulf %get3A_2817, %get3A_2825 : vector<16xf32>
      %add3A_2827 = arith.addf %mul3A_2814, %mul3A_2826 : vector<16xf32>
      %get3A_2828 = arith.index_cast %add3A_2803 : i32 to index
      %get3A_2829 = arith.constant 32 : index
      %get3A_2830 = tpu.vector_load %arg12[%get3A_2828, %get3A_2829] {strides = array<i32>} : memref<128x128xf32, #tpu.memory_space<vmem>>, vector<16xf32>,
      %get3A_2831 = arith.index_cast %add3A_2803 : i32 to index
      %get3A_2832 = arith.constant 32 : index
      %get3A_2833 = tpu.vector_load %arg13[%get3A_2831, %get3A_2832] {strides = array<i32>} : memref<128x128xf32, #tpu.memory_space<vmem>>, vector<16xf32>,
      %mul3A_2834 = arith.mulf %get3A_2830, %get3A_2833 : vector<16xf32>
      %add3A_2835 = arith.addf %add3A_2822, %mul3A_2834 : vector<16xf32>
      %get3A_2836 = arith.index_cast %add3A_2803 : i32 to index
      %get3A_2837 = arith.constant 32 : index
      %get3A_2838 = tpu.vector_load %arg14[%get3A_2836, %get3A_2837] {strides = array<i32>} : memref<128x128xf32, #tpu.memory_space<vmem>>, vector<16xf32>,
      %mul3A_2839 = arith.mulf %get3A_2830, %get3A_2838 : vector<16xf32>
      %add3A_2840 = arith.addf %add3A_2827, %mul3A_2839 : vector<16xf32>
      %get3A_2841 = arith.index_cast %add3A_2803 : i32 to index
      %get3A_2842 = arith.constant 48 : index
      %get3A_2843 = tpu.vector_load %arg12[%get3A_2841, %get3A_2842] {strides = array<i32>} : memref<128x128xf32, #tpu.memory_space<vmem>>, vector<16xf32>,
      %get3A_2844 = arith.index_cast %add3A_2803 : i32 to index
      %get3A_2845 = arith.constant 48 : index
      %get3A_2846 = tpu.vector_load %arg13[%get3A_2844, %get3A_2845] {strides = array<i32>} : memref<128x128xf32, #tpu.memory_space<vmem>>, vector<16xf32>,
      %mul3A_2847 = arith.mulf %get3A_2843, %get3A_2846 : vector<16xf32>
      %add3A_2848 = arith.addf %add3A_2835, %mul3A_2847 : vector<16xf32>
      %get3A_2849 = arith.index_cast %add3A_2803 : i32 to index
      %get3A_2850 = arith.constant 48 : index
      %get3A_2851 = tpu.vector_load %arg14[%get3A_2849, %get3A_2850] {strides = array<i32>} : memref<128x128xf32, #tpu.memory_space<vmem>>, vector<16xf32>,
      %mul3A_2852 = arith.mulf %get3A_2843, %get3A_2851 : vector<16xf32>
      %add3A_2853 = arith.addf %add3A_2840, %mul3A_2852 : vector<16xf32>
      %get3A_2854 = arith.index_cast %add3A_2803 : i32 to index
      %get3A_2855 = arith.constant 64 : index
      %get3A_2856 = tpu.vector_load %arg12[%get3A_2854, %get3A_2855] {strides = array<i32>} : memref<128x128xf32, #tpu.memory_space<vmem>>, vector<16xf32>,
      %get3A_2857 = arith.index_cast %add3A_2803 : i32 to index
      %get3A_2858 = arith.constant 64 : index
      %get3A_2859 = tpu.vector_load %arg13[%get3A_2857, %get3A_2858] {strides = array<i32>} : memref<128x128xf32, #tpu.memory_space<vmem>>, vector<16xf32>,
      %mul3A_2860 = arith.mulf %get3A_2856, %get3A_2859 : vector<16xf32>
      %add3A_2861 = arith.addf %add3A_2848, %mul3A_2860 : vector<16xf32>
      %get3A_2862 = arith.index_cast %add3A_2803 : i32 to index
      %get3A_2863 = arith.constant 64 : index
      %get3A_2864 = tpu.vector_load %arg14[%get3A_2862, %get3A_2863] {strides = array<i32>} : memref<128x128xf32, #tpu.memory_space<vmem>>, vector<16xf32>,
      %mul3A_2865 = arith.mulf %get3A_2856, %get3A_2864 : vector<16xf32>
      %add3A_2866 = arith.addf %add3A_2853, %mul3A_2865 : vector<16xf32>
      %get3A_2867 = arith.index_cast %add3A_2803 : i32 to index
      %get3A_2868 = arith.constant 80 : index
      %get3A_2869 = tpu.vector_load %arg12[%get3A_2867, %get3A_2868] {strides = array<i32>} : memref<128x128xf32, #tpu.memory_space<vmem>>, vector<16xf32>,
      %get3A_2870 = arith.index_cast %add3A_2803 : i32 to index
      %get3A_2871 = arith.constant 80 : index
      %get3A_2872 = tpu.vector_load %arg13[%get3A_2870, %get3A_2871] {strides = array<i32>} : memref<128x128xf32, #tpu.memory_space<vmem>>, vector<16xf32>,
      %mul3A_2873 = arith.mulf %get3A_2869, %get3A_2872 : vector<16xf32>
      %add3A_2874 = arith.addf %add3A_2861, %mul3A_2873 : vector<16xf32>
      %get3A_2875 = arith.index_cast %add3A_2803 : i32 to index
      %get3A_2876 = arith.constant 80 : index
      %get3A_2877 = tpu.vector_load %arg14[%get3A_2875, %get3A_2876] {strides = array<i32>} : memref<128x128xf32, #tpu.memory_space<vmem>>, vector<16xf32>,
      %mul3A_2878 = arith.mulf %get3A_2869, %get3A_2877 : vector<16xf32>
      %add3A_2879 = arith.addf %add3A_2866, %mul3A_2878 : vector<16xf32>
      %get3A_2880 = arith.index_cast %add3A_2803 : i32 to index
      %get3A_2881 = arith.constant 96 : index
      %get3A_2882 = tpu.vector_load %arg12[%get3A_2880, %get3A_2881] {strides = array<i32>} : memref<128x128xf32, #tpu.memory_space<vmem>>, vector<16xf32>,
      %get3A_2883 = arith.index_cast %add3A_2803 : i32 to index
      %get3A_2884 = arith.constant 96 : index
      %get3A_2885 = tpu.vector_load %arg13[%get3A_2883, %get3A_2884] {strides = array<i32>} : memref<128x128xf32, #tpu.memory_space<vmem>>, vector<16xf32>,
      %mul3A_2886 = arith.mulf %get3A_2882, %get3A_2885 : vector<16xf32>
      %add3A_2887 = arith.addf %add3A_2874, %mul3A_2886 : vector<16xf32>
      %get3A_2888 = arith.index_cast %add3A_2803 : i32 to index
      %get3A_2889 = arith.constant 96 : index
      %get3A_2890 = tpu.vector_load %arg14[%get3A_2888, %get3A_2889] {strides = array<i32>} : memref<128x128xf32, #tpu.memory_space<vmem>>, vector<16xf32>,
      %mul3A_2891 = arith.mulf %get3A_2882, %get3A_2890 : vector<16xf32>
      %add3A_2892 = arith.addf %add3A_2879, %mul3A_2891 : vector<16xf32>
      %get3A_2893 = arith.index_cast %add3A_2803 : i32 to index
      %get3A_2894 = arith.constant 112 : index
      %get3A_2895 = tpu.vector_load %arg12[%get3A_2893, %get3A_2894] {strides = array<i32>} : memref<128x128xf32, #tpu.memory_space<vmem>>, vector<16xf32>,
      %get3A_2896 = arith.index_cast %add3A_2803 : i32 to index
      %get3A_2897 = arith.constant 112 : index
      %get3A_2898 = tpu.vector_load %arg13[%get3A_2896, %get3A_2897] {strides = array<i32>} : memref<128x128xf32, #tpu.memory_space<vmem>>, vector<16xf32>,
      %mul3A_2899 = arith.mulf %get3A_2895, %get3A_2898 : vector<16xf32>
      %add3A_2900 = arith.addf %add3A_2887, %mul3A_2899 : vector<16xf32>
      %get3A_2901 = arith.index_cast %add3A_2803 : i32 to index
      %get3A_2902 = arith.constant 112 : index
      %get3A_2903 = tpu.vector_load %arg14[%get3A_2901, %get3A_2902] {strides = array<i32>} : memref<128x128xf32, #tpu.memory_space<vmem>>, vector<16xf32>,
      %mul3A_2904 = arith.mulf %get3A_2895, %get3A_2903 : vector<16xf32>
      %add3A_2905 = arith.addf %add3A_2892, %mul3A_2904 : vector<16xf32>
      scf.yield %add3A_2582, %add3A_2587, %add3A_2688, %add3A_2693, %add3A_2794, %add3A_2799, %add3A_2900, %add3A_2905 : vector<16xf32>, vector<16xf32>, vector<16xf32>, vector<16xf32>, vector<16xf32>, vector<16xf32>, vector<16xf32>, vector<16xf32>
    }
    %scan3A_633 = arith.constant 31 : i32
    %broadcast_in_dim3A = arith.constant true
    %broadcast_in_dim3A_634 = vector.broadcast %broadcast_in_dim3A : i1 to vector<16xi1>
    %masked_cumsum3A = tpu.scan <sum>, %scan3A_632#0 masked %broadcast_in_dim3A_634 : vector<16xf32>, vector<16xi1> -> vector<16xf32>
    %swap3A = arith.constant 124 : index
    %swap3A_635 = tpu.vector_load %arg18[%swap3A] masked %eq3A_125 {strides = array<i32>} : memref<528xf32, #tpu.memory_space<vmem>>, vector<16xf32>, vector<16xi1>
    tpu.vector_store %arg18[%swap3A], %masked_cumsum3A masked %eq3A_125 {strides = array<i32>} : memref<528xf32, #tpu.memory_space<vmem>>, vector<16xf32>, vector<16xi1>
    %broadcast_in_dim3A_636 = arith.constant true
    %broadcast_in_dim3A_637 = vector.broadcast %broadcast_in_dim3A_636 : i1 to vector<16xi1>
    %masked_cumsum3A_638 = tpu.scan <sum>, %scan3A_632#1 masked %broadcast_in_dim3A_637 : vector<16xf32>, vector<16xi1> -> vector<16xf32>
    %swap3A_639 = arith.constant 124 : index
    %swap3A_640 = tpu.vector_load %arg19[%swap3A_639] masked %eq3A_125 {strides = array<i32>} : memref<528xf32, #tpu.memory_space<vmem>>, vector<16xf32>, vector<16xi1>
    tpu.vector_store %arg19[%swap3A_639], %masked_cumsum3A_638 masked %eq3A_125 {strides = array<i32>} : memref<528xf32, #tpu.memory_space<vmem>>, vector<16xf32>, vector<16xi1>
    %broadcast_in_dim3A_641 = arith.constant true
    %broadcast_in_dim3A_642 = vector.broadcast %broadcast_in_dim3A_641 : i1 to vector<16xi1>
    %masked_cumsum3A_643 = tpu.scan <sum>, %scan3A_632#2 masked %broadcast_in_dim3A_642 : vector<16xf32>, vector<16xi1> -> vector<16xf32>
    %swap3A_644 = arith.constant 125 : index
    %swap3A_645 = tpu.vector_load %arg18[%swap3A_644] masked %eq3A_125 {strides = array<i32>} : memref<528xf32, #tpu.memory_space<vmem>>, vector<16xf32>, vector<16xi1>
    tpu.vector_store %arg18[%swap3A_644], %masked_cumsum3A_643 masked %eq3A_125 {strides = array<i32>} : memref<528xf32, #tpu.memory_space<vmem>>, vector<16xf32>, vector<16xi1>
    %broadcast_in_dim3A_646 = arith.constant true
    %broadcast_in_dim3A_647 = vector.broadcast %broadcast_in_dim3A_646 : i1 to vector<16xi1>
    %masked_cumsum3A_648 = tpu.scan <sum>, %scan3A_632#3 masked %broadcast_in_dim3A_647 : vector<16xf32>, vector<16xi1> -> vector<16xf32>
    %swap3A_649 = arith.constant 125 : index
    %swap3A_650 = tpu.vector_load %arg19[%swap3A_649] masked %eq3A_125 {strides = array<i32>} : memref<528xf32, #tpu.memory_space<vmem>>, vector<16xf32>, vector<16xi1>
    tpu.vector_store %arg19[%swap3A_649], %masked_cumsum3A_648 masked %eq3A_125 {strides = array<i32>} : memref<528xf32, #tpu.memory_space<vmem>>, vector<16xf32>, vector<16xi1>
    %broadcast_in_dim3A_651 = arith.constant true
    %broadcast_in_dim3A_652 = vector.broadcast %broadcast_in_dim3A_651 : i1 to vector<16xi1>
    %masked_cumsum3A_653 = tpu.scan <sum>, %scan3A_632#4 masked %broadcast_in_dim3A_652 : vector<16xf32>, vector<16xi1> -> vector<16xf32>
    %swap3A_654 = arith.constant 126 : index
    %swap3A_655 = tpu.vector_load %arg18[%swap3A_654] masked %eq3A_125 {strides = array<i32>} : memref<528xf32, #tpu.memory_space<vmem>>, vector<16xf32>, vector<16xi1>
    tpu.vector_store %arg18[%swap3A_654], %masked_cumsum3A_653 masked %eq3A_125 {strides = array<i32>} : memref<528xf32, #tpu.memory_space<vmem>>, vector<16xf32>, vector<16xi1>
    %broadcast_in_dim3A_656 = arith.constant true
    %broadcast_in_dim3A_657 = vector.broadcast %broadcast_in_dim3A_656 : i1 to vector<16xi1>
    %masked_cumsum3A_658 = tpu.scan <sum>, %scan3A_632#5 masked %broadcast_in_dim3A_657 : vector<16xf32>, vector<16xi1> -> vector<16xf32>
    %swap3A_659 = arith.constant 126 : index
    %swap3A_660 = tpu.vector_load %arg19[%swap3A_659] masked %eq3A_125 {strides = array<i32>} : memref<528xf32, #tpu.memory_space<vmem>>, vector<16xf32>, vector<16xi1>
    tpu.vector_store %arg19[%swap3A_659], %masked_cumsum3A_658 masked %eq3A_125 {strides = array<i32>} : memref<528xf32, #tpu.memory_space<vmem>>, vector<16xf32>, vector<16xi1>
    %broadcast_in_dim3A_661 = arith.constant true
    %broadcast_in_dim3A_662 = vector.broadcast %broadcast_in_dim3A_661 : i1 to vector<16xi1>
    %masked_cumsum3A_663 = tpu.scan <sum>, %scan3A_632#6 masked %broadcast_in_dim3A_662 : vector<16xf32>, vector<16xi1> -> vector<16xf32>
    %swap3A_664 = arith.constant 127 : index
    %swap3A_665 = tpu.vector_load %arg18[%swap3A_664] masked %eq3A_125 {strides = array<i32>} : memref<528xf32, #tpu.memory_space<vmem>>, vector<16xf32>, vector<16xi1>
    tpu.vector_store %arg18[%swap3A_664], %masked_cumsum3A_663 masked %eq3A_125 {strides = array<i32>} : memref<528xf32, #tpu.memory_space<vmem>>, vector<16xf32>, vector<16xi1>
    %broadcast_in_dim3A_666 = arith.constant true
    %broadcast_in_dim3A_667 = vector.broadcast %broadcast_in_dim3A_666 : i1 to vector<16xi1>
    %masked_cumsum3A_668 = tpu.scan <sum>, %scan3A_632#7 masked %broadcast_in_dim3A_667 : vector<16xf32>, vector<16xi1> -> vector<16xf32>
    %swap3A_669 = arith.constant 127 : index
    %swap3A_670 = tpu.vector_load %arg19[%swap3A_669] masked %eq3A_125 {strides = array<i32>} : memref<528xf32, #tpu.memory_space<vmem>>, vector<16xf32>, vector<16xi1>
    tpu.vector_store %arg19[%swap3A_669], %masked_cumsum3A_668 masked %eq3A_125 {strides = array<i32>} : memref<528xf32, #tpu.memory_space<vmem>>, vector<16xf32>, vector<16xi1>
    %dma_start3A_671 = arith.constant 256 : i32
    %dma_start3A_672 = tpu.memref_slice %arg9[%dma_start3A_671] : memref<512xi32, #tpu.memory_space<vmem>> -> memref<128xi32, #tpu.memory_space<vmem>>
    %dma_start3A_673 = arith.constant 0 : i32
    %dma_start3A_674 = arith.constant 0 : i32
    %dma_start3A_675 = tpu.memref_slice %arg5[%dma_start3A_673, %dma_start3A_674] : memref<100000x128xf32, #tpu.memory_space<hbm>> -> memref<100000x128xf32, #tpu.memory_space<hbm>>
    tpu.enqueue_indirect_dma source(%dma_start3A_675 : memref<100000x128xf32, #tpu.memory_space<hbm>>) target(%arg12 : memref<128x128xf32, #tpu.memory_space<vmem>>) offsets(%dma_start3A_672 : memref<128xi32, #tpu.memory_space<vmem>>) semaphore(%arg20 : memref<!tpu.dma_semaphore, #tpu.memory_space<semaphore_mem>>)
    %dma_start3A_676 = arith.constant 256 : i32
    %dma_start3A_677 = tpu.memref_slice %arg10[%dma_start3A_676] : memref<512xi32, #tpu.memory_space<vmem>> -> memref<128xi32, #tpu.memory_space<vmem>>
    %dma_start3A_678 = arith.constant 0 : i32
    %dma_start3A_679 = arith.constant 0 : i32
    %dma_start3A_680 = tpu.memref_slice %arg6[%dma_start3A_678, %dma_start3A_679] : memref<100000x128xf32, #tpu.memory_space<hbm>> -> memref<100000x128xf32, #tpu.memory_space<hbm>>
    tpu.enqueue_indirect_dma source(%dma_start3A_680 : memref<100000x128xf32, #tpu.memory_space<hbm>>) target(%arg13 : memref<128x128xf32, #tpu.memory_space<vmem>>) offsets(%dma_start3A_677 : memref<128xi32, #tpu.memory_space<vmem>>) semaphore(%arg20 : memref<!tpu.dma_semaphore, #tpu.memory_space<semaphore_mem>>)
    %dma_start3A_681 = arith.constant 256 : i32
    %dma_start3A_682 = tpu.memref_slice %arg11[%dma_start3A_681] : memref<512xi32, #tpu.memory_space<vmem>> -> memref<128xi32, #tpu.memory_space<vmem>>
    %dma_start3A_683 = arith.constant 0 : i32
    %dma_start3A_684 = arith.constant 0 : i32
    %dma_start3A_685 = tpu.memref_slice %arg6[%dma_start3A_683, %dma_start3A_684] : memref<100000x128xf32, #tpu.memory_space<hbm>> -> memref<100000x128xf32, #tpu.memory_space<hbm>>
    tpu.enqueue_indirect_dma source(%dma_start3A_685 : memref<100000x128xf32, #tpu.memory_space<hbm>>) target(%arg14 : memref<128x128xf32, #tpu.memory_space<vmem>>) offsets(%dma_start3A_682 : memref<128xi32, #tpu.memory_space<vmem>>) semaphore(%arg20 : memref<!tpu.dma_semaphore, #tpu.memory_space<semaphore_mem>>)
    %dma_wait3A_686 = arith.constant 128 : i32
    %dma_wait3A_687 = tpu.memref_slice %arg9[%dma_wait3A_686] : memref<512xi32, #tpu.memory_space<vmem>> -> memref<128xi32, #tpu.memory_space<vmem>>
    %dma_wait3A_688 = arith.constant 0 : i32
    %dma_wait3A_689 = arith.constant 0 : i32
    %dma_wait3A_690 = tpu.memref_slice %arg5[%dma_wait3A_688, %dma_wait3A_689] : memref<100000x128xf32, #tpu.memory_space<hbm>> -> memref<100000x128xf32, #tpu.memory_space<hbm>>
    tpu.wait_indirect_dma semaphore(%arg21 : memref<!tpu.dma_semaphore, #tpu.memory_space<semaphore_mem>>) src(%dma_wait3A_690 : memref<100000x128xf32, #tpu.memory_space<hbm>>) dst(%arg15 : memref<128x128xf32, #tpu.memory_space<vmem>>)
    %dma_wait3A_691 = arith.constant 128 : i32
    %dma_wait3A_692 = tpu.memref_slice %arg10[%dma_wait3A_691] : memref<512xi32, #tpu.memory_space<vmem>> -> memref<128xi32, #tpu.memory_space<vmem>>
    %dma_wait3A_693 = arith.constant 0 : i32
    %dma_wait3A_694 = arith.constant 0 : i32
    %dma_wait3A_695 = tpu.memref_slice %arg6[%dma_wait3A_693, %dma_wait3A_694] : memref<100000x128xf32, #tpu.memory_space<hbm>> -> memref<100000x128xf32, #tpu.memory_space<hbm>>
    tpu.wait_indirect_dma semaphore(%arg21 : memref<!tpu.dma_semaphore, #tpu.memory_space<semaphore_mem>>) src(%dma_wait3A_695 : memref<100000x128xf32, #tpu.memory_space<hbm>>) dst(%arg16 : memref<128x128xf32, #tpu.memory_space<vmem>>)
    %dma_wait3A_696 = arith.constant 128 : i32
    %dma_wait3A_697 = tpu.memref_slice %arg11[%dma_wait3A_696] : memref<512xi32, #tpu.memory_space<vmem>> -> memref<128xi32, #tpu.memory_space<vmem>>
    %dma_wait3A_698 = arith.constant 0 : i32
    %dma_wait3A_699 = arith.constant 0 : i32
    %dma_wait3A_700 = tpu.memref_slice %arg6[%dma_wait3A_698, %dma_wait3A_699] : memref<100000x128xf32, #tpu.memory_space<hbm>> -> memref<100000x128xf32, #tpu.memory_space<hbm>>
    tpu.wait_indirect_dma semaphore(%arg21 : memref<!tpu.dma_semaphore, #tpu.memory_space<semaphore_mem>>) src(%dma_wait3A_700 : memref<100000x128xf32, #tpu.memory_space<hbm>>) dst(%arg17 : memref<128x128xf32, #tpu.memory_space<vmem>>)
    %iota3A_701 = tpu.iota {dimensions = array<i32: 0>} : vector<16xi32>
    %eq3A_702 = arith.constant 15 : i32
    %eq3A_703 = vector.broadcast %eq3A_702 : i32 to vector<16xi32>
    %eq3A_704 = arith.cmpi eq, %iota3A_701, %eq3A_703 : vector<16xi32>
    %get3A_705 = arith.constant 0 : i32
    %get3A_706 = arith.index_cast %get3A_705 : i32 to index
    %get3A_707 = arith.constant 0 : index
    %get3A_708 = tpu.vector_load %arg15[%get3A_706, %get3A_707] {strides = array<i32>} : memref<128x128xf32, #tpu.memory_space<vmem>>, vector<16xf32>,
    %get3A_709 = arith.constant 0 : i32
    %get3A_710 = arith.index_cast %get3A_709 : i32 to index
    %get3A_711 = arith.constant 0 : index
    %get3A_712 = tpu.vector_load %arg16[%get3A_710, %get3A_711] {strides = array<i32>} : memref<128x128xf32, #tpu.memory_space<vmem>>, vector<16xf32>,
    %mul3A_713 = arith.mulf %get3A_708, %get3A_712 : vector<16xf32>
    %get3A_714 = arith.constant 0 : i32
    %get3A_715 = arith.index_cast %get3A_714 : i32 to index
    %get3A_716 = arith.constant 0 : index
    %get3A_717 = tpu.vector_load %arg17[%get3A_715, %get3A_716] {strides = array<i32>} : memref<128x128xf32, #tpu.memory_space<vmem>>, vector<16xf32>,
    %mul3A_718 = arith.mulf %get3A_708, %get3A_717 : vector<16xf32>
    %get3A_719 = arith.constant 0 : i32
    %get3A_720 = arith.index_cast %get3A_719 : i32 to index
    %get3A_721 = arith.constant 16 : index
    %get3A_722 = tpu.vector_load %arg15[%get3A_720, %get3A_721] {strides = array<i32>} : memref<128x128xf32, #tpu.memory_space<vmem>>, vector<16xf32>,
    %get3A_723 = arith.constant 0 : i32
    %get3A_724 = arith.index_cast %get3A_723 : i32 to index
    %get3A_725 = arith.constant 16 : index
    %get3A_726 = tpu.vector_load %arg16[%get3A_724, %get3A_725] {strides = array<i32>} : memref<128x128xf32, #tpu.memory_space<vmem>>, vector<16xf32>,
    %mul3A_727 = arith.mulf %get3A_722, %get3A_726 : vector<16xf32>
    %add3A_728 = arith.addf %mul3A_713, %mul3A_727 : vector<16xf32>
    %get3A_729 = arith.constant 0 : i32
    %get3A_730 = arith.index_cast %get3A_729 : i32 to index
    %get3A_731 = arith.constant 16 : index
    %get3A_732 = tpu.vector_load %arg17[%get3A_730, %get3A_731] {strides = array<i32>} : memref<128x128xf32, #tpu.memory_space<vmem>>, vector<16xf32>,
    %mul3A_733 = arith.mulf %get3A_722, %get3A_732 : vector<16xf32>
    %add3A_734 = arith.addf %mul3A_718, %mul3A_733 : vector<16xf32>
    %get3A_735 = arith.constant 0 : i32
    %get3A_736 = arith.index_cast %get3A_735 : i32 to index
    %get3A_737 = arith.constant 32 : index
    %get3A_738 = tpu.vector_load %arg15[%get3A_736, %get3A_737] {strides = array<i32>} : memref<128x128xf32, #tpu.memory_space<vmem>>, vector<16xf32>,
    %get3A_739 = arith.constant 0 : i32
    %get3A_740 = arith.index_cast %get3A_739 : i32 to index
    %get3A_741 = arith.constant 32 : index
    %get3A_742 = tpu.vector_load %arg16[%get3A_740, %get3A_741] {strides = array<i32>} : memref<128x128xf32, #tpu.memory_space<vmem>>, vector<16xf32>,
    %mul3A_743 = arith.mulf %get3A_738, %get3A_742 : vector<16xf32>
    %add3A_744 = arith.addf %add3A_728, %mul3A_743 : vector<16xf32>
    %get3A_745 = arith.constant 0 : i32
    %get3A_746 = arith.index_cast %get3A_745 : i32 to index
    %get3A_747 = arith.constant 32 : index
    %get3A_748 = tpu.vector_load %arg17[%get3A_746, %get3A_747] {strides = array<i32>} : memref<128x128xf32, #tpu.memory_space<vmem>>, vector<16xf32>,
    %mul3A_749 = arith.mulf %get3A_738, %get3A_748 : vector<16xf32>
    %add3A_750 = arith.addf %add3A_734, %mul3A_749 : vector<16xf32>
    %get3A_751 = arith.constant 0 : i32
    %get3A_752 = arith.index_cast %get3A_751 : i32 to index
    %get3A_753 = arith.constant 48 : index
    %get3A_754 = tpu.vector_load %arg15[%get3A_752, %get3A_753] {strides = array<i32>} : memref<128x128xf32, #tpu.memory_space<vmem>>, vector<16xf32>,
    %get3A_755 = arith.constant 0 : i32
    %get3A_756 = arith.index_cast %get3A_755 : i32 to index
    %get3A_757 = arith.constant 48 : index
    %get3A_758 = tpu.vector_load %arg16[%get3A_756, %get3A_757] {strides = array<i32>} : memref<128x128xf32, #tpu.memory_space<vmem>>, vector<16xf32>,
    %mul3A_759 = arith.mulf %get3A_754, %get3A_758 : vector<16xf32>
    %add3A_760 = arith.addf %add3A_744, %mul3A_759 : vector<16xf32>
    %get3A_761 = arith.constant 0 : i32
    %get3A_762 = arith.index_cast %get3A_761 : i32 to index
    %get3A_763 = arith.constant 48 : index
    %get3A_764 = tpu.vector_load %arg17[%get3A_762, %get3A_763] {strides = array<i32>} : memref<128x128xf32, #tpu.memory_space<vmem>>, vector<16xf32>,
    %mul3A_765 = arith.mulf %get3A_754, %get3A_764 : vector<16xf32>
    %add3A_766 = arith.addf %add3A_750, %mul3A_765 : vector<16xf32>
    %get3A_767 = arith.constant 0 : i32
    %get3A_768 = arith.index_cast %get3A_767 : i32 to index
    %get3A_769 = arith.constant 64 : index
    %get3A_770 = tpu.vector_load %arg15[%get3A_768, %get3A_769] {strides = array<i32>} : memref<128x128xf32, #tpu.memory_space<vmem>>, vector<16xf32>,
    %get3A_771 = arith.constant 0 : i32
    %get3A_772 = arith.index_cast %get3A_771 : i32 to index
    %get3A_773 = arith.constant 64 : index
    %get3A_774 = tpu.vector_load %arg16[%get3A_772, %get3A_773] {strides = array<i32>} : memref<128x128xf32, #tpu.memory_space<vmem>>, vector<16xf32>,
    %mul3A_775 = arith.mulf %get3A_770, %get3A_774 : vector<16xf32>
    %add3A_776 = arith.addf %add3A_760, %mul3A_775 : vector<16xf32>
    %get3A_777 = arith.constant 0 : i32
    %get3A_778 = arith.index_cast %get3A_777 : i32 to index
    %get3A_779 = arith.constant 64 : index
    %get3A_780 = tpu.vector_load %arg17[%get3A_778, %get3A_779] {strides = array<i32>} : memref<128x128xf32, #tpu.memory_space<vmem>>, vector<16xf32>,
    %mul3A_781 = arith.mulf %get3A_770, %get3A_780 : vector<16xf32>
    %add3A_782 = arith.addf %add3A_766, %mul3A_781 : vector<16xf32>
    %get3A_783 = arith.constant 0 : i32
    %get3A_784 = arith.index_cast %get3A_783 : i32 to index
    %get3A_785 = arith.constant 80 : index
    %get3A_786 = tpu.vector_load %arg15[%get3A_784, %get3A_785] {strides = array<i32>} : memref<128x128xf32, #tpu.memory_space<vmem>>, vector<16xf32>,
    %get3A_787 = arith.constant 0 : i32
    %get3A_788 = arith.index_cast %get3A_787 : i32 to index
    %get3A_789 = arith.constant 80 : index
    %get3A_790 = tpu.vector_load %arg16[%get3A_788, %get3A_789] {strides = array<i32>} : memref<128x128xf32, #tpu.memory_space<vmem>>, vector<16xf32>,
    %mul3A_791 = arith.mulf %get3A_786, %get3A_790 : vector<16xf32>
    %add3A_792 = arith.addf %add3A_776, %mul3A_791 : vector<16xf32>
    %get3A_793 = arith.constant 0 : i32
    %get3A_794 = arith.index_cast %get3A_793 : i32 to index
    %get3A_795 = arith.constant 80 : index
    %get3A_796 = tpu.vector_load %arg17[%get3A_794, %get3A_795] {strides = array<i32>} : memref<128x128xf32, #tpu.memory_space<vmem>>, vector<16xf32>,
    %mul3A_797 = arith.mulf %get3A_786, %get3A_796 : vector<16xf32>
    %add3A_798 = arith.addf %add3A_782, %mul3A_797 : vector<16xf32>
    %get3A_799 = arith.constant 0 : i32
    %get3A_800 = arith.index_cast %get3A_799 : i32 to index
    %get3A_801 = arith.constant 96 : index
    %get3A_802 = tpu.vector_load %arg15[%get3A_800, %get3A_801] {strides = array<i32>} : memref<128x128xf32, #tpu.memory_space<vmem>>, vector<16xf32>,
    %get3A_803 = arith.constant 0 : i32
    %get3A_804 = arith.index_cast %get3A_803 : i32 to index
    %get3A_805 = arith.constant 96 : index
    %get3A_806 = tpu.vector_load %arg16[%get3A_804, %get3A_805] {strides = array<i32>} : memref<128x128xf32, #tpu.memory_space<vmem>>, vector<16xf32>,
    %mul3A_807 = arith.mulf %get3A_802, %get3A_806 : vector<16xf32>
    %add3A_808 = arith.addf %add3A_792, %mul3A_807 : vector<16xf32>
    %get3A_809 = arith.constant 0 : i32
    %get3A_810 = arith.index_cast %get3A_809 : i32 to index
    %get3A_811 = arith.constant 96 : index
    %get3A_812 = tpu.vector_load %arg17[%get3A_810, %get3A_811] {strides = array<i32>} : memref<128x128xf32, #tpu.memory_space<vmem>>, vector<16xf32>,
    %mul3A_813 = arith.mulf %get3A_802, %get3A_812 : vector<16xf32>
    %add3A_814 = arith.addf %add3A_798, %mul3A_813 : vector<16xf32>
    %get3A_815 = arith.constant 0 : i32
    %get3A_816 = arith.index_cast %get3A_815 : i32 to index
    %get3A_817 = arith.constant 112 : index
    %get3A_818 = tpu.vector_load %arg15[%get3A_816, %get3A_817] {strides = array<i32>} : memref<128x128xf32, #tpu.memory_space<vmem>>, vector<16xf32>,
    %get3A_819 = arith.constant 0 : i32
    %get3A_820 = arith.index_cast %get3A_819 : i32 to index
    %get3A_821 = arith.constant 112 : index
    %get3A_822 = tpu.vector_load %arg16[%get3A_820, %get3A_821] {strides = array<i32>} : memref<128x128xf32, #tpu.memory_space<vmem>>, vector<16xf32>,
    %mul3A_823 = arith.mulf %get3A_818, %get3A_822 : vector<16xf32>
    %add3A_824 = arith.addf %add3A_808, %mul3A_823 : vector<16xf32>
    %get3A_825 = arith.constant 0 : i32
    %get3A_826 = arith.index_cast %get3A_825 : i32 to index
    %get3A_827 = arith.constant 112 : index
    %get3A_828 = tpu.vector_load %arg17[%get3A_826, %get3A_827] {strides = array<i32>} : memref<128x128xf32, #tpu.memory_space<vmem>>, vector<16xf32>,
    %mul3A_829 = arith.mulf %get3A_818, %get3A_828 : vector<16xf32>
    %add3A_830 = arith.addf %add3A_814, %mul3A_829 : vector<16xf32>
    %get3A_831 = arith.constant 1 : i32
    %get3A_832 = arith.index_cast %get3A_831 : i32 to index
    %get3A_833 = arith.constant 0 : index
    %get3A_834 = tpu.vector_load %arg15[%get3A_832, %get3A_833] {strides = array<i32>} : memref<128x128xf32, #tpu.memory_space<vmem>>, vector<16xf32>,
    %get3A_835 = arith.constant 1 : i32
    %get3A_836 = arith.index_cast %get3A_835 : i32 to index
    %get3A_837 = arith.constant 0 : index
    %get3A_838 = tpu.vector_load %arg16[%get3A_836, %get3A_837] {strides = array<i32>} : memref<128x128xf32, #tpu.memory_space<vmem>>, vector<16xf32>,
    %mul3A_839 = arith.mulf %get3A_834, %get3A_838 : vector<16xf32>
    %get3A_840 = arith.constant 1 : i32
    %get3A_841 = arith.index_cast %get3A_840 : i32 to index
    %get3A_842 = arith.constant 0 : index
    %get3A_843 = tpu.vector_load %arg17[%get3A_841, %get3A_842] {strides = array<i32>} : memref<128x128xf32, #tpu.memory_space<vmem>>, vector<16xf32>,
    %mul3A_844 = arith.mulf %get3A_834, %get3A_843 : vector<16xf32>
    %get3A_845 = arith.constant 1 : i32
    %get3A_846 = arith.index_cast %get3A_845 : i32 to index
    %get3A_847 = arith.constant 16 : index
    %get3A_848 = tpu.vector_load %arg15[%get3A_846, %get3A_847] {strides = array<i32>} : memref<128x128xf32, #tpu.memory_space<vmem>>, vector<16xf32>,
    %get3A_849 = arith.constant 1 : i32
    %get3A_850 = arith.index_cast %get3A_849 : i32 to index
    %get3A_851 = arith.constant 16 : index
    %get3A_852 = tpu.vector_load %arg16[%get3A_850, %get3A_851] {strides = array<i32>} : memref<128x128xf32, #tpu.memory_space<vmem>>, vector<16xf32>,
    %mul3A_853 = arith.mulf %get3A_848, %get3A_852 : vector<16xf32>
    %add3A_854 = arith.addf %mul3A_839, %mul3A_853 : vector<16xf32>
    %get3A_855 = arith.constant 1 : i32
    %get3A_856 = arith.index_cast %get3A_855 : i32 to index
    %get3A_857 = arith.constant 16 : index
    %get3A_858 = tpu.vector_load %arg17[%get3A_856, %get3A_857] {strides = array<i32>} : memref<128x128xf32, #tpu.memory_space<vmem>>, vector<16xf32>,
    %mul3A_859 = arith.mulf %get3A_848, %get3A_858 : vector<16xf32>
    %add3A_860 = arith.addf %mul3A_844, %mul3A_859 : vector<16xf32>
    %get3A_861 = arith.constant 1 : i32
    %get3A_862 = arith.index_cast %get3A_861 : i32 to index
    %get3A_863 = arith.constant 32 : index
    %get3A_864 = tpu.vector_load %arg15[%get3A_862, %get3A_863] {strides = array<i32>} : memref<128x128xf32, #tpu.memory_space<vmem>>, vector<16xf32>,
    %get3A_865 = arith.constant 1 : i32
    %get3A_866 = arith.index_cast %get3A_865 : i32 to index
    %get3A_867 = arith.constant 32 : index
    %get3A_868 = tpu.vector_load %arg16[%get3A_866, %get3A_867] {strides = array<i32>} : memref<128x128xf32, #tpu.memory_space<vmem>>, vector<16xf32>,
    %mul3A_869 = arith.mulf %get3A_864, %get3A_868 : vector<16xf32>
    %add3A_870 = arith.addf %add3A_854, %mul3A_869 : vector<16xf32>
    %get3A_871 = arith.constant 1 : i32
    %get3A_872 = arith.index_cast %get3A_871 : i32 to index
    %get3A_873 = arith.constant 32 : index
    %get3A_874 = tpu.vector_load %arg17[%get3A_872, %get3A_873] {strides = array<i32>} : memref<128x128xf32, #tpu.memory_space<vmem>>, vector<16xf32>,
    %mul3A_875 = arith.mulf %get3A_864, %get3A_874 : vector<16xf32>
    %add3A_876 = arith.addf %add3A_860, %mul3A_875 : vector<16xf32>
    %get3A_877 = arith.constant 1 : i32
    %get3A_878 = arith.index_cast %get3A_877 : i32 to index
    %get3A_879 = arith.constant 48 : index
    %get3A_880 = tpu.vector_load %arg15[%get3A_878, %get3A_879] {strides = array<i32>} : memref<128x128xf32, #tpu.memory_space<vmem>>, vector<16xf32>,
    %get3A_881 = arith.constant 1 : i32
    %get3A_882 = arith.index_cast %get3A_881 : i32 to index
    %get3A_883 = arith.constant 48 : index
    %get3A_884 = tpu.vector_load %arg16[%get3A_882, %get3A_883] {strides = array<i32>} : memref<128x128xf32, #tpu.memory_space<vmem>>, vector<16xf32>,
    %mul3A_885 = arith.mulf %get3A_880, %get3A_884 : vector<16xf32>
    %add3A_886 = arith.addf %add3A_870, %mul3A_885 : vector<16xf32>
    %get3A_887 = arith.constant 1 : i32
    %get3A_888 = arith.index_cast %get3A_887 : i32 to index
    %get3A_889 = arith.constant 48 : index
    %get3A_890 = tpu.vector_load %arg17[%get3A_888, %get3A_889] {strides = array<i32>} : memref<128x128xf32, #tpu.memory_space<vmem>>, vector<16xf32>,
    %mul3A_891 = arith.mulf %get3A_880, %get3A_890 : vector<16xf32>
    %add3A_892 = arith.addf %add3A_876, %mul3A_891 : vector<16xf32>
    %get3A_893 = arith.constant 1 : i32
    %get3A_894 = arith.index_cast %get3A_893 : i32 to index
    %get3A_895 = arith.constant 64 : index
    %get3A_896 = tpu.vector_load %arg15[%get3A_894, %get3A_895] {strides = array<i32>} : memref<128x128xf32, #tpu.memory_space<vmem>>, vector<16xf32>,
    %get3A_897 = arith.constant 1 : i32
    %get3A_898 = arith.index_cast %get3A_897 : i32 to index
    %get3A_899 = arith.constant 64 : index
    %get3A_900 = tpu.vector_load %arg16[%get3A_898, %get3A_899] {strides = array<i32>} : memref<128x128xf32, #tpu.memory_space<vmem>>, vector<16xf32>,
    %mul3A_901 = arith.mulf %get3A_896, %get3A_900 : vector<16xf32>
    %add3A_902 = arith.addf %add3A_886, %mul3A_901 : vector<16xf32>
    %get3A_903 = arith.constant 1 : i32
    %get3A_904 = arith.index_cast %get3A_903 : i32 to index
    %get3A_905 = arith.constant 64 : index
    %get3A_906 = tpu.vector_load %arg17[%get3A_904, %get3A_905] {strides = array<i32>} : memref<128x128xf32, #tpu.memory_space<vmem>>, vector<16xf32>,
    %mul3A_907 = arith.mulf %get3A_896, %get3A_906 : vector<16xf32>
    %add3A_908 = arith.addf %add3A_892, %mul3A_907 : vector<16xf32>
    %get3A_909 = arith.constant 1 : i32
    %get3A_910 = arith.index_cast %get3A_909 : i32 to index
    %get3A_911 = arith.constant 80 : index
    %get3A_912 = tpu.vector_load %arg15[%get3A_910, %get3A_911] {strides = array<i32>} : memref<128x128xf32, #tpu.memory_space<vmem>>, vector<16xf32>,
    %get3A_913 = arith.constant 1 : i32
    %get3A_914 = arith.index_cast %get3A_913 : i32 to index
    %get3A_915 = arith.constant 80 : index
    %get3A_916 = tpu.vector_load %arg16[%get3A_914, %get3A_915] {strides = array<i32>} : memref<128x128xf32, #tpu.memory_space<vmem>>, vector<16xf32>,
    %mul3A_917 = arith.mulf %get3A_912, %get3A_916 : vector<16xf32>
    %add3A_918 = arith.addf %add3A_902, %mul3A_917 : vector<16xf32>
    %get3A_919 = arith.constant 1 : i32
    %get3A_920 = arith.index_cast %get3A_919 : i32 to index
    %get3A_921 = arith.constant 80 : index
    %get3A_922 = tpu.vector_load %arg17[%get3A_920, %get3A_921] {strides = array<i32>} : memref<128x128xf32, #tpu.memory_space<vmem>>, vector<16xf32>,
    %mul3A_923 = arith.mulf %get3A_912, %get3A_922 : vector<16xf32>
    %add3A_924 = arith.addf %add3A_908, %mul3A_923 : vector<16xf32>
    %get3A_925 = arith.constant 1 : i32
    %get3A_926 = arith.index_cast %get3A_925 : i32 to index
    %get3A_927 = arith.constant 96 : index
    %get3A_928 = tpu.vector_load %arg15[%get3A_926, %get3A_927] {strides = array<i32>} : memref<128x128xf32, #tpu.memory_space<vmem>>, vector<16xf32>,
    %get3A_929 = arith.constant 1 : i32
    %get3A_930 = arith.index_cast %get3A_929 : i32 to index
    %get3A_931 = arith.constant 96 : index
    %get3A_932 = tpu.vector_load %arg16[%get3A_930, %get3A_931] {strides = array<i32>} : memref<128x128xf32, #tpu.memory_space<vmem>>, vector<16xf32>,
    %mul3A_933 = arith.mulf %get3A_928, %get3A_932 : vector<16xf32>
    %add3A_934 = arith.addf %add3A_918, %mul3A_933 : vector<16xf32>
    %get3A_935 = arith.constant 1 : i32
    %get3A_936 = arith.index_cast %get3A_935 : i32 to index
    %get3A_937 = arith.constant 96 : index
    %get3A_938 = tpu.vector_load %arg17[%get3A_936, %get3A_937] {strides = array<i32>} : memref<128x128xf32, #tpu.memory_space<vmem>>, vector<16xf32>,
    %mul3A_939 = arith.mulf %get3A_928, %get3A_938 : vector<16xf32>
    %add3A_940 = arith.addf %add3A_924, %mul3A_939 : vector<16xf32>
    %get3A_941 = arith.constant 1 : i32
    %get3A_942 = arith.index_cast %get3A_941 : i32 to index
    %get3A_943 = arith.constant 112 : index
    %get3A_944 = tpu.vector_load %arg15[%get3A_942, %get3A_943] {strides = array<i32>} : memref<128x128xf32, #tpu.memory_space<vmem>>, vector<16xf32>,
    %get3A_945 = arith.constant 1 : i32
    %get3A_946 = arith.index_cast %get3A_945 : i32 to index
    %get3A_947 = arith.constant 112 : index
    %get3A_948 = tpu.vector_load %arg16[%get3A_946, %get3A_947] {strides = array<i32>} : memref<128x128xf32, #tpu.memory_space<vmem>>, vector<16xf32>,
    %mul3A_949 = arith.mulf %get3A_944, %get3A_948 : vector<16xf32>
    %add3A_950 = arith.addf %add3A_934, %mul3A_949 : vector<16xf32>
    %get3A_951 = arith.constant 1 : i32
    %get3A_952 = arith.index_cast %get3A_951 : i32 to index
    %get3A_953 = arith.constant 112 : index
    %get3A_954 = tpu.vector_load %arg17[%get3A_952, %get3A_953] {strides = array<i32>} : memref<128x128xf32, #tpu.memory_space<vmem>>, vector<16xf32>,
    %mul3A_955 = arith.mulf %get3A_944, %get3A_954 : vector<16xf32>
    %add3A_956 = arith.addf %add3A_940, %mul3A_955 : vector<16xf32>
    %get3A_957 = arith.constant 2 : i32
    %get3A_958 = arith.index_cast %get3A_957 : i32 to index
    %get3A_959 = arith.constant 0 : index
    %get3A_960 = tpu.vector_load %arg15[%get3A_958, %get3A_959] {strides = array<i32>} : memref<128x128xf32, #tpu.memory_space<vmem>>, vector<16xf32>,
    %get3A_961 = arith.constant 2 : i32
    %get3A_962 = arith.index_cast %get3A_961 : i32 to index
    %get3A_963 = arith.constant 0 : index
    %get3A_964 = tpu.vector_load %arg16[%get3A_962, %get3A_963] {strides = array<i32>} : memref<128x128xf32, #tpu.memory_space<vmem>>, vector<16xf32>,
    %mul3A_965 = arith.mulf %get3A_960, %get3A_964 : vector<16xf32>
    %get3A_966 = arith.constant 2 : i32
    %get3A_967 = arith.index_cast %get3A_966 : i32 to index
    %get3A_968 = arith.constant 0 : index
    %get3A_969 = tpu.vector_load %arg17[%get3A_967, %get3A_968] {strides = array<i32>} : memref<128x128xf32, #tpu.memory_space<vmem>>, vector<16xf32>,
    %mul3A_970 = arith.mulf %get3A_960, %get3A_969 : vector<16xf32>
    %get3A_971 = arith.constant 2 : i32
    %get3A_972 = arith.index_cast %get3A_971 : i32 to index
    %get3A_973 = arith.constant 16 : index
    %get3A_974 = tpu.vector_load %arg15[%get3A_972, %get3A_973] {strides = array<i32>} : memref<128x128xf32, #tpu.memory_space<vmem>>, vector<16xf32>,
    %get3A_975 = arith.constant 2 : i32
    %get3A_976 = arith.index_cast %get3A_975 : i32 to index
    %get3A_977 = arith.constant 16 : index
    %get3A_978 = tpu.vector_load %arg16[%get3A_976, %get3A_977] {strides = array<i32>} : memref<128x128xf32, #tpu.memory_space<vmem>>, vector<16xf32>,
    %mul3A_979 = arith.mulf %get3A_974, %get3A_978 : vector<16xf32>
    %add3A_980 = arith.addf %mul3A_965, %mul3A_979 : vector<16xf32>
    %get3A_981 = arith.constant 2 : i32
    %get3A_982 = arith.index_cast %get3A_981 : i32 to index
    %get3A_983 = arith.constant 16 : index
    %get3A_984 = tpu.vector_load %arg17[%get3A_982, %get3A_983] {strides = array<i32>} : memref<128x128xf32, #tpu.memory_space<vmem>>, vector<16xf32>,
    %mul3A_985 = arith.mulf %get3A_974, %get3A_984 : vector<16xf32>
    %add3A_986 = arith.addf %mul3A_970, %mul3A_985 : vector<16xf32>
    %get3A_987 = arith.constant 2 : i32
    %get3A_988 = arith.index_cast %get3A_987 : i32 to index
    %get3A_989 = arith.constant 32 : index
    %get3A_990 = tpu.vector_load %arg15[%get3A_988, %get3A_989] {strides = array<i32>} : memref<128x128xf32, #tpu.memory_space<vmem>>, vector<16xf32>,
    %get3A_991 = arith.constant 2 : i32
    %get3A_992 = arith.index_cast %get3A_991 : i32 to index
    %get3A_993 = arith.constant 32 : index
    %get3A_994 = tpu.vector_load %arg16[%get3A_992, %get3A_993] {strides = array<i32>} : memref<128x128xf32, #tpu.memory_space<vmem>>, vector<16xf32>,
    %mul3A_995 = arith.mulf %get3A_990, %get3A_994 : vector<16xf32>
    %add3A_996 = arith.addf %add3A_980, %mul3A_995 : vector<16xf32>
    %get3A_997 = arith.constant 2 : i32
    %get3A_998 = arith.index_cast %get3A_997 : i32 to index
    %get3A_999 = arith.constant 32 : index
    %get3A_1000 = tpu.vector_load %arg17[%get3A_998, %get3A_999] {strides = array<i32>} : memref<128x128xf32, #tpu.memory_space<vmem>>, vector<16xf32>,
    %mul3A_1001 = arith.mulf %get3A_990, %get3A_1000 : vector<16xf32>
    %add3A_1002 = arith.addf %add3A_986, %mul3A_1001 : vector<16xf32>
    %get3A_1003 = arith.constant 2 : i32
    %get3A_1004 = arith.index_cast %get3A_1003 : i32 to index
    %get3A_1005 = arith.constant 48 : index
    %get3A_1006 = tpu.vector_load %arg15[%get3A_1004, %get3A_1005] {strides = array<i32>} : memref<128x128xf32, #tpu.memory_space<vmem>>, vector<16xf32>,
    %get3A_1007 = arith.constant 2 : i32
    %get3A_1008 = arith.index_cast %get3A_1007 : i32 to index
    %get3A_1009 = arith.constant 48 : index
    %get3A_1010 = tpu.vector_load %arg16[%get3A_1008, %get3A_1009] {strides = array<i32>} : memref<128x128xf32, #tpu.memory_space<vmem>>, vector<16xf32>,
    %mul3A_1011 = arith.mulf %get3A_1006, %get3A_1010 : vector<16xf32>
    %add3A_1012 = arith.addf %add3A_996, %mul3A_1011 : vector<16xf32>
    %get3A_1013 = arith.constant 2 : i32
    %get3A_1014 = arith.index_cast %get3A_1013 : i32 to index
    %get3A_1015 = arith.constant 48 : index
    %get3A_1016 = tpu.vector_load %arg17[%get3A_1014, %get3A_1015] {strides = array<i32>} : memref<128x128xf32, #tpu.memory_space<vmem>>, vector<16xf32>,
    %mul3A_1017 = arith.mulf %get3A_1006, %get3A_1016 : vector<16xf32>
    %add3A_1018 = arith.addf %add3A_1002, %mul3A_1017 : vector<16xf32>
    %get3A_1019 = arith.constant 2 : i32
    %get3A_1020 = arith.index_cast %get3A_1019 : i32 to index
    %get3A_1021 = arith.constant 64 : index
    %get3A_1022 = tpu.vector_load %arg15[%get3A_1020, %get3A_1021] {strides = array<i32>} : memref<128x128xf32, #tpu.memory_space<vmem>>, vector<16xf32>,
    %get3A_1023 = arith.constant 2 : i32
    %get3A_1024 = arith.index_cast %get3A_1023 : i32 to index
    %get3A_1025 = arith.constant 64 : index
    %get3A_1026 = tpu.vector_load %arg16[%get3A_1024, %get3A_1025] {strides = array<i32>} : memref<128x128xf32, #tpu.memory_space<vmem>>, vector<16xf32>,
    %mul3A_1027 = arith.mulf %get3A_1022, %get3A_1026 : vector<16xf32>
    %add3A_1028 = arith.addf %add3A_1012, %mul3A_1027 : vector<16xf32>
    %get3A_1029 = arith.constant 2 : i32
    %get3A_1030 = arith.index_cast %get3A_1029 : i32 to index
    %get3A_1031 = arith.constant 64 : index
    %get3A_1032 = tpu.vector_load %arg17[%get3A_1030, %get3A_1031] {strides = array<i32>} : memref<128x128xf32, #tpu.memory_space<vmem>>, vector<16xf32>,
    %mul3A_1033 = arith.mulf %get3A_1022, %get3A_1032 : vector<16xf32>
    %add3A_1034 = arith.addf %add3A_1018, %mul3A_1033 : vector<16xf32>
    %get3A_1035 = arith.constant 2 : i32
    %get3A_1036 = arith.index_cast %get3A_1035 : i32 to index
    %get3A_1037 = arith.constant 80 : index
    %get3A_1038 = tpu.vector_load %arg15[%get3A_1036, %get3A_1037] {strides = array<i32>} : memref<128x128xf32, #tpu.memory_space<vmem>>, vector<16xf32>,
    %get3A_1039 = arith.constant 2 : i32
    %get3A_1040 = arith.index_cast %get3A_1039 : i32 to index
    %get3A_1041 = arith.constant 80 : index
    %get3A_1042 = tpu.vector_load %arg16[%get3A_1040, %get3A_1041] {strides = array<i32>} : memref<128x128xf32, #tpu.memory_space<vmem>>, vector<16xf32>,
    %mul3A_1043 = arith.mulf %get3A_1038, %get3A_1042 : vector<16xf32>
    %add3A_1044 = arith.addf %add3A_1028, %mul3A_1043 : vector<16xf32>
    %get3A_1045 = arith.constant 2 : i32
    %get3A_1046 = arith.index_cast %get3A_1045 : i32 to index
    %get3A_1047 = arith.constant 80 : index
    %get3A_1048 = tpu.vector_load %arg17[%get3A_1046, %get3A_1047] {strides = array<i32>} : memref<128x128xf32, #tpu.memory_space<vmem>>, vector<16xf32>,
    %mul3A_1049 = arith.mulf %get3A_1038, %get3A_1048 : vector<16xf32>
    %add3A_1050 = arith.addf %add3A_1034, %mul3A_1049 : vector<16xf32>
    %get3A_1051 = arith.constant 2 : i32
    %get3A_1052 = arith.index_cast %get3A_1051 : i32 to index
    %get3A_1053 = arith.constant 96 : index
    %get3A_1054 = tpu.vector_load %arg15[%get3A_1052, %get3A_1053] {strides = array<i32>} : memref<128x128xf32, #tpu.memory_space<vmem>>, vector<16xf32>,
    %get3A_1055 = arith.constant 2 : i32
    %get3A_1056 = arith.index_cast %get3A_1055 : i32 to index
    %get3A_1057 = arith.constant 96 : index
    %get3A_1058 = tpu.vector_load %arg16[%get3A_1056, %get3A_1057] {strides = array<i32>} : memref<128x128xf32, #tpu.memory_space<vmem>>, vector<16xf32>,
    %mul3A_1059 = arith.mulf %get3A_1054, %get3A_1058 : vector<16xf32>
    %add3A_1060 = arith.addf %add3A_1044, %mul3A_1059 : vector<16xf32>
    %get3A_1061 = arith.constant 2 : i32
    %get3A_1062 = arith.index_cast %get3A_1061 : i32 to index
    %get3A_1063 = arith.constant 96 : index
    %get3A_1064 = tpu.vector_load %arg17[%get3A_1062, %get3A_1063] {strides = array<i32>} : memref<128x128xf32, #tpu.memory_space<vmem>>, vector<16xf32>,
    %mul3A_1065 = arith.mulf %get3A_1054, %get3A_1064 : vector<16xf32>
    %add3A_1066 = arith.addf %add3A_1050, %mul3A_1065 : vector<16xf32>
    %get3A_1067 = arith.constant 2 : i32
    %get3A_1068 = arith.index_cast %get3A_1067 : i32 to index
    %get3A_1069 = arith.constant 112 : index
    %get3A_1070 = tpu.vector_load %arg15[%get3A_1068, %get3A_1069] {strides = array<i32>} : memref<128x128xf32, #tpu.memory_space<vmem>>, vector<16xf32>,
    %get3A_1071 = arith.constant 2 : i32
    %get3A_1072 = arith.index_cast %get3A_1071 : i32 to index
    %get3A_1073 = arith.constant 112 : index
    %get3A_1074 = tpu.vector_load %arg16[%get3A_1072, %get3A_1073] {strides = array<i32>} : memref<128x128xf32, #tpu.memory_space<vmem>>, vector<16xf32>,
    %mul3A_1075 = arith.mulf %get3A_1070, %get3A_1074 : vector<16xf32>
    %add3A_1076 = arith.addf %add3A_1060, %mul3A_1075 : vector<16xf32>
    %get3A_1077 = arith.constant 2 : i32
    %get3A_1078 = arith.index_cast %get3A_1077 : i32 to index
    %get3A_1079 = arith.constant 112 : index
    %get3A_1080 = tpu.vector_load %arg17[%get3A_1078, %get3A_1079] {strides = array<i32>} : memref<128x128xf32, #tpu.memory_space<vmem>>, vector<16xf32>,
    %mul3A_1081 = arith.mulf %get3A_1070, %get3A_1080 : vector<16xf32>
    %add3A_1082 = arith.addf %add3A_1066, %mul3A_1081 : vector<16xf32>
    %get3A_1083 = arith.constant 3 : i32
    %get3A_1084 = arith.index_cast %get3A_1083 : i32 to index
    %get3A_1085 = arith.constant 0 : index
    %get3A_1086 = tpu.vector_load %arg15[%get3A_1084, %get3A_1085] {strides = array<i32>} : memref<128x128xf32, #tpu.memory_space<vmem>>, vector<16xf32>,
    %get3A_1087 = arith.constant 3 : i32
    %get3A_1088 = arith.index_cast %get3A_1087 : i32 to index
    %get3A_1089 = arith.constant 0 : index
    %get3A_1090 = tpu.vector_load %arg16[%get3A_1088, %get3A_1089] {strides = array<i32>} : memref<128x128xf32, #tpu.memory_space<vmem>>, vector<16xf32>,
    %mul3A_1091 = arith.mulf %get3A_1086, %get3A_1090 : vector<16xf32>
    %get3A_1092 = arith.constant 3 : i32
    %get3A_1093 = arith.index_cast %get3A_1092 : i32 to index
    %get3A_1094 = arith.constant 0 : index
    %get3A_1095 = tpu.vector_load %arg17[%get3A_1093, %get3A_1094] {strides = array<i32>} : memref<128x128xf32, #tpu.memory_space<vmem>>, vector<16xf32>,
    %mul3A_1096 = arith.mulf %get3A_1086, %get3A_1095 : vector<16xf32>
    %get3A_1097 = arith.constant 3 : i32
    %get3A_1098 = arith.index_cast %get3A_1097 : i32 to index
    %get3A_1099 = arith.constant 16 : index
    %get3A_1100 = tpu.vector_load %arg15[%get3A_1098, %get3A_1099] {strides = array<i32>} : memref<128x128xf32, #tpu.memory_space<vmem>>, vector<16xf32>,
    %get3A_1101 = arith.constant 3 : i32
    %get3A_1102 = arith.index_cast %get3A_1101 : i32 to index
    %get3A_1103 = arith.constant 16 : index
    %get3A_1104 = tpu.vector_load %arg16[%get3A_1102, %get3A_1103] {strides = array<i32>} : memref<128x128xf32, #tpu.memory_space<vmem>>, vector<16xf32>,
    %mul3A_1105 = arith.mulf %get3A_1100, %get3A_1104 : vector<16xf32>
    %add3A_1106 = arith.addf %mul3A_1091, %mul3A_1105 : vector<16xf32>
    %get3A_1107 = arith.constant 3 : i32
    %get3A_1108 = arith.index_cast %get3A_1107 : i32 to index
    %get3A_1109 = arith.constant 16 : index
    %get3A_1110 = tpu.vector_load %arg17[%get3A_1108, %get3A_1109] {strides = array<i32>} : memref<128x128xf32, #tpu.memory_space<vmem>>, vector<16xf32>,
    %mul3A_1111 = arith.mulf %get3A_1100, %get3A_1110 : vector<16xf32>
    %add3A_1112 = arith.addf %mul3A_1096, %mul3A_1111 : vector<16xf32>
    %get3A_1113 = arith.constant 3 : i32
    %get3A_1114 = arith.index_cast %get3A_1113 : i32 to index
    %get3A_1115 = arith.constant 32 : index
    %get3A_1116 = tpu.vector_load %arg15[%get3A_1114, %get3A_1115] {strides = array<i32>} : memref<128x128xf32, #tpu.memory_space<vmem>>, vector<16xf32>,
    %get3A_1117 = arith.constant 3 : i32
    %get3A_1118 = arith.index_cast %get3A_1117 : i32 to index
    %get3A_1119 = arith.constant 32 : index
    %get3A_1120 = tpu.vector_load %arg16[%get3A_1118, %get3A_1119] {strides = array<i32>} : memref<128x128xf32, #tpu.memory_space<vmem>>, vector<16xf32>,
    %mul3A_1121 = arith.mulf %get3A_1116, %get3A_1120 : vector<16xf32>
    %add3A_1122 = arith.addf %add3A_1106, %mul3A_1121 : vector<16xf32>
    %get3A_1123 = arith.constant 3 : i32
    %get3A_1124 = arith.index_cast %get3A_1123 : i32 to index
    %get3A_1125 = arith.constant 32 : index
    %get3A_1126 = tpu.vector_load %arg17[%get3A_1124, %get3A_1125] {strides = array<i32>} : memref<128x128xf32, #tpu.memory_space<vmem>>, vector<16xf32>,
    %mul3A_1127 = arith.mulf %get3A_1116, %get3A_1126 : vector<16xf32>
    %add3A_1128 = arith.addf %add3A_1112, %mul3A_1127 : vector<16xf32>
    %get3A_1129 = arith.constant 3 : i32
    %get3A_1130 = arith.index_cast %get3A_1129 : i32 to index
    %get3A_1131 = arith.constant 48 : index
    %get3A_1132 = tpu.vector_load %arg15[%get3A_1130, %get3A_1131] {strides = array<i32>} : memref<128x128xf32, #tpu.memory_space<vmem>>, vector<16xf32>,
    %get3A_1133 = arith.constant 3 : i32
    %get3A_1134 = arith.index_cast %get3A_1133 : i32 to index
    %get3A_1135 = arith.constant 48 : index
    %get3A_1136 = tpu.vector_load %arg16[%get3A_1134, %get3A_1135] {strides = array<i32>} : memref<128x128xf32, #tpu.memory_space<vmem>>, vector<16xf32>,
    %mul3A_1137 = arith.mulf %get3A_1132, %get3A_1136 : vector<16xf32>
    %add3A_1138 = arith.addf %add3A_1122, %mul3A_1137 : vector<16xf32>
    %get3A_1139 = arith.constant 3 : i32
    %get3A_1140 = arith.index_cast %get3A_1139 : i32 to index
    %get3A_1141 = arith.constant 48 : index
    %get3A_1142 = tpu.vector_load %arg17[%get3A_1140, %get3A_1141] {strides = array<i32>} : memref<128x128xf32, #tpu.memory_space<vmem>>, vector<16xf32>,
    %mul3A_1143 = arith.mulf %get3A_1132, %get3A_1142 : vector<16xf32>
    %add3A_1144 = arith.addf %add3A_1128, %mul3A_1143 : vector<16xf32>
    %get3A_1145 = arith.constant 3 : i32
    %get3A_1146 = arith.index_cast %get3A_1145 : i32 to index
    %get3A_1147 = arith.constant 64 : index
    %get3A_1148 = tpu.vector_load %arg15[%get3A_1146, %get3A_1147] {strides = array<i32>} : memref<128x128xf32, #tpu.memory_space<vmem>>, vector<16xf32>,
    %get3A_1149 = arith.constant 3 : i32
    %get3A_1150 = arith.index_cast %get3A_1149 : i32 to index
    %get3A_1151 = arith.constant 64 : index
    %get3A_1152 = tpu.vector_load %arg16[%get3A_1150, %get3A_1151] {strides = array<i32>} : memref<128x128xf32, #tpu.memory_space<vmem>>, vector<16xf32>,
    %mul3A_1153 = arith.mulf %get3A_1148, %get3A_1152 : vector<16xf32>
    %add3A_1154 = arith.addf %add3A_1138, %mul3A_1153 : vector<16xf32>
    %get3A_1155 = arith.constant 3 : i32
    %get3A_1156 = arith.index_cast %get3A_1155 : i32 to index
    %get3A_1157 = arith.constant 64 : index
    %get3A_1158 = tpu.vector_load %arg17[%get3A_1156, %get3A_1157] {strides = array<i32>} : memref<128x128xf32, #tpu.memory_space<vmem>>, vector<16xf32>,
    %mul3A_1159 = arith.mulf %get3A_1148, %get3A_1158 : vector<16xf32>
    %add3A_1160 = arith.addf %add3A_1144, %mul3A_1159 : vector<16xf32>
    %get3A_1161 = arith.constant 3 : i32
    %get3A_1162 = arith.index_cast %get3A_1161 : i32 to index
    %get3A_1163 = arith.constant 80 : index
    %get3A_1164 = tpu.vector_load %arg15[%get3A_1162, %get3A_1163] {strides = array<i32>} : memref<128x128xf32, #tpu.memory_space<vmem>>, vector<16xf32>,
    %get3A_1165 = arith.constant 3 : i32
    %get3A_1166 = arith.index_cast %get3A_1165 : i32 to index
    %get3A_1167 = arith.constant 80 : index
    %get3A_1168 = tpu.vector_load %arg16[%get3A_1166, %get3A_1167] {strides = array<i32>} : memref<128x128xf32, #tpu.memory_space<vmem>>, vector<16xf32>,
    %mul3A_1169 = arith.mulf %get3A_1164, %get3A_1168 : vector<16xf32>
    %add3A_1170 = arith.addf %add3A_1154, %mul3A_1169 : vector<16xf32>
    %get3A_1171 = arith.constant 3 : i32
    %get3A_1172 = arith.index_cast %get3A_1171 : i32 to index
    %get3A_1173 = arith.constant 80 : index
    %get3A_1174 = tpu.vector_load %arg17[%get3A_1172, %get3A_1173] {strides = array<i32>} : memref<128x128xf32, #tpu.memory_space<vmem>>, vector<16xf32>,
    %mul3A_1175 = arith.mulf %get3A_1164, %get3A_1174 : vector<16xf32>
    %add3A_1176 = arith.addf %add3A_1160, %mul3A_1175 : vector<16xf32>
    %get3A_1177 = arith.constant 3 : i32
    %get3A_1178 = arith.index_cast %get3A_1177 : i32 to index
    %get3A_1179 = arith.constant 96 : index
    %get3A_1180 = tpu.vector_load %arg15[%get3A_1178, %get3A_1179] {strides = array<i32>} : memref<128x128xf32, #tpu.memory_space<vmem>>, vector<16xf32>,
    %get3A_1181 = arith.constant 3 : i32
    %get3A_1182 = arith.index_cast %get3A_1181 : i32 to index
    %get3A_1183 = arith.constant 96 : index
    %get3A_1184 = tpu.vector_load %arg16[%get3A_1182, %get3A_1183] {strides = array<i32>} : memref<128x128xf32, #tpu.memory_space<vmem>>, vector<16xf32>,
    %mul3A_1185 = arith.mulf %get3A_1180, %get3A_1184 : vector<16xf32>
    %add3A_1186 = arith.addf %add3A_1170, %mul3A_1185 : vector<16xf32>
    %get3A_1187 = arith.constant 3 : i32
    %get3A_1188 = arith.index_cast %get3A_1187 : i32 to index
    %get3A_1189 = arith.constant 96 : index
    %get3A_1190 = tpu.vector_load %arg17[%get3A_1188, %get3A_1189] {strides = array<i32>} : memref<128x128xf32, #tpu.memory_space<vmem>>, vector<16xf32>,
    %mul3A_1191 = arith.mulf %get3A_1180, %get3A_1190 : vector<16xf32>
    %add3A_1192 = arith.addf %add3A_1176, %mul3A_1191 : vector<16xf32>
    %get3A_1193 = arith.constant 3 : i32
    %get3A_1194 = arith.index_cast %get3A_1193 : i32 to index
    %get3A_1195 = arith.constant 112 : index
    %get3A_1196 = tpu.vector_load %arg15[%get3A_1194, %get3A_1195] {strides = array<i32>} : memref<128x128xf32, #tpu.memory_space<vmem>>, vector<16xf32>,
    %get3A_1197 = arith.constant 3 : i32
    %get3A_1198 = arith.index_cast %get3A_1197 : i32 to index
    %get3A_1199 = arith.constant 112 : index
    %get3A_1200 = tpu.vector_load %arg16[%get3A_1198, %get3A_1199] {strides = array<i32>} : memref<128x128xf32, #tpu.memory_space<vmem>>, vector<16xf32>,
    %mul3A_1201 = arith.mulf %get3A_1196, %get3A_1200 : vector<16xf32>
    %add3A_1202 = arith.addf %add3A_1186, %mul3A_1201 : vector<16xf32>
    %get3A_1203 = arith.constant 3 : i32
    %get3A_1204 = arith.index_cast %get3A_1203 : i32 to index
    %get3A_1205 = arith.constant 112 : index
    %get3A_1206 = tpu.vector_load %arg17[%get3A_1204, %get3A_1205] {strides = array<i32>} : memref<128x128xf32, #tpu.memory_space<vmem>>, vector<16xf32>,
    %mul3A_1207 = arith.mulf %get3A_1196, %get3A_1206 : vector<16xf32>
    %add3A_1208 = arith.addf %add3A_1192, %mul3A_1207 : vector<16xf32>
    %scan3A_1209 = arith.constant 1 : i32
    %scan3A_1210 = arith.constant 31 : i32
    %scan3A_1211 = arith.addi %scan3A_1209, %scan3A_1210 : i32
    %scan3A_1212 = arith.constant 1 : i32
    %scan3A_1213:8 = scf.for %scan3A_2408 = %scan3A_1209 to %scan3A_1211 step %scan3A_1212 iter_args(%scan3A_2409 = %add3A_824, %scan3A_2410 = %add3A_830, %scan3A_2411 = %add3A_950, %scan3A_2412 = %add3A_956, %scan3A_2413 = %add3A_1076, %scan3A_2414 = %add3A_1082, %scan3A_2415 = %add3A_1202, %scan3A_2416 = %add3A_1208) -> (vector<16xf32>, vector<16xf32>, vector<16xf32>, vector<16xf32>, vector<16xf32>, vector<16xf32>, vector<16xf32>, vector<16xf32>)  : i32 {
      %sub3A = arith.constant 1 : i32
      %sub3A_2417 = arith.subi %scan3A_2408, %sub3A : i32
      %mul3A_2418 = arith.constant 4 : i32
      %mul3A_2419 = arith.muli %sub3A_2417, %mul3A_2418 : i32
      %add3A_2420 = arith.constant 128 : i32
      %add3A_2421 = arith.addi %add3A_2420, %mul3A_2419 : i32
      %add3A_2422 = arith.constant 0 : i32
      %add3A_2423 = arith.addi %add3A_2421, %add3A_2422 : i32
      %broadcast_in_dim3A_2424 = arith.constant true
      %broadcast_in_dim3A_2425 = vector.broadcast %broadcast_in_dim3A_2424 : i1 to vector<16xi1>
      %masked_cumsum3A_2426 = tpu.scan <sum>, %scan3A_2409 masked %broadcast_in_dim3A_2425 : vector<16xf32>, vector<16xi1> -> vector<16xf32>
      %swap3A_2427 = arith.index_cast %add3A_2423 : i32 to index
      %swap3A_2428 = tpu.vector_load %arg18[%swap3A_2427] masked %eq3A_704 {strides = array<i32>} : memref<528xf32, #tpu.memory_space<vmem>>, vector<16xf32>, vector<16xi1>
      tpu.vector_store %arg18[%swap3A_2427], %masked_cumsum3A_2426 masked %eq3A_704 {strides = array<i32>} : memref<528xf32, #tpu.memory_space<vmem>>, vector<16xf32>, vector<16xi1>
      %broadcast_in_dim3A_2429 = arith.constant true
      %broadcast_in_dim3A_2430 = vector.broadcast %broadcast_in_dim3A_2429 : i1 to vector<16xi1>
      %masked_cumsum3A_2431 = tpu.scan <sum>, %scan3A_2410 masked %broadcast_in_dim3A_2430 : vector<16xf32>, vector<16xi1> -> vector<16xf32>
      %swap3A_2432 = arith.index_cast %add3A_2423 : i32 to index
      %swap3A_2433 = tpu.vector_load %arg19[%swap3A_2432] masked %eq3A_704 {strides = array<i32>} : memref<528xf32, #tpu.memory_space<vmem>>, vector<16xf32>, vector<16xi1>
      tpu.vector_store %arg19[%swap3A_2432], %masked_cumsum3A_2431 masked %eq3A_704 {strides = array<i32>} : memref<528xf32, #tpu.memory_space<vmem>>, vector<16xf32>, vector<16xi1>
      %mul3A_2434 = arith.constant 4 : i32
      %mul3A_2435 = arith.muli %sub3A_2417, %mul3A_2434 : i32
      %add3A_2436 = arith.constant 128 : i32
      %add3A_2437 = arith.addi %add3A_2436, %mul3A_2435 : i32
      %add3A_2438 = arith.constant 1 : i32
      %add3A_2439 = arith.addi %add3A_2437, %add3A_2438 : i32
      %broadcast_in_dim3A_2440 = arith.constant true
      %broadcast_in_dim3A_2441 = vector.broadcast %broadcast_in_dim3A_2440 : i1 to vector<16xi1>
      %masked_cumsum3A_2442 = tpu.scan <sum>, %scan3A_2411 masked %broadcast_in_dim3A_2441 : vector<16xf32>, vector<16xi1> -> vector<16xf32>
      %swap3A_2443 = arith.index_cast %add3A_2439 : i32 to index
      %swap3A_2444 = tpu.vector_load %arg18[%swap3A_2443] masked %eq3A_704 {strides = array<i32>} : memref<528xf32, #tpu.memory_space<vmem>>, vector<16xf32>, vector<16xi1>
      tpu.vector_store %arg18[%swap3A_2443], %masked_cumsum3A_2442 masked %eq3A_704 {strides = array<i32>} : memref<528xf32, #tpu.memory_space<vmem>>, vector<16xf32>, vector<16xi1>
      %broadcast_in_dim3A_2445 = arith.constant true
      %broadcast_in_dim3A_2446 = vector.broadcast %broadcast_in_dim3A_2445 : i1 to vector<16xi1>
      %masked_cumsum3A_2447 = tpu.scan <sum>, %scan3A_2412 masked %broadcast_in_dim3A_2446 : vector<16xf32>, vector<16xi1> -> vector<16xf32>
      %swap3A_2448 = arith.index_cast %add3A_2439 : i32 to index
      %swap3A_2449 = tpu.vector_load %arg19[%swap3A_2448] masked %eq3A_704 {strides = array<i32>} : memref<528xf32, #tpu.memory_space<vmem>>, vector<16xf32>, vector<16xi1>
      tpu.vector_store %arg19[%swap3A_2448], %masked_cumsum3A_2447 masked %eq3A_704 {strides = array<i32>} : memref<528xf32, #tpu.memory_space<vmem>>, vector<16xf32>, vector<16xi1>
      %mul3A_2450 = arith.constant 4 : i32
      %mul3A_2451 = arith.muli %sub3A_2417, %mul3A_2450 : i32
      %add3A_2452 = arith.constant 128 : i32
      %add3A_2453 = arith.addi %add3A_2452, %mul3A_2451 : i32
      %add3A_2454 = arith.constant 2 : i32
      %add3A_2455 = arith.addi %add3A_2453, %add3A_2454 : i32
      %broadcast_in_dim3A_2456 = arith.constant true
      %broadcast_in_dim3A_2457 = vector.broadcast %broadcast_in_dim3A_2456 : i1 to vector<16xi1>
      %masked_cumsum3A_2458 = tpu.scan <sum>, %scan3A_2413 masked %broadcast_in_dim3A_2457 : vector<16xf32>, vector<16xi1> -> vector<16xf32>
      %swap3A_2459 = arith.index_cast %add3A_2455 : i32 to index
      %swap3A_2460 = tpu.vector_load %arg18[%swap3A_2459] masked %eq3A_704 {strides = array<i32>} : memref<528xf32, #tpu.memory_space<vmem>>, vector<16xf32>, vector<16xi1>
      tpu.vector_store %arg18[%swap3A_2459], %masked_cumsum3A_2458 masked %eq3A_704 {strides = array<i32>} : memref<528xf32, #tpu.memory_space<vmem>>, vector<16xf32>, vector<16xi1>
      %broadcast_in_dim3A_2461 = arith.constant true
      %broadcast_in_dim3A_2462 = vector.broadcast %broadcast_in_dim3A_2461 : i1 to vector<16xi1>
      %masked_cumsum3A_2463 = tpu.scan <sum>, %scan3A_2414 masked %broadcast_in_dim3A_2462 : vector<16xf32>, vector<16xi1> -> vector<16xf32>
      %swap3A_2464 = arith.index_cast %add3A_2455 : i32 to index
      %swap3A_2465 = tpu.vector_load %arg19[%swap3A_2464] masked %eq3A_704 {strides = array<i32>} : memref<528xf32, #tpu.memory_space<vmem>>, vector<16xf32>, vector<16xi1>
      tpu.vector_store %arg19[%swap3A_2464], %masked_cumsum3A_2463 masked %eq3A_704 {strides = array<i32>} : memref<528xf32, #tpu.memory_space<vmem>>, vector<16xf32>, vector<16xi1>
      %mul3A_2466 = arith.constant 4 : i32
      %mul3A_2467 = arith.muli %sub3A_2417, %mul3A_2466 : i32
      %add3A_2468 = arith.constant 128 : i32
      %add3A_2469 = arith.addi %add3A_2468, %mul3A_2467 : i32
      %add3A_2470 = arith.constant 3 : i32
      %add3A_2471 = arith.addi %add3A_2469, %add3A_2470 : i32
      %broadcast_in_dim3A_2472 = arith.constant true
      %broadcast_in_dim3A_2473 = vector.broadcast %broadcast_in_dim3A_2472 : i1 to vector<16xi1>
      %masked_cumsum3A_2474 = tpu.scan <sum>, %scan3A_2415 masked %broadcast_in_dim3A_2473 : vector<16xf32>, vector<16xi1> -> vector<16xf32>
      %swap3A_2475 = arith.index_cast %add3A_2471 : i32 to index
      %swap3A_2476 = tpu.vector_load %arg18[%swap3A_2475] masked %eq3A_704 {strides = array<i32>} : memref<528xf32, #tpu.memory_space<vmem>>, vector<16xf32>, vector<16xi1>
      tpu.vector_store %arg18[%swap3A_2475], %masked_cumsum3A_2474 masked %eq3A_704 {strides = array<i32>} : memref<528xf32, #tpu.memory_space<vmem>>, vector<16xf32>, vector<16xi1>
      %broadcast_in_dim3A_2477 = arith.constant true
      %broadcast_in_dim3A_2478 = vector.broadcast %broadcast_in_dim3A_2477 : i1 to vector<16xi1>
      %masked_cumsum3A_2479 = tpu.scan <sum>, %scan3A_2416 masked %broadcast_in_dim3A_2478 : vector<16xf32>, vector<16xi1> -> vector<16xf32>
      %swap3A_2480 = arith.index_cast %add3A_2471 : i32 to index
      %swap3A_2481 = tpu.vector_load %arg19[%swap3A_2480] masked %eq3A_704 {strides = array<i32>} : memref<528xf32, #tpu.memory_space<vmem>>, vector<16xf32>, vector<16xi1>
      tpu.vector_store %arg19[%swap3A_2480], %masked_cumsum3A_2479 masked %eq3A_704 {strides = array<i32>} : memref<528xf32, #tpu.memory_space<vmem>>, vector<16xf32>, vector<16xi1>
      %mul3A_2482 = arith.constant 4 : i32
      %mul3A_2483 = arith.muli %scan3A_2408, %mul3A_2482 : i32
      %add3A_2484 = arith.constant 0 : i32
      %add3A_2485 = arith.addi %mul3A_2483, %add3A_2484 : i32
      %get3A_2486 = arith.index_cast %add3A_2485 : i32 to index
      %get3A_2487 = arith.constant 0 : index
      %get3A_2488 = tpu.vector_load %arg15[%get3A_2486, %get3A_2487] {strides = array<i32>} : memref<128x128xf32, #tpu.memory_space<vmem>>, vector<16xf32>,
      %get3A_2489 = arith.index_cast %add3A_2485 : i32 to index
      %get3A_2490 = arith.constant 0 : index
      %get3A_2491 = tpu.vector_load %arg16[%get3A_2489, %get3A_2490] {strides = array<i32>} : memref<128x128xf32, #tpu.memory_space<vmem>>, vector<16xf32>,
      %mul3A_2492 = arith.mulf %get3A_2488, %get3A_2491 : vector<16xf32>
      %get3A_2493 = arith.index_cast %add3A_2485 : i32 to index
      %get3A_2494 = arith.constant 0 : index
      %get3A_2495 = tpu.vector_load %arg17[%get3A_2493, %get3A_2494] {strides = array<i32>} : memref<128x128xf32, #tpu.memory_space<vmem>>, vector<16xf32>,
      %mul3A_2496 = arith.mulf %get3A_2488, %get3A_2495 : vector<16xf32>
      %get3A_2497 = arith.index_cast %add3A_2485 : i32 to index
      %get3A_2498 = arith.constant 16 : index
      %get3A_2499 = tpu.vector_load %arg15[%get3A_2497, %get3A_2498] {strides = array<i32>} : memref<128x128xf32, #tpu.memory_space<vmem>>, vector<16xf32>,
      %get3A_2500 = arith.index_cast %add3A_2485 : i32 to index
      %get3A_2501 = arith.constant 16 : index
      %get3A_2502 = tpu.vector_load %arg16[%get3A_2500, %get3A_2501] {strides = array<i32>} : memref<128x128xf32, #tpu.memory_space<vmem>>, vector<16xf32>,
      %mul3A_2503 = arith.mulf %get3A_2499, %get3A_2502 : vector<16xf32>
      %add3A_2504 = arith.addf %mul3A_2492, %mul3A_2503 : vector<16xf32>
      %get3A_2505 = arith.index_cast %add3A_2485 : i32 to index
      %get3A_2506 = arith.constant 16 : index
      %get3A_2507 = tpu.vector_load %arg17[%get3A_2505, %get3A_2506] {strides = array<i32>} : memref<128x128xf32, #tpu.memory_space<vmem>>, vector<16xf32>,
      %mul3A_2508 = arith.mulf %get3A_2499, %get3A_2507 : vector<16xf32>
      %add3A_2509 = arith.addf %mul3A_2496, %mul3A_2508 : vector<16xf32>
      %get3A_2510 = arith.index_cast %add3A_2485 : i32 to index
      %get3A_2511 = arith.constant 32 : index
      %get3A_2512 = tpu.vector_load %arg15[%get3A_2510, %get3A_2511] {strides = array<i32>} : memref<128x128xf32, #tpu.memory_space<vmem>>, vector<16xf32>,
      %get3A_2513 = arith.index_cast %add3A_2485 : i32 to index
      %get3A_2514 = arith.constant 32 : index
      %get3A_2515 = tpu.vector_load %arg16[%get3A_2513, %get3A_2514] {strides = array<i32>} : memref<128x128xf32, #tpu.memory_space<vmem>>, vector<16xf32>,
      %mul3A_2516 = arith.mulf %get3A_2512, %get3A_2515 : vector<16xf32>
      %add3A_2517 = arith.addf %add3A_2504, %mul3A_2516 : vector<16xf32>
      %get3A_2518 = arith.index_cast %add3A_2485 : i32 to index
      %get3A_2519 = arith.constant 32 : index
      %get3A_2520 = tpu.vector_load %arg17[%get3A_2518, %get3A_2519] {strides = array<i32>} : memref<128x128xf32, #tpu.memory_space<vmem>>, vector<16xf32>,
      %mul3A_2521 = arith.mulf %get3A_2512, %get3A_2520 : vector<16xf32>
      %add3A_2522 = arith.addf %add3A_2509, %mul3A_2521 : vector<16xf32>
      %get3A_2523 = arith.index_cast %add3A_2485 : i32 to index
      %get3A_2524 = arith.constant 48 : index
      %get3A_2525 = tpu.vector_load %arg15[%get3A_2523, %get3A_2524] {strides = array<i32>} : memref<128x128xf32, #tpu.memory_space<vmem>>, vector<16xf32>,
      %get3A_2526 = arith.index_cast %add3A_2485 : i32 to index
      %get3A_2527 = arith.constant 48 : index
      %get3A_2528 = tpu.vector_load %arg16[%get3A_2526, %get3A_2527] {strides = array<i32>} : memref<128x128xf32, #tpu.memory_space<vmem>>, vector<16xf32>,
      %mul3A_2529 = arith.mulf %get3A_2525, %get3A_2528 : vector<16xf32>
      %add3A_2530 = arith.addf %add3A_2517, %mul3A_2529 : vector<16xf32>
      %get3A_2531 = arith.index_cast %add3A_2485 : i32 to index
      %get3A_2532 = arith.constant 48 : index
      %get3A_2533 = tpu.vector_load %arg17[%get3A_2531, %get3A_2532] {strides = array<i32>} : memref<128x128xf32, #tpu.memory_space<vmem>>, vector<16xf32>,
      %mul3A_2534 = arith.mulf %get3A_2525, %get3A_2533 : vector<16xf32>
      %add3A_2535 = arith.addf %add3A_2522, %mul3A_2534 : vector<16xf32>
      %get3A_2536 = arith.index_cast %add3A_2485 : i32 to index
      %get3A_2537 = arith.constant 64 : index
      %get3A_2538 = tpu.vector_load %arg15[%get3A_2536, %get3A_2537] {strides = array<i32>} : memref<128x128xf32, #tpu.memory_space<vmem>>, vector<16xf32>,
      %get3A_2539 = arith.index_cast %add3A_2485 : i32 to index
      %get3A_2540 = arith.constant 64 : index
      %get3A_2541 = tpu.vector_load %arg16[%get3A_2539, %get3A_2540] {strides = array<i32>} : memref<128x128xf32, #tpu.memory_space<vmem>>, vector<16xf32>,
      %mul3A_2542 = arith.mulf %get3A_2538, %get3A_2541 : vector<16xf32>
      %add3A_2543 = arith.addf %add3A_2530, %mul3A_2542 : vector<16xf32>
      %get3A_2544 = arith.index_cast %add3A_2485 : i32 to index
      %get3A_2545 = arith.constant 64 : index
      %get3A_2546 = tpu.vector_load %arg17[%get3A_2544, %get3A_2545] {strides = array<i32>} : memref<128x128xf32, #tpu.memory_space<vmem>>, vector<16xf32>,
      %mul3A_2547 = arith.mulf %get3A_2538, %get3A_2546 : vector<16xf32>
      %add3A_2548 = arith.addf %add3A_2535, %mul3A_2547 : vector<16xf32>
      %get3A_2549 = arith.index_cast %add3A_2485 : i32 to index
      %get3A_2550 = arith.constant 80 : index
      %get3A_2551 = tpu.vector_load %arg15[%get3A_2549, %get3A_2550] {strides = array<i32>} : memref<128x128xf32, #tpu.memory_space<vmem>>, vector<16xf32>,
      %get3A_2552 = arith.index_cast %add3A_2485 : i32 to index
      %get3A_2553 = arith.constant 80 : index
      %get3A_2554 = tpu.vector_load %arg16[%get3A_2552, %get3A_2553] {strides = array<i32>} : memref<128x128xf32, #tpu.memory_space<vmem>>, vector<16xf32>,
      %mul3A_2555 = arith.mulf %get3A_2551, %get3A_2554 : vector<16xf32>
      %add3A_2556 = arith.addf %add3A_2543, %mul3A_2555 : vector<16xf32>
      %get3A_2557 = arith.index_cast %add3A_2485 : i32 to index
      %get3A_2558 = arith.constant 80 : index
      %get3A_2559 = tpu.vector_load %arg17[%get3A_2557, %get3A_2558] {strides = array<i32>} : memref<128x128xf32, #tpu.memory_space<vmem>>, vector<16xf32>,
      %mul3A_2560 = arith.mulf %get3A_2551, %get3A_2559 : vector<16xf32>
      %add3A_2561 = arith.addf %add3A_2548, %mul3A_2560 : vector<16xf32>
      %get3A_2562 = arith.index_cast %add3A_2485 : i32 to index
      %get3A_2563 = arith.constant 96 : index
      %get3A_2564 = tpu.vector_load %arg15[%get3A_2562, %get3A_2563] {strides = array<i32>} : memref<128x128xf32, #tpu.memory_space<vmem>>, vector<16xf32>,
      %get3A_2565 = arith.index_cast %add3A_2485 : i32 to index
      %get3A_2566 = arith.constant 96 : index
      %get3A_2567 = tpu.vector_load %arg16[%get3A_2565, %get3A_2566] {strides = array<i32>} : memref<128x128xf32, #tpu.memory_space<vmem>>, vector<16xf32>,
      %mul3A_2568 = arith.mulf %get3A_2564, %get3A_2567 : vector<16xf32>
      %add3A_2569 = arith.addf %add3A_2556, %mul3A_2568 : vector<16xf32>
      %get3A_2570 = arith.index_cast %add3A_2485 : i32 to index
      %get3A_2571 = arith.constant 96 : index
      %get3A_2572 = tpu.vector_load %arg17[%get3A_2570, %get3A_2571] {strides = array<i32>} : memref<128x128xf32, #tpu.memory_space<vmem>>, vector<16xf32>,
      %mul3A_2573 = arith.mulf %get3A_2564, %get3A_2572 : vector<16xf32>
      %add3A_2574 = arith.addf %add3A_2561, %mul3A_2573 : vector<16xf32>
      %get3A_2575 = arith.index_cast %add3A_2485 : i32 to index
      %get3A_2576 = arith.constant 112 : index
      %get3A_2577 = tpu.vector_load %arg15[%get3A_2575, %get3A_2576] {strides = array<i32>} : memref<128x128xf32, #tpu.memory_space<vmem>>, vector<16xf32>,
      %get3A_2578 = arith.index_cast %add3A_2485 : i32 to index
      %get3A_2579 = arith.constant 112 : index
      %get3A_2580 = tpu.vector_load %arg16[%get3A_2578, %get3A_2579] {strides = array<i32>} : memref<128x128xf32, #tpu.memory_space<vmem>>, vector<16xf32>,
      %mul3A_2581 = arith.mulf %get3A_2577, %get3A_2580 : vector<16xf32>
      %add3A_2582 = arith.addf %add3A_2569, %mul3A_2581 : vector<16xf32>
      %get3A_2583 = arith.index_cast %add3A_2485 : i32 to index
      %get3A_2584 = arith.constant 112 : index
      %get3A_2585 = tpu.vector_load %arg17[%get3A_2583, %get3A_2584] {strides = array<i32>} : memref<128x128xf32, #tpu.memory_space<vmem>>, vector<16xf32>,
      %mul3A_2586 = arith.mulf %get3A_2577, %get3A_2585 : vector<16xf32>
      %add3A_2587 = arith.addf %add3A_2574, %mul3A_2586 : vector<16xf32>
      %mul3A_2588 = arith.constant 4 : i32
      %mul3A_2589 = arith.muli %scan3A_2408, %mul3A_2588 : i32
      %add3A_2590 = arith.constant 1 : i32
      %add3A_2591 = arith.addi %mul3A_2589, %add3A_2590 : i32
      %get3A_2592 = arith.index_cast %add3A_2591 : i32 to index
      %get3A_2593 = arith.constant 0 : index
      %get3A_2594 = tpu.vector_load %arg15[%get3A_2592, %get3A_2593] {strides = array<i32>} : memref<128x128xf32, #tpu.memory_space<vmem>>, vector<16xf32>,
      %get3A_2595 = arith.index_cast %add3A_2591 : i32 to index
      %get3A_2596 = arith.constant 0 : index
      %get3A_2597 = tpu.vector_load %arg16[%get3A_2595, %get3A_2596] {strides = array<i32>} : memref<128x128xf32, #tpu.memory_space<vmem>>, vector<16xf32>,
      %mul3A_2598 = arith.mulf %get3A_2594, %get3A_2597 : vector<16xf32>
      %get3A_2599 = arith.index_cast %add3A_2591 : i32 to index
      %get3A_2600 = arith.constant 0 : index
      %get3A_2601 = tpu.vector_load %arg17[%get3A_2599, %get3A_2600] {strides = array<i32>} : memref<128x128xf32, #tpu.memory_space<vmem>>, vector<16xf32>,
      %mul3A_2602 = arith.mulf %get3A_2594, %get3A_2601 : vector<16xf32>
      %get3A_2603 = arith.index_cast %add3A_2591 : i32 to index
      %get3A_2604 = arith.constant 16 : index
      %get3A_2605 = tpu.vector_load %arg15[%get3A_2603, %get3A_2604] {strides = array<i32>} : memref<128x128xf32, #tpu.memory_space<vmem>>, vector<16xf32>,
      %get3A_2606 = arith.index_cast %add3A_2591 : i32 to index
      %get3A_2607 = arith.constant 16 : index
      %get3A_2608 = tpu.vector_load %arg16[%get3A_2606, %get3A_2607] {strides = array<i32>} : memref<128x128xf32, #tpu.memory_space<vmem>>, vector<16xf32>,
      %mul3A_2609 = arith.mulf %get3A_2605, %get3A_2608 : vector<16xf32>
      %add3A_2610 = arith.addf %mul3A_2598, %mul3A_2609 : vector<16xf32>
      %get3A_2611 = arith.index_cast %add3A_2591 : i32 to index
      %get3A_2612 = arith.constant 16 : index
      %get3A_2613 = tpu.vector_load %arg17[%get3A_2611, %get3A_2612] {strides = array<i32>} : memref<128x128xf32, #tpu.memory_space<vmem>>, vector<16xf32>,
      %mul3A_2614 = arith.mulf %get3A_2605, %get3A_2613 : vector<16xf32>
      %add3A_2615 = arith.addf %mul3A_2602, %mul3A_2614 : vector<16xf32>
      %get3A_2616 = arith.index_cast %add3A_2591 : i32 to index
      %get3A_2617 = arith.constant 32 : index
      %get3A_2618 = tpu.vector_load %arg15[%get3A_2616, %get3A_2617] {strides = array<i32>} : memref<128x128xf32, #tpu.memory_space<vmem>>, vector<16xf32>,
      %get3A_2619 = arith.index_cast %add3A_2591 : i32 to index
      %get3A_2620 = arith.constant 32 : index
      %get3A_2621 = tpu.vector_load %arg16[%get3A_2619, %get3A_2620] {strides = array<i32>} : memref<128x128xf32, #tpu.memory_space<vmem>>, vector<16xf32>,
      %mul3A_2622 = arith.mulf %get3A_2618, %get3A_2621 : vector<16xf32>
      %add3A_2623 = arith.addf %add3A_2610, %mul3A_2622 : vector<16xf32>
      %get3A_2624 = arith.index_cast %add3A_2591 : i32 to index
      %get3A_2625 = arith.constant 32 : index
      %get3A_2626 = tpu.vector_load %arg17[%get3A_2624, %get3A_2625] {strides = array<i32>} : memref<128x128xf32, #tpu.memory_space<vmem>>, vector<16xf32>,
      %mul3A_2627 = arith.mulf %get3A_2618, %get3A_2626 : vector<16xf32>
      %add3A_2628 = arith.addf %add3A_2615, %mul3A_2627 : vector<16xf32>
      %get3A_2629 = arith.index_cast %add3A_2591 : i32 to index
      %get3A_2630 = arith.constant 48 : index
      %get3A_2631 = tpu.vector_load %arg15[%get3A_2629, %get3A_2630] {strides = array<i32>} : memref<128x128xf32, #tpu.memory_space<vmem>>, vector<16xf32>,
      %get3A_2632 = arith.index_cast %add3A_2591 : i32 to index
      %get3A_2633 = arith.constant 48 : index
      %get3A_2634 = tpu.vector_load %arg16[%get3A_2632, %get3A_2633] {strides = array<i32>} : memref<128x128xf32, #tpu.memory_space<vmem>>, vector<16xf32>,
      %mul3A_2635 = arith.mulf %get3A_2631, %get3A_2634 : vector<16xf32>
      %add3A_2636 = arith.addf %add3A_2623, %mul3A_2635 : vector<16xf32>
      %get3A_2637 = arith.index_cast %add3A_2591 : i32 to index
      %get3A_2638 = arith.constant 48 : index
      %get3A_2639 = tpu.vector_load %arg17[%get3A_2637, %get3A_2638] {strides = array<i32>} : memref<128x128xf32, #tpu.memory_space<vmem>>, vector<16xf32>,
      %mul3A_2640 = arith.mulf %get3A_2631, %get3A_2639 : vector<16xf32>
      %add3A_2641 = arith.addf %add3A_2628, %mul3A_2640 : vector<16xf32>
      %get3A_2642 = arith.index_cast %add3A_2591 : i32 to index
      %get3A_2643 = arith.constant 64 : index
      %get3A_2644 = tpu.vector_load %arg15[%get3A_2642, %get3A_2643] {strides = array<i32>} : memref<128x128xf32, #tpu.memory_space<vmem>>, vector<16xf32>,
      %get3A_2645 = arith.index_cast %add3A_2591 : i32 to index
      %get3A_2646 = arith.constant 64 : index
      %get3A_2647 = tpu.vector_load %arg16[%get3A_2645, %get3A_2646] {strides = array<i32>} : memref<128x128xf32, #tpu.memory_space<vmem>>, vector<16xf32>,
      %mul3A_2648 = arith.mulf %get3A_2644, %get3A_2647 : vector<16xf32>
      %add3A_2649 = arith.addf %add3A_2636, %mul3A_2648 : vector<16xf32>
      %get3A_2650 = arith.index_cast %add3A_2591 : i32 to index
      %get3A_2651 = arith.constant 64 : index
      %get3A_2652 = tpu.vector_load %arg17[%get3A_2650, %get3A_2651] {strides = array<i32>} : memref<128x128xf32, #tpu.memory_space<vmem>>, vector<16xf32>,
      %mul3A_2653 = arith.mulf %get3A_2644, %get3A_2652 : vector<16xf32>
      %add3A_2654 = arith.addf %add3A_2641, %mul3A_2653 : vector<16xf32>
      %get3A_2655 = arith.index_cast %add3A_2591 : i32 to index
      %get3A_2656 = arith.constant 80 : index
      %get3A_2657 = tpu.vector_load %arg15[%get3A_2655, %get3A_2656] {strides = array<i32>} : memref<128x128xf32, #tpu.memory_space<vmem>>, vector<16xf32>,
      %get3A_2658 = arith.index_cast %add3A_2591 : i32 to index
      %get3A_2659 = arith.constant 80 : index
      %get3A_2660 = tpu.vector_load %arg16[%get3A_2658, %get3A_2659] {strides = array<i32>} : memref<128x128xf32, #tpu.memory_space<vmem>>, vector<16xf32>,
      %mul3A_2661 = arith.mulf %get3A_2657, %get3A_2660 : vector<16xf32>
      %add3A_2662 = arith.addf %add3A_2649, %mul3A_2661 : vector<16xf32>
      %get3A_2663 = arith.index_cast %add3A_2591 : i32 to index
      %get3A_2664 = arith.constant 80 : index
      %get3A_2665 = tpu.vector_load %arg17[%get3A_2663, %get3A_2664] {strides = array<i32>} : memref<128x128xf32, #tpu.memory_space<vmem>>, vector<16xf32>,
      %mul3A_2666 = arith.mulf %get3A_2657, %get3A_2665 : vector<16xf32>
      %add3A_2667 = arith.addf %add3A_2654, %mul3A_2666 : vector<16xf32>
      %get3A_2668 = arith.index_cast %add3A_2591 : i32 to index
      %get3A_2669 = arith.constant 96 : index
      %get3A_2670 = tpu.vector_load %arg15[%get3A_2668, %get3A_2669] {strides = array<i32>} : memref<128x128xf32, #tpu.memory_space<vmem>>, vector<16xf32>,
      %get3A_2671 = arith.index_cast %add3A_2591 : i32 to index
      %get3A_2672 = arith.constant 96 : index
      %get3A_2673 = tpu.vector_load %arg16[%get3A_2671, %get3A_2672] {strides = array<i32>} : memref<128x128xf32, #tpu.memory_space<vmem>>, vector<16xf32>,
      %mul3A_2674 = arith.mulf %get3A_2670, %get3A_2673 : vector<16xf32>
      %add3A_2675 = arith.addf %add3A_2662, %mul3A_2674 : vector<16xf32>
      %get3A_2676 = arith.index_cast %add3A_2591 : i32 to index
      %get3A_2677 = arith.constant 96 : index
      %get3A_2678 = tpu.vector_load %arg17[%get3A_2676, %get3A_2677] {strides = array<i32>} : memref<128x128xf32, #tpu.memory_space<vmem>>, vector<16xf32>,
      %mul3A_2679 = arith.mulf %get3A_2670, %get3A_2678 : vector<16xf32>
      %add3A_2680 = arith.addf %add3A_2667, %mul3A_2679 : vector<16xf32>
      %get3A_2681 = arith.index_cast %add3A_2591 : i32 to index
      %get3A_2682 = arith.constant 112 : index
      %get3A_2683 = tpu.vector_load %arg15[%get3A_2681, %get3A_2682] {strides = array<i32>} : memref<128x128xf32, #tpu.memory_space<vmem>>, vector<16xf32>,
      %get3A_2684 = arith.index_cast %add3A_2591 : i32 to index
      %get3A_2685 = arith.constant 112 : index
      %get3A_2686 = tpu.vector_load %arg16[%get3A_2684, %get3A_2685] {strides = array<i32>} : memref<128x128xf32, #tpu.memory_space<vmem>>, vector<16xf32>,
      %mul3A_2687 = arith.mulf %get3A_2683, %get3A_2686 : vector<16xf32>
      %add3A_2688 = arith.addf %add3A_2675, %mul3A_2687 : vector<16xf32>
      %get3A_2689 = arith.index_cast %add3A_2591 : i32 to index
      %get3A_2690 = arith.constant 112 : index
      %get3A_2691 = tpu.vector_load %arg17[%get3A_2689, %get3A_2690] {strides = array<i32>} : memref<128x128xf32, #tpu.memory_space<vmem>>, vector<16xf32>,
      %mul3A_2692 = arith.mulf %get3A_2683, %get3A_2691 : vector<16xf32>
      %add3A_2693 = arith.addf %add3A_2680, %mul3A_2692 : vector<16xf32>
      %mul3A_2694 = arith.constant 4 : i32
      %mul3A_2695 = arith.muli %scan3A_2408, %mul3A_2694 : i32
      %add3A_2696 = arith.constant 2 : i32
      %add3A_2697 = arith.addi %mul3A_2695, %add3A_2696 : i32
      %get3A_2698 = arith.index_cast %add3A_2697 : i32 to index
      %get3A_2699 = arith.constant 0 : index
      %get3A_2700 = tpu.vector_load %arg15[%get3A_2698, %get3A_2699] {strides = array<i32>} : memref<128x128xf32, #tpu.memory_space<vmem>>, vector<16xf32>,
      %get3A_2701 = arith.index_cast %add3A_2697 : i32 to index
      %get3A_2702 = arith.constant 0 : index
      %get3A_2703 = tpu.vector_load %arg16[%get3A_2701, %get3A_2702] {strides = array<i32>} : memref<128x128xf32, #tpu.memory_space<vmem>>, vector<16xf32>,
      %mul3A_2704 = arith.mulf %get3A_2700, %get3A_2703 : vector<16xf32>
      %get3A_2705 = arith.index_cast %add3A_2697 : i32 to index
      %get3A_2706 = arith.constant 0 : index
      %get3A_2707 = tpu.vector_load %arg17[%get3A_2705, %get3A_2706] {strides = array<i32>} : memref<128x128xf32, #tpu.memory_space<vmem>>, vector<16xf32>,
      %mul3A_2708 = arith.mulf %get3A_2700, %get3A_2707 : vector<16xf32>
      %get3A_2709 = arith.index_cast %add3A_2697 : i32 to index
      %get3A_2710 = arith.constant 16 : index
      %get3A_2711 = tpu.vector_load %arg15[%get3A_2709, %get3A_2710] {strides = array<i32>} : memref<128x128xf32, #tpu.memory_space<vmem>>, vector<16xf32>,
      %get3A_2712 = arith.index_cast %add3A_2697 : i32 to index
      %get3A_2713 = arith.constant 16 : index
      %get3A_2714 = tpu.vector_load %arg16[%get3A_2712, %get3A_2713] {strides = array<i32>} : memref<128x128xf32, #tpu.memory_space<vmem>>, vector<16xf32>,
      %mul3A_2715 = arith.mulf %get3A_2711, %get3A_2714 : vector<16xf32>
      %add3A_2716 = arith.addf %mul3A_2704, %mul3A_2715 : vector<16xf32>
      %get3A_2717 = arith.index_cast %add3A_2697 : i32 to index
      %get3A_2718 = arith.constant 16 : index
      %get3A_2719 = tpu.vector_load %arg17[%get3A_2717, %get3A_2718] {strides = array<i32>} : memref<128x128xf32, #tpu.memory_space<vmem>>, vector<16xf32>,
      %mul3A_2720 = arith.mulf %get3A_2711, %get3A_2719 : vector<16xf32>
      %add3A_2721 = arith.addf %mul3A_2708, %mul3A_2720 : vector<16xf32>
      %get3A_2722 = arith.index_cast %add3A_2697 : i32 to index
      %get3A_2723 = arith.constant 32 : index
      %get3A_2724 = tpu.vector_load %arg15[%get3A_2722, %get3A_2723] {strides = array<i32>} : memref<128x128xf32, #tpu.memory_space<vmem>>, vector<16xf32>,
      %get3A_2725 = arith.index_cast %add3A_2697 : i32 to index
      %get3A_2726 = arith.constant 32 : index
      %get3A_2727 = tpu.vector_load %arg16[%get3A_2725, %get3A_2726] {strides = array<i32>} : memref<128x128xf32, #tpu.memory_space<vmem>>, vector<16xf32>,
      %mul3A_2728 = arith.mulf %get3A_2724, %get3A_2727 : vector<16xf32>
      %add3A_2729 = arith.addf %add3A_2716, %mul3A_2728 : vector<16xf32>
      %get3A_2730 = arith.index_cast %add3A_2697 : i32 to index
      %get3A_2731 = arith.constant 32 : index
      %get3A_2732 = tpu.vector_load %arg17[%get3A_2730, %get3A_2731] {strides = array<i32>} : memref<128x128xf32, #tpu.memory_space<vmem>>, vector<16xf32>,
      %mul3A_2733 = arith.mulf %get3A_2724, %get3A_2732 : vector<16xf32>
      %add3A_2734 = arith.addf %add3A_2721, %mul3A_2733 : vector<16xf32>
      %get3A_2735 = arith.index_cast %add3A_2697 : i32 to index
      %get3A_2736 = arith.constant 48 : index
      %get3A_2737 = tpu.vector_load %arg15[%get3A_2735, %get3A_2736] {strides = array<i32>} : memref<128x128xf32, #tpu.memory_space<vmem>>, vector<16xf32>,
      %get3A_2738 = arith.index_cast %add3A_2697 : i32 to index
      %get3A_2739 = arith.constant 48 : index
      %get3A_2740 = tpu.vector_load %arg16[%get3A_2738, %get3A_2739] {strides = array<i32>} : memref<128x128xf32, #tpu.memory_space<vmem>>, vector<16xf32>,
      %mul3A_2741 = arith.mulf %get3A_2737, %get3A_2740 : vector<16xf32>
      %add3A_2742 = arith.addf %add3A_2729, %mul3A_2741 : vector<16xf32>
      %get3A_2743 = arith.index_cast %add3A_2697 : i32 to index
      %get3A_2744 = arith.constant 48 : index
      %get3A_2745 = tpu.vector_load %arg17[%get3A_2743, %get3A_2744] {strides = array<i32>} : memref<128x128xf32, #tpu.memory_space<vmem>>, vector<16xf32>,
      %mul3A_2746 = arith.mulf %get3A_2737, %get3A_2745 : vector<16xf32>
      %add3A_2747 = arith.addf %add3A_2734, %mul3A_2746 : vector<16xf32>
      %get3A_2748 = arith.index_cast %add3A_2697 : i32 to index
      %get3A_2749 = arith.constant 64 : index
      %get3A_2750 = tpu.vector_load %arg15[%get3A_2748, %get3A_2749] {strides = array<i32>} : memref<128x128xf32, #tpu.memory_space<vmem>>, vector<16xf32>,
      %get3A_2751 = arith.index_cast %add3A_2697 : i32 to index
      %get3A_2752 = arith.constant 64 : index
      %get3A_2753 = tpu.vector_load %arg16[%get3A_2751, %get3A_2752] {strides = array<i32>} : memref<128x128xf32, #tpu.memory_space<vmem>>, vector<16xf32>,
      %mul3A_2754 = arith.mulf %get3A_2750, %get3A_2753 : vector<16xf32>
      %add3A_2755 = arith.addf %add3A_2742, %mul3A_2754 : vector<16xf32>
      %get3A_2756 = arith.index_cast %add3A_2697 : i32 to index
      %get3A_2757 = arith.constant 64 : index
      %get3A_2758 = tpu.vector_load %arg17[%get3A_2756, %get3A_2757] {strides = array<i32>} : memref<128x128xf32, #tpu.memory_space<vmem>>, vector<16xf32>,
      %mul3A_2759 = arith.mulf %get3A_2750, %get3A_2758 : vector<16xf32>
      %add3A_2760 = arith.addf %add3A_2747, %mul3A_2759 : vector<16xf32>
      %get3A_2761 = arith.index_cast %add3A_2697 : i32 to index
      %get3A_2762 = arith.constant 80 : index
      %get3A_2763 = tpu.vector_load %arg15[%get3A_2761, %get3A_2762] {strides = array<i32>} : memref<128x128xf32, #tpu.memory_space<vmem>>, vector<16xf32>,
      %get3A_2764 = arith.index_cast %add3A_2697 : i32 to index
      %get3A_2765 = arith.constant 80 : index
      %get3A_2766 = tpu.vector_load %arg16[%get3A_2764, %get3A_2765] {strides = array<i32>} : memref<128x128xf32, #tpu.memory_space<vmem>>, vector<16xf32>,
      %mul3A_2767 = arith.mulf %get3A_2763, %get3A_2766 : vector<16xf32>
      %add3A_2768 = arith.addf %add3A_2755, %mul3A_2767 : vector<16xf32>
      %get3A_2769 = arith.index_cast %add3A_2697 : i32 to index
      %get3A_2770 = arith.constant 80 : index
      %get3A_2771 = tpu.vector_load %arg17[%get3A_2769, %get3A_2770] {strides = array<i32>} : memref<128x128xf32, #tpu.memory_space<vmem>>, vector<16xf32>,
      %mul3A_2772 = arith.mulf %get3A_2763, %get3A_2771 : vector<16xf32>
      %add3A_2773 = arith.addf %add3A_2760, %mul3A_2772 : vector<16xf32>
      %get3A_2774 = arith.index_cast %add3A_2697 : i32 to index
      %get3A_2775 = arith.constant 96 : index
      %get3A_2776 = tpu.vector_load %arg15[%get3A_2774, %get3A_2775] {strides = array<i32>} : memref<128x128xf32, #tpu.memory_space<vmem>>, vector<16xf32>,
      %get3A_2777 = arith.index_cast %add3A_2697 : i32 to index
      %get3A_2778 = arith.constant 96 : index
      %get3A_2779 = tpu.vector_load %arg16[%get3A_2777, %get3A_2778] {strides = array<i32>} : memref<128x128xf32, #tpu.memory_space<vmem>>, vector<16xf32>,
      %mul3A_2780 = arith.mulf %get3A_2776, %get3A_2779 : vector<16xf32>
      %add3A_2781 = arith.addf %add3A_2768, %mul3A_2780 : vector<16xf32>
      %get3A_2782 = arith.index_cast %add3A_2697 : i32 to index
      %get3A_2783 = arith.constant 96 : index
      %get3A_2784 = tpu.vector_load %arg17[%get3A_2782, %get3A_2783] {strides = array<i32>} : memref<128x128xf32, #tpu.memory_space<vmem>>, vector<16xf32>,
      %mul3A_2785 = arith.mulf %get3A_2776, %get3A_2784 : vector<16xf32>
      %add3A_2786 = arith.addf %add3A_2773, %mul3A_2785 : vector<16xf32>
      %get3A_2787 = arith.index_cast %add3A_2697 : i32 to index
      %get3A_2788 = arith.constant 112 : index
      %get3A_2789 = tpu.vector_load %arg15[%get3A_2787, %get3A_2788] {strides = array<i32>} : memref<128x128xf32, #tpu.memory_space<vmem>>, vector<16xf32>,
      %get3A_2790 = arith.index_cast %add3A_2697 : i32 to index
      %get3A_2791 = arith.constant 112 : index
      %get3A_2792 = tpu.vector_load %arg16[%get3A_2790, %get3A_2791] {strides = array<i32>} : memref<128x128xf32, #tpu.memory_space<vmem>>, vector<16xf32>,
      %mul3A_2793 = arith.mulf %get3A_2789, %get3A_2792 : vector<16xf32>
      %add3A_2794 = arith.addf %add3A_2781, %mul3A_2793 : vector<16xf32>
      %get3A_2795 = arith.index_cast %add3A_2697 : i32 to index
      %get3A_2796 = arith.constant 112 : index
      %get3A_2797 = tpu.vector_load %arg17[%get3A_2795, %get3A_2796] {strides = array<i32>} : memref<128x128xf32, #tpu.memory_space<vmem>>, vector<16xf32>,
      %mul3A_2798 = arith.mulf %get3A_2789, %get3A_2797 : vector<16xf32>
      %add3A_2799 = arith.addf %add3A_2786, %mul3A_2798 : vector<16xf32>
      %mul3A_2800 = arith.constant 4 : i32
      %mul3A_2801 = arith.muli %scan3A_2408, %mul3A_2800 : i32
      %add3A_2802 = arith.constant 3 : i32
      %add3A_2803 = arith.addi %mul3A_2801, %add3A_2802 : i32
      %get3A_2804 = arith.index_cast %add3A_2803 : i32 to index
      %get3A_2805 = arith.constant 0 : index
      %get3A_2806 = tpu.vector_load %arg15[%get3A_2804, %get3A_2805] {strides = array<i32>} : memref<128x128xf32, #tpu.memory_space<vmem>>, vector<16xf32>,
      %get3A_2807 = arith.index_cast %add3A_2803 : i32 to index
      %get3A_2808 = arith.constant 0 : index
      %get3A_2809 = tpu.vector_load %arg16[%get3A_2807, %get3A_2808] {strides = array<i32>} : memref<128x128xf32, #tpu.memory_space<vmem>>, vector<16xf32>,
      %mul3A_2810 = arith.mulf %get3A_2806, %get3A_2809 : vector<16xf32>
      %get3A_2811 = arith.index_cast %add3A_2803 : i32 to index
      %get3A_2812 = arith.constant 0 : index
      %get3A_2813 = tpu.vector_load %arg17[%get3A_2811, %get3A_2812] {strides = array<i32>} : memref<128x128xf32, #tpu.memory_space<vmem>>, vector<16xf32>,
      %mul3A_2814 = arith.mulf %get3A_2806, %get3A_2813 : vector<16xf32>
      %get3A_2815 = arith.index_cast %add3A_2803 : i32 to index
      %get3A_2816 = arith.constant 16 : index
      %get3A_2817 = tpu.vector_load %arg15[%get3A_2815, %get3A_2816] {strides = array<i32>} : memref<128x128xf32, #tpu.memory_space<vmem>>, vector<16xf32>,
      %get3A_2818 = arith.index_cast %add3A_2803 : i32 to index
      %get3A_2819 = arith.constant 16 : index
      %get3A_2820 = tpu.vector_load %arg16[%get3A_2818, %get3A_2819] {strides = array<i32>} : memref<128x128xf32, #tpu.memory_space<vmem>>, vector<16xf32>,
      %mul3A_2821 = arith.mulf %get3A_2817, %get3A_2820 : vector<16xf32>
      %add3A_2822 = arith.addf %mul3A_2810, %mul3A_2821 : vector<16xf32>
      %get3A_2823 = arith.index_cast %add3A_2803 : i32 to index
      %get3A_2824 = arith.constant 16 : index
      %get3A_2825 = tpu.vector_load %arg17[%get3A_2823, %get3A_2824] {strides = array<i32>} : memref<128x128xf32, #tpu.memory_space<vmem>>, vector<16xf32>,
      %mul3A_2826 = arith.mulf %get3A_2817, %get3A_2825 : vector<16xf32>
      %add3A_2827 = arith.addf %mul3A_2814, %mul3A_2826 : vector<16xf32>
      %get3A_2828 = arith.index_cast %add3A_2803 : i32 to index
      %get3A_2829 = arith.constant 32 : index
      %get3A_2830 = tpu.vector_load %arg15[%get3A_2828, %get3A_2829] {strides = array<i32>} : memref<128x128xf32, #tpu.memory_space<vmem>>, vector<16xf32>,
      %get3A_2831 = arith.index_cast %add3A_2803 : i32 to index
      %get3A_2832 = arith.constant 32 : index
      %get3A_2833 = tpu.vector_load %arg16[%get3A_2831, %get3A_2832] {strides = array<i32>} : memref<128x128xf32, #tpu.memory_space<vmem>>, vector<16xf32>,
      %mul3A_2834 = arith.mulf %get3A_2830, %get3A_2833 : vector<16xf32>
      %add3A_2835 = arith.addf %add3A_2822, %mul3A_2834 : vector<16xf32>
      %get3A_2836 = arith.index_cast %add3A_2803 : i32 to index
      %get3A_2837 = arith.constant 32 : index
      %get3A_2838 = tpu.vector_load %arg17[%get3A_2836, %get3A_2837] {strides = array<i32>} : memref<128x128xf32, #tpu.memory_space<vmem>>, vector<16xf32>,
      %mul3A_2839 = arith.mulf %get3A_2830, %get3A_2838 : vector<16xf32>
      %add3A_2840 = arith.addf %add3A_2827, %mul3A_2839 : vector<16xf32>
      %get3A_2841 = arith.index_cast %add3A_2803 : i32 to index
      %get3A_2842 = arith.constant 48 : index
      %get3A_2843 = tpu.vector_load %arg15[%get3A_2841, %get3A_2842] {strides = array<i32>} : memref<128x128xf32, #tpu.memory_space<vmem>>, vector<16xf32>,
      %get3A_2844 = arith.index_cast %add3A_2803 : i32 to index
      %get3A_2845 = arith.constant 48 : index
      %get3A_2846 = tpu.vector_load %arg16[%get3A_2844, %get3A_2845] {strides = array<i32>} : memref<128x128xf32, #tpu.memory_space<vmem>>, vector<16xf32>,
      %mul3A_2847 = arith.mulf %get3A_2843, %get3A_2846 : vector<16xf32>
      %add3A_2848 = arith.addf %add3A_2835, %mul3A_2847 : vector<16xf32>
      %get3A_2849 = arith.index_cast %add3A_2803 : i32 to index
      %get3A_2850 = arith.constant 48 : index
      %get3A_2851 = tpu.vector_load %arg17[%get3A_2849, %get3A_2850] {strides = array<i32>} : memref<128x128xf32, #tpu.memory_space<vmem>>, vector<16xf32>,
      %mul3A_2852 = arith.mulf %get3A_2843, %get3A_2851 : vector<16xf32>
      %add3A_2853 = arith.addf %add3A_2840, %mul3A_2852 : vector<16xf32>
      %get3A_2854 = arith.index_cast %add3A_2803 : i32 to index
      %get3A_2855 = arith.constant 64 : index
      %get3A_2856 = tpu.vector_load %arg15[%get3A_2854, %get3A_2855] {strides = array<i32>} : memref<128x128xf32, #tpu.memory_space<vmem>>, vector<16xf32>,
      %get3A_2857 = arith.index_cast %add3A_2803 : i32 to index
      %get3A_2858 = arith.constant 64 : index
      %get3A_2859 = tpu.vector_load %arg16[%get3A_2857, %get3A_2858] {strides = array<i32>} : memref<128x128xf32, #tpu.memory_space<vmem>>, vector<16xf32>,
      %mul3A_2860 = arith.mulf %get3A_2856, %get3A_2859 : vector<16xf32>
      %add3A_2861 = arith.addf %add3A_2848, %mul3A_2860 : vector<16xf32>
      %get3A_2862 = arith.index_cast %add3A_2803 : i32 to index
      %get3A_2863 = arith.constant 64 : index
      %get3A_2864 = tpu.vector_load %arg17[%get3A_2862, %get3A_2863] {strides = array<i32>} : memref<128x128xf32, #tpu.memory_space<vmem>>, vector<16xf32>,
      %mul3A_2865 = arith.mulf %get3A_2856, %get3A_2864 : vector<16xf32>
      %add3A_2866 = arith.addf %add3A_2853, %mul3A_2865 : vector<16xf32>
      %get3A_2867 = arith.index_cast %add3A_2803 : i32 to index
      %get3A_2868 = arith.constant 80 : index
      %get3A_2869 = tpu.vector_load %arg15[%get3A_2867, %get3A_2868] {strides = array<i32>} : memref<128x128xf32, #tpu.memory_space<vmem>>, vector<16xf32>,
      %get3A_2870 = arith.index_cast %add3A_2803 : i32 to index
      %get3A_2871 = arith.constant 80 : index
      %get3A_2872 = tpu.vector_load %arg16[%get3A_2870, %get3A_2871] {strides = array<i32>} : memref<128x128xf32, #tpu.memory_space<vmem>>, vector<16xf32>,
      %mul3A_2873 = arith.mulf %get3A_2869, %get3A_2872 : vector<16xf32>
      %add3A_2874 = arith.addf %add3A_2861, %mul3A_2873 : vector<16xf32>
      %get3A_2875 = arith.index_cast %add3A_2803 : i32 to index
      %get3A_2876 = arith.constant 80 : index
      %get3A_2877 = tpu.vector_load %arg17[%get3A_2875, %get3A_2876] {strides = array<i32>} : memref<128x128xf32, #tpu.memory_space<vmem>>, vector<16xf32>,
      %mul3A_2878 = arith.mulf %get3A_2869, %get3A_2877 : vector<16xf32>
      %add3A_2879 = arith.addf %add3A_2866, %mul3A_2878 : vector<16xf32>
      %get3A_2880 = arith.index_cast %add3A_2803 : i32 to index
      %get3A_2881 = arith.constant 96 : index
      %get3A_2882 = tpu.vector_load %arg15[%get3A_2880, %get3A_2881] {strides = array<i32>} : memref<128x128xf32, #tpu.memory_space<vmem>>, vector<16xf32>,
      %get3A_2883 = arith.index_cast %add3A_2803 : i32 to index
      %get3A_2884 = arith.constant 96 : index
      %get3A_2885 = tpu.vector_load %arg16[%get3A_2883, %get3A_2884] {strides = array<i32>} : memref<128x128xf32, #tpu.memory_space<vmem>>, vector<16xf32>,
      %mul3A_2886 = arith.mulf %get3A_2882, %get3A_2885 : vector<16xf32>
      %add3A_2887 = arith.addf %add3A_2874, %mul3A_2886 : vector<16xf32>
      %get3A_2888 = arith.index_cast %add3A_2803 : i32 to index
      %get3A_2889 = arith.constant 96 : index
      %get3A_2890 = tpu.vector_load %arg17[%get3A_2888, %get3A_2889] {strides = array<i32>} : memref<128x128xf32, #tpu.memory_space<vmem>>, vector<16xf32>,
      %mul3A_2891 = arith.mulf %get3A_2882, %get3A_2890 : vector<16xf32>
      %add3A_2892 = arith.addf %add3A_2879, %mul3A_2891 : vector<16xf32>
      %get3A_2893 = arith.index_cast %add3A_2803 : i32 to index
      %get3A_2894 = arith.constant 112 : index
      %get3A_2895 = tpu.vector_load %arg15[%get3A_2893, %get3A_2894] {strides = array<i32>} : memref<128x128xf32, #tpu.memory_space<vmem>>, vector<16xf32>,
      %get3A_2896 = arith.index_cast %add3A_2803 : i32 to index
      %get3A_2897 = arith.constant 112 : index
      %get3A_2898 = tpu.vector_load %arg16[%get3A_2896, %get3A_2897] {strides = array<i32>} : memref<128x128xf32, #tpu.memory_space<vmem>>, vector<16xf32>,
      %mul3A_2899 = arith.mulf %get3A_2895, %get3A_2898 : vector<16xf32>
      %add3A_2900 = arith.addf %add3A_2887, %mul3A_2899 : vector<16xf32>
      %get3A_2901 = arith.index_cast %add3A_2803 : i32 to index
      %get3A_2902 = arith.constant 112 : index
      %get3A_2903 = tpu.vector_load %arg17[%get3A_2901, %get3A_2902] {strides = array<i32>} : memref<128x128xf32, #tpu.memory_space<vmem>>, vector<16xf32>,
      %mul3A_2904 = arith.mulf %get3A_2895, %get3A_2903 : vector<16xf32>
      %add3A_2905 = arith.addf %add3A_2892, %mul3A_2904 : vector<16xf32>
      scf.yield %add3A_2582, %add3A_2587, %add3A_2688, %add3A_2693, %add3A_2794, %add3A_2799, %add3A_2900, %add3A_2905 : vector<16xf32>, vector<16xf32>, vector<16xf32>, vector<16xf32>, vector<16xf32>, vector<16xf32>, vector<16xf32>, vector<16xf32>
    }
    %scan3A_1214 = arith.constant 31 : i32
    %broadcast_in_dim3A_1215 = arith.constant true
    %broadcast_in_dim3A_1216 = vector.broadcast %broadcast_in_dim3A_1215 : i1 to vector<16xi1>
    %masked_cumsum3A_1217 = tpu.scan <sum>, %scan3A_1213#0 masked %broadcast_in_dim3A_1216 : vector<16xf32>, vector<16xi1> -> vector<16xf32>
    %swap3A_1218 = arith.constant 252 : index
    %swap3A_1219 = tpu.vector_load %arg18[%swap3A_1218] masked %eq3A_704 {strides = array<i32>} : memref<528xf32, #tpu.memory_space<vmem>>, vector<16xf32>, vector<16xi1>
    tpu.vector_store %arg18[%swap3A_1218], %masked_cumsum3A_1217 masked %eq3A_704 {strides = array<i32>} : memref<528xf32, #tpu.memory_space<vmem>>, vector<16xf32>, vector<16xi1>
    %broadcast_in_dim3A_1220 = arith.constant true
    %broadcast_in_dim3A_1221 = vector.broadcast %broadcast_in_dim3A_1220 : i1 to vector<16xi1>
    %masked_cumsum3A_1222 = tpu.scan <sum>, %scan3A_1213#1 masked %broadcast_in_dim3A_1221 : vector<16xf32>, vector<16xi1> -> vector<16xf32>
    %swap3A_1223 = arith.constant 252 : index
    %swap3A_1224 = tpu.vector_load %arg19[%swap3A_1223] masked %eq3A_704 {strides = array<i32>} : memref<528xf32, #tpu.memory_space<vmem>>, vector<16xf32>, vector<16xi1>
    tpu.vector_store %arg19[%swap3A_1223], %masked_cumsum3A_1222 masked %eq3A_704 {strides = array<i32>} : memref<528xf32, #tpu.memory_space<vmem>>, vector<16xf32>, vector<16xi1>
    %broadcast_in_dim3A_1225 = arith.constant true
    %broadcast_in_dim3A_1226 = vector.broadcast %broadcast_in_dim3A_1225 : i1 to vector<16xi1>
    %masked_cumsum3A_1227 = tpu.scan <sum>, %scan3A_1213#2 masked %broadcast_in_dim3A_1226 : vector<16xf32>, vector<16xi1> -> vector<16xf32>
    %swap3A_1228 = arith.constant 253 : index
    %swap3A_1229 = tpu.vector_load %arg18[%swap3A_1228] masked %eq3A_704 {strides = array<i32>} : memref<528xf32, #tpu.memory_space<vmem>>, vector<16xf32>, vector<16xi1>
    tpu.vector_store %arg18[%swap3A_1228], %masked_cumsum3A_1227 masked %eq3A_704 {strides = array<i32>} : memref<528xf32, #tpu.memory_space<vmem>>, vector<16xf32>, vector<16xi1>
    %broadcast_in_dim3A_1230 = arith.constant true
    %broadcast_in_dim3A_1231 = vector.broadcast %broadcast_in_dim3A_1230 : i1 to vector<16xi1>
    %masked_cumsum3A_1232 = tpu.scan <sum>, %scan3A_1213#3 masked %broadcast_in_dim3A_1231 : vector<16xf32>, vector<16xi1> -> vector<16xf32>
    %swap3A_1233 = arith.constant 253 : index
    %swap3A_1234 = tpu.vector_load %arg19[%swap3A_1233] masked %eq3A_704 {strides = array<i32>} : memref<528xf32, #tpu.memory_space<vmem>>, vector<16xf32>, vector<16xi1>
    tpu.vector_store %arg19[%swap3A_1233], %masked_cumsum3A_1232 masked %eq3A_704 {strides = array<i32>} : memref<528xf32, #tpu.memory_space<vmem>>, vector<16xf32>, vector<16xi1>
    %broadcast_in_dim3A_1235 = arith.constant true
    %broadcast_in_dim3A_1236 = vector.broadcast %broadcast_in_dim3A_1235 : i1 to vector<16xi1>
    %masked_cumsum3A_1237 = tpu.scan <sum>, %scan3A_1213#4 masked %broadcast_in_dim3A_1236 : vector<16xf32>, vector<16xi1> -> vector<16xf32>
    %swap3A_1238 = arith.constant 254 : index
    %swap3A_1239 = tpu.vector_load %arg18[%swap3A_1238] masked %eq3A_704 {strides = array<i32>} : memref<528xf32, #tpu.memory_space<vmem>>, vector<16xf32>, vector<16xi1>
    tpu.vector_store %arg18[%swap3A_1238], %masked_cumsum3A_1237 masked %eq3A_704 {strides = array<i32>} : memref<528xf32, #tpu.memory_space<vmem>>, vector<16xf32>, vector<16xi1>
    %broadcast_in_dim3A_1240 = arith.constant true
    %broadcast_in_dim3A_1241 = vector.broadcast %broadcast_in_dim3A_1240 : i1 to vector<16xi1>
    %masked_cumsum3A_1242 = tpu.scan <sum>, %scan3A_1213#5 masked %broadcast_in_dim3A_1241 : vector<16xf32>, vector<16xi1> -> vector<16xf32>
    %swap3A_1243 = arith.constant 254 : index
    %swap3A_1244 = tpu.vector_load %arg19[%swap3A_1243] masked %eq3A_704 {strides = array<i32>} : memref<528xf32, #tpu.memory_space<vmem>>, vector<16xf32>, vector<16xi1>
    tpu.vector_store %arg19[%swap3A_1243], %masked_cumsum3A_1242 masked %eq3A_704 {strides = array<i32>} : memref<528xf32, #tpu.memory_space<vmem>>, vector<16xf32>, vector<16xi1>
    %broadcast_in_dim3A_1245 = arith.constant true
    %broadcast_in_dim3A_1246 = vector.broadcast %broadcast_in_dim3A_1245 : i1 to vector<16xi1>
    %masked_cumsum3A_1247 = tpu.scan <sum>, %scan3A_1213#6 masked %broadcast_in_dim3A_1246 : vector<16xf32>, vector<16xi1> -> vector<16xf32>
    %swap3A_1248 = arith.constant 255 : index
    %swap3A_1249 = tpu.vector_load %arg18[%swap3A_1248] masked %eq3A_704 {strides = array<i32>} : memref<528xf32, #tpu.memory_space<vmem>>, vector<16xf32>, vector<16xi1>
    tpu.vector_store %arg18[%swap3A_1248], %masked_cumsum3A_1247 masked %eq3A_704 {strides = array<i32>} : memref<528xf32, #tpu.memory_space<vmem>>, vector<16xf32>, vector<16xi1>
    %broadcast_in_dim3A_1250 = arith.constant true
    %broadcast_in_dim3A_1251 = vector.broadcast %broadcast_in_dim3A_1250 : i1 to vector<16xi1>
    %masked_cumsum3A_1252 = tpu.scan <sum>, %scan3A_1213#7 masked %broadcast_in_dim3A_1251 : vector<16xf32>, vector<16xi1> -> vector<16xf32>
    %swap3A_1253 = arith.constant 255 : index
    %swap3A_1254 = tpu.vector_load %arg19[%swap3A_1253] masked %eq3A_704 {strides = array<i32>} : memref<528xf32, #tpu.memory_space<vmem>>, vector<16xf32>, vector<16xi1>
    tpu.vector_store %arg19[%swap3A_1253], %masked_cumsum3A_1252 masked %eq3A_704 {strides = array<i32>} : memref<528xf32, #tpu.memory_space<vmem>>, vector<16xf32>, vector<16xi1>
    %dma_start3A_1255 = arith.constant 384 : i32
    %dma_start3A_1256 = tpu.memref_slice %arg9[%dma_start3A_1255] : memref<512xi32, #tpu.memory_space<vmem>> -> memref<128xi32, #tpu.memory_space<vmem>>
    %dma_start3A_1257 = arith.constant 0 : i32
    %dma_start3A_1258 = arith.constant 0 : i32
    %dma_start3A_1259 = tpu.memref_slice %arg5[%dma_start3A_1257, %dma_start3A_1258] : memref<100000x128xf32, #tpu.memory_space<hbm>> -> memref<100000x128xf32, #tpu.memory_space<hbm>>
    tpu.enqueue_indirect_dma source(%dma_start3A_1259 : memref<100000x128xf32, #tpu.memory_space<hbm>>) target(%arg15 : memref<128x128xf32, #tpu.memory_space<vmem>>) offsets(%dma_start3A_1256 : memref<128xi32, #tpu.memory_space<vmem>>) semaphore(%arg21 : memref<!tpu.dma_semaphore, #tpu.memory_space<semaphore_mem>>)
    %dma_start3A_1260 = arith.constant 384 : i32
    %dma_start3A_1261 = tpu.memref_slice %arg10[%dma_start3A_1260] : memref<512xi32, #tpu.memory_space<vmem>> -> memref<128xi32, #tpu.memory_space<vmem>>
    %dma_start3A_1262 = arith.constant 0 : i32
    %dma_start3A_1263 = arith.constant 0 : i32
    %dma_start3A_1264 = tpu.memref_slice %arg6[%dma_start3A_1262, %dma_start3A_1263] : memref<100000x128xf32, #tpu.memory_space<hbm>> -> memref<100000x128xf32, #tpu.memory_space<hbm>>
    tpu.enqueue_indirect_dma source(%dma_start3A_1264 : memref<100000x128xf32, #tpu.memory_space<hbm>>) target(%arg16 : memref<128x128xf32, #tpu.memory_space<vmem>>) offsets(%dma_start3A_1261 : memref<128xi32, #tpu.memory_space<vmem>>) semaphore(%arg21 : memref<!tpu.dma_semaphore, #tpu.memory_space<semaphore_mem>>)
    %dma_start3A_1265 = arith.constant 384 : i32
    %dma_start3A_1266 = tpu.memref_slice %arg11[%dma_start3A_1265] : memref<512xi32, #tpu.memory_space<vmem>> -> memref<128xi32, #tpu.memory_space<vmem>>
    %dma_start3A_1267 = arith.constant 0 : i32
    %dma_start3A_1268 = arith.constant 0 : i32
    %dma_start3A_1269 = tpu.memref_slice %arg6[%dma_start3A_1267, %dma_start3A_1268] : memref<100000x128xf32, #tpu.memory_space<hbm>> -> memref<100000x128xf32, #tpu.memory_space<hbm>>
    tpu.enqueue_indirect_dma source(%dma_start3A_1269 : memref<100000x128xf32, #tpu.memory_space<hbm>>) target(%arg17 : memref<128x128xf32, #tpu.memory_space<vmem>>) offsets(%dma_start3A_1266 : memref<128xi32, #tpu.memory_space<vmem>>) semaphore(%arg21 : memref<!tpu.dma_semaphore, #tpu.memory_space<semaphore_mem>>)
    %dma_wait3A_1270 = arith.constant 256 : i32
    %dma_wait3A_1271 = tpu.memref_slice %arg9[%dma_wait3A_1270] : memref<512xi32, #tpu.memory_space<vmem>> -> memref<128xi32, #tpu.memory_space<vmem>>
    %dma_wait3A_1272 = arith.constant 0 : i32
    %dma_wait3A_1273 = arith.constant 0 : i32
    %dma_wait3A_1274 = tpu.memref_slice %arg5[%dma_wait3A_1272, %dma_wait3A_1273] : memref<100000x128xf32, #tpu.memory_space<hbm>> -> memref<100000x128xf32, #tpu.memory_space<hbm>>
    tpu.wait_indirect_dma semaphore(%arg20 : memref<!tpu.dma_semaphore, #tpu.memory_space<semaphore_mem>>) src(%dma_wait3A_1274 : memref<100000x128xf32, #tpu.memory_space<hbm>>) dst(%arg12 : memref<128x128xf32, #tpu.memory_space<vmem>>)
    %dma_wait3A_1275 = arith.constant 256 : i32
    %dma_wait3A_1276 = tpu.memref_slice %arg10[%dma_wait3A_1275] : memref<512xi32, #tpu.memory_space<vmem>> -> memref<128xi32, #tpu.memory_space<vmem>>
    %dma_wait3A_1277 = arith.constant 0 : i32
    %dma_wait3A_1278 = arith.constant 0 : i32
    %dma_wait3A_1279 = tpu.memref_slice %arg6[%dma_wait3A_1277, %dma_wait3A_1278] : memref<100000x128xf32, #tpu.memory_space<hbm>> -> memref<100000x128xf32, #tpu.memory_space<hbm>>
    tpu.wait_indirect_dma semaphore(%arg20 : memref<!tpu.dma_semaphore, #tpu.memory_space<semaphore_mem>>) src(%dma_wait3A_1279 : memref<100000x128xf32, #tpu.memory_space<hbm>>) dst(%arg13 : memref<128x128xf32, #tpu.memory_space<vmem>>)
    %dma_wait3A_1280 = arith.constant 256 : i32
    %dma_wait3A_1281 = tpu.memref_slice %arg11[%dma_wait3A_1280] : memref<512xi32, #tpu.memory_space<vmem>> -> memref<128xi32, #tpu.memory_space<vmem>>
    %dma_wait3A_1282 = arith.constant 0 : i32
    %dma_wait3A_1283 = arith.constant 0 : i32
    %dma_wait3A_1284 = tpu.memref_slice %arg6[%dma_wait3A_1282, %dma_wait3A_1283] : memref<100000x128xf32, #tpu.memory_space<hbm>> -> memref<100000x128xf32, #tpu.memory_space<hbm>>
    tpu.wait_indirect_dma semaphore(%arg20 : memref<!tpu.dma_semaphore, #tpu.memory_space<semaphore_mem>>) src(%dma_wait3A_1284 : memref<100000x128xf32, #tpu.memory_space<hbm>>) dst(%arg14 : memref<128x128xf32, #tpu.memory_space<vmem>>)
    %iota3A_1285 = tpu.iota {dimensions = array<i32: 0>} : vector<16xi32>
    %eq3A_1286 = arith.constant 15 : i32
    %eq3A_1287 = vector.broadcast %eq3A_1286 : i32 to vector<16xi32>
    %eq3A_1288 = arith.cmpi eq, %iota3A_1285, %eq3A_1287 : vector<16xi32>
    %get3A_1289 = arith.constant 0 : i32
    %get3A_1290 = arith.index_cast %get3A_1289 : i32 to index
    %get3A_1291 = arith.constant 0 : index
    %get3A_1292 = tpu.vector_load %arg12[%get3A_1290, %get3A_1291] {strides = array<i32>} : memref<128x128xf32, #tpu.memory_space<vmem>>, vector<16xf32>,
    %get3A_1293 = arith.constant 0 : i32
    %get3A_1294 = arith.index_cast %get3A_1293 : i32 to index
    %get3A_1295 = arith.constant 0 : index
    %get3A_1296 = tpu.vector_load %arg13[%get3A_1294, %get3A_1295] {strides = array<i32>} : memref<128x128xf32, #tpu.memory_space<vmem>>, vector<16xf32>,
    %mul3A_1297 = arith.mulf %get3A_1292, %get3A_1296 : vector<16xf32>
    %get3A_1298 = arith.constant 0 : i32
    %get3A_1299 = arith.index_cast %get3A_1298 : i32 to index
    %get3A_1300 = arith.constant 0 : index
    %get3A_1301 = tpu.vector_load %arg14[%get3A_1299, %get3A_1300] {strides = array<i32>} : memref<128x128xf32, #tpu.memory_space<vmem>>, vector<16xf32>,
    %mul3A_1302 = arith.mulf %get3A_1292, %get3A_1301 : vector<16xf32>
    %get3A_1303 = arith.constant 0 : i32
    %get3A_1304 = arith.index_cast %get3A_1303 : i32 to index
    %get3A_1305 = arith.constant 16 : index
    %get3A_1306 = tpu.vector_load %arg12[%get3A_1304, %get3A_1305] {strides = array<i32>} : memref<128x128xf32, #tpu.memory_space<vmem>>, vector<16xf32>,
    %get3A_1307 = arith.constant 0 : i32
    %get3A_1308 = arith.index_cast %get3A_1307 : i32 to index
    %get3A_1309 = arith.constant 16 : index
    %get3A_1310 = tpu.vector_load %arg13[%get3A_1308, %get3A_1309] {strides = array<i32>} : memref<128x128xf32, #tpu.memory_space<vmem>>, vector<16xf32>,
    %mul3A_1311 = arith.mulf %get3A_1306, %get3A_1310 : vector<16xf32>
    %add3A_1312 = arith.addf %mul3A_1297, %mul3A_1311 : vector<16xf32>
    %get3A_1313 = arith.constant 0 : i32
    %get3A_1314 = arith.index_cast %get3A_1313 : i32 to index
    %get3A_1315 = arith.constant 16 : index
    %get3A_1316 = tpu.vector_load %arg14[%get3A_1314, %get3A_1315] {strides = array<i32>} : memref<128x128xf32, #tpu.memory_space<vmem>>, vector<16xf32>,
    %mul3A_1317 = arith.mulf %get3A_1306, %get3A_1316 : vector<16xf32>
    %add3A_1318 = arith.addf %mul3A_1302, %mul3A_1317 : vector<16xf32>
    %get3A_1319 = arith.constant 0 : i32
    %get3A_1320 = arith.index_cast %get3A_1319 : i32 to index
    %get3A_1321 = arith.constant 32 : index
    %get3A_1322 = tpu.vector_load %arg12[%get3A_1320, %get3A_1321] {strides = array<i32>} : memref<128x128xf32, #tpu.memory_space<vmem>>, vector<16xf32>,
    %get3A_1323 = arith.constant 0 : i32
    %get3A_1324 = arith.index_cast %get3A_1323 : i32 to index
    %get3A_1325 = arith.constant 32 : index
    %get3A_1326 = tpu.vector_load %arg13[%get3A_1324, %get3A_1325] {strides = array<i32>} : memref<128x128xf32, #tpu.memory_space<vmem>>, vector<16xf32>,
    %mul3A_1327 = arith.mulf %get3A_1322, %get3A_1326 : vector<16xf32>
    %add3A_1328 = arith.addf %add3A_1312, %mul3A_1327 : vector<16xf32>
    %get3A_1329 = arith.constant 0 : i32
    %get3A_1330 = arith.index_cast %get3A_1329 : i32 to index
    %get3A_1331 = arith.constant 32 : index
    %get3A_1332 = tpu.vector_load %arg14[%get3A_1330, %get3A_1331] {strides = array<i32>} : memref<128x128xf32, #tpu.memory_space<vmem>>, vector<16xf32>,
    %mul3A_1333 = arith.mulf %get3A_1322, %get3A_1332 : vector<16xf32>
    %add3A_1334 = arith.addf %add3A_1318, %mul3A_1333 : vector<16xf32>
    %get3A_1335 = arith.constant 0 : i32
    %get3A_1336 = arith.index_cast %get3A_1335 : i32 to index
    %get3A_1337 = arith.constant 48 : index
    %get3A_1338 = tpu.vector_load %arg12[%get3A_1336, %get3A_1337] {strides = array<i32>} : memref<128x128xf32, #tpu.memory_space<vmem>>, vector<16xf32>,
    %get3A_1339 = arith.constant 0 : i32
    %get3A_1340 = arith.index_cast %get3A_1339 : i32 to index
    %get3A_1341 = arith.constant 48 : index
    %get3A_1342 = tpu.vector_load %arg13[%get3A_1340, %get3A_1341] {strides = array<i32>} : memref<128x128xf32, #tpu.memory_space<vmem>>, vector<16xf32>,
    %mul3A_1343 = arith.mulf %get3A_1338, %get3A_1342 : vector<16xf32>
    %add3A_1344 = arith.addf %add3A_1328, %mul3A_1343 : vector<16xf32>
    %get3A_1345 = arith.constant 0 : i32
    %get3A_1346 = arith.index_cast %get3A_1345 : i32 to index
    %get3A_1347 = arith.constant 48 : index
    %get3A_1348 = tpu.vector_load %arg14[%get3A_1346, %get3A_1347] {strides = array<i32>} : memref<128x128xf32, #tpu.memory_space<vmem>>, vector<16xf32>,
    %mul3A_1349 = arith.mulf %get3A_1338, %get3A_1348 : vector<16xf32>
    %add3A_1350 = arith.addf %add3A_1334, %mul3A_1349 : vector<16xf32>
    %get3A_1351 = arith.constant 0 : i32
    %get3A_1352 = arith.index_cast %get3A_1351 : i32 to index
    %get3A_1353 = arith.constant 64 : index
    %get3A_1354 = tpu.vector_load %arg12[%get3A_1352, %get3A_1353] {strides = array<i32>} : memref<128x128xf32, #tpu.memory_space<vmem>>, vector<16xf32>,
    %get3A_1355 = arith.constant 0 : i32
    %get3A_1356 = arith.index_cast %get3A_1355 : i32 to index
    %get3A_1357 = arith.constant 64 : index
    %get3A_1358 = tpu.vector_load %arg13[%get3A_1356, %get3A_1357] {strides = array<i32>} : memref<128x128xf32, #tpu.memory_space<vmem>>, vector<16xf32>,
    %mul3A_1359 = arith.mulf %get3A_1354, %get3A_1358 : vector<16xf32>
    %add3A_1360 = arith.addf %add3A_1344, %mul3A_1359 : vector<16xf32>
    %get3A_1361 = arith.constant 0 : i32
    %get3A_1362 = arith.index_cast %get3A_1361 : i32 to index
    %get3A_1363 = arith.constant 64 : index
    %get3A_1364 = tpu.vector_load %arg14[%get3A_1362, %get3A_1363] {strides = array<i32>} : memref<128x128xf32, #tpu.memory_space<vmem>>, vector<16xf32>,
    %mul3A_1365 = arith.mulf %get3A_1354, %get3A_1364 : vector<16xf32>
    %add3A_1366 = arith.addf %add3A_1350, %mul3A_1365 : vector<16xf32>
    %get3A_1367 = arith.constant 0 : i32
    %get3A_1368 = arith.index_cast %get3A_1367 : i32 to index
    %get3A_1369 = arith.constant 80 : index
    %get3A_1370 = tpu.vector_load %arg12[%get3A_1368, %get3A_1369] {strides = array<i32>} : memref<128x128xf32, #tpu.memory_space<vmem>>, vector<16xf32>,
    %get3A_1371 = arith.constant 0 : i32
    %get3A_1372 = arith.index_cast %get3A_1371 : i32 to index
    %get3A_1373 = arith.constant 80 : index
    %get3A_1374 = tpu.vector_load %arg13[%get3A_1372, %get3A_1373] {strides = array<i32>} : memref<128x128xf32, #tpu.memory_space<vmem>>, vector<16xf32>,
    %mul3A_1375 = arith.mulf %get3A_1370, %get3A_1374 : vector<16xf32>
    %add3A_1376 = arith.addf %add3A_1360, %mul3A_1375 : vector<16xf32>
    %get3A_1377 = arith.constant 0 : i32
    %get3A_1378 = arith.index_cast %get3A_1377 : i32 to index
    %get3A_1379 = arith.constant 80 : index
    %get3A_1380 = tpu.vector_load %arg14[%get3A_1378, %get3A_1379] {strides = array<i32>} : memref<128x128xf32, #tpu.memory_space<vmem>>, vector<16xf32>,
    %mul3A_1381 = arith.mulf %get3A_1370, %get3A_1380 : vector<16xf32>
    %add3A_1382 = arith.addf %add3A_1366, %mul3A_1381 : vector<16xf32>
    %get3A_1383 = arith.constant 0 : i32
    %get3A_1384 = arith.index_cast %get3A_1383 : i32 to index
    %get3A_1385 = arith.constant 96 : index
    %get3A_1386 = tpu.vector_load %arg12[%get3A_1384, %get3A_1385] {strides = array<i32>} : memref<128x128xf32, #tpu.memory_space<vmem>>, vector<16xf32>,
    %get3A_1387 = arith.constant 0 : i32
    %get3A_1388 = arith.index_cast %get3A_1387 : i32 to index
    %get3A_1389 = arith.constant 96 : index
    %get3A_1390 = tpu.vector_load %arg13[%get3A_1388, %get3A_1389] {strides = array<i32>} : memref<128x128xf32, #tpu.memory_space<vmem>>, vector<16xf32>,
    %mul3A_1391 = arith.mulf %get3A_1386, %get3A_1390 : vector<16xf32>
    %add3A_1392 = arith.addf %add3A_1376, %mul3A_1391 : vector<16xf32>
    %get3A_1393 = arith.constant 0 : i32
    %get3A_1394 = arith.index_cast %get3A_1393 : i32 to index
    %get3A_1395 = arith.constant 96 : index
    %get3A_1396 = tpu.vector_load %arg14[%get3A_1394, %get3A_1395] {strides = array<i32>} : memref<128x128xf32, #tpu.memory_space<vmem>>, vector<16xf32>,
    %mul3A_1397 = arith.mulf %get3A_1386, %get3A_1396 : vector<16xf32>
    %add3A_1398 = arith.addf %add3A_1382, %mul3A_1397 : vector<16xf32>
    %get3A_1399 = arith.constant 0 : i32
    %get3A_1400 = arith.index_cast %get3A_1399 : i32 to index
    %get3A_1401 = arith.constant 112 : index
    %get3A_1402 = tpu.vector_load %arg12[%get3A_1400, %get3A_1401] {strides = array<i32>} : memref<128x128xf32, #tpu.memory_space<vmem>>, vector<16xf32>,
    %get3A_1403 = arith.constant 0 : i32
    %get3A_1404 = arith.index_cast %get3A_1403 : i32 to index
    %get3A_1405 = arith.constant 112 : index
    %get3A_1406 = tpu.vector_load %arg13[%get3A_1404, %get3A_1405] {strides = array<i32>} : memref<128x128xf32, #tpu.memory_space<vmem>>, vector<16xf32>,
    %mul3A_1407 = arith.mulf %get3A_1402, %get3A_1406 : vector<16xf32>
    %add3A_1408 = arith.addf %add3A_1392, %mul3A_1407 : vector<16xf32>
    %get3A_1409 = arith.constant 0 : i32
    %get3A_1410 = arith.index_cast %get3A_1409 : i32 to index
    %get3A_1411 = arith.constant 112 : index
    %get3A_1412 = tpu.vector_load %arg14[%get3A_1410, %get3A_1411] {strides = array<i32>} : memref<128x128xf32, #tpu.memory_space<vmem>>, vector<16xf32>,
    %mul3A_1413 = arith.mulf %get3A_1402, %get3A_1412 : vector<16xf32>
    %add3A_1414 = arith.addf %add3A_1398, %mul3A_1413 : vector<16xf32>
    %get3A_1415 = arith.constant 1 : i32
    %get3A_1416 = arith.index_cast %get3A_1415 : i32 to index
    %get3A_1417 = arith.constant 0 : index
    %get3A_1418 = tpu.vector_load %arg12[%get3A_1416, %get3A_1417] {strides = array<i32>} : memref<128x128xf32, #tpu.memory_space<vmem>>, vector<16xf32>,
    %get3A_1419 = arith.constant 1 : i32
    %get3A_1420 = arith.index_cast %get3A_1419 : i32 to index
    %get3A_1421 = arith.constant 0 : index
    %get3A_1422 = tpu.vector_load %arg13[%get3A_1420, %get3A_1421] {strides = array<i32>} : memref<128x128xf32, #tpu.memory_space<vmem>>, vector<16xf32>,
    %mul3A_1423 = arith.mulf %get3A_1418, %get3A_1422 : vector<16xf32>
    %get3A_1424 = arith.constant 1 : i32
    %get3A_1425 = arith.index_cast %get3A_1424 : i32 to index
    %get3A_1426 = arith.constant 0 : index
    %get3A_1427 = tpu.vector_load %arg14[%get3A_1425, %get3A_1426] {strides = array<i32>} : memref<128x128xf32, #tpu.memory_space<vmem>>, vector<16xf32>,
    %mul3A_1428 = arith.mulf %get3A_1418, %get3A_1427 : vector<16xf32>
    %get3A_1429 = arith.constant 1 : i32
    %get3A_1430 = arith.index_cast %get3A_1429 : i32 to index
    %get3A_1431 = arith.constant 16 : index
    %get3A_1432 = tpu.vector_load %arg12[%get3A_1430, %get3A_1431] {strides = array<i32>} : memref<128x128xf32, #tpu.memory_space<vmem>>, vector<16xf32>,
    %get3A_1433 = arith.constant 1 : i32
    %get3A_1434 = arith.index_cast %get3A_1433 : i32 to index
    %get3A_1435 = arith.constant 16 : index
    %get3A_1436 = tpu.vector_load %arg13[%get3A_1434, %get3A_1435] {strides = array<i32>} : memref<128x128xf32, #tpu.memory_space<vmem>>, vector<16xf32>,
    %mul3A_1437 = arith.mulf %get3A_1432, %get3A_1436 : vector<16xf32>
    %add3A_1438 = arith.addf %mul3A_1423, %mul3A_1437 : vector<16xf32>
    %get3A_1439 = arith.constant 1 : i32
    %get3A_1440 = arith.index_cast %get3A_1439 : i32 to index
    %get3A_1441 = arith.constant 16 : index
    %get3A_1442 = tpu.vector_load %arg14[%get3A_1440, %get3A_1441] {strides = array<i32>} : memref<128x128xf32, #tpu.memory_space<vmem>>, vector<16xf32>,
    %mul3A_1443 = arith.mulf %get3A_1432, %get3A_1442 : vector<16xf32>
    %add3A_1444 = arith.addf %mul3A_1428, %mul3A_1443 : vector<16xf32>
    %get3A_1445 = arith.constant 1 : i32
    %get3A_1446 = arith.index_cast %get3A_1445 : i32 to index
    %get3A_1447 = arith.constant 32 : index
    %get3A_1448 = tpu.vector_load %arg12[%get3A_1446, %get3A_1447] {strides = array<i32>} : memref<128x128xf32, #tpu.memory_space<vmem>>, vector<16xf32>,
    %get3A_1449 = arith.constant 1 : i32
    %get3A_1450 = arith.index_cast %get3A_1449 : i32 to index
    %get3A_1451 = arith.constant 32 : index
    %get3A_1452 = tpu.vector_load %arg13[%get3A_1450, %get3A_1451] {strides = array<i32>} : memref<128x128xf32, #tpu.memory_space<vmem>>, vector<16xf32>,
    %mul3A_1453 = arith.mulf %get3A_1448, %get3A_1452 : vector<16xf32>
    %add3A_1454 = arith.addf %add3A_1438, %mul3A_1453 : vector<16xf32>
    %get3A_1455 = arith.constant 1 : i32
    %get3A_1456 = arith.index_cast %get3A_1455 : i32 to index
    %get3A_1457 = arith.constant 32 : index
    %get3A_1458 = tpu.vector_load %arg14[%get3A_1456, %get3A_1457] {strides = array<i32>} : memref<128x128xf32, #tpu.memory_space<vmem>>, vector<16xf32>,
    %mul3A_1459 = arith.mulf %get3A_1448, %get3A_1458 : vector<16xf32>
    %add3A_1460 = arith.addf %add3A_1444, %mul3A_1459 : vector<16xf32>
    %get3A_1461 = arith.constant 1 : i32
    %get3A_1462 = arith.index_cast %get3A_1461 : i32 to index
    %get3A_1463 = arith.constant 48 : index
    %get3A_1464 = tpu.vector_load %arg12[%get3A_1462, %get3A_1463] {strides = array<i32>} : memref<128x128xf32, #tpu.memory_space<vmem>>, vector<16xf32>,
    %get3A_1465 = arith.constant 1 : i32
    %get3A_1466 = arith.index_cast %get3A_1465 : i32 to index
    %get3A_1467 = arith.constant 48 : index
    %get3A_1468 = tpu.vector_load %arg13[%get3A_1466, %get3A_1467] {strides = array<i32>} : memref<128x128xf32, #tpu.memory_space<vmem>>, vector<16xf32>,
    %mul3A_1469 = arith.mulf %get3A_1464, %get3A_1468 : vector<16xf32>
    %add3A_1470 = arith.addf %add3A_1454, %mul3A_1469 : vector<16xf32>
    %get3A_1471 = arith.constant 1 : i32
    %get3A_1472 = arith.index_cast %get3A_1471 : i32 to index
    %get3A_1473 = arith.constant 48 : index
    %get3A_1474 = tpu.vector_load %arg14[%get3A_1472, %get3A_1473] {strides = array<i32>} : memref<128x128xf32, #tpu.memory_space<vmem>>, vector<16xf32>,
    %mul3A_1475 = arith.mulf %get3A_1464, %get3A_1474 : vector<16xf32>
    %add3A_1476 = arith.addf %add3A_1460, %mul3A_1475 : vector<16xf32>
    %get3A_1477 = arith.constant 1 : i32
    %get3A_1478 = arith.index_cast %get3A_1477 : i32 to index
    %get3A_1479 = arith.constant 64 : index
    %get3A_1480 = tpu.vector_load %arg12[%get3A_1478, %get3A_1479] {strides = array<i32>} : memref<128x128xf32, #tpu.memory_space<vmem>>, vector<16xf32>,
    %get3A_1481 = arith.constant 1 : i32
    %get3A_1482 = arith.index_cast %get3A_1481 : i32 to index
    %get3A_1483 = arith.constant 64 : index
    %get3A_1484 = tpu.vector_load %arg13[%get3A_1482, %get3A_1483] {strides = array<i32>} : memref<128x128xf32, #tpu.memory_space<vmem>>, vector<16xf32>,
    %mul3A_1485 = arith.mulf %get3A_1480, %get3A_1484 : vector<16xf32>
    %add3A_1486 = arith.addf %add3A_1470, %mul3A_1485 : vector<16xf32>
    %get3A_1487 = arith.constant 1 : i32
    %get3A_1488 = arith.index_cast %get3A_1487 : i32 to index
    %get3A_1489 = arith.constant 64 : index
    %get3A_1490 = tpu.vector_load %arg14[%get3A_1488, %get3A_1489] {strides = array<i32>} : memref<128x128xf32, #tpu.memory_space<vmem>>, vector<16xf32>,
    %mul3A_1491 = arith.mulf %get3A_1480, %get3A_1490 : vector<16xf32>
    %add3A_1492 = arith.addf %add3A_1476, %mul3A_1491 : vector<16xf32>
    %get3A_1493 = arith.constant 1 : i32
    %get3A_1494 = arith.index_cast %get3A_1493 : i32 to index
    %get3A_1495 = arith.constant 80 : index
    %get3A_1496 = tpu.vector_load %arg12[%get3A_1494, %get3A_1495] {strides = array<i32>} : memref<128x128xf32, #tpu.memory_space<vmem>>, vector<16xf32>,
    %get3A_1497 = arith.constant 1 : i32
    %get3A_1498 = arith.index_cast %get3A_1497 : i32 to index
    %get3A_1499 = arith.constant 80 : index
    %get3A_1500 = tpu.vector_load %arg13[%get3A_1498, %get3A_1499] {strides = array<i32>} : memref<128x128xf32, #tpu.memory_space<vmem>>, vector<16xf32>,
    %mul3A_1501 = arith.mulf %get3A_1496, %get3A_1500 : vector<16xf32>
    %add3A_1502 = arith.addf %add3A_1486, %mul3A_1501 : vector<16xf32>
    %get3A_1503 = arith.constant 1 : i32
    %get3A_1504 = arith.index_cast %get3A_1503 : i32 to index
    %get3A_1505 = arith.constant 80 : index
    %get3A_1506 = tpu.vector_load %arg14[%get3A_1504, %get3A_1505] {strides = array<i32>} : memref<128x128xf32, #tpu.memory_space<vmem>>, vector<16xf32>,
    %mul3A_1507 = arith.mulf %get3A_1496, %get3A_1506 : vector<16xf32>
    %add3A_1508 = arith.addf %add3A_1492, %mul3A_1507 : vector<16xf32>
    %get3A_1509 = arith.constant 1 : i32
    %get3A_1510 = arith.index_cast %get3A_1509 : i32 to index
    %get3A_1511 = arith.constant 96 : index
    %get3A_1512 = tpu.vector_load %arg12[%get3A_1510, %get3A_1511] {strides = array<i32>} : memref<128x128xf32, #tpu.memory_space<vmem>>, vector<16xf32>,
    %get3A_1513 = arith.constant 1 : i32
    %get3A_1514 = arith.index_cast %get3A_1513 : i32 to index
    %get3A_1515 = arith.constant 96 : index
    %get3A_1516 = tpu.vector_load %arg13[%get3A_1514, %get3A_1515] {strides = array<i32>} : memref<128x128xf32, #tpu.memory_space<vmem>>, vector<16xf32>,
    %mul3A_1517 = arith.mulf %get3A_1512, %get3A_1516 : vector<16xf32>
    %add3A_1518 = arith.addf %add3A_1502, %mul3A_1517 : vector<16xf32>
    %get3A_1519 = arith.constant 1 : i32
    %get3A_1520 = arith.index_cast %get3A_1519 : i32 to index
    %get3A_1521 = arith.constant 96 : index
    %get3A_1522 = tpu.vector_load %arg14[%get3A_1520, %get3A_1521] {strides = array<i32>} : memref<128x128xf32, #tpu.memory_space<vmem>>, vector<16xf32>,
    %mul3A_1523 = arith.mulf %get3A_1512, %get3A_1522 : vector<16xf32>
    %add3A_1524 = arith.addf %add3A_1508, %mul3A_1523 : vector<16xf32>
    %get3A_1525 = arith.constant 1 : i32
    %get3A_1526 = arith.index_cast %get3A_1525 : i32 to index
    %get3A_1527 = arith.constant 112 : index
    %get3A_1528 = tpu.vector_load %arg12[%get3A_1526, %get3A_1527] {strides = array<i32>} : memref<128x128xf32, #tpu.memory_space<vmem>>, vector<16xf32>,
    %get3A_1529 = arith.constant 1 : i32
    %get3A_1530 = arith.index_cast %get3A_1529 : i32 to index
    %get3A_1531 = arith.constant 112 : index
    %get3A_1532 = tpu.vector_load %arg13[%get3A_1530, %get3A_1531] {strides = array<i32>} : memref<128x128xf32, #tpu.memory_space<vmem>>, vector<16xf32>,
    %mul3A_1533 = arith.mulf %get3A_1528, %get3A_1532 : vector<16xf32>
    %add3A_1534 = arith.addf %add3A_1518, %mul3A_1533 : vector<16xf32>
    %get3A_1535 = arith.constant 1 : i32
    %get3A_1536 = arith.index_cast %get3A_1535 : i32 to index
    %get3A_1537 = arith.constant 112 : index
    %get3A_1538 = tpu.vector_load %arg14[%get3A_1536, %get3A_1537] {strides = array<i32>} : memref<128x128xf32, #tpu.memory_space<vmem>>, vector<16xf32>,
    %mul3A_1539 = arith.mulf %get3A_1528, %get3A_1538 : vector<16xf32>
    %add3A_1540 = arith.addf %add3A_1524, %mul3A_1539 : vector<16xf32>
    %get3A_1541 = arith.constant 2 : i32
    %get3A_1542 = arith.index_cast %get3A_1541 : i32 to index
    %get3A_1543 = arith.constant 0 : index
    %get3A_1544 = tpu.vector_load %arg12[%get3A_1542, %get3A_1543] {strides = array<i32>} : memref<128x128xf32, #tpu.memory_space<vmem>>, vector<16xf32>,
    %get3A_1545 = arith.constant 2 : i32
    %get3A_1546 = arith.index_cast %get3A_1545 : i32 to index
    %get3A_1547 = arith.constant 0 : index
    %get3A_1548 = tpu.vector_load %arg13[%get3A_1546, %get3A_1547] {strides = array<i32>} : memref<128x128xf32, #tpu.memory_space<vmem>>, vector<16xf32>,
    %mul3A_1549 = arith.mulf %get3A_1544, %get3A_1548 : vector<16xf32>
    %get3A_1550 = arith.constant 2 : i32
    %get3A_1551 = arith.index_cast %get3A_1550 : i32 to index
    %get3A_1552 = arith.constant 0 : index
    %get3A_1553 = tpu.vector_load %arg14[%get3A_1551, %get3A_1552] {strides = array<i32>} : memref<128x128xf32, #tpu.memory_space<vmem>>, vector<16xf32>,
    %mul3A_1554 = arith.mulf %get3A_1544, %get3A_1553 : vector<16xf32>
    %get3A_1555 = arith.constant 2 : i32
    %get3A_1556 = arith.index_cast %get3A_1555 : i32 to index
    %get3A_1557 = arith.constant 16 : index
    %get3A_1558 = tpu.vector_load %arg12[%get3A_1556, %get3A_1557] {strides = array<i32>} : memref<128x128xf32, #tpu.memory_space<vmem>>, vector<16xf32>,
    %get3A_1559 = arith.constant 2 : i32
    %get3A_1560 = arith.index_cast %get3A_1559 : i32 to index
    %get3A_1561 = arith.constant 16 : index
    %get3A_1562 = tpu.vector_load %arg13[%get3A_1560, %get3A_1561] {strides = array<i32>} : memref<128x128xf32, #tpu.memory_space<vmem>>, vector<16xf32>,
    %mul3A_1563 = arith.mulf %get3A_1558, %get3A_1562 : vector<16xf32>
    %add3A_1564 = arith.addf %mul3A_1549, %mul3A_1563 : vector<16xf32>
    %get3A_1565 = arith.constant 2 : i32
    %get3A_1566 = arith.index_cast %get3A_1565 : i32 to index
    %get3A_1567 = arith.constant 16 : index
    %get3A_1568 = tpu.vector_load %arg14[%get3A_1566, %get3A_1567] {strides = array<i32>} : memref<128x128xf32, #tpu.memory_space<vmem>>, vector<16xf32>,
    %mul3A_1569 = arith.mulf %get3A_1558, %get3A_1568 : vector<16xf32>
    %add3A_1570 = arith.addf %mul3A_1554, %mul3A_1569 : vector<16xf32>
    %get3A_1571 = arith.constant 2 : i32
    %get3A_1572 = arith.index_cast %get3A_1571 : i32 to index
    %get3A_1573 = arith.constant 32 : index
    %get3A_1574 = tpu.vector_load %arg12[%get3A_1572, %get3A_1573] {strides = array<i32>} : memref<128x128xf32, #tpu.memory_space<vmem>>, vector<16xf32>,
    %get3A_1575 = arith.constant 2 : i32
    %get3A_1576 = arith.index_cast %get3A_1575 : i32 to index
    %get3A_1577 = arith.constant 32 : index
    %get3A_1578 = tpu.vector_load %arg13[%get3A_1576, %get3A_1577] {strides = array<i32>} : memref<128x128xf32, #tpu.memory_space<vmem>>, vector<16xf32>,
    %mul3A_1579 = arith.mulf %get3A_1574, %get3A_1578 : vector<16xf32>
    %add3A_1580 = arith.addf %add3A_1564, %mul3A_1579 : vector<16xf32>
    %get3A_1581 = arith.constant 2 : i32
    %get3A_1582 = arith.index_cast %get3A_1581 : i32 to index
    %get3A_1583 = arith.constant 32 : index
    %get3A_1584 = tpu.vector_load %arg14[%get3A_1582, %get3A_1583] {strides = array<i32>} : memref<128x128xf32, #tpu.memory_space<vmem>>, vector<16xf32>,
    %mul3A_1585 = arith.mulf %get3A_1574, %get3A_1584 : vector<16xf32>
    %add3A_1586 = arith.addf %add3A_1570, %mul3A_1585 : vector<16xf32>
    %get3A_1587 = arith.constant 2 : i32
    %get3A_1588 = arith.index_cast %get3A_1587 : i32 to index
    %get3A_1589 = arith.constant 48 : index
    %get3A_1590 = tpu.vector_load %arg12[%get3A_1588, %get3A_1589] {strides = array<i32>} : memref<128x128xf32, #tpu.memory_space<vmem>>, vector<16xf32>,
    %get3A_1591 = arith.constant 2 : i32
    %get3A_1592 = arith.index_cast %get3A_1591 : i32 to index
    %get3A_1593 = arith.constant 48 : index
    %get3A_1594 = tpu.vector_load %arg13[%get3A_1592, %get3A_1593] {strides = array<i32>} : memref<128x128xf32, #tpu.memory_space<vmem>>, vector<16xf32>,
    %mul3A_1595 = arith.mulf %get3A_1590, %get3A_1594 : vector<16xf32>
    %add3A_1596 = arith.addf %add3A_1580, %mul3A_1595 : vector<16xf32>
    %get3A_1597 = arith.constant 2 : i32
    %get3A_1598 = arith.index_cast %get3A_1597 : i32 to index
    %get3A_1599 = arith.constant 48 : index
    %get3A_1600 = tpu.vector_load %arg14[%get3A_1598, %get3A_1599] {strides = array<i32>} : memref<128x128xf32, #tpu.memory_space<vmem>>, vector<16xf32>,
    %mul3A_1601 = arith.mulf %get3A_1590, %get3A_1600 : vector<16xf32>
    %add3A_1602 = arith.addf %add3A_1586, %mul3A_1601 : vector<16xf32>
    %get3A_1603 = arith.constant 2 : i32
    %get3A_1604 = arith.index_cast %get3A_1603 : i32 to index
    %get3A_1605 = arith.constant 64 : index
    %get3A_1606 = tpu.vector_load %arg12[%get3A_1604, %get3A_1605] {strides = array<i32>} : memref<128x128xf32, #tpu.memory_space<vmem>>, vector<16xf32>,
    %get3A_1607 = arith.constant 2 : i32
    %get3A_1608 = arith.index_cast %get3A_1607 : i32 to index
    %get3A_1609 = arith.constant 64 : index
    %get3A_1610 = tpu.vector_load %arg13[%get3A_1608, %get3A_1609] {strides = array<i32>} : memref<128x128xf32, #tpu.memory_space<vmem>>, vector<16xf32>,
    %mul3A_1611 = arith.mulf %get3A_1606, %get3A_1610 : vector<16xf32>
    %add3A_1612 = arith.addf %add3A_1596, %mul3A_1611 : vector<16xf32>
    %get3A_1613 = arith.constant 2 : i32
    %get3A_1614 = arith.index_cast %get3A_1613 : i32 to index
    %get3A_1615 = arith.constant 64 : index
    %get3A_1616 = tpu.vector_load %arg14[%get3A_1614, %get3A_1615] {strides = array<i32>} : memref<128x128xf32, #tpu.memory_space<vmem>>, vector<16xf32>,
    %mul3A_1617 = arith.mulf %get3A_1606, %get3A_1616 : vector<16xf32>
    %add3A_1618 = arith.addf %add3A_1602, %mul3A_1617 : vector<16xf32>
    %get3A_1619 = arith.constant 2 : i32
    %get3A_1620 = arith.index_cast %get3A_1619 : i32 to index
    %get3A_1621 = arith.constant 80 : index
    %get3A_1622 = tpu.vector_load %arg12[%get3A_1620, %get3A_1621] {strides = array<i32>} : memref<128x128xf32, #tpu.memory_space<vmem>>, vector<16xf32>,
    %get3A_1623 = arith.constant 2 : i32
    %get3A_1624 = arith.index_cast %get3A_1623 : i32 to index
    %get3A_1625 = arith.constant 80 : index
    %get3A_1626 = tpu.vector_load %arg13[%get3A_1624, %get3A_1625] {strides = array<i32>} : memref<128x128xf32, #tpu.memory_space<vmem>>, vector<16xf32>,
    %mul3A_1627 = arith.mulf %get3A_1622, %get3A_1626 : vector<16xf32>
    %add3A_1628 = arith.addf %add3A_1612, %mul3A_1627 : vector<16xf32>
    %get3A_1629 = arith.constant 2 : i32
    %get3A_1630 = arith.index_cast %get3A_1629 : i32 to index
    %get3A_1631 = arith.constant 80 : index
    %get3A_1632 = tpu.vector_load %arg14[%get3A_1630, %get3A_1631] {strides = array<i32>} : memref<128x128xf32, #tpu.memory_space<vmem>>, vector<16xf32>,
    %mul3A_1633 = arith.mulf %get3A_1622, %get3A_1632 : vector<16xf32>
    %add3A_1634 = arith.addf %add3A_1618, %mul3A_1633 : vector<16xf32>
    %get3A_1635 = arith.constant 2 : i32
    %get3A_1636 = arith.index_cast %get3A_1635 : i32 to index
    %get3A_1637 = arith.constant 96 : index
    %get3A_1638 = tpu.vector_load %arg12[%get3A_1636, %get3A_1637] {strides = array<i32>} : memref<128x128xf32, #tpu.memory_space<vmem>>, vector<16xf32>,
    %get3A_1639 = arith.constant 2 : i32
    %get3A_1640 = arith.index_cast %get3A_1639 : i32 to index
    %get3A_1641 = arith.constant 96 : index
    %get3A_1642 = tpu.vector_load %arg13[%get3A_1640, %get3A_1641] {strides = array<i32>} : memref<128x128xf32, #tpu.memory_space<vmem>>, vector<16xf32>,
    %mul3A_1643 = arith.mulf %get3A_1638, %get3A_1642 : vector<16xf32>
    %add3A_1644 = arith.addf %add3A_1628, %mul3A_1643 : vector<16xf32>
    %get3A_1645 = arith.constant 2 : i32
    %get3A_1646 = arith.index_cast %get3A_1645 : i32 to index
    %get3A_1647 = arith.constant 96 : index
    %get3A_1648 = tpu.vector_load %arg14[%get3A_1646, %get3A_1647] {strides = array<i32>} : memref<128x128xf32, #tpu.memory_space<vmem>>, vector<16xf32>,
    %mul3A_1649 = arith.mulf %get3A_1638, %get3A_1648 : vector<16xf32>
    %add3A_1650 = arith.addf %add3A_1634, %mul3A_1649 : vector<16xf32>
    %get3A_1651 = arith.constant 2 : i32
    %get3A_1652 = arith.index_cast %get3A_1651 : i32 to index
    %get3A_1653 = arith.constant 112 : index
    %get3A_1654 = tpu.vector_load %arg12[%get3A_1652, %get3A_1653] {strides = array<i32>} : memref<128x128xf32, #tpu.memory_space<vmem>>, vector<16xf32>,
    %get3A_1655 = arith.constant 2 : i32
    %get3A_1656 = arith.index_cast %get3A_1655 : i32 to index
    %get3A_1657 = arith.constant 112 : index
    %get3A_1658 = tpu.vector_load %arg13[%get3A_1656, %get3A_1657] {strides = array<i32>} : memref<128x128xf32, #tpu.memory_space<vmem>>, vector<16xf32>,
    %mul3A_1659 = arith.mulf %get3A_1654, %get3A_1658 : vector<16xf32>
    %add3A_1660 = arith.addf %add3A_1644, %mul3A_1659 : vector<16xf32>
    %get3A_1661 = arith.constant 2 : i32
    %get3A_1662 = arith.index_cast %get3A_1661 : i32 to index
    %get3A_1663 = arith.constant 112 : index
    %get3A_1664 = tpu.vector_load %arg14[%get3A_1662, %get3A_1663] {strides = array<i32>} : memref<128x128xf32, #tpu.memory_space<vmem>>, vector<16xf32>,
    %mul3A_1665 = arith.mulf %get3A_1654, %get3A_1664 : vector<16xf32>
    %add3A_1666 = arith.addf %add3A_1650, %mul3A_1665 : vector<16xf32>
    %get3A_1667 = arith.constant 3 : i32
    %get3A_1668 = arith.index_cast %get3A_1667 : i32 to index
    %get3A_1669 = arith.constant 0 : index
    %get3A_1670 = tpu.vector_load %arg12[%get3A_1668, %get3A_1669] {strides = array<i32>} : memref<128x128xf32, #tpu.memory_space<vmem>>, vector<16xf32>,
    %get3A_1671 = arith.constant 3 : i32
    %get3A_1672 = arith.index_cast %get3A_1671 : i32 to index
    %get3A_1673 = arith.constant 0 : index
    %get3A_1674 = tpu.vector_load %arg13[%get3A_1672, %get3A_1673] {strides = array<i32>} : memref<128x128xf32, #tpu.memory_space<vmem>>, vector<16xf32>,
    %mul3A_1675 = arith.mulf %get3A_1670, %get3A_1674 : vector<16xf32>
    %get3A_1676 = arith.constant 3 : i32
    %get3A_1677 = arith.index_cast %get3A_1676 : i32 to index
    %get3A_1678 = arith.constant 0 : index
    %get3A_1679 = tpu.vector_load %arg14[%get3A_1677, %get3A_1678] {strides = array<i32>} : memref<128x128xf32, #tpu.memory_space<vmem>>, vector<16xf32>,
    %mul3A_1680 = arith.mulf %get3A_1670, %get3A_1679 : vector<16xf32>
    %get3A_1681 = arith.constant 3 : i32
    %get3A_1682 = arith.index_cast %get3A_1681 : i32 to index
    %get3A_1683 = arith.constant 16 : index
    %get3A_1684 = tpu.vector_load %arg12[%get3A_1682, %get3A_1683] {strides = array<i32>} : memref<128x128xf32, #tpu.memory_space<vmem>>, vector<16xf32>,
    %get3A_1685 = arith.constant 3 : i32
    %get3A_1686 = arith.index_cast %get3A_1685 : i32 to index
    %get3A_1687 = arith.constant 16 : index
    %get3A_1688 = tpu.vector_load %arg13[%get3A_1686, %get3A_1687] {strides = array<i32>} : memref<128x128xf32, #tpu.memory_space<vmem>>, vector<16xf32>,
    %mul3A_1689 = arith.mulf %get3A_1684, %get3A_1688 : vector<16xf32>
    %add3A_1690 = arith.addf %mul3A_1675, %mul3A_1689 : vector<16xf32>
    %get3A_1691 = arith.constant 3 : i32
    %get3A_1692 = arith.index_cast %get3A_1691 : i32 to index
    %get3A_1693 = arith.constant 16 : index
    %get3A_1694 = tpu.vector_load %arg14[%get3A_1692, %get3A_1693] {strides = array<i32>} : memref<128x128xf32, #tpu.memory_space<vmem>>, vector<16xf32>,
    %mul3A_1695 = arith.mulf %get3A_1684, %get3A_1694 : vector<16xf32>
    %add3A_1696 = arith.addf %mul3A_1680, %mul3A_1695 : vector<16xf32>
    %get3A_1697 = arith.constant 3 : i32
    %get3A_1698 = arith.index_cast %get3A_1697 : i32 to index
    %get3A_1699 = arith.constant 32 : index
    %get3A_1700 = tpu.vector_load %arg12[%get3A_1698, %get3A_1699] {strides = array<i32>} : memref<128x128xf32, #tpu.memory_space<vmem>>, vector<16xf32>,
    %get3A_1701 = arith.constant 3 : i32
    %get3A_1702 = arith.index_cast %get3A_1701 : i32 to index
    %get3A_1703 = arith.constant 32 : index
    %get3A_1704 = tpu.vector_load %arg13[%get3A_1702, %get3A_1703] {strides = array<i32>} : memref<128x128xf32, #tpu.memory_space<vmem>>, vector<16xf32>,
    %mul3A_1705 = arith.mulf %get3A_1700, %get3A_1704 : vector<16xf32>
    %add3A_1706 = arith.addf %add3A_1690, %mul3A_1705 : vector<16xf32>
    %get3A_1707 = arith.constant 3 : i32
    %get3A_1708 = arith.index_cast %get3A_1707 : i32 to index
    %get3A_1709 = arith.constant 32 : index
    %get3A_1710 = tpu.vector_load %arg14[%get3A_1708, %get3A_1709] {strides = array<i32>} : memref<128x128xf32, #tpu.memory_space<vmem>>, vector<16xf32>,
    %mul3A_1711 = arith.mulf %get3A_1700, %get3A_1710 : vector<16xf32>
    %add3A_1712 = arith.addf %add3A_1696, %mul3A_1711 : vector<16xf32>
    %get3A_1713 = arith.constant 3 : i32
    %get3A_1714 = arith.index_cast %get3A_1713 : i32 to index
    %get3A_1715 = arith.constant 48 : index
    %get3A_1716 = tpu.vector_load %arg12[%get3A_1714, %get3A_1715] {strides = array<i32>} : memref<128x128xf32, #tpu.memory_space<vmem>>, vector<16xf32>,
    %get3A_1717 = arith.constant 3 : i32
    %get3A_1718 = arith.index_cast %get3A_1717 : i32 to index
    %get3A_1719 = arith.constant 48 : index
    %get3A_1720 = tpu.vector_load %arg13[%get3A_1718, %get3A_1719] {strides = array<i32>} : memref<128x128xf32, #tpu.memory_space<vmem>>, vector<16xf32>,
    %mul3A_1721 = arith.mulf %get3A_1716, %get3A_1720 : vector<16xf32>
    %add3A_1722 = arith.addf %add3A_1706, %mul3A_1721 : vector<16xf32>
    %get3A_1723 = arith.constant 3 : i32
    %get3A_1724 = arith.index_cast %get3A_1723 : i32 to index
    %get3A_1725 = arith.constant 48 : index
    %get3A_1726 = tpu.vector_load %arg14[%get3A_1724, %get3A_1725] {strides = array<i32>} : memref<128x128xf32, #tpu.memory_space<vmem>>, vector<16xf32>,
    %mul3A_1727 = arith.mulf %get3A_1716, %get3A_1726 : vector<16xf32>
    %add3A_1728 = arith.addf %add3A_1712, %mul3A_1727 : vector<16xf32>
    %get3A_1729 = arith.constant 3 : i32
    %get3A_1730 = arith.index_cast %get3A_1729 : i32 to index
    %get3A_1731 = arith.constant 64 : index
    %get3A_1732 = tpu.vector_load %arg12[%get3A_1730, %get3A_1731] {strides = array<i32>} : memref<128x128xf32, #tpu.memory_space<vmem>>, vector<16xf32>,
    %get3A_1733 = arith.constant 3 : i32
    %get3A_1734 = arith.index_cast %get3A_1733 : i32 to index
    %get3A_1735 = arith.constant 64 : index
    %get3A_1736 = tpu.vector_load %arg13[%get3A_1734, %get3A_1735] {strides = array<i32>} : memref<128x128xf32, #tpu.memory_space<vmem>>, vector<16xf32>,
    %mul3A_1737 = arith.mulf %get3A_1732, %get3A_1736 : vector<16xf32>
    %add3A_1738 = arith.addf %add3A_1722, %mul3A_1737 : vector<16xf32>
    %get3A_1739 = arith.constant 3 : i32
    %get3A_1740 = arith.index_cast %get3A_1739 : i32 to index
    %get3A_1741 = arith.constant 64 : index
    %get3A_1742 = tpu.vector_load %arg14[%get3A_1740, %get3A_1741] {strides = array<i32>} : memref<128x128xf32, #tpu.memory_space<vmem>>, vector<16xf32>,
    %mul3A_1743 = arith.mulf %get3A_1732, %get3A_1742 : vector<16xf32>
    %add3A_1744 = arith.addf %add3A_1728, %mul3A_1743 : vector<16xf32>
    %get3A_1745 = arith.constant 3 : i32
    %get3A_1746 = arith.index_cast %get3A_1745 : i32 to index
    %get3A_1747 = arith.constant 80 : index
    %get3A_1748 = tpu.vector_load %arg12[%get3A_1746, %get3A_1747] {strides = array<i32>} : memref<128x128xf32, #tpu.memory_space<vmem>>, vector<16xf32>,
    %get3A_1749 = arith.constant 3 : i32
    %get3A_1750 = arith.index_cast %get3A_1749 : i32 to index
    %get3A_1751 = arith.constant 80 : index
    %get3A_1752 = tpu.vector_load %arg13[%get3A_1750, %get3A_1751] {strides = array<i32>} : memref<128x128xf32, #tpu.memory_space<vmem>>, vector<16xf32>,
    %mul3A_1753 = arith.mulf %get3A_1748, %get3A_1752 : vector<16xf32>
    %add3A_1754 = arith.addf %add3A_1738, %mul3A_1753 : vector<16xf32>
    %get3A_1755 = arith.constant 3 : i32
    %get3A_1756 = arith.index_cast %get3A_1755 : i32 to index
    %get3A_1757 = arith.constant 80 : index
    %get3A_1758 = tpu.vector_load %arg14[%get3A_1756, %get3A_1757] {strides = array<i32>} : memref<128x128xf32, #tpu.memory_space<vmem>>, vector<16xf32>,
    %mul3A_1759 = arith.mulf %get3A_1748, %get3A_1758 : vector<16xf32>
    %add3A_1760 = arith.addf %add3A_1744, %mul3A_1759 : vector<16xf32>
    %get3A_1761 = arith.constant 3 : i32
    %get3A_1762 = arith.index_cast %get3A_1761 : i32 to index
    %get3A_1763 = arith.constant 96 : index
    %get3A_1764 = tpu.vector_load %arg12[%get3A_1762, %get3A_1763] {strides = array<i32>} : memref<128x128xf32, #tpu.memory_space<vmem>>, vector<16xf32>,
    %get3A_1765 = arith.constant 3 : i32
    %get3A_1766 = arith.index_cast %get3A_1765 : i32 to index
    %get3A_1767 = arith.constant 96 : index
    %get3A_1768 = tpu.vector_load %arg13[%get3A_1766, %get3A_1767] {strides = array<i32>} : memref<128x128xf32, #tpu.memory_space<vmem>>, vector<16xf32>,
    %mul3A_1769 = arith.mulf %get3A_1764, %get3A_1768 : vector<16xf32>
    %add3A_1770 = arith.addf %add3A_1754, %mul3A_1769 : vector<16xf32>
    %get3A_1771 = arith.constant 3 : i32
    %get3A_1772 = arith.index_cast %get3A_1771 : i32 to index
    %get3A_1773 = arith.constant 96 : index
    %get3A_1774 = tpu.vector_load %arg14[%get3A_1772, %get3A_1773] {strides = array<i32>} : memref<128x128xf32, #tpu.memory_space<vmem>>, vector<16xf32>,
    %mul3A_1775 = arith.mulf %get3A_1764, %get3A_1774 : vector<16xf32>
    %add3A_1776 = arith.addf %add3A_1760, %mul3A_1775 : vector<16xf32>
    %get3A_1777 = arith.constant 3 : i32
    %get3A_1778 = arith.index_cast %get3A_1777 : i32 to index
    %get3A_1779 = arith.constant 112 : index
    %get3A_1780 = tpu.vector_load %arg12[%get3A_1778, %get3A_1779] {strides = array<i32>} : memref<128x128xf32, #tpu.memory_space<vmem>>, vector<16xf32>,
    %get3A_1781 = arith.constant 3 : i32
    %get3A_1782 = arith.index_cast %get3A_1781 : i32 to index
    %get3A_1783 = arith.constant 112 : index
    %get3A_1784 = tpu.vector_load %arg13[%get3A_1782, %get3A_1783] {strides = array<i32>} : memref<128x128xf32, #tpu.memory_space<vmem>>, vector<16xf32>,
    %mul3A_1785 = arith.mulf %get3A_1780, %get3A_1784 : vector<16xf32>
    %add3A_1786 = arith.addf %add3A_1770, %mul3A_1785 : vector<16xf32>
    %get3A_1787 = arith.constant 3 : i32
    %get3A_1788 = arith.index_cast %get3A_1787 : i32 to index
    %get3A_1789 = arith.constant 112 : index
    %get3A_1790 = tpu.vector_load %arg14[%get3A_1788, %get3A_1789] {strides = array<i32>} : memref<128x128xf32, #tpu.memory_space<vmem>>, vector<16xf32>,
    %mul3A_1791 = arith.mulf %get3A_1780, %get3A_1790 : vector<16xf32>
    %add3A_1792 = arith.addf %add3A_1776, %mul3A_1791 : vector<16xf32>
    %scan3A_1793 = arith.constant 1 : i32
    %scan3A_1794 = arith.constant 31 : i32
    %scan3A_1795 = arith.addi %scan3A_1793, %scan3A_1794 : i32
    %scan3A_1796 = arith.constant 1 : i32
    %scan3A_1797:8 = scf.for %scan3A_2408 = %scan3A_1793 to %scan3A_1795 step %scan3A_1796 iter_args(%scan3A_2409 = %add3A_1408, %scan3A_2410 = %add3A_1414, %scan3A_2411 = %add3A_1534, %scan3A_2412 = %add3A_1540, %scan3A_2413 = %add3A_1660, %scan3A_2414 = %add3A_1666, %scan3A_2415 = %add3A_1786, %scan3A_2416 = %add3A_1792) -> (vector<16xf32>, vector<16xf32>, vector<16xf32>, vector<16xf32>, vector<16xf32>, vector<16xf32>, vector<16xf32>, vector<16xf32>)  : i32 {
      %sub3A = arith.constant 1 : i32
      %sub3A_2417 = arith.subi %scan3A_2408, %sub3A : i32
      %mul3A_2418 = arith.constant 4 : i32
      %mul3A_2419 = arith.muli %sub3A_2417, %mul3A_2418 : i32
      %add3A_2420 = arith.constant 256 : i32
      %add3A_2421 = arith.addi %add3A_2420, %mul3A_2419 : i32
      %add3A_2422 = arith.constant 0 : i32
      %add3A_2423 = arith.addi %add3A_2421, %add3A_2422 : i32
      %broadcast_in_dim3A_2424 = arith.constant true
      %broadcast_in_dim3A_2425 = vector.broadcast %broadcast_in_dim3A_2424 : i1 to vector<16xi1>
      %masked_cumsum3A_2426 = tpu.scan <sum>, %scan3A_2409 masked %broadcast_in_dim3A_2425 : vector<16xf32>, vector<16xi1> -> vector<16xf32>
      %swap3A_2427 = arith.index_cast %add3A_2423 : i32 to index
      %swap3A_2428 = tpu.vector_load %arg18[%swap3A_2427] masked %eq3A_1288 {strides = array<i32>} : memref<528xf32, #tpu.memory_space<vmem>>, vector<16xf32>, vector<16xi1>
      tpu.vector_store %arg18[%swap3A_2427], %masked_cumsum3A_2426 masked %eq3A_1288 {strides = array<i32>} : memref<528xf32, #tpu.memory_space<vmem>>, vector<16xf32>, vector<16xi1>
      %broadcast_in_dim3A_2429 = arith.constant true
      %broadcast_in_dim3A_2430 = vector.broadcast %broadcast_in_dim3A_2429 : i1 to vector<16xi1>
      %masked_cumsum3A_2431 = tpu.scan <sum>, %scan3A_2410 masked %broadcast_in_dim3A_2430 : vector<16xf32>, vector<16xi1> -> vector<16xf32>
      %swap3A_2432 = arith.index_cast %add3A_2423 : i32 to index
      %swap3A_2433 = tpu.vector_load %arg19[%swap3A_2432] masked %eq3A_1288 {strides = array<i32>} : memref<528xf32, #tpu.memory_space<vmem>>, vector<16xf32>, vector<16xi1>
      tpu.vector_store %arg19[%swap3A_2432], %masked_cumsum3A_2431 masked %eq3A_1288 {strides = array<i32>} : memref<528xf32, #tpu.memory_space<vmem>>, vector<16xf32>, vector<16xi1>
      %mul3A_2434 = arith.constant 4 : i32
      %mul3A_2435 = arith.muli %sub3A_2417, %mul3A_2434 : i32
      %add3A_2436 = arith.constant 256 : i32
      %add3A_2437 = arith.addi %add3A_2436, %mul3A_2435 : i32
      %add3A_2438 = arith.constant 1 : i32
      %add3A_2439 = arith.addi %add3A_2437, %add3A_2438 : i32
      %broadcast_in_dim3A_2440 = arith.constant true
      %broadcast_in_dim3A_2441 = vector.broadcast %broadcast_in_dim3A_2440 : i1 to vector<16xi1>
      %masked_cumsum3A_2442 = tpu.scan <sum>, %scan3A_2411 masked %broadcast_in_dim3A_2441 : vector<16xf32>, vector<16xi1> -> vector<16xf32>
      %swap3A_2443 = arith.index_cast %add3A_2439 : i32 to index
      %swap3A_2444 = tpu.vector_load %arg18[%swap3A_2443] masked %eq3A_1288 {strides = array<i32>} : memref<528xf32, #tpu.memory_space<vmem>>, vector<16xf32>, vector<16xi1>
      tpu.vector_store %arg18[%swap3A_2443], %masked_cumsum3A_2442 masked %eq3A_1288 {strides = array<i32>} : memref<528xf32, #tpu.memory_space<vmem>>, vector<16xf32>, vector<16xi1>
      %broadcast_in_dim3A_2445 = arith.constant true
      %broadcast_in_dim3A_2446 = vector.broadcast %broadcast_in_dim3A_2445 : i1 to vector<16xi1>
      %masked_cumsum3A_2447 = tpu.scan <sum>, %scan3A_2412 masked %broadcast_in_dim3A_2446 : vector<16xf32>, vector<16xi1> -> vector<16xf32>
      %swap3A_2448 = arith.index_cast %add3A_2439 : i32 to index
      %swap3A_2449 = tpu.vector_load %arg19[%swap3A_2448] masked %eq3A_1288 {strides = array<i32>} : memref<528xf32, #tpu.memory_space<vmem>>, vector<16xf32>, vector<16xi1>
      tpu.vector_store %arg19[%swap3A_2448], %masked_cumsum3A_2447 masked %eq3A_1288 {strides = array<i32>} : memref<528xf32, #tpu.memory_space<vmem>>, vector<16xf32>, vector<16xi1>
      %mul3A_2450 = arith.constant 4 : i32
      %mul3A_2451 = arith.muli %sub3A_2417, %mul3A_2450 : i32
      %add3A_2452 = arith.constant 256 : i32
      %add3A_2453 = arith.addi %add3A_2452, %mul3A_2451 : i32
      %add3A_2454 = arith.constant 2 : i32
      %add3A_2455 = arith.addi %add3A_2453, %add3A_2454 : i32
      %broadcast_in_dim3A_2456 = arith.constant true
      %broadcast_in_dim3A_2457 = vector.broadcast %broadcast_in_dim3A_2456 : i1 to vector<16xi1>
      %masked_cumsum3A_2458 = tpu.scan <sum>, %scan3A_2413 masked %broadcast_in_dim3A_2457 : vector<16xf32>, vector<16xi1> -> vector<16xf32>
      %swap3A_2459 = arith.index_cast %add3A_2455 : i32 to index
      %swap3A_2460 = tpu.vector_load %arg18[%swap3A_2459] masked %eq3A_1288 {strides = array<i32>} : memref<528xf32, #tpu.memory_space<vmem>>, vector<16xf32>, vector<16xi1>
      tpu.vector_store %arg18[%swap3A_2459], %masked_cumsum3A_2458 masked %eq3A_1288 {strides = array<i32>} : memref<528xf32, #tpu.memory_space<vmem>>, vector<16xf32>, vector<16xi1>
      %broadcast_in_dim3A_2461 = arith.constant true
      %broadcast_in_dim3A_2462 = vector.broadcast %broadcast_in_dim3A_2461 : i1 to vector<16xi1>
      %masked_cumsum3A_2463 = tpu.scan <sum>, %scan3A_2414 masked %broadcast_in_dim3A_2462 : vector<16xf32>, vector<16xi1> -> vector<16xf32>
      %swap3A_2464 = arith.index_cast %add3A_2455 : i32 to index
      %swap3A_2465 = tpu.vector_load %arg19[%swap3A_2464] masked %eq3A_1288 {strides = array<i32>} : memref<528xf32, #tpu.memory_space<vmem>>, vector<16xf32>, vector<16xi1>
      tpu.vector_store %arg19[%swap3A_2464], %masked_cumsum3A_2463 masked %eq3A_1288 {strides = array<i32>} : memref<528xf32, #tpu.memory_space<vmem>>, vector<16xf32>, vector<16xi1>
      %mul3A_2466 = arith.constant 4 : i32
      %mul3A_2467 = arith.muli %sub3A_2417, %mul3A_2466 : i32
      %add3A_2468 = arith.constant 256 : i32
      %add3A_2469 = arith.addi %add3A_2468, %mul3A_2467 : i32
      %add3A_2470 = arith.constant 3 : i32
      %add3A_2471 = arith.addi %add3A_2469, %add3A_2470 : i32
      %broadcast_in_dim3A_2472 = arith.constant true
      %broadcast_in_dim3A_2473 = vector.broadcast %broadcast_in_dim3A_2472 : i1 to vector<16xi1>
      %masked_cumsum3A_2474 = tpu.scan <sum>, %scan3A_2415 masked %broadcast_in_dim3A_2473 : vector<16xf32>, vector<16xi1> -> vector<16xf32>
      %swap3A_2475 = arith.index_cast %add3A_2471 : i32 to index
      %swap3A_2476 = tpu.vector_load %arg18[%swap3A_2475] masked %eq3A_1288 {strides = array<i32>} : memref<528xf32, #tpu.memory_space<vmem>>, vector<16xf32>, vector<16xi1>
      tpu.vector_store %arg18[%swap3A_2475], %masked_cumsum3A_2474 masked %eq3A_1288 {strides = array<i32>} : memref<528xf32, #tpu.memory_space<vmem>>, vector<16xf32>, vector<16xi1>
      %broadcast_in_dim3A_2477 = arith.constant true
      %broadcast_in_dim3A_2478 = vector.broadcast %broadcast_in_dim3A_2477 : i1 to vector<16xi1>
      %masked_cumsum3A_2479 = tpu.scan <sum>, %scan3A_2416 masked %broadcast_in_dim3A_2478 : vector<16xf32>, vector<16xi1> -> vector<16xf32>
      %swap3A_2480 = arith.index_cast %add3A_2471 : i32 to index
      %swap3A_2481 = tpu.vector_load %arg19[%swap3A_2480] masked %eq3A_1288 {strides = array<i32>} : memref<528xf32, #tpu.memory_space<vmem>>, vector<16xf32>, vector<16xi1>
      tpu.vector_store %arg19[%swap3A_2480], %masked_cumsum3A_2479 masked %eq3A_1288 {strides = array<i32>} : memref<528xf32, #tpu.memory_space<vmem>>, vector<16xf32>, vector<16xi1>
      %mul3A_2482 = arith.constant 4 : i32
      %mul3A_2483 = arith.muli %scan3A_2408, %mul3A_2482 : i32
      %add3A_2484 = arith.constant 0 : i32
      %add3A_2485 = arith.addi %mul3A_2483, %add3A_2484 : i32
      %get3A_2486 = arith.index_cast %add3A_2485 : i32 to index
      %get3A_2487 = arith.constant 0 : index
      %get3A_2488 = tpu.vector_load %arg12[%get3A_2486, %get3A_2487] {strides = array<i32>} : memref<128x128xf32, #tpu.memory_space<vmem>>, vector<16xf32>,
      %get3A_2489 = arith.index_cast %add3A_2485 : i32 to index
      %get3A_2490 = arith.constant 0 : index
      %get3A_2491 = tpu.vector_load %arg13[%get3A_2489, %get3A_2490] {strides = array<i32>} : memref<128x128xf32, #tpu.memory_space<vmem>>, vector<16xf32>,
      %mul3A_2492 = arith.mulf %get3A_2488, %get3A_2491 : vector<16xf32>
      %get3A_2493 = arith.index_cast %add3A_2485 : i32 to index
      %get3A_2494 = arith.constant 0 : index
      %get3A_2495 = tpu.vector_load %arg14[%get3A_2493, %get3A_2494] {strides = array<i32>} : memref<128x128xf32, #tpu.memory_space<vmem>>, vector<16xf32>,
      %mul3A_2496 = arith.mulf %get3A_2488, %get3A_2495 : vector<16xf32>
      %get3A_2497 = arith.index_cast %add3A_2485 : i32 to index
      %get3A_2498 = arith.constant 16 : index
      %get3A_2499 = tpu.vector_load %arg12[%get3A_2497, %get3A_2498] {strides = array<i32>} : memref<128x128xf32, #tpu.memory_space<vmem>>, vector<16xf32>,
      %get3A_2500 = arith.index_cast %add3A_2485 : i32 to index
      %get3A_2501 = arith.constant 16 : index
      %get3A_2502 = tpu.vector_load %arg13[%get3A_2500, %get3A_2501] {strides = array<i32>} : memref<128x128xf32, #tpu.memory_space<vmem>>, vector<16xf32>,
      %mul3A_2503 = arith.mulf %get3A_2499, %get3A_2502 : vector<16xf32>
      %add3A_2504 = arith.addf %mul3A_2492, %mul3A_2503 : vector<16xf32>
      %get3A_2505 = arith.index_cast %add3A_2485 : i32 to index
      %get3A_2506 = arith.constant 16 : index
      %get3A_2507 = tpu.vector_load %arg14[%get3A_2505, %get3A_2506] {strides = array<i32>} : memref<128x128xf32, #tpu.memory_space<vmem>>, vector<16xf32>,
      %mul3A_2508 = arith.mulf %get3A_2499, %get3A_2507 : vector<16xf32>
      %add3A_2509 = arith.addf %mul3A_2496, %mul3A_2508 : vector<16xf32>
      %get3A_2510 = arith.index_cast %add3A_2485 : i32 to index
      %get3A_2511 = arith.constant 32 : index
      %get3A_2512 = tpu.vector_load %arg12[%get3A_2510, %get3A_2511] {strides = array<i32>} : memref<128x128xf32, #tpu.memory_space<vmem>>, vector<16xf32>,
      %get3A_2513 = arith.index_cast %add3A_2485 : i32 to index
      %get3A_2514 = arith.constant 32 : index
      %get3A_2515 = tpu.vector_load %arg13[%get3A_2513, %get3A_2514] {strides = array<i32>} : memref<128x128xf32, #tpu.memory_space<vmem>>, vector<16xf32>,
      %mul3A_2516 = arith.mulf %get3A_2512, %get3A_2515 : vector<16xf32>
      %add3A_2517 = arith.addf %add3A_2504, %mul3A_2516 : vector<16xf32>
      %get3A_2518 = arith.index_cast %add3A_2485 : i32 to index
      %get3A_2519 = arith.constant 32 : index
      %get3A_2520 = tpu.vector_load %arg14[%get3A_2518, %get3A_2519] {strides = array<i32>} : memref<128x128xf32, #tpu.memory_space<vmem>>, vector<16xf32>,
      %mul3A_2521 = arith.mulf %get3A_2512, %get3A_2520 : vector<16xf32>
      %add3A_2522 = arith.addf %add3A_2509, %mul3A_2521 : vector<16xf32>
      %get3A_2523 = arith.index_cast %add3A_2485 : i32 to index
      %get3A_2524 = arith.constant 48 : index
      %get3A_2525 = tpu.vector_load %arg12[%get3A_2523, %get3A_2524] {strides = array<i32>} : memref<128x128xf32, #tpu.memory_space<vmem>>, vector<16xf32>,
      %get3A_2526 = arith.index_cast %add3A_2485 : i32 to index
      %get3A_2527 = arith.constant 48 : index
      %get3A_2528 = tpu.vector_load %arg13[%get3A_2526, %get3A_2527] {strides = array<i32>} : memref<128x128xf32, #tpu.memory_space<vmem>>, vector<16xf32>,
      %mul3A_2529 = arith.mulf %get3A_2525, %get3A_2528 : vector<16xf32>
      %add3A_2530 = arith.addf %add3A_2517, %mul3A_2529 : vector<16xf32>
      %get3A_2531 = arith.index_cast %add3A_2485 : i32 to index
      %get3A_2532 = arith.constant 48 : index
      %get3A_2533 = tpu.vector_load %arg14[%get3A_2531, %get3A_2532] {strides = array<i32>} : memref<128x128xf32, #tpu.memory_space<vmem>>, vector<16xf32>,
      %mul3A_2534 = arith.mulf %get3A_2525, %get3A_2533 : vector<16xf32>
      %add3A_2535 = arith.addf %add3A_2522, %mul3A_2534 : vector<16xf32>
      %get3A_2536 = arith.index_cast %add3A_2485 : i32 to index
      %get3A_2537 = arith.constant 64 : index
      %get3A_2538 = tpu.vector_load %arg12[%get3A_2536, %get3A_2537] {strides = array<i32>} : memref<128x128xf32, #tpu.memory_space<vmem>>, vector<16xf32>,
      %get3A_2539 = arith.index_cast %add3A_2485 : i32 to index
      %get3A_2540 = arith.constant 64 : index
      %get3A_2541 = tpu.vector_load %arg13[%get3A_2539, %get3A_2540] {strides = array<i32>} : memref<128x128xf32, #tpu.memory_space<vmem>>, vector<16xf32>,
      %mul3A_2542 = arith.mulf %get3A_2538, %get3A_2541 : vector<16xf32>
      %add3A_2543 = arith.addf %add3A_2530, %mul3A_2542 : vector<16xf32>
      %get3A_2544 = arith.index_cast %add3A_2485 : i32 to index
      %get3A_2545 = arith.constant 64 : index
      %get3A_2546 = tpu.vector_load %arg14[%get3A_2544, %get3A_2545] {strides = array<i32>} : memref<128x128xf32, #tpu.memory_space<vmem>>, vector<16xf32>,
      %mul3A_2547 = arith.mulf %get3A_2538, %get3A_2546 : vector<16xf32>
      %add3A_2548 = arith.addf %add3A_2535, %mul3A_2547 : vector<16xf32>
      %get3A_2549 = arith.index_cast %add3A_2485 : i32 to index
      %get3A_2550 = arith.constant 80 : index
      %get3A_2551 = tpu.vector_load %arg12[%get3A_2549, %get3A_2550] {strides = array<i32>} : memref<128x128xf32, #tpu.memory_space<vmem>>, vector<16xf32>,
      %get3A_2552 = arith.index_cast %add3A_2485 : i32 to index
      %get3A_2553 = arith.constant 80 : index
      %get3A_2554 = tpu.vector_load %arg13[%get3A_2552, %get3A_2553] {strides = array<i32>} : memref<128x128xf32, #tpu.memory_space<vmem>>, vector<16xf32>,
      %mul3A_2555 = arith.mulf %get3A_2551, %get3A_2554 : vector<16xf32>
      %add3A_2556 = arith.addf %add3A_2543, %mul3A_2555 : vector<16xf32>
      %get3A_2557 = arith.index_cast %add3A_2485 : i32 to index
      %get3A_2558 = arith.constant 80 : index
      %get3A_2559 = tpu.vector_load %arg14[%get3A_2557, %get3A_2558] {strides = array<i32>} : memref<128x128xf32, #tpu.memory_space<vmem>>, vector<16xf32>,
      %mul3A_2560 = arith.mulf %get3A_2551, %get3A_2559 : vector<16xf32>
      %add3A_2561 = arith.addf %add3A_2548, %mul3A_2560 : vector<16xf32>
      %get3A_2562 = arith.index_cast %add3A_2485 : i32 to index
      %get3A_2563 = arith.constant 96 : index
      %get3A_2564 = tpu.vector_load %arg12[%get3A_2562, %get3A_2563] {strides = array<i32>} : memref<128x128xf32, #tpu.memory_space<vmem>>, vector<16xf32>,
      %get3A_2565 = arith.index_cast %add3A_2485 : i32 to index
      %get3A_2566 = arith.constant 96 : index
      %get3A_2567 = tpu.vector_load %arg13[%get3A_2565, %get3A_2566] {strides = array<i32>} : memref<128x128xf32, #tpu.memory_space<vmem>>, vector<16xf32>,
      %mul3A_2568 = arith.mulf %get3A_2564, %get3A_2567 : vector<16xf32>
      %add3A_2569 = arith.addf %add3A_2556, %mul3A_2568 : vector<16xf32>
      %get3A_2570 = arith.index_cast %add3A_2485 : i32 to index
      %get3A_2571 = arith.constant 96 : index
      %get3A_2572 = tpu.vector_load %arg14[%get3A_2570, %get3A_2571] {strides = array<i32>} : memref<128x128xf32, #tpu.memory_space<vmem>>, vector<16xf32>,
      %mul3A_2573 = arith.mulf %get3A_2564, %get3A_2572 : vector<16xf32>
      %add3A_2574 = arith.addf %add3A_2561, %mul3A_2573 : vector<16xf32>
      %get3A_2575 = arith.index_cast %add3A_2485 : i32 to index
      %get3A_2576 = arith.constant 112 : index
      %get3A_2577 = tpu.vector_load %arg12[%get3A_2575, %get3A_2576] {strides = array<i32>} : memref<128x128xf32, #tpu.memory_space<vmem>>, vector<16xf32>,
      %get3A_2578 = arith.index_cast %add3A_2485 : i32 to index
      %get3A_2579 = arith.constant 112 : index
      %get3A_2580 = tpu.vector_load %arg13[%get3A_2578, %get3A_2579] {strides = array<i32>} : memref<128x128xf32, #tpu.memory_space<vmem>>, vector<16xf32>,
      %mul3A_2581 = arith.mulf %get3A_2577, %get3A_2580 : vector<16xf32>
      %add3A_2582 = arith.addf %add3A_2569, %mul3A_2581 : vector<16xf32>
      %get3A_2583 = arith.index_cast %add3A_2485 : i32 to index
      %get3A_2584 = arith.constant 112 : index
      %get3A_2585 = tpu.vector_load %arg14[%get3A_2583, %get3A_2584] {strides = array<i32>} : memref<128x128xf32, #tpu.memory_space<vmem>>, vector<16xf32>,
      %mul3A_2586 = arith.mulf %get3A_2577, %get3A_2585 : vector<16xf32>
      %add3A_2587 = arith.addf %add3A_2574, %mul3A_2586 : vector<16xf32>
      %mul3A_2588 = arith.constant 4 : i32
      %mul3A_2589 = arith.muli %scan3A_2408, %mul3A_2588 : i32
      %add3A_2590 = arith.constant 1 : i32
      %add3A_2591 = arith.addi %mul3A_2589, %add3A_2590 : i32
      %get3A_2592 = arith.index_cast %add3A_2591 : i32 to index
      %get3A_2593 = arith.constant 0 : index
      %get3A_2594 = tpu.vector_load %arg12[%get3A_2592, %get3A_2593] {strides = array<i32>} : memref<128x128xf32, #tpu.memory_space<vmem>>, vector<16xf32>,
      %get3A_2595 = arith.index_cast %add3A_2591 : i32 to index
      %get3A_2596 = arith.constant 0 : index
      %get3A_2597 = tpu.vector_load %arg13[%get3A_2595, %get3A_2596] {strides = array<i32>} : memref<128x128xf32, #tpu.memory_space<vmem>>, vector<16xf32>,
      %mul3A_2598 = arith.mulf %get3A_2594, %get3A_2597 : vector<16xf32>
      %get3A_2599 = arith.index_cast %add3A_2591 : i32 to index
      %get3A_2600 = arith.constant 0 : index
      %get3A_2601 = tpu.vector_load %arg14[%get3A_2599, %get3A_2600] {strides = array<i32>} : memref<128x128xf32, #tpu.memory_space<vmem>>, vector<16xf32>,
      %mul3A_2602 = arith.mulf %get3A_2594, %get3A_2601 : vector<16xf32>
      %get3A_2603 = arith.index_cast %add3A_2591 : i32 to index
      %get3A_2604 = arith.constant 16 : index
      %get3A_2605 = tpu.vector_load %arg12[%get3A_2603, %get3A_2604] {strides = array<i32>} : memref<128x128xf32, #tpu.memory_space<vmem>>, vector<16xf32>,
      %get3A_2606 = arith.index_cast %add3A_2591 : i32 to index
      %get3A_2607 = arith.constant 16 : index
      %get3A_2608 = tpu.vector_load %arg13[%get3A_2606, %get3A_2607] {strides = array<i32>} : memref<128x128xf32, #tpu.memory_space<vmem>>, vector<16xf32>,
      %mul3A_2609 = arith.mulf %get3A_2605, %get3A_2608 : vector<16xf32>
      %add3A_2610 = arith.addf %mul3A_2598, %mul3A_2609 : vector<16xf32>
      %get3A_2611 = arith.index_cast %add3A_2591 : i32 to index
      %get3A_2612 = arith.constant 16 : index
      %get3A_2613 = tpu.vector_load %arg14[%get3A_2611, %get3A_2612] {strides = array<i32>} : memref<128x128xf32, #tpu.memory_space<vmem>>, vector<16xf32>,
      %mul3A_2614 = arith.mulf %get3A_2605, %get3A_2613 : vector<16xf32>
      %add3A_2615 = arith.addf %mul3A_2602, %mul3A_2614 : vector<16xf32>
      %get3A_2616 = arith.index_cast %add3A_2591 : i32 to index
      %get3A_2617 = arith.constant 32 : index
      %get3A_2618 = tpu.vector_load %arg12[%get3A_2616, %get3A_2617] {strides = array<i32>} : memref<128x128xf32, #tpu.memory_space<vmem>>, vector<16xf32>,
      %get3A_2619 = arith.index_cast %add3A_2591 : i32 to index
      %get3A_2620 = arith.constant 32 : index
      %get3A_2621 = tpu.vector_load %arg13[%get3A_2619, %get3A_2620] {strides = array<i32>} : memref<128x128xf32, #tpu.memory_space<vmem>>, vector<16xf32>,
      %mul3A_2622 = arith.mulf %get3A_2618, %get3A_2621 : vector<16xf32>
      %add3A_2623 = arith.addf %add3A_2610, %mul3A_2622 : vector<16xf32>
      %get3A_2624 = arith.index_cast %add3A_2591 : i32 to index
      %get3A_2625 = arith.constant 32 : index
      %get3A_2626 = tpu.vector_load %arg14[%get3A_2624, %get3A_2625] {strides = array<i32>} : memref<128x128xf32, #tpu.memory_space<vmem>>, vector<16xf32>,
      %mul3A_2627 = arith.mulf %get3A_2618, %get3A_2626 : vector<16xf32>
      %add3A_2628 = arith.addf %add3A_2615, %mul3A_2627 : vector<16xf32>
      %get3A_2629 = arith.index_cast %add3A_2591 : i32 to index
      %get3A_2630 = arith.constant 48 : index
      %get3A_2631 = tpu.vector_load %arg12[%get3A_2629, %get3A_2630] {strides = array<i32>} : memref<128x128xf32, #tpu.memory_space<vmem>>, vector<16xf32>,
      %get3A_2632 = arith.index_cast %add3A_2591 : i32 to index
      %get3A_2633 = arith.constant 48 : index
      %get3A_2634 = tpu.vector_load %arg13[%get3A_2632, %get3A_2633] {strides = array<i32>} : memref<128x128xf32, #tpu.memory_space<vmem>>, vector<16xf32>,
      %mul3A_2635 = arith.mulf %get3A_2631, %get3A_2634 : vector<16xf32>
      %add3A_2636 = arith.addf %add3A_2623, %mul3A_2635 : vector<16xf32>
      %get3A_2637 = arith.index_cast %add3A_2591 : i32 to index
      %get3A_2638 = arith.constant 48 : index
      %get3A_2639 = tpu.vector_load %arg14[%get3A_2637, %get3A_2638] {strides = array<i32>} : memref<128x128xf32, #tpu.memory_space<vmem>>, vector<16xf32>,
      %mul3A_2640 = arith.mulf %get3A_2631, %get3A_2639 : vector<16xf32>
      %add3A_2641 = arith.addf %add3A_2628, %mul3A_2640 : vector<16xf32>
      %get3A_2642 = arith.index_cast %add3A_2591 : i32 to index
      %get3A_2643 = arith.constant 64 : index
      %get3A_2644 = tpu.vector_load %arg12[%get3A_2642, %get3A_2643] {strides = array<i32>} : memref<128x128xf32, #tpu.memory_space<vmem>>, vector<16xf32>,
      %get3A_2645 = arith.index_cast %add3A_2591 : i32 to index
      %get3A_2646 = arith.constant 64 : index
      %get3A_2647 = tpu.vector_load %arg13[%get3A_2645, %get3A_2646] {strides = array<i32>} : memref<128x128xf32, #tpu.memory_space<vmem>>, vector<16xf32>,
      %mul3A_2648 = arith.mulf %get3A_2644, %get3A_2647 : vector<16xf32>
      %add3A_2649 = arith.addf %add3A_2636, %mul3A_2648 : vector<16xf32>
      %get3A_2650 = arith.index_cast %add3A_2591 : i32 to index
      %get3A_2651 = arith.constant 64 : index
      %get3A_2652 = tpu.vector_load %arg14[%get3A_2650, %get3A_2651] {strides = array<i32>} : memref<128x128xf32, #tpu.memory_space<vmem>>, vector<16xf32>,
      %mul3A_2653 = arith.mulf %get3A_2644, %get3A_2652 : vector<16xf32>
      %add3A_2654 = arith.addf %add3A_2641, %mul3A_2653 : vector<16xf32>
      %get3A_2655 = arith.index_cast %add3A_2591 : i32 to index
      %get3A_2656 = arith.constant 80 : index
      %get3A_2657 = tpu.vector_load %arg12[%get3A_2655, %get3A_2656] {strides = array<i32>} : memref<128x128xf32, #tpu.memory_space<vmem>>, vector<16xf32>,
      %get3A_2658 = arith.index_cast %add3A_2591 : i32 to index
      %get3A_2659 = arith.constant 80 : index
      %get3A_2660 = tpu.vector_load %arg13[%get3A_2658, %get3A_2659] {strides = array<i32>} : memref<128x128xf32, #tpu.memory_space<vmem>>, vector<16xf32>,
      %mul3A_2661 = arith.mulf %get3A_2657, %get3A_2660 : vector<16xf32>
      %add3A_2662 = arith.addf %add3A_2649, %mul3A_2661 : vector<16xf32>
      %get3A_2663 = arith.index_cast %add3A_2591 : i32 to index
      %get3A_2664 = arith.constant 80 : index
      %get3A_2665 = tpu.vector_load %arg14[%get3A_2663, %get3A_2664] {strides = array<i32>} : memref<128x128xf32, #tpu.memory_space<vmem>>, vector<16xf32>,
      %mul3A_2666 = arith.mulf %get3A_2657, %get3A_2665 : vector<16xf32>
      %add3A_2667 = arith.addf %add3A_2654, %mul3A_2666 : vector<16xf32>
      %get3A_2668 = arith.index_cast %add3A_2591 : i32 to index
      %get3A_2669 = arith.constant 96 : index
      %get3A_2670 = tpu.vector_load %arg12[%get3A_2668, %get3A_2669] {strides = array<i32>} : memref<128x128xf32, #tpu.memory_space<vmem>>, vector<16xf32>,
      %get3A_2671 = arith.index_cast %add3A_2591 : i32 to index
      %get3A_2672 = arith.constant 96 : index
      %get3A_2673 = tpu.vector_load %arg13[%get3A_2671, %get3A_2672] {strides = array<i32>} : memref<128x128xf32, #tpu.memory_space<vmem>>, vector<16xf32>,
      %mul3A_2674 = arith.mulf %get3A_2670, %get3A_2673 : vector<16xf32>
      %add3A_2675 = arith.addf %add3A_2662, %mul3A_2674 : vector<16xf32>
      %get3A_2676 = arith.index_cast %add3A_2591 : i32 to index
      %get3A_2677 = arith.constant 96 : index
      %get3A_2678 = tpu.vector_load %arg14[%get3A_2676, %get3A_2677] {strides = array<i32>} : memref<128x128xf32, #tpu.memory_space<vmem>>, vector<16xf32>,
      %mul3A_2679 = arith.mulf %get3A_2670, %get3A_2678 : vector<16xf32>
      %add3A_2680 = arith.addf %add3A_2667, %mul3A_2679 : vector<16xf32>
      %get3A_2681 = arith.index_cast %add3A_2591 : i32 to index
      %get3A_2682 = arith.constant 112 : index
      %get3A_2683 = tpu.vector_load %arg12[%get3A_2681, %get3A_2682] {strides = array<i32>} : memref<128x128xf32, #tpu.memory_space<vmem>>, vector<16xf32>,
      %get3A_2684 = arith.index_cast %add3A_2591 : i32 to index
      %get3A_2685 = arith.constant 112 : index
      %get3A_2686 = tpu.vector_load %arg13[%get3A_2684, %get3A_2685] {strides = array<i32>} : memref<128x128xf32, #tpu.memory_space<vmem>>, vector<16xf32>,
      %mul3A_2687 = arith.mulf %get3A_2683, %get3A_2686 : vector<16xf32>
      %add3A_2688 = arith.addf %add3A_2675, %mul3A_2687 : vector<16xf32>
      %get3A_2689 = arith.index_cast %add3A_2591 : i32 to index
      %get3A_2690 = arith.constant 112 : index
      %get3A_2691 = tpu.vector_load %arg14[%get3A_2689, %get3A_2690] {strides = array<i32>} : memref<128x128xf32, #tpu.memory_space<vmem>>, vector<16xf32>,
      %mul3A_2692 = arith.mulf %get3A_2683, %get3A_2691 : vector<16xf32>
      %add3A_2693 = arith.addf %add3A_2680, %mul3A_2692 : vector<16xf32>
      %mul3A_2694 = arith.constant 4 : i32
      %mul3A_2695 = arith.muli %scan3A_2408, %mul3A_2694 : i32
      %add3A_2696 = arith.constant 2 : i32
      %add3A_2697 = arith.addi %mul3A_2695, %add3A_2696 : i32
      %get3A_2698 = arith.index_cast %add3A_2697 : i32 to index
      %get3A_2699 = arith.constant 0 : index
      %get3A_2700 = tpu.vector_load %arg12[%get3A_2698, %get3A_2699] {strides = array<i32>} : memref<128x128xf32, #tpu.memory_space<vmem>>, vector<16xf32>,
      %get3A_2701 = arith.index_cast %add3A_2697 : i32 to index
      %get3A_2702 = arith.constant 0 : index
      %get3A_2703 = tpu.vector_load %arg13[%get3A_2701, %get3A_2702] {strides = array<i32>} : memref<128x128xf32, #tpu.memory_space<vmem>>, vector<16xf32>,
      %mul3A_2704 = arith.mulf %get3A_2700, %get3A_2703 : vector<16xf32>
      %get3A_2705 = arith.index_cast %add3A_2697 : i32 to index
      %get3A_2706 = arith.constant 0 : index
      %get3A_2707 = tpu.vector_load %arg14[%get3A_2705, %get3A_2706] {strides = array<i32>} : memref<128x128xf32, #tpu.memory_space<vmem>>, vector<16xf32>,
      %mul3A_2708 = arith.mulf %get3A_2700, %get3A_2707 : vector<16xf32>
      %get3A_2709 = arith.index_cast %add3A_2697 : i32 to index
      %get3A_2710 = arith.constant 16 : index
      %get3A_2711 = tpu.vector_load %arg12[%get3A_2709, %get3A_2710] {strides = array<i32>} : memref<128x128xf32, #tpu.memory_space<vmem>>, vector<16xf32>,
      %get3A_2712 = arith.index_cast %add3A_2697 : i32 to index
      %get3A_2713 = arith.constant 16 : index
      %get3A_2714 = tpu.vector_load %arg13[%get3A_2712, %get3A_2713] {strides = array<i32>} : memref<128x128xf32, #tpu.memory_space<vmem>>, vector<16xf32>,
      %mul3A_2715 = arith.mulf %get3A_2711, %get3A_2714 : vector<16xf32>
      %add3A_2716 = arith.addf %mul3A_2704, %mul3A_2715 : vector<16xf32>
      %get3A_2717 = arith.index_cast %add3A_2697 : i32 to index
      %get3A_2718 = arith.constant 16 : index
      %get3A_2719 = tpu.vector_load %arg14[%get3A_2717, %get3A_2718] {strides = array<i32>} : memref<128x128xf32, #tpu.memory_space<vmem>>, vector<16xf32>,
      %mul3A_2720 = arith.mulf %get3A_2711, %get3A_2719 : vector<16xf32>
      %add3A_2721 = arith.addf %mul3A_2708, %mul3A_2720 : vector<16xf32>
      %get3A_2722 = arith.index_cast %add3A_2697 : i32 to index
      %get3A_2723 = arith.constant 32 : index
      %get3A_2724 = tpu.vector_load %arg12[%get3A_2722, %get3A_2723] {strides = array<i32>} : memref<128x128xf32, #tpu.memory_space<vmem>>, vector<16xf32>,
      %get3A_2725 = arith.index_cast %add3A_2697 : i32 to index
      %get3A_2726 = arith.constant 32 : index
      %get3A_2727 = tpu.vector_load %arg13[%get3A_2725, %get3A_2726] {strides = array<i32>} : memref<128x128xf32, #tpu.memory_space<vmem>>, vector<16xf32>,
      %mul3A_2728 = arith.mulf %get3A_2724, %get3A_2727 : vector<16xf32>
      %add3A_2729 = arith.addf %add3A_2716, %mul3A_2728 : vector<16xf32>
      %get3A_2730 = arith.index_cast %add3A_2697 : i32 to index
      %get3A_2731 = arith.constant 32 : index
      %get3A_2732 = tpu.vector_load %arg14[%get3A_2730, %get3A_2731] {strides = array<i32>} : memref<128x128xf32, #tpu.memory_space<vmem>>, vector<16xf32>,
      %mul3A_2733 = arith.mulf %get3A_2724, %get3A_2732 : vector<16xf32>
      %add3A_2734 = arith.addf %add3A_2721, %mul3A_2733 : vector<16xf32>
      %get3A_2735 = arith.index_cast %add3A_2697 : i32 to index
      %get3A_2736 = arith.constant 48 : index
      %get3A_2737 = tpu.vector_load %arg12[%get3A_2735, %get3A_2736] {strides = array<i32>} : memref<128x128xf32, #tpu.memory_space<vmem>>, vector<16xf32>,
      %get3A_2738 = arith.index_cast %add3A_2697 : i32 to index
      %get3A_2739 = arith.constant 48 : index
      %get3A_2740 = tpu.vector_load %arg13[%get3A_2738, %get3A_2739] {strides = array<i32>} : memref<128x128xf32, #tpu.memory_space<vmem>>, vector<16xf32>,
      %mul3A_2741 = arith.mulf %get3A_2737, %get3A_2740 : vector<16xf32>
      %add3A_2742 = arith.addf %add3A_2729, %mul3A_2741 : vector<16xf32>
      %get3A_2743 = arith.index_cast %add3A_2697 : i32 to index
      %get3A_2744 = arith.constant 48 : index
      %get3A_2745 = tpu.vector_load %arg14[%get3A_2743, %get3A_2744] {strides = array<i32>} : memref<128x128xf32, #tpu.memory_space<vmem>>, vector<16xf32>,
      %mul3A_2746 = arith.mulf %get3A_2737, %get3A_2745 : vector<16xf32>
      %add3A_2747 = arith.addf %add3A_2734, %mul3A_2746 : vector<16xf32>
      %get3A_2748 = arith.index_cast %add3A_2697 : i32 to index
      %get3A_2749 = arith.constant 64 : index
      %get3A_2750 = tpu.vector_load %arg12[%get3A_2748, %get3A_2749] {strides = array<i32>} : memref<128x128xf32, #tpu.memory_space<vmem>>, vector<16xf32>,
      %get3A_2751 = arith.index_cast %add3A_2697 : i32 to index
      %get3A_2752 = arith.constant 64 : index
      %get3A_2753 = tpu.vector_load %arg13[%get3A_2751, %get3A_2752] {strides = array<i32>} : memref<128x128xf32, #tpu.memory_space<vmem>>, vector<16xf32>,
      %mul3A_2754 = arith.mulf %get3A_2750, %get3A_2753 : vector<16xf32>
      %add3A_2755 = arith.addf %add3A_2742, %mul3A_2754 : vector<16xf32>
      %get3A_2756 = arith.index_cast %add3A_2697 : i32 to index
      %get3A_2757 = arith.constant 64 : index
      %get3A_2758 = tpu.vector_load %arg14[%get3A_2756, %get3A_2757] {strides = array<i32>} : memref<128x128xf32, #tpu.memory_space<vmem>>, vector<16xf32>,
      %mul3A_2759 = arith.mulf %get3A_2750, %get3A_2758 : vector<16xf32>
      %add3A_2760 = arith.addf %add3A_2747, %mul3A_2759 : vector<16xf32>
      %get3A_2761 = arith.index_cast %add3A_2697 : i32 to index
      %get3A_2762 = arith.constant 80 : index
      %get3A_2763 = tpu.vector_load %arg12[%get3A_2761, %get3A_2762] {strides = array<i32>} : memref<128x128xf32, #tpu.memory_space<vmem>>, vector<16xf32>,
      %get3A_2764 = arith.index_cast %add3A_2697 : i32 to index
      %get3A_2765 = arith.constant 80 : index
      %get3A_2766 = tpu.vector_load %arg13[%get3A_2764, %get3A_2765] {strides = array<i32>} : memref<128x128xf32, #tpu.memory_space<vmem>>, vector<16xf32>,
      %mul3A_2767 = arith.mulf %get3A_2763, %get3A_2766 : vector<16xf32>
      %add3A_2768 = arith.addf %add3A_2755, %mul3A_2767 : vector<16xf32>
      %get3A_2769 = arith.index_cast %add3A_2697 : i32 to index
      %get3A_2770 = arith.constant 80 : index
      %get3A_2771 = tpu.vector_load %arg14[%get3A_2769, %get3A_2770] {strides = array<i32>} : memref<128x128xf32, #tpu.memory_space<vmem>>, vector<16xf32>,
      %mul3A_2772 = arith.mulf %get3A_2763, %get3A_2771 : vector<16xf32>
      %add3A_2773 = arith.addf %add3A_2760, %mul3A_2772 : vector<16xf32>
      %get3A_2774 = arith.index_cast %add3A_2697 : i32 to index
      %get3A_2775 = arith.constant 96 : index
      %get3A_2776 = tpu.vector_load %arg12[%get3A_2774, %get3A_2775] {strides = array<i32>} : memref<128x128xf32, #tpu.memory_space<vmem>>, vector<16xf32>,
      %get3A_2777 = arith.index_cast %add3A_2697 : i32 to index
      %get3A_2778 = arith.constant 96 : index
      %get3A_2779 = tpu.vector_load %arg13[%get3A_2777, %get3A_2778] {strides = array<i32>} : memref<128x128xf32, #tpu.memory_space<vmem>>, vector<16xf32>,
      %mul3A_2780 = arith.mulf %get3A_2776, %get3A_2779 : vector<16xf32>
      %add3A_2781 = arith.addf %add3A_2768, %mul3A_2780 : vector<16xf32>
      %get3A_2782 = arith.index_cast %add3A_2697 : i32 to index
      %get3A_2783 = arith.constant 96 : index
      %get3A_2784 = tpu.vector_load %arg14[%get3A_2782, %get3A_2783] {strides = array<i32>} : memref<128x128xf32, #tpu.memory_space<vmem>>, vector<16xf32>,
      %mul3A_2785 = arith.mulf %get3A_2776, %get3A_2784 : vector<16xf32>
      %add3A_2786 = arith.addf %add3A_2773, %mul3A_2785 : vector<16xf32>
      %get3A_2787 = arith.index_cast %add3A_2697 : i32 to index
      %get3A_2788 = arith.constant 112 : index
      %get3A_2789 = tpu.vector_load %arg12[%get3A_2787, %get3A_2788] {strides = array<i32>} : memref<128x128xf32, #tpu.memory_space<vmem>>, vector<16xf32>,
      %get3A_2790 = arith.index_cast %add3A_2697 : i32 to index
      %get3A_2791 = arith.constant 112 : index
      %get3A_2792 = tpu.vector_load %arg13[%get3A_2790, %get3A_2791] {strides = array<i32>} : memref<128x128xf32, #tpu.memory_space<vmem>>, vector<16xf32>,
      %mul3A_2793 = arith.mulf %get3A_2789, %get3A_2792 : vector<16xf32>
      %add3A_2794 = arith.addf %add3A_2781, %mul3A_2793 : vector<16xf32>
      %get3A_2795 = arith.index_cast %add3A_2697 : i32 to index
      %get3A_2796 = arith.constant 112 : index
      %get3A_2797 = tpu.vector_load %arg14[%get3A_2795, %get3A_2796] {strides = array<i32>} : memref<128x128xf32, #tpu.memory_space<vmem>>, vector<16xf32>,
      %mul3A_2798 = arith.mulf %get3A_2789, %get3A_2797 : vector<16xf32>
      %add3A_2799 = arith.addf %add3A_2786, %mul3A_2798 : vector<16xf32>
      %mul3A_2800 = arith.constant 4 : i32
      %mul3A_2801 = arith.muli %scan3A_2408, %mul3A_2800 : i32
      %add3A_2802 = arith.constant 3 : i32
      %add3A_2803 = arith.addi %mul3A_2801, %add3A_2802 : i32
      %get3A_2804 = arith.index_cast %add3A_2803 : i32 to index
      %get3A_2805 = arith.constant 0 : index
      %get3A_2806 = tpu.vector_load %arg12[%get3A_2804, %get3A_2805] {strides = array<i32>} : memref<128x128xf32, #tpu.memory_space<vmem>>, vector<16xf32>,
      %get3A_2807 = arith.index_cast %add3A_2803 : i32 to index
      %get3A_2808 = arith.constant 0 : index
      %get3A_2809 = tpu.vector_load %arg13[%get3A_2807, %get3A_2808] {strides = array<i32>} : memref<128x128xf32, #tpu.memory_space<vmem>>, vector<16xf32>,
      %mul3A_2810 = arith.mulf %get3A_2806, %get3A_2809 : vector<16xf32>
      %get3A_2811 = arith.index_cast %add3A_2803 : i32 to index
      %get3A_2812 = arith.constant 0 : index
      %get3A_2813 = tpu.vector_load %arg14[%get3A_2811, %get3A_2812] {strides = array<i32>} : memref<128x128xf32, #tpu.memory_space<vmem>>, vector<16xf32>,
      %mul3A_2814 = arith.mulf %get3A_2806, %get3A_2813 : vector<16xf32>
      %get3A_2815 = arith.index_cast %add3A_2803 : i32 to index
      %get3A_2816 = arith.constant 16 : index
      %get3A_2817 = tpu.vector_load %arg12[%get3A_2815, %get3A_2816] {strides = array<i32>} : memref<128x128xf32, #tpu.memory_space<vmem>>, vector<16xf32>,
      %get3A_2818 = arith.index_cast %add3A_2803 : i32 to index
      %get3A_2819 = arith.constant 16 : index
      %get3A_2820 = tpu.vector_load %arg13[%get3A_2818, %get3A_2819] {strides = array<i32>} : memref<128x128xf32, #tpu.memory_space<vmem>>, vector<16xf32>,
      %mul3A_2821 = arith.mulf %get3A_2817, %get3A_2820 : vector<16xf32>
      %add3A_2822 = arith.addf %mul3A_2810, %mul3A_2821 : vector<16xf32>
      %get3A_2823 = arith.index_cast %add3A_2803 : i32 to index
      %get3A_2824 = arith.constant 16 : index
      %get3A_2825 = tpu.vector_load %arg14[%get3A_2823, %get3A_2824] {strides = array<i32>} : memref<128x128xf32, #tpu.memory_space<vmem>>, vector<16xf32>,
      %mul3A_2826 = arith.mulf %get3A_2817, %get3A_2825 : vector<16xf32>
      %add3A_2827 = arith.addf %mul3A_2814, %mul3A_2826 : vector<16xf32>
      %get3A_2828 = arith.index_cast %add3A_2803 : i32 to index
      %get3A_2829 = arith.constant 32 : index
      %get3A_2830 = tpu.vector_load %arg12[%get3A_2828, %get3A_2829] {strides = array<i32>} : memref<128x128xf32, #tpu.memory_space<vmem>>, vector<16xf32>,
      %get3A_2831 = arith.index_cast %add3A_2803 : i32 to index
      %get3A_2832 = arith.constant 32 : index
      %get3A_2833 = tpu.vector_load %arg13[%get3A_2831, %get3A_2832] {strides = array<i32>} : memref<128x128xf32, #tpu.memory_space<vmem>>, vector<16xf32>,
      %mul3A_2834 = arith.mulf %get3A_2830, %get3A_2833 : vector<16xf32>
      %add3A_2835 = arith.addf %add3A_2822, %mul3A_2834 : vector<16xf32>
      %get3A_2836 = arith.index_cast %add3A_2803 : i32 to index
      %get3A_2837 = arith.constant 32 : index
      %get3A_2838 = tpu.vector_load %arg14[%get3A_2836, %get3A_2837] {strides = array<i32>} : memref<128x128xf32, #tpu.memory_space<vmem>>, vector<16xf32>,
      %mul3A_2839 = arith.mulf %get3A_2830, %get3A_2838 : vector<16xf32>
      %add3A_2840 = arith.addf %add3A_2827, %mul3A_2839 : vector<16xf32>
      %get3A_2841 = arith.index_cast %add3A_2803 : i32 to index
      %get3A_2842 = arith.constant 48 : index
      %get3A_2843 = tpu.vector_load %arg12[%get3A_2841, %get3A_2842] {strides = array<i32>} : memref<128x128xf32, #tpu.memory_space<vmem>>, vector<16xf32>,
      %get3A_2844 = arith.index_cast %add3A_2803 : i32 to index
      %get3A_2845 = arith.constant 48 : index
      %get3A_2846 = tpu.vector_load %arg13[%get3A_2844, %get3A_2845] {strides = array<i32>} : memref<128x128xf32, #tpu.memory_space<vmem>>, vector<16xf32>,
      %mul3A_2847 = arith.mulf %get3A_2843, %get3A_2846 : vector<16xf32>
      %add3A_2848 = arith.addf %add3A_2835, %mul3A_2847 : vector<16xf32>
      %get3A_2849 = arith.index_cast %add3A_2803 : i32 to index
      %get3A_2850 = arith.constant 48 : index
      %get3A_2851 = tpu.vector_load %arg14[%get3A_2849, %get3A_2850] {strides = array<i32>} : memref<128x128xf32, #tpu.memory_space<vmem>>, vector<16xf32>,
      %mul3A_2852 = arith.mulf %get3A_2843, %get3A_2851 : vector<16xf32>
      %add3A_2853 = arith.addf %add3A_2840, %mul3A_2852 : vector<16xf32>
      %get3A_2854 = arith.index_cast %add3A_2803 : i32 to index
      %get3A_2855 = arith.constant 64 : index
      %get3A_2856 = tpu.vector_load %arg12[%get3A_2854, %get3A_2855] {strides = array<i32>} : memref<128x128xf32, #tpu.memory_space<vmem>>, vector<16xf32>,
      %get3A_2857 = arith.index_cast %add3A_2803 : i32 to index
      %get3A_2858 = arith.constant 64 : index
      %get3A_2859 = tpu.vector_load %arg13[%get3A_2857, %get3A_2858] {strides = array<i32>} : memref<128x128xf32, #tpu.memory_space<vmem>>, vector<16xf32>,
      %mul3A_2860 = arith.mulf %get3A_2856, %get3A_2859 : vector<16xf32>
      %add3A_2861 = arith.addf %add3A_2848, %mul3A_2860 : vector<16xf32>
      %get3A_2862 = arith.index_cast %add3A_2803 : i32 to index
      %get3A_2863 = arith.constant 64 : index
      %get3A_2864 = tpu.vector_load %arg14[%get3A_2862, %get3A_2863] {strides = array<i32>} : memref<128x128xf32, #tpu.memory_space<vmem>>, vector<16xf32>,
      %mul3A_2865 = arith.mulf %get3A_2856, %get3A_2864 : vector<16xf32>
      %add3A_2866 = arith.addf %add3A_2853, %mul3A_2865 : vector<16xf32>
      %get3A_2867 = arith.index_cast %add3A_2803 : i32 to index
      %get3A_2868 = arith.constant 80 : index
      %get3A_2869 = tpu.vector_load %arg12[%get3A_2867, %get3A_2868] {strides = array<i32>} : memref<128x128xf32, #tpu.memory_space<vmem>>, vector<16xf32>,
      %get3A_2870 = arith.index_cast %add3A_2803 : i32 to index
      %get3A_2871 = arith.constant 80 : index
      %get3A_2872 = tpu.vector_load %arg13[%get3A_2870, %get3A_2871] {strides = array<i32>} : memref<128x128xf32, #tpu.memory_space<vmem>>, vector<16xf32>,
      %mul3A_2873 = arith.mulf %get3A_2869, %get3A_2872 : vector<16xf32>
      %add3A_2874 = arith.addf %add3A_2861, %mul3A_2873 : vector<16xf32>
      %get3A_2875 = arith.index_cast %add3A_2803 : i32 to index
      %get3A_2876 = arith.constant 80 : index
      %get3A_2877 = tpu.vector_load %arg14[%get3A_2875, %get3A_2876] {strides = array<i32>} : memref<128x128xf32, #tpu.memory_space<vmem>>, vector<16xf32>,
      %mul3A_2878 = arith.mulf %get3A_2869, %get3A_2877 : vector<16xf32>
      %add3A_2879 = arith.addf %add3A_2866, %mul3A_2878 : vector<16xf32>
      %get3A_2880 = arith.index_cast %add3A_2803 : i32 to index
      %get3A_2881 = arith.constant 96 : index
      %get3A_2882 = tpu.vector_load %arg12[%get3A_2880, %get3A_2881] {strides = array<i32>} : memref<128x128xf32, #tpu.memory_space<vmem>>, vector<16xf32>,
      %get3A_2883 = arith.index_cast %add3A_2803 : i32 to index
      %get3A_2884 = arith.constant 96 : index
      %get3A_2885 = tpu.vector_load %arg13[%get3A_2883, %get3A_2884] {strides = array<i32>} : memref<128x128xf32, #tpu.memory_space<vmem>>, vector<16xf32>,
      %mul3A_2886 = arith.mulf %get3A_2882, %get3A_2885 : vector<16xf32>
      %add3A_2887 = arith.addf %add3A_2874, %mul3A_2886 : vector<16xf32>
      %get3A_2888 = arith.index_cast %add3A_2803 : i32 to index
      %get3A_2889 = arith.constant 96 : index
      %get3A_2890 = tpu.vector_load %arg14[%get3A_2888, %get3A_2889] {strides = array<i32>} : memref<128x128xf32, #tpu.memory_space<vmem>>, vector<16xf32>,
      %mul3A_2891 = arith.mulf %get3A_2882, %get3A_2890 : vector<16xf32>
      %add3A_2892 = arith.addf %add3A_2879, %mul3A_2891 : vector<16xf32>
      %get3A_2893 = arith.index_cast %add3A_2803 : i32 to index
      %get3A_2894 = arith.constant 112 : index
      %get3A_2895 = tpu.vector_load %arg12[%get3A_2893, %get3A_2894] {strides = array<i32>} : memref<128x128xf32, #tpu.memory_space<vmem>>, vector<16xf32>,
      %get3A_2896 = arith.index_cast %add3A_2803 : i32 to index
      %get3A_2897 = arith.constant 112 : index
      %get3A_2898 = tpu.vector_load %arg13[%get3A_2896, %get3A_2897] {strides = array<i32>} : memref<128x128xf32, #tpu.memory_space<vmem>>, vector<16xf32>,
      %mul3A_2899 = arith.mulf %get3A_2895, %get3A_2898 : vector<16xf32>
      %add3A_2900 = arith.addf %add3A_2887, %mul3A_2899 : vector<16xf32>
      %get3A_2901 = arith.index_cast %add3A_2803 : i32 to index
      %get3A_2902 = arith.constant 112 : index
      %get3A_2903 = tpu.vector_load %arg14[%get3A_2901, %get3A_2902] {strides = array<i32>} : memref<128x128xf32, #tpu.memory_space<vmem>>, vector<16xf32>,
      %mul3A_2904 = arith.mulf %get3A_2895, %get3A_2903 : vector<16xf32>
      %add3A_2905 = arith.addf %add3A_2892, %mul3A_2904 : vector<16xf32>
      scf.yield %add3A_2582, %add3A_2587, %add3A_2688, %add3A_2693, %add3A_2794, %add3A_2799, %add3A_2900, %add3A_2905 : vector<16xf32>, vector<16xf32>, vector<16xf32>, vector<16xf32>, vector<16xf32>, vector<16xf32>, vector<16xf32>, vector<16xf32>
    }
    %scan3A_1798 = arith.constant 31 : i32
    %broadcast_in_dim3A_1799 = arith.constant true
    %broadcast_in_dim3A_1800 = vector.broadcast %broadcast_in_dim3A_1799 : i1 to vector<16xi1>
    %masked_cumsum3A_1801 = tpu.scan <sum>, %scan3A_1797#0 masked %broadcast_in_dim3A_1800 : vector<16xf32>, vector<16xi1> -> vector<16xf32>
    %swap3A_1802 = arith.constant 380 : index
    %swap3A_1803 = tpu.vector_load %arg18[%swap3A_1802] masked %eq3A_1288 {strides = array<i32>} : memref<528xf32, #tpu.memory_space<vmem>>, vector<16xf32>, vector<16xi1>
    tpu.vector_store %arg18[%swap3A_1802], %masked_cumsum3A_1801 masked %eq3A_1288 {strides = array<i32>} : memref<528xf32, #tpu.memory_space<vmem>>, vector<16xf32>, vector<16xi1>
    %broadcast_in_dim3A_1804 = arith.constant true
    %broadcast_in_dim3A_1805 = vector.broadcast %broadcast_in_dim3A_1804 : i1 to vector<16xi1>
    %masked_cumsum3A_1806 = tpu.scan <sum>, %scan3A_1797#1 masked %broadcast_in_dim3A_1805 : vector<16xf32>, vector<16xi1> -> vector<16xf32>
    %swap3A_1807 = arith.constant 380 : index
    %swap3A_1808 = tpu.vector_load %arg19[%swap3A_1807] masked %eq3A_1288 {strides = array<i32>} : memref<528xf32, #tpu.memory_space<vmem>>, vector<16xf32>, vector<16xi1>
    tpu.vector_store %arg19[%swap3A_1807], %masked_cumsum3A_1806 masked %eq3A_1288 {strides = array<i32>} : memref<528xf32, #tpu.memory_space<vmem>>, vector<16xf32>, vector<16xi1>
    %broadcast_in_dim3A_1809 = arith.constant true
    %broadcast_in_dim3A_1810 = vector.broadcast %broadcast_in_dim3A_1809 : i1 to vector<16xi1>
    %masked_cumsum3A_1811 = tpu.scan <sum>, %scan3A_1797#2 masked %broadcast_in_dim3A_1810 : vector<16xf32>, vector<16xi1> -> vector<16xf32>
    %swap3A_1812 = arith.constant 381 : index
    %swap3A_1813 = tpu.vector_load %arg18[%swap3A_1812] masked %eq3A_1288 {strides = array<i32>} : memref<528xf32, #tpu.memory_space<vmem>>, vector<16xf32>, vector<16xi1>
    tpu.vector_store %arg18[%swap3A_1812], %masked_cumsum3A_1811 masked %eq3A_1288 {strides = array<i32>} : memref<528xf32, #tpu.memory_space<vmem>>, vector<16xf32>, vector<16xi1>
    %broadcast_in_dim3A_1814 = arith.constant true
    %broadcast_in_dim3A_1815 = vector.broadcast %broadcast_in_dim3A_1814 : i1 to vector<16xi1>
    %masked_cumsum3A_1816 = tpu.scan <sum>, %scan3A_1797#3 masked %broadcast_in_dim3A_1815 : vector<16xf32>, vector<16xi1> -> vector<16xf32>
    %swap3A_1817 = arith.constant 381 : index
    %swap3A_1818 = tpu.vector_load %arg19[%swap3A_1817] masked %eq3A_1288 {strides = array<i32>} : memref<528xf32, #tpu.memory_space<vmem>>, vector<16xf32>, vector<16xi1>
    tpu.vector_store %arg19[%swap3A_1817], %masked_cumsum3A_1816 masked %eq3A_1288 {strides = array<i32>} : memref<528xf32, #tpu.memory_space<vmem>>, vector<16xf32>, vector<16xi1>
    %broadcast_in_dim3A_1819 = arith.constant true
    %broadcast_in_dim3A_1820 = vector.broadcast %broadcast_in_dim3A_1819 : i1 to vector<16xi1>
    %masked_cumsum3A_1821 = tpu.scan <sum>, %scan3A_1797#4 masked %broadcast_in_dim3A_1820 : vector<16xf32>, vector<16xi1> -> vector<16xf32>
    %swap3A_1822 = arith.constant 382 : index
    %swap3A_1823 = tpu.vector_load %arg18[%swap3A_1822] masked %eq3A_1288 {strides = array<i32>} : memref<528xf32, #tpu.memory_space<vmem>>, vector<16xf32>, vector<16xi1>
    tpu.vector_store %arg18[%swap3A_1822], %masked_cumsum3A_1821 masked %eq3A_1288 {strides = array<i32>} : memref<528xf32, #tpu.memory_space<vmem>>, vector<16xf32>, vector<16xi1>
    %broadcast_in_dim3A_1824 = arith.constant true
    %broadcast_in_dim3A_1825 = vector.broadcast %broadcast_in_dim3A_1824 : i1 to vector<16xi1>
    %masked_cumsum3A_1826 = tpu.scan <sum>, %scan3A_1797#5 masked %broadcast_in_dim3A_1825 : vector<16xf32>, vector<16xi1> -> vector<16xf32>
    %swap3A_1827 = arith.constant 382 : index
    %swap3A_1828 = tpu.vector_load %arg19[%swap3A_1827] masked %eq3A_1288 {strides = array<i32>} : memref<528xf32, #tpu.memory_space<vmem>>, vector<16xf32>, vector<16xi1>
    tpu.vector_store %arg19[%swap3A_1827], %masked_cumsum3A_1826 masked %eq3A_1288 {strides = array<i32>} : memref<528xf32, #tpu.memory_space<vmem>>, vector<16xf32>, vector<16xi1>
    %broadcast_in_dim3A_1829 = arith.constant true
    %broadcast_in_dim3A_1830 = vector.broadcast %broadcast_in_dim3A_1829 : i1 to vector<16xi1>
    %masked_cumsum3A_1831 = tpu.scan <sum>, %scan3A_1797#6 masked %broadcast_in_dim3A_1830 : vector<16xf32>, vector<16xi1> -> vector<16xf32>
    %swap3A_1832 = arith.constant 383 : index
    %swap3A_1833 = tpu.vector_load %arg18[%swap3A_1832] masked %eq3A_1288 {strides = array<i32>} : memref<528xf32, #tpu.memory_space<vmem>>, vector<16xf32>, vector<16xi1>
    tpu.vector_store %arg18[%swap3A_1832], %masked_cumsum3A_1831 masked %eq3A_1288 {strides = array<i32>} : memref<528xf32, #tpu.memory_space<vmem>>, vector<16xf32>, vector<16xi1>
    %broadcast_in_dim3A_1834 = arith.constant true
    %broadcast_in_dim3A_1835 = vector.broadcast %broadcast_in_dim3A_1834 : i1 to vector<16xi1>
    %masked_cumsum3A_1836 = tpu.scan <sum>, %scan3A_1797#7 masked %broadcast_in_dim3A_1835 : vector<16xf32>, vector<16xi1> -> vector<16xf32>
    %swap3A_1837 = arith.constant 383 : index
    %swap3A_1838 = tpu.vector_load %arg19[%swap3A_1837] masked %eq3A_1288 {strides = array<i32>} : memref<528xf32, #tpu.memory_space<vmem>>, vector<16xf32>, vector<16xi1>
    tpu.vector_store %arg19[%swap3A_1837], %masked_cumsum3A_1836 masked %eq3A_1288 {strides = array<i32>} : memref<528xf32, #tpu.memory_space<vmem>>, vector<16xf32>, vector<16xi1>
    %dma_wait3A_1839 = arith.constant 384 : i32
    %dma_wait3A_1840 = tpu.memref_slice %arg9[%dma_wait3A_1839] : memref<512xi32, #tpu.memory_space<vmem>> -> memref<128xi32, #tpu.memory_space<vmem>>
    %dma_wait3A_1841 = arith.constant 0 : i32
    %dma_wait3A_1842 = arith.constant 0 : i32
    %dma_wait3A_1843 = tpu.memref_slice %arg5[%dma_wait3A_1841, %dma_wait3A_1842] : memref<100000x128xf32, #tpu.memory_space<hbm>> -> memref<100000x128xf32, #tpu.memory_space<hbm>>
    tpu.wait_indirect_dma semaphore(%arg21 : memref<!tpu.dma_semaphore, #tpu.memory_space<semaphore_mem>>) src(%dma_wait3A_1843 : memref<100000x128xf32, #tpu.memory_space<hbm>>) dst(%arg15 : memref<128x128xf32, #tpu.memory_space<vmem>>)
    %dma_wait3A_1844 = arith.constant 384 : i32
    %dma_wait3A_1845 = tpu.memref_slice %arg10[%dma_wait3A_1844] : memref<512xi32, #tpu.memory_space<vmem>> -> memref<128xi32, #tpu.memory_space<vmem>>
    %dma_wait3A_1846 = arith.constant 0 : i32
    %dma_wait3A_1847 = arith.constant 0 : i32
    %dma_wait3A_1848 = tpu.memref_slice %arg6[%dma_wait3A_1846, %dma_wait3A_1847] : memref<100000x128xf32, #tpu.memory_space<hbm>> -> memref<100000x128xf32, #tpu.memory_space<hbm>>
    tpu.wait_indirect_dma semaphore(%arg21 : memref<!tpu.dma_semaphore, #tpu.memory_space<semaphore_mem>>) src(%dma_wait3A_1848 : memref<100000x128xf32, #tpu.memory_space<hbm>>) dst(%arg16 : memref<128x128xf32, #tpu.memory_space<vmem>>)
    %dma_wait3A_1849 = arith.constant 384 : i32
    %dma_wait3A_1850 = tpu.memref_slice %arg11[%dma_wait3A_1849] : memref<512xi32, #tpu.memory_space<vmem>> -> memref<128xi32, #tpu.memory_space<vmem>>
    %dma_wait3A_1851 = arith.constant 0 : i32
    %dma_wait3A_1852 = arith.constant 0 : i32
    %dma_wait3A_1853 = tpu.memref_slice %arg6[%dma_wait3A_1851, %dma_wait3A_1852] : memref<100000x128xf32, #tpu.memory_space<hbm>> -> memref<100000x128xf32, #tpu.memory_space<hbm>>
    tpu.wait_indirect_dma semaphore(%arg21 : memref<!tpu.dma_semaphore, #tpu.memory_space<semaphore_mem>>) src(%dma_wait3A_1853 : memref<100000x128xf32, #tpu.memory_space<hbm>>) dst(%arg17 : memref<128x128xf32, #tpu.memory_space<vmem>>)
    %iota3A_1854 = tpu.iota {dimensions = array<i32: 0>} : vector<16xi32>
    %eq3A_1855 = arith.constant 15 : i32
    %eq3A_1856 = vector.broadcast %eq3A_1855 : i32 to vector<16xi32>
    %eq3A_1857 = arith.cmpi eq, %iota3A_1854, %eq3A_1856 : vector<16xi32>
    %get3A_1858 = arith.constant 0 : i32
    %get3A_1859 = arith.index_cast %get3A_1858 : i32 to index
    %get3A_1860 = arith.constant 0 : index
    %get3A_1861 = tpu.vector_load %arg15[%get3A_1859, %get3A_1860] {strides = array<i32>} : memref<128x128xf32, #tpu.memory_space<vmem>>, vector<16xf32>,
    %get3A_1862 = arith.constant 0 : i32
    %get3A_1863 = arith.index_cast %get3A_1862 : i32 to index
    %get3A_1864 = arith.constant 0 : index
    %get3A_1865 = tpu.vector_load %arg16[%get3A_1863, %get3A_1864] {strides = array<i32>} : memref<128x128xf32, #tpu.memory_space<vmem>>, vector<16xf32>,
    %mul3A_1866 = arith.mulf %get3A_1861, %get3A_1865 : vector<16xf32>
    %get3A_1867 = arith.constant 0 : i32
    %get3A_1868 = arith.index_cast %get3A_1867 : i32 to index
    %get3A_1869 = arith.constant 0 : index
    %get3A_1870 = tpu.vector_load %arg17[%get3A_1868, %get3A_1869] {strides = array<i32>} : memref<128x128xf32, #tpu.memory_space<vmem>>, vector<16xf32>,
    %mul3A_1871 = arith.mulf %get3A_1861, %get3A_1870 : vector<16xf32>
    %get3A_1872 = arith.constant 0 : i32
    %get3A_1873 = arith.index_cast %get3A_1872 : i32 to index
    %get3A_1874 = arith.constant 16 : index
    %get3A_1875 = tpu.vector_load %arg15[%get3A_1873, %get3A_1874] {strides = array<i32>} : memref<128x128xf32, #tpu.memory_space<vmem>>, vector<16xf32>,
    %get3A_1876 = arith.constant 0 : i32
    %get3A_1877 = arith.index_cast %get3A_1876 : i32 to index
    %get3A_1878 = arith.constant 16 : index
    %get3A_1879 = tpu.vector_load %arg16[%get3A_1877, %get3A_1878] {strides = array<i32>} : memref<128x128xf32, #tpu.memory_space<vmem>>, vector<16xf32>,
    %mul3A_1880 = arith.mulf %get3A_1875, %get3A_1879 : vector<16xf32>
    %add3A_1881 = arith.addf %mul3A_1866, %mul3A_1880 : vector<16xf32>
    %get3A_1882 = arith.constant 0 : i32
    %get3A_1883 = arith.index_cast %get3A_1882 : i32 to index
    %get3A_1884 = arith.constant 16 : index
    %get3A_1885 = tpu.vector_load %arg17[%get3A_1883, %get3A_1884] {strides = array<i32>} : memref<128x128xf32, #tpu.memory_space<vmem>>, vector<16xf32>,
    %mul3A_1886 = arith.mulf %get3A_1875, %get3A_1885 : vector<16xf32>
    %add3A_1887 = arith.addf %mul3A_1871, %mul3A_1886 : vector<16xf32>
    %get3A_1888 = arith.constant 0 : i32
    %get3A_1889 = arith.index_cast %get3A_1888 : i32 to index
    %get3A_1890 = arith.constant 32 : index
    %get3A_1891 = tpu.vector_load %arg15[%get3A_1889, %get3A_1890] {strides = array<i32>} : memref<128x128xf32, #tpu.memory_space<vmem>>, vector<16xf32>,
    %get3A_1892 = arith.constant 0 : i32
    %get3A_1893 = arith.index_cast %get3A_1892 : i32 to index
    %get3A_1894 = arith.constant 32 : index
    %get3A_1895 = tpu.vector_load %arg16[%get3A_1893, %get3A_1894] {strides = array<i32>} : memref<128x128xf32, #tpu.memory_space<vmem>>, vector<16xf32>,
    %mul3A_1896 = arith.mulf %get3A_1891, %get3A_1895 : vector<16xf32>
    %add3A_1897 = arith.addf %add3A_1881, %mul3A_1896 : vector<16xf32>
    %get3A_1898 = arith.constant 0 : i32
    %get3A_1899 = arith.index_cast %get3A_1898 : i32 to index
    %get3A_1900 = arith.constant 32 : index
    %get3A_1901 = tpu.vector_load %arg17[%get3A_1899, %get3A_1900] {strides = array<i32>} : memref<128x128xf32, #tpu.memory_space<vmem>>, vector<16xf32>,
    %mul3A_1902 = arith.mulf %get3A_1891, %get3A_1901 : vector<16xf32>
    %add3A_1903 = arith.addf %add3A_1887, %mul3A_1902 : vector<16xf32>
    %get3A_1904 = arith.constant 0 : i32
    %get3A_1905 = arith.index_cast %get3A_1904 : i32 to index
    %get3A_1906 = arith.constant 48 : index
    %get3A_1907 = tpu.vector_load %arg15[%get3A_1905, %get3A_1906] {strides = array<i32>} : memref<128x128xf32, #tpu.memory_space<vmem>>, vector<16xf32>,
    %get3A_1908 = arith.constant 0 : i32
    %get3A_1909 = arith.index_cast %get3A_1908 : i32 to index
    %get3A_1910 = arith.constant 48 : index
    %get3A_1911 = tpu.vector_load %arg16[%get3A_1909, %get3A_1910] {strides = array<i32>} : memref<128x128xf32, #tpu.memory_space<vmem>>, vector<16xf32>,
    %mul3A_1912 = arith.mulf %get3A_1907, %get3A_1911 : vector<16xf32>
    %add3A_1913 = arith.addf %add3A_1897, %mul3A_1912 : vector<16xf32>
    %get3A_1914 = arith.constant 0 : i32
    %get3A_1915 = arith.index_cast %get3A_1914 : i32 to index
    %get3A_1916 = arith.constant 48 : index
    %get3A_1917 = tpu.vector_load %arg17[%get3A_1915, %get3A_1916] {strides = array<i32>} : memref<128x128xf32, #tpu.memory_space<vmem>>, vector<16xf32>,
    %mul3A_1918 = arith.mulf %get3A_1907, %get3A_1917 : vector<16xf32>
    %add3A_1919 = arith.addf %add3A_1903, %mul3A_1918 : vector<16xf32>
    %get3A_1920 = arith.constant 0 : i32
    %get3A_1921 = arith.index_cast %get3A_1920 : i32 to index
    %get3A_1922 = arith.constant 64 : index
    %get3A_1923 = tpu.vector_load %arg15[%get3A_1921, %get3A_1922] {strides = array<i32>} : memref<128x128xf32, #tpu.memory_space<vmem>>, vector<16xf32>,
    %get3A_1924 = arith.constant 0 : i32
    %get3A_1925 = arith.index_cast %get3A_1924 : i32 to index
    %get3A_1926 = arith.constant 64 : index
    %get3A_1927 = tpu.vector_load %arg16[%get3A_1925, %get3A_1926] {strides = array<i32>} : memref<128x128xf32, #tpu.memory_space<vmem>>, vector<16xf32>,
    %mul3A_1928 = arith.mulf %get3A_1923, %get3A_1927 : vector<16xf32>
    %add3A_1929 = arith.addf %add3A_1913, %mul3A_1928 : vector<16xf32>
    %get3A_1930 = arith.constant 0 : i32
    %get3A_1931 = arith.index_cast %get3A_1930 : i32 to index
    %get3A_1932 = arith.constant 64 : index
    %get3A_1933 = tpu.vector_load %arg17[%get3A_1931, %get3A_1932] {strides = array<i32>} : memref<128x128xf32, #tpu.memory_space<vmem>>, vector<16xf32>,
    %mul3A_1934 = arith.mulf %get3A_1923, %get3A_1933 : vector<16xf32>
    %add3A_1935 = arith.addf %add3A_1919, %mul3A_1934 : vector<16xf32>
    %get3A_1936 = arith.constant 0 : i32
    %get3A_1937 = arith.index_cast %get3A_1936 : i32 to index
    %get3A_1938 = arith.constant 80 : index
    %get3A_1939 = tpu.vector_load %arg15[%get3A_1937, %get3A_1938] {strides = array<i32>} : memref<128x128xf32, #tpu.memory_space<vmem>>, vector<16xf32>,
    %get3A_1940 = arith.constant 0 : i32
    %get3A_1941 = arith.index_cast %get3A_1940 : i32 to index
    %get3A_1942 = arith.constant 80 : index
    %get3A_1943 = tpu.vector_load %arg16[%get3A_1941, %get3A_1942] {strides = array<i32>} : memref<128x128xf32, #tpu.memory_space<vmem>>, vector<16xf32>,
    %mul3A_1944 = arith.mulf %get3A_1939, %get3A_1943 : vector<16xf32>
    %add3A_1945 = arith.addf %add3A_1929, %mul3A_1944 : vector<16xf32>
    %get3A_1946 = arith.constant 0 : i32
    %get3A_1947 = arith.index_cast %get3A_1946 : i32 to index
    %get3A_1948 = arith.constant 80 : index
    %get3A_1949 = tpu.vector_load %arg17[%get3A_1947, %get3A_1948] {strides = array<i32>} : memref<128x128xf32, #tpu.memory_space<vmem>>, vector<16xf32>,
    %mul3A_1950 = arith.mulf %get3A_1939, %get3A_1949 : vector<16xf32>
    %add3A_1951 = arith.addf %add3A_1935, %mul3A_1950 : vector<16xf32>
    %get3A_1952 = arith.constant 0 : i32
    %get3A_1953 = arith.index_cast %get3A_1952 : i32 to index
    %get3A_1954 = arith.constant 96 : index
    %get3A_1955 = tpu.vector_load %arg15[%get3A_1953, %get3A_1954] {strides = array<i32>} : memref<128x128xf32, #tpu.memory_space<vmem>>, vector<16xf32>,
    %get3A_1956 = arith.constant 0 : i32
    %get3A_1957 = arith.index_cast %get3A_1956 : i32 to index
    %get3A_1958 = arith.constant 96 : index
    %get3A_1959 = tpu.vector_load %arg16[%get3A_1957, %get3A_1958] {strides = array<i32>} : memref<128x128xf32, #tpu.memory_space<vmem>>, vector<16xf32>,
    %mul3A_1960 = arith.mulf %get3A_1955, %get3A_1959 : vector<16xf32>
    %add3A_1961 = arith.addf %add3A_1945, %mul3A_1960 : vector<16xf32>
    %get3A_1962 = arith.constant 0 : i32
    %get3A_1963 = arith.index_cast %get3A_1962 : i32 to index
    %get3A_1964 = arith.constant 96 : index
    %get3A_1965 = tpu.vector_load %arg17[%get3A_1963, %get3A_1964] {strides = array<i32>} : memref<128x128xf32, #tpu.memory_space<vmem>>, vector<16xf32>,
    %mul3A_1966 = arith.mulf %get3A_1955, %get3A_1965 : vector<16xf32>
    %add3A_1967 = arith.addf %add3A_1951, %mul3A_1966 : vector<16xf32>
    %get3A_1968 = arith.constant 0 : i32
    %get3A_1969 = arith.index_cast %get3A_1968 : i32 to index
    %get3A_1970 = arith.constant 112 : index
    %get3A_1971 = tpu.vector_load %arg15[%get3A_1969, %get3A_1970] {strides = array<i32>} : memref<128x128xf32, #tpu.memory_space<vmem>>, vector<16xf32>,
    %get3A_1972 = arith.constant 0 : i32
    %get3A_1973 = arith.index_cast %get3A_1972 : i32 to index
    %get3A_1974 = arith.constant 112 : index
    %get3A_1975 = tpu.vector_load %arg16[%get3A_1973, %get3A_1974] {strides = array<i32>} : memref<128x128xf32, #tpu.memory_space<vmem>>, vector<16xf32>,
    %mul3A_1976 = arith.mulf %get3A_1971, %get3A_1975 : vector<16xf32>
    %add3A_1977 = arith.addf %add3A_1961, %mul3A_1976 : vector<16xf32>
    %get3A_1978 = arith.constant 0 : i32
    %get3A_1979 = arith.index_cast %get3A_1978 : i32 to index
    %get3A_1980 = arith.constant 112 : index
    %get3A_1981 = tpu.vector_load %arg17[%get3A_1979, %get3A_1980] {strides = array<i32>} : memref<128x128xf32, #tpu.memory_space<vmem>>, vector<16xf32>,
    %mul3A_1982 = arith.mulf %get3A_1971, %get3A_1981 : vector<16xf32>
    %add3A_1983 = arith.addf %add3A_1967, %mul3A_1982 : vector<16xf32>
    %get3A_1984 = arith.constant 1 : i32
    %get3A_1985 = arith.index_cast %get3A_1984 : i32 to index
    %get3A_1986 = arith.constant 0 : index
    %get3A_1987 = tpu.vector_load %arg15[%get3A_1985, %get3A_1986] {strides = array<i32>} : memref<128x128xf32, #tpu.memory_space<vmem>>, vector<16xf32>,
    %get3A_1988 = arith.constant 1 : i32
    %get3A_1989 = arith.index_cast %get3A_1988 : i32 to index
    %get3A_1990 = arith.constant 0 : index
    %get3A_1991 = tpu.vector_load %arg16[%get3A_1989, %get3A_1990] {strides = array<i32>} : memref<128x128xf32, #tpu.memory_space<vmem>>, vector<16xf32>,
    %mul3A_1992 = arith.mulf %get3A_1987, %get3A_1991 : vector<16xf32>
    %get3A_1993 = arith.constant 1 : i32
    %get3A_1994 = arith.index_cast %get3A_1993 : i32 to index
    %get3A_1995 = arith.constant 0 : index
    %get3A_1996 = tpu.vector_load %arg17[%get3A_1994, %get3A_1995] {strides = array<i32>} : memref<128x128xf32, #tpu.memory_space<vmem>>, vector<16xf32>,
    %mul3A_1997 = arith.mulf %get3A_1987, %get3A_1996 : vector<16xf32>
    %get3A_1998 = arith.constant 1 : i32
    %get3A_1999 = arith.index_cast %get3A_1998 : i32 to index
    %get3A_2000 = arith.constant 16 : index
    %get3A_2001 = tpu.vector_load %arg15[%get3A_1999, %get3A_2000] {strides = array<i32>} : memref<128x128xf32, #tpu.memory_space<vmem>>, vector<16xf32>,
    %get3A_2002 = arith.constant 1 : i32
    %get3A_2003 = arith.index_cast %get3A_2002 : i32 to index
    %get3A_2004 = arith.constant 16 : index
    %get3A_2005 = tpu.vector_load %arg16[%get3A_2003, %get3A_2004] {strides = array<i32>} : memref<128x128xf32, #tpu.memory_space<vmem>>, vector<16xf32>,
    %mul3A_2006 = arith.mulf %get3A_2001, %get3A_2005 : vector<16xf32>
    %add3A_2007 = arith.addf %mul3A_1992, %mul3A_2006 : vector<16xf32>
    %get3A_2008 = arith.constant 1 : i32
    %get3A_2009 = arith.index_cast %get3A_2008 : i32 to index
    %get3A_2010 = arith.constant 16 : index
    %get3A_2011 = tpu.vector_load %arg17[%get3A_2009, %get3A_2010] {strides = array<i32>} : memref<128x128xf32, #tpu.memory_space<vmem>>, vector<16xf32>,
    %mul3A_2012 = arith.mulf %get3A_2001, %get3A_2011 : vector<16xf32>
    %add3A_2013 = arith.addf %mul3A_1997, %mul3A_2012 : vector<16xf32>
    %get3A_2014 = arith.constant 1 : i32
    %get3A_2015 = arith.index_cast %get3A_2014 : i32 to index
    %get3A_2016 = arith.constant 32 : index
    %get3A_2017 = tpu.vector_load %arg15[%get3A_2015, %get3A_2016] {strides = array<i32>} : memref<128x128xf32, #tpu.memory_space<vmem>>, vector<16xf32>,
    %get3A_2018 = arith.constant 1 : i32
    %get3A_2019 = arith.index_cast %get3A_2018 : i32 to index
    %get3A_2020 = arith.constant 32 : index
    %get3A_2021 = tpu.vector_load %arg16[%get3A_2019, %get3A_2020] {strides = array<i32>} : memref<128x128xf32, #tpu.memory_space<vmem>>, vector<16xf32>,
    %mul3A_2022 = arith.mulf %get3A_2017, %get3A_2021 : vector<16xf32>
    %add3A_2023 = arith.addf %add3A_2007, %mul3A_2022 : vector<16xf32>
    %get3A_2024 = arith.constant 1 : i32
    %get3A_2025 = arith.index_cast %get3A_2024 : i32 to index
    %get3A_2026 = arith.constant 32 : index
    %get3A_2027 = tpu.vector_load %arg17[%get3A_2025, %get3A_2026] {strides = array<i32>} : memref<128x128xf32, #tpu.memory_space<vmem>>, vector<16xf32>,
    %mul3A_2028 = arith.mulf %get3A_2017, %get3A_2027 : vector<16xf32>
    %add3A_2029 = arith.addf %add3A_2013, %mul3A_2028 : vector<16xf32>
    %get3A_2030 = arith.constant 1 : i32
    %get3A_2031 = arith.index_cast %get3A_2030 : i32 to index
    %get3A_2032 = arith.constant 48 : index
    %get3A_2033 = tpu.vector_load %arg15[%get3A_2031, %get3A_2032] {strides = array<i32>} : memref<128x128xf32, #tpu.memory_space<vmem>>, vector<16xf32>,
    %get3A_2034 = arith.constant 1 : i32
    %get3A_2035 = arith.index_cast %get3A_2034 : i32 to index
    %get3A_2036 = arith.constant 48 : index
    %get3A_2037 = tpu.vector_load %arg16[%get3A_2035, %get3A_2036] {strides = array<i32>} : memref<128x128xf32, #tpu.memory_space<vmem>>, vector<16xf32>,
    %mul3A_2038 = arith.mulf %get3A_2033, %get3A_2037 : vector<16xf32>
    %add3A_2039 = arith.addf %add3A_2023, %mul3A_2038 : vector<16xf32>
    %get3A_2040 = arith.constant 1 : i32
    %get3A_2041 = arith.index_cast %get3A_2040 : i32 to index
    %get3A_2042 = arith.constant 48 : index
    %get3A_2043 = tpu.vector_load %arg17[%get3A_2041, %get3A_2042] {strides = array<i32>} : memref<128x128xf32, #tpu.memory_space<vmem>>, vector<16xf32>,
    %mul3A_2044 = arith.mulf %get3A_2033, %get3A_2043 : vector<16xf32>
    %add3A_2045 = arith.addf %add3A_2029, %mul3A_2044 : vector<16xf32>
    %get3A_2046 = arith.constant 1 : i32
    %get3A_2047 = arith.index_cast %get3A_2046 : i32 to index
    %get3A_2048 = arith.constant 64 : index
    %get3A_2049 = tpu.vector_load %arg15[%get3A_2047, %get3A_2048] {strides = array<i32>} : memref<128x128xf32, #tpu.memory_space<vmem>>, vector<16xf32>,
    %get3A_2050 = arith.constant 1 : i32
    %get3A_2051 = arith.index_cast %get3A_2050 : i32 to index
    %get3A_2052 = arith.constant 64 : index
    %get3A_2053 = tpu.vector_load %arg16[%get3A_2051, %get3A_2052] {strides = array<i32>} : memref<128x128xf32, #tpu.memory_space<vmem>>, vector<16xf32>,
    %mul3A_2054 = arith.mulf %get3A_2049, %get3A_2053 : vector<16xf32>
    %add3A_2055 = arith.addf %add3A_2039, %mul3A_2054 : vector<16xf32>
    %get3A_2056 = arith.constant 1 : i32
    %get3A_2057 = arith.index_cast %get3A_2056 : i32 to index
    %get3A_2058 = arith.constant 64 : index
    %get3A_2059 = tpu.vector_load %arg17[%get3A_2057, %get3A_2058] {strides = array<i32>} : memref<128x128xf32, #tpu.memory_space<vmem>>, vector<16xf32>,
    %mul3A_2060 = arith.mulf %get3A_2049, %get3A_2059 : vector<16xf32>
    %add3A_2061 = arith.addf %add3A_2045, %mul3A_2060 : vector<16xf32>
    %get3A_2062 = arith.constant 1 : i32
    %get3A_2063 = arith.index_cast %get3A_2062 : i32 to index
    %get3A_2064 = arith.constant 80 : index
    %get3A_2065 = tpu.vector_load %arg15[%get3A_2063, %get3A_2064] {strides = array<i32>} : memref<128x128xf32, #tpu.memory_space<vmem>>, vector<16xf32>,
    %get3A_2066 = arith.constant 1 : i32
    %get3A_2067 = arith.index_cast %get3A_2066 : i32 to index
    %get3A_2068 = arith.constant 80 : index
    %get3A_2069 = tpu.vector_load %arg16[%get3A_2067, %get3A_2068] {strides = array<i32>} : memref<128x128xf32, #tpu.memory_space<vmem>>, vector<16xf32>,
    %mul3A_2070 = arith.mulf %get3A_2065, %get3A_2069 : vector<16xf32>
    %add3A_2071 = arith.addf %add3A_2055, %mul3A_2070 : vector<16xf32>
    %get3A_2072 = arith.constant 1 : i32
    %get3A_2073 = arith.index_cast %get3A_2072 : i32 to index
    %get3A_2074 = arith.constant 80 : index
    %get3A_2075 = tpu.vector_load %arg17[%get3A_2073, %get3A_2074] {strides = array<i32>} : memref<128x128xf32, #tpu.memory_space<vmem>>, vector<16xf32>,
    %mul3A_2076 = arith.mulf %get3A_2065, %get3A_2075 : vector<16xf32>
    %add3A_2077 = arith.addf %add3A_2061, %mul3A_2076 : vector<16xf32>
    %get3A_2078 = arith.constant 1 : i32
    %get3A_2079 = arith.index_cast %get3A_2078 : i32 to index
    %get3A_2080 = arith.constant 96 : index
    %get3A_2081 = tpu.vector_load %arg15[%get3A_2079, %get3A_2080] {strides = array<i32>} : memref<128x128xf32, #tpu.memory_space<vmem>>, vector<16xf32>,
    %get3A_2082 = arith.constant 1 : i32
    %get3A_2083 = arith.index_cast %get3A_2082 : i32 to index
    %get3A_2084 = arith.constant 96 : index
    %get3A_2085 = tpu.vector_load %arg16[%get3A_2083, %get3A_2084] {strides = array<i32>} : memref<128x128xf32, #tpu.memory_space<vmem>>, vector<16xf32>,
    %mul3A_2086 = arith.mulf %get3A_2081, %get3A_2085 : vector<16xf32>
    %add3A_2087 = arith.addf %add3A_2071, %mul3A_2086 : vector<16xf32>
    %get3A_2088 = arith.constant 1 : i32
    %get3A_2089 = arith.index_cast %get3A_2088 : i32 to index
    %get3A_2090 = arith.constant 96 : index
    %get3A_2091 = tpu.vector_load %arg17[%get3A_2089, %get3A_2090] {strides = array<i32>} : memref<128x128xf32, #tpu.memory_space<vmem>>, vector<16xf32>,
    %mul3A_2092 = arith.mulf %get3A_2081, %get3A_2091 : vector<16xf32>
    %add3A_2093 = arith.addf %add3A_2077, %mul3A_2092 : vector<16xf32>
    %get3A_2094 = arith.constant 1 : i32
    %get3A_2095 = arith.index_cast %get3A_2094 : i32 to index
    %get3A_2096 = arith.constant 112 : index
    %get3A_2097 = tpu.vector_load %arg15[%get3A_2095, %get3A_2096] {strides = array<i32>} : memref<128x128xf32, #tpu.memory_space<vmem>>, vector<16xf32>,
    %get3A_2098 = arith.constant 1 : i32
    %get3A_2099 = arith.index_cast %get3A_2098 : i32 to index
    %get3A_2100 = arith.constant 112 : index
    %get3A_2101 = tpu.vector_load %arg16[%get3A_2099, %get3A_2100] {strides = array<i32>} : memref<128x128xf32, #tpu.memory_space<vmem>>, vector<16xf32>,
    %mul3A_2102 = arith.mulf %get3A_2097, %get3A_2101 : vector<16xf32>
    %add3A_2103 = arith.addf %add3A_2087, %mul3A_2102 : vector<16xf32>
    %get3A_2104 = arith.constant 1 : i32
    %get3A_2105 = arith.index_cast %get3A_2104 : i32 to index
    %get3A_2106 = arith.constant 112 : index
    %get3A_2107 = tpu.vector_load %arg17[%get3A_2105, %get3A_2106] {strides = array<i32>} : memref<128x128xf32, #tpu.memory_space<vmem>>, vector<16xf32>,
    %mul3A_2108 = arith.mulf %get3A_2097, %get3A_2107 : vector<16xf32>
    %add3A_2109 = arith.addf %add3A_2093, %mul3A_2108 : vector<16xf32>
    %get3A_2110 = arith.constant 2 : i32
    %get3A_2111 = arith.index_cast %get3A_2110 : i32 to index
    %get3A_2112 = arith.constant 0 : index
    %get3A_2113 = tpu.vector_load %arg15[%get3A_2111, %get3A_2112] {strides = array<i32>} : memref<128x128xf32, #tpu.memory_space<vmem>>, vector<16xf32>,
    %get3A_2114 = arith.constant 2 : i32
    %get3A_2115 = arith.index_cast %get3A_2114 : i32 to index
    %get3A_2116 = arith.constant 0 : index
    %get3A_2117 = tpu.vector_load %arg16[%get3A_2115, %get3A_2116] {strides = array<i32>} : memref<128x128xf32, #tpu.memory_space<vmem>>, vector<16xf32>,
    %mul3A_2118 = arith.mulf %get3A_2113, %get3A_2117 : vector<16xf32>
    %get3A_2119 = arith.constant 2 : i32
    %get3A_2120 = arith.index_cast %get3A_2119 : i32 to index
    %get3A_2121 = arith.constant 0 : index
    %get3A_2122 = tpu.vector_load %arg17[%get3A_2120, %get3A_2121] {strides = array<i32>} : memref<128x128xf32, #tpu.memory_space<vmem>>, vector<16xf32>,
    %mul3A_2123 = arith.mulf %get3A_2113, %get3A_2122 : vector<16xf32>
    %get3A_2124 = arith.constant 2 : i32
    %get3A_2125 = arith.index_cast %get3A_2124 : i32 to index
    %get3A_2126 = arith.constant 16 : index
    %get3A_2127 = tpu.vector_load %arg15[%get3A_2125, %get3A_2126] {strides = array<i32>} : memref<128x128xf32, #tpu.memory_space<vmem>>, vector<16xf32>,
    %get3A_2128 = arith.constant 2 : i32
    %get3A_2129 = arith.index_cast %get3A_2128 : i32 to index
    %get3A_2130 = arith.constant 16 : index
    %get3A_2131 = tpu.vector_load %arg16[%get3A_2129, %get3A_2130] {strides = array<i32>} : memref<128x128xf32, #tpu.memory_space<vmem>>, vector<16xf32>,
    %mul3A_2132 = arith.mulf %get3A_2127, %get3A_2131 : vector<16xf32>
    %add3A_2133 = arith.addf %mul3A_2118, %mul3A_2132 : vector<16xf32>
    %get3A_2134 = arith.constant 2 : i32
    %get3A_2135 = arith.index_cast %get3A_2134 : i32 to index
    %get3A_2136 = arith.constant 16 : index
    %get3A_2137 = tpu.vector_load %arg17[%get3A_2135, %get3A_2136] {strides = array<i32>} : memref<128x128xf32, #tpu.memory_space<vmem>>, vector<16xf32>,
    %mul3A_2138 = arith.mulf %get3A_2127, %get3A_2137 : vector<16xf32>
    %add3A_2139 = arith.addf %mul3A_2123, %mul3A_2138 : vector<16xf32>
    %get3A_2140 = arith.constant 2 : i32
    %get3A_2141 = arith.index_cast %get3A_2140 : i32 to index
    %get3A_2142 = arith.constant 32 : index
    %get3A_2143 = tpu.vector_load %arg15[%get3A_2141, %get3A_2142] {strides = array<i32>} : memref<128x128xf32, #tpu.memory_space<vmem>>, vector<16xf32>,
    %get3A_2144 = arith.constant 2 : i32
    %get3A_2145 = arith.index_cast %get3A_2144 : i32 to index
    %get3A_2146 = arith.constant 32 : index
    %get3A_2147 = tpu.vector_load %arg16[%get3A_2145, %get3A_2146] {strides = array<i32>} : memref<128x128xf32, #tpu.memory_space<vmem>>, vector<16xf32>,
    %mul3A_2148 = arith.mulf %get3A_2143, %get3A_2147 : vector<16xf32>
    %add3A_2149 = arith.addf %add3A_2133, %mul3A_2148 : vector<16xf32>
    %get3A_2150 = arith.constant 2 : i32
    %get3A_2151 = arith.index_cast %get3A_2150 : i32 to index
    %get3A_2152 = arith.constant 32 : index
    %get3A_2153 = tpu.vector_load %arg17[%get3A_2151, %get3A_2152] {strides = array<i32>} : memref<128x128xf32, #tpu.memory_space<vmem>>, vector<16xf32>,
    %mul3A_2154 = arith.mulf %get3A_2143, %get3A_2153 : vector<16xf32>
    %add3A_2155 = arith.addf %add3A_2139, %mul3A_2154 : vector<16xf32>
    %get3A_2156 = arith.constant 2 : i32
    %get3A_2157 = arith.index_cast %get3A_2156 : i32 to index
    %get3A_2158 = arith.constant 48 : index
    %get3A_2159 = tpu.vector_load %arg15[%get3A_2157, %get3A_2158] {strides = array<i32>} : memref<128x128xf32, #tpu.memory_space<vmem>>, vector<16xf32>,
    %get3A_2160 = arith.constant 2 : i32
    %get3A_2161 = arith.index_cast %get3A_2160 : i32 to index
    %get3A_2162 = arith.constant 48 : index
    %get3A_2163 = tpu.vector_load %arg16[%get3A_2161, %get3A_2162] {strides = array<i32>} : memref<128x128xf32, #tpu.memory_space<vmem>>, vector<16xf32>,
    %mul3A_2164 = arith.mulf %get3A_2159, %get3A_2163 : vector<16xf32>
    %add3A_2165 = arith.addf %add3A_2149, %mul3A_2164 : vector<16xf32>
    %get3A_2166 = arith.constant 2 : i32
    %get3A_2167 = arith.index_cast %get3A_2166 : i32 to index
    %get3A_2168 = arith.constant 48 : index
    %get3A_2169 = tpu.vector_load %arg17[%get3A_2167, %get3A_2168] {strides = array<i32>} : memref<128x128xf32, #tpu.memory_space<vmem>>, vector<16xf32>,
    %mul3A_2170 = arith.mulf %get3A_2159, %get3A_2169 : vector<16xf32>
    %add3A_2171 = arith.addf %add3A_2155, %mul3A_2170 : vector<16xf32>
    %get3A_2172 = arith.constant 2 : i32
    %get3A_2173 = arith.index_cast %get3A_2172 : i32 to index
    %get3A_2174 = arith.constant 64 : index
    %get3A_2175 = tpu.vector_load %arg15[%get3A_2173, %get3A_2174] {strides = array<i32>} : memref<128x128xf32, #tpu.memory_space<vmem>>, vector<16xf32>,
    %get3A_2176 = arith.constant 2 : i32
    %get3A_2177 = arith.index_cast %get3A_2176 : i32 to index
    %get3A_2178 = arith.constant 64 : index
    %get3A_2179 = tpu.vector_load %arg16[%get3A_2177, %get3A_2178] {strides = array<i32>} : memref<128x128xf32, #tpu.memory_space<vmem>>, vector<16xf32>,
    %mul3A_2180 = arith.mulf %get3A_2175, %get3A_2179 : vector<16xf32>
    %add3A_2181 = arith.addf %add3A_2165, %mul3A_2180 : vector<16xf32>
    %get3A_2182 = arith.constant 2 : i32
    %get3A_2183 = arith.index_cast %get3A_2182 : i32 to index
    %get3A_2184 = arith.constant 64 : index
    %get3A_2185 = tpu.vector_load %arg17[%get3A_2183, %get3A_2184] {strides = array<i32>} : memref<128x128xf32, #tpu.memory_space<vmem>>, vector<16xf32>,
    %mul3A_2186 = arith.mulf %get3A_2175, %get3A_2185 : vector<16xf32>
    %add3A_2187 = arith.addf %add3A_2171, %mul3A_2186 : vector<16xf32>
    %get3A_2188 = arith.constant 2 : i32
    %get3A_2189 = arith.index_cast %get3A_2188 : i32 to index
    %get3A_2190 = arith.constant 80 : index
    %get3A_2191 = tpu.vector_load %arg15[%get3A_2189, %get3A_2190] {strides = array<i32>} : memref<128x128xf32, #tpu.memory_space<vmem>>, vector<16xf32>,
    %get3A_2192 = arith.constant 2 : i32
    %get3A_2193 = arith.index_cast %get3A_2192 : i32 to index
    %get3A_2194 = arith.constant 80 : index
    %get3A_2195 = tpu.vector_load %arg16[%get3A_2193, %get3A_2194] {strides = array<i32>} : memref<128x128xf32, #tpu.memory_space<vmem>>, vector<16xf32>,
    %mul3A_2196 = arith.mulf %get3A_2191, %get3A_2195 : vector<16xf32>
    %add3A_2197 = arith.addf %add3A_2181, %mul3A_2196 : vector<16xf32>
    %get3A_2198 = arith.constant 2 : i32
    %get3A_2199 = arith.index_cast %get3A_2198 : i32 to index
    %get3A_2200 = arith.constant 80 : index
    %get3A_2201 = tpu.vector_load %arg17[%get3A_2199, %get3A_2200] {strides = array<i32>} : memref<128x128xf32, #tpu.memory_space<vmem>>, vector<16xf32>,
    %mul3A_2202 = arith.mulf %get3A_2191, %get3A_2201 : vector<16xf32>
    %add3A_2203 = arith.addf %add3A_2187, %mul3A_2202 : vector<16xf32>
    %get3A_2204 = arith.constant 2 : i32
    %get3A_2205 = arith.index_cast %get3A_2204 : i32 to index
    %get3A_2206 = arith.constant 96 : index
    %get3A_2207 = tpu.vector_load %arg15[%get3A_2205, %get3A_2206] {strides = array<i32>} : memref<128x128xf32, #tpu.memory_space<vmem>>, vector<16xf32>,
    %get3A_2208 = arith.constant 2 : i32
    %get3A_2209 = arith.index_cast %get3A_2208 : i32 to index
    %get3A_2210 = arith.constant 96 : index
    %get3A_2211 = tpu.vector_load %arg16[%get3A_2209, %get3A_2210] {strides = array<i32>} : memref<128x128xf32, #tpu.memory_space<vmem>>, vector<16xf32>,
    %mul3A_2212 = arith.mulf %get3A_2207, %get3A_2211 : vector<16xf32>
    %add3A_2213 = arith.addf %add3A_2197, %mul3A_2212 : vector<16xf32>
    %get3A_2214 = arith.constant 2 : i32
    %get3A_2215 = arith.index_cast %get3A_2214 : i32 to index
    %get3A_2216 = arith.constant 96 : index
    %get3A_2217 = tpu.vector_load %arg17[%get3A_2215, %get3A_2216] {strides = array<i32>} : memref<128x128xf32, #tpu.memory_space<vmem>>, vector<16xf32>,
    %mul3A_2218 = arith.mulf %get3A_2207, %get3A_2217 : vector<16xf32>
    %add3A_2219 = arith.addf %add3A_2203, %mul3A_2218 : vector<16xf32>
    %get3A_2220 = arith.constant 2 : i32
    %get3A_2221 = arith.index_cast %get3A_2220 : i32 to index
    %get3A_2222 = arith.constant 112 : index
    %get3A_2223 = tpu.vector_load %arg15[%get3A_2221, %get3A_2222] {strides = array<i32>} : memref<128x128xf32, #tpu.memory_space<vmem>>, vector<16xf32>,
    %get3A_2224 = arith.constant 2 : i32
    %get3A_2225 = arith.index_cast %get3A_2224 : i32 to index
    %get3A_2226 = arith.constant 112 : index
    %get3A_2227 = tpu.vector_load %arg16[%get3A_2225, %get3A_2226] {strides = array<i32>} : memref<128x128xf32, #tpu.memory_space<vmem>>, vector<16xf32>,
    %mul3A_2228 = arith.mulf %get3A_2223, %get3A_2227 : vector<16xf32>
    %add3A_2229 = arith.addf %add3A_2213, %mul3A_2228 : vector<16xf32>
    %get3A_2230 = arith.constant 2 : i32
    %get3A_2231 = arith.index_cast %get3A_2230 : i32 to index
    %get3A_2232 = arith.constant 112 : index
    %get3A_2233 = tpu.vector_load %arg17[%get3A_2231, %get3A_2232] {strides = array<i32>} : memref<128x128xf32, #tpu.memory_space<vmem>>, vector<16xf32>,
    %mul3A_2234 = arith.mulf %get3A_2223, %get3A_2233 : vector<16xf32>
    %add3A_2235 = arith.addf %add3A_2219, %mul3A_2234 : vector<16xf32>
    %get3A_2236 = arith.constant 3 : i32
    %get3A_2237 = arith.index_cast %get3A_2236 : i32 to index
    %get3A_2238 = arith.constant 0 : index
    %get3A_2239 = tpu.vector_load %arg15[%get3A_2237, %get3A_2238] {strides = array<i32>} : memref<128x128xf32, #tpu.memory_space<vmem>>, vector<16xf32>,
    %get3A_2240 = arith.constant 3 : i32
    %get3A_2241 = arith.index_cast %get3A_2240 : i32 to index
    %get3A_2242 = arith.constant 0 : index
    %get3A_2243 = tpu.vector_load %arg16[%get3A_2241, %get3A_2242] {strides = array<i32>} : memref<128x128xf32, #tpu.memory_space<vmem>>, vector<16xf32>,
    %mul3A_2244 = arith.mulf %get3A_2239, %get3A_2243 : vector<16xf32>
    %get3A_2245 = arith.constant 3 : i32
    %get3A_2246 = arith.index_cast %get3A_2245 : i32 to index
    %get3A_2247 = arith.constant 0 : index
    %get3A_2248 = tpu.vector_load %arg17[%get3A_2246, %get3A_2247] {strides = array<i32>} : memref<128x128xf32, #tpu.memory_space<vmem>>, vector<16xf32>,
    %mul3A_2249 = arith.mulf %get3A_2239, %get3A_2248 : vector<16xf32>
    %get3A_2250 = arith.constant 3 : i32
    %get3A_2251 = arith.index_cast %get3A_2250 : i32 to index
    %get3A_2252 = arith.constant 16 : index
    %get3A_2253 = tpu.vector_load %arg15[%get3A_2251, %get3A_2252] {strides = array<i32>} : memref<128x128xf32, #tpu.memory_space<vmem>>, vector<16xf32>,
    %get3A_2254 = arith.constant 3 : i32
    %get3A_2255 = arith.index_cast %get3A_2254 : i32 to index
    %get3A_2256 = arith.constant 16 : index
    %get3A_2257 = tpu.vector_load %arg16[%get3A_2255, %get3A_2256] {strides = array<i32>} : memref<128x128xf32, #tpu.memory_space<vmem>>, vector<16xf32>,
    %mul3A_2258 = arith.mulf %get3A_2253, %get3A_2257 : vector<16xf32>
    %add3A_2259 = arith.addf %mul3A_2244, %mul3A_2258 : vector<16xf32>
    %get3A_2260 = arith.constant 3 : i32
    %get3A_2261 = arith.index_cast %get3A_2260 : i32 to index
    %get3A_2262 = arith.constant 16 : index
    %get3A_2263 = tpu.vector_load %arg17[%get3A_2261, %get3A_2262] {strides = array<i32>} : memref<128x128xf32, #tpu.memory_space<vmem>>, vector<16xf32>,
    %mul3A_2264 = arith.mulf %get3A_2253, %get3A_2263 : vector<16xf32>
    %add3A_2265 = arith.addf %mul3A_2249, %mul3A_2264 : vector<16xf32>
    %get3A_2266 = arith.constant 3 : i32
    %get3A_2267 = arith.index_cast %get3A_2266 : i32 to index
    %get3A_2268 = arith.constant 32 : index
    %get3A_2269 = tpu.vector_load %arg15[%get3A_2267, %get3A_2268] {strides = array<i32>} : memref<128x128xf32, #tpu.memory_space<vmem>>, vector<16xf32>,
    %get3A_2270 = arith.constant 3 : i32
    %get3A_2271 = arith.index_cast %get3A_2270 : i32 to index
    %get3A_2272 = arith.constant 32 : index
    %get3A_2273 = tpu.vector_load %arg16[%get3A_2271, %get3A_2272] {strides = array<i32>} : memref<128x128xf32, #tpu.memory_space<vmem>>, vector<16xf32>,
    %mul3A_2274 = arith.mulf %get3A_2269, %get3A_2273 : vector<16xf32>
    %add3A_2275 = arith.addf %add3A_2259, %mul3A_2274 : vector<16xf32>
    %get3A_2276 = arith.constant 3 : i32
    %get3A_2277 = arith.index_cast %get3A_2276 : i32 to index
    %get3A_2278 = arith.constant 32 : index
    %get3A_2279 = tpu.vector_load %arg17[%get3A_2277, %get3A_2278] {strides = array<i32>} : memref<128x128xf32, #tpu.memory_space<vmem>>, vector<16xf32>,
    %mul3A_2280 = arith.mulf %get3A_2269, %get3A_2279 : vector<16xf32>
    %add3A_2281 = arith.addf %add3A_2265, %mul3A_2280 : vector<16xf32>
    %get3A_2282 = arith.constant 3 : i32
    %get3A_2283 = arith.index_cast %get3A_2282 : i32 to index
    %get3A_2284 = arith.constant 48 : index
    %get3A_2285 = tpu.vector_load %arg15[%get3A_2283, %get3A_2284] {strides = array<i32>} : memref<128x128xf32, #tpu.memory_space<vmem>>, vector<16xf32>,
    %get3A_2286 = arith.constant 3 : i32
    %get3A_2287 = arith.index_cast %get3A_2286 : i32 to index
    %get3A_2288 = arith.constant 48 : index
    %get3A_2289 = tpu.vector_load %arg16[%get3A_2287, %get3A_2288] {strides = array<i32>} : memref<128x128xf32, #tpu.memory_space<vmem>>, vector<16xf32>,
    %mul3A_2290 = arith.mulf %get3A_2285, %get3A_2289 : vector<16xf32>
    %add3A_2291 = arith.addf %add3A_2275, %mul3A_2290 : vector<16xf32>
    %get3A_2292 = arith.constant 3 : i32
    %get3A_2293 = arith.index_cast %get3A_2292 : i32 to index
    %get3A_2294 = arith.constant 48 : index
    %get3A_2295 = tpu.vector_load %arg17[%get3A_2293, %get3A_2294] {strides = array<i32>} : memref<128x128xf32, #tpu.memory_space<vmem>>, vector<16xf32>,
    %mul3A_2296 = arith.mulf %get3A_2285, %get3A_2295 : vector<16xf32>
    %add3A_2297 = arith.addf %add3A_2281, %mul3A_2296 : vector<16xf32>
    %get3A_2298 = arith.constant 3 : i32
    %get3A_2299 = arith.index_cast %get3A_2298 : i32 to index
    %get3A_2300 = arith.constant 64 : index
    %get3A_2301 = tpu.vector_load %arg15[%get3A_2299, %get3A_2300] {strides = array<i32>} : memref<128x128xf32, #tpu.memory_space<vmem>>, vector<16xf32>,
    %get3A_2302 = arith.constant 3 : i32
    %get3A_2303 = arith.index_cast %get3A_2302 : i32 to index
    %get3A_2304 = arith.constant 64 : index
    %get3A_2305 = tpu.vector_load %arg16[%get3A_2303, %get3A_2304] {strides = array<i32>} : memref<128x128xf32, #tpu.memory_space<vmem>>, vector<16xf32>,
    %mul3A_2306 = arith.mulf %get3A_2301, %get3A_2305 : vector<16xf32>
    %add3A_2307 = arith.addf %add3A_2291, %mul3A_2306 : vector<16xf32>
    %get3A_2308 = arith.constant 3 : i32
    %get3A_2309 = arith.index_cast %get3A_2308 : i32 to index
    %get3A_2310 = arith.constant 64 : index
    %get3A_2311 = tpu.vector_load %arg17[%get3A_2309, %get3A_2310] {strides = array<i32>} : memref<128x128xf32, #tpu.memory_space<vmem>>, vector<16xf32>,
    %mul3A_2312 = arith.mulf %get3A_2301, %get3A_2311 : vector<16xf32>
    %add3A_2313 = arith.addf %add3A_2297, %mul3A_2312 : vector<16xf32>
    %get3A_2314 = arith.constant 3 : i32
    %get3A_2315 = arith.index_cast %get3A_2314 : i32 to index
    %get3A_2316 = arith.constant 80 : index
    %get3A_2317 = tpu.vector_load %arg15[%get3A_2315, %get3A_2316] {strides = array<i32>} : memref<128x128xf32, #tpu.memory_space<vmem>>, vector<16xf32>,
    %get3A_2318 = arith.constant 3 : i32
    %get3A_2319 = arith.index_cast %get3A_2318 : i32 to index
    %get3A_2320 = arith.constant 80 : index
    %get3A_2321 = tpu.vector_load %arg16[%get3A_2319, %get3A_2320] {strides = array<i32>} : memref<128x128xf32, #tpu.memory_space<vmem>>, vector<16xf32>,
    %mul3A_2322 = arith.mulf %get3A_2317, %get3A_2321 : vector<16xf32>
    %add3A_2323 = arith.addf %add3A_2307, %mul3A_2322 : vector<16xf32>
    %get3A_2324 = arith.constant 3 : i32
    %get3A_2325 = arith.index_cast %get3A_2324 : i32 to index
    %get3A_2326 = arith.constant 80 : index
    %get3A_2327 = tpu.vector_load %arg17[%get3A_2325, %get3A_2326] {strides = array<i32>} : memref<128x128xf32, #tpu.memory_space<vmem>>, vector<16xf32>,
    %mul3A_2328 = arith.mulf %get3A_2317, %get3A_2327 : vector<16xf32>
    %add3A_2329 = arith.addf %add3A_2313, %mul3A_2328 : vector<16xf32>
    %get3A_2330 = arith.constant 3 : i32
    %get3A_2331 = arith.index_cast %get3A_2330 : i32 to index
    %get3A_2332 = arith.constant 96 : index
    %get3A_2333 = tpu.vector_load %arg15[%get3A_2331, %get3A_2332] {strides = array<i32>} : memref<128x128xf32, #tpu.memory_space<vmem>>, vector<16xf32>,
    %get3A_2334 = arith.constant 3 : i32
    %get3A_2335 = arith.index_cast %get3A_2334 : i32 to index
    %get3A_2336 = arith.constant 96 : index
    %get3A_2337 = tpu.vector_load %arg16[%get3A_2335, %get3A_2336] {strides = array<i32>} : memref<128x128xf32, #tpu.memory_space<vmem>>, vector<16xf32>,
    %mul3A_2338 = arith.mulf %get3A_2333, %get3A_2337 : vector<16xf32>
    %add3A_2339 = arith.addf %add3A_2323, %mul3A_2338 : vector<16xf32>
    %get3A_2340 = arith.constant 3 : i32
    %get3A_2341 = arith.index_cast %get3A_2340 : i32 to index
    %get3A_2342 = arith.constant 96 : index
    %get3A_2343 = tpu.vector_load %arg17[%get3A_2341, %get3A_2342] {strides = array<i32>} : memref<128x128xf32, #tpu.memory_space<vmem>>, vector<16xf32>,
    %mul3A_2344 = arith.mulf %get3A_2333, %get3A_2343 : vector<16xf32>
    %add3A_2345 = arith.addf %add3A_2329, %mul3A_2344 : vector<16xf32>
    %get3A_2346 = arith.constant 3 : i32
    %get3A_2347 = arith.index_cast %get3A_2346 : i32 to index
    %get3A_2348 = arith.constant 112 : index
    %get3A_2349 = tpu.vector_load %arg15[%get3A_2347, %get3A_2348] {strides = array<i32>} : memref<128x128xf32, #tpu.memory_space<vmem>>, vector<16xf32>,
    %get3A_2350 = arith.constant 3 : i32
    %get3A_2351 = arith.index_cast %get3A_2350 : i32 to index
    %get3A_2352 = arith.constant 112 : index
    %get3A_2353 = tpu.vector_load %arg16[%get3A_2351, %get3A_2352] {strides = array<i32>} : memref<128x128xf32, #tpu.memory_space<vmem>>, vector<16xf32>,
    %mul3A_2354 = arith.mulf %get3A_2349, %get3A_2353 : vector<16xf32>
    %add3A_2355 = arith.addf %add3A_2339, %mul3A_2354 : vector<16xf32>
    %get3A_2356 = arith.constant 3 : i32
    %get3A_2357 = arith.index_cast %get3A_2356 : i32 to index
    %get3A_2358 = arith.constant 112 : index
    %get3A_2359 = tpu.vector_load %arg17[%get3A_2357, %get3A_2358] {strides = array<i32>} : memref<128x128xf32, #tpu.memory_space<vmem>>, vector<16xf32>,
    %mul3A_2360 = arith.mulf %get3A_2349, %get3A_2359 : vector<16xf32>
    %add3A_2361 = arith.addf %add3A_2345, %mul3A_2360 : vector<16xf32>
    %scan3A_2362 = arith.constant 1 : i32
    %scan3A_2363 = arith.constant 31 : i32
    %scan3A_2364 = arith.addi %scan3A_2362, %scan3A_2363 : i32
    %scan3A_2365 = arith.constant 1 : i32
    %scan3A_2366:8 = scf.for %scan3A_2408 = %scan3A_2362 to %scan3A_2364 step %scan3A_2365 iter_args(%scan3A_2409 = %add3A_1977, %scan3A_2410 = %add3A_1983, %scan3A_2411 = %add3A_2103, %scan3A_2412 = %add3A_2109, %scan3A_2413 = %add3A_2229, %scan3A_2414 = %add3A_2235, %scan3A_2415 = %add3A_2355, %scan3A_2416 = %add3A_2361) -> (vector<16xf32>, vector<16xf32>, vector<16xf32>, vector<16xf32>, vector<16xf32>, vector<16xf32>, vector<16xf32>, vector<16xf32>)  : i32 {
      %sub3A = arith.constant 1 : i32
      %sub3A_2417 = arith.subi %scan3A_2408, %sub3A : i32
      %mul3A_2418 = arith.constant 4 : i32
      %mul3A_2419 = arith.muli %sub3A_2417, %mul3A_2418 : i32
      %add3A_2420 = arith.constant 384 : i32
      %add3A_2421 = arith.addi %add3A_2420, %mul3A_2419 : i32
      %add3A_2422 = arith.constant 0 : i32
      %add3A_2423 = arith.addi %add3A_2421, %add3A_2422 : i32
      %broadcast_in_dim3A_2424 = arith.constant true
      %broadcast_in_dim3A_2425 = vector.broadcast %broadcast_in_dim3A_2424 : i1 to vector<16xi1>
      %masked_cumsum3A_2426 = tpu.scan <sum>, %scan3A_2409 masked %broadcast_in_dim3A_2425 : vector<16xf32>, vector<16xi1> -> vector<16xf32>
      %swap3A_2427 = arith.index_cast %add3A_2423 : i32 to index
      %swap3A_2428 = tpu.vector_load %arg18[%swap3A_2427] masked %eq3A_1857 {strides = array<i32>} : memref<528xf32, #tpu.memory_space<vmem>>, vector<16xf32>, vector<16xi1>
      tpu.vector_store %arg18[%swap3A_2427], %masked_cumsum3A_2426 masked %eq3A_1857 {strides = array<i32>} : memref<528xf32, #tpu.memory_space<vmem>>, vector<16xf32>, vector<16xi1>
      %broadcast_in_dim3A_2429 = arith.constant true
      %broadcast_in_dim3A_2430 = vector.broadcast %broadcast_in_dim3A_2429 : i1 to vector<16xi1>
      %masked_cumsum3A_2431 = tpu.scan <sum>, %scan3A_2410 masked %broadcast_in_dim3A_2430 : vector<16xf32>, vector<16xi1> -> vector<16xf32>
      %swap3A_2432 = arith.index_cast %add3A_2423 : i32 to index
      %swap3A_2433 = tpu.vector_load %arg19[%swap3A_2432] masked %eq3A_1857 {strides = array<i32>} : memref<528xf32, #tpu.memory_space<vmem>>, vector<16xf32>, vector<16xi1>
      tpu.vector_store %arg19[%swap3A_2432], %masked_cumsum3A_2431 masked %eq3A_1857 {strides = array<i32>} : memref<528xf32, #tpu.memory_space<vmem>>, vector<16xf32>, vector<16xi1>
      %mul3A_2434 = arith.constant 4 : i32
      %mul3A_2435 = arith.muli %sub3A_2417, %mul3A_2434 : i32
      %add3A_2436 = arith.constant 384 : i32
      %add3A_2437 = arith.addi %add3A_2436, %mul3A_2435 : i32
      %add3A_2438 = arith.constant 1 : i32
      %add3A_2439 = arith.addi %add3A_2437, %add3A_2438 : i32
      %broadcast_in_dim3A_2440 = arith.constant true
      %broadcast_in_dim3A_2441 = vector.broadcast %broadcast_in_dim3A_2440 : i1 to vector<16xi1>
      %masked_cumsum3A_2442 = tpu.scan <sum>, %scan3A_2411 masked %broadcast_in_dim3A_2441 : vector<16xf32>, vector<16xi1> -> vector<16xf32>
      %swap3A_2443 = arith.index_cast %add3A_2439 : i32 to index
      %swap3A_2444 = tpu.vector_load %arg18[%swap3A_2443] masked %eq3A_1857 {strides = array<i32>} : memref<528xf32, #tpu.memory_space<vmem>>, vector<16xf32>, vector<16xi1>
      tpu.vector_store %arg18[%swap3A_2443], %masked_cumsum3A_2442 masked %eq3A_1857 {strides = array<i32>} : memref<528xf32, #tpu.memory_space<vmem>>, vector<16xf32>, vector<16xi1>
      %broadcast_in_dim3A_2445 = arith.constant true
      %broadcast_in_dim3A_2446 = vector.broadcast %broadcast_in_dim3A_2445 : i1 to vector<16xi1>
      %masked_cumsum3A_2447 = tpu.scan <sum>, %scan3A_2412 masked %broadcast_in_dim3A_2446 : vector<16xf32>, vector<16xi1> -> vector<16xf32>
      %swap3A_2448 = arith.index_cast %add3A_2439 : i32 to index
      %swap3A_2449 = tpu.vector_load %arg19[%swap3A_2448] masked %eq3A_1857 {strides = array<i32>} : memref<528xf32, #tpu.memory_space<vmem>>, vector<16xf32>, vector<16xi1>
      tpu.vector_store %arg19[%swap3A_2448], %masked_cumsum3A_2447 masked %eq3A_1857 {strides = array<i32>} : memref<528xf32, #tpu.memory_space<vmem>>, vector<16xf32>, vector<16xi1>
      %mul3A_2450 = arith.constant 4 : i32
      %mul3A_2451 = arith.muli %sub3A_2417, %mul3A_2450 : i32
      %add3A_2452 = arith.constant 384 : i32
      %add3A_2453 = arith.addi %add3A_2452, %mul3A_2451 : i32
      %add3A_2454 = arith.constant 2 : i32
      %add3A_2455 = arith.addi %add3A_2453, %add3A_2454 : i32
      %broadcast_in_dim3A_2456 = arith.constant true
      %broadcast_in_dim3A_2457 = vector.broadcast %broadcast_in_dim3A_2456 : i1 to vector<16xi1>
      %masked_cumsum3A_2458 = tpu.scan <sum>, %scan3A_2413 masked %broadcast_in_dim3A_2457 : vector<16xf32>, vector<16xi1> -> vector<16xf32>
      %swap3A_2459 = arith.index_cast %add3A_2455 : i32 to index
      %swap3A_2460 = tpu.vector_load %arg18[%swap3A_2459] masked %eq3A_1857 {strides = array<i32>} : memref<528xf32, #tpu.memory_space<vmem>>, vector<16xf32>, vector<16xi1>
      tpu.vector_store %arg18[%swap3A_2459], %masked_cumsum3A_2458 masked %eq3A_1857 {strides = array<i32>} : memref<528xf32, #tpu.memory_space<vmem>>, vector<16xf32>, vector<16xi1>
      %broadcast_in_dim3A_2461 = arith.constant true
      %broadcast_in_dim3A_2462 = vector.broadcast %broadcast_in_dim3A_2461 : i1 to vector<16xi1>
      %masked_cumsum3A_2463 = tpu.scan <sum>, %scan3A_2414 masked %broadcast_in_dim3A_2462 : vector<16xf32>, vector<16xi1> -> vector<16xf32>
      %swap3A_2464 = arith.index_cast %add3A_2455 : i32 to index
      %swap3A_2465 = tpu.vector_load %arg19[%swap3A_2464] masked %eq3A_1857 {strides = array<i32>} : memref<528xf32, #tpu.memory_space<vmem>>, vector<16xf32>, vector<16xi1>
      tpu.vector_store %arg19[%swap3A_2464], %masked_cumsum3A_2463 masked %eq3A_1857 {strides = array<i32>} : memref<528xf32, #tpu.memory_space<vmem>>, vector<16xf32>, vector<16xi1>
      %mul3A_2466 = arith.constant 4 : i32
      %mul3A_2467 = arith.muli %sub3A_2417, %mul3A_2466 : i32
      %add3A_2468 = arith.constant 384 : i32
      %add3A_2469 = arith.addi %add3A_2468, %mul3A_2467 : i32
      %add3A_2470 = arith.constant 3 : i32
      %add3A_2471 = arith.addi %add3A_2469, %add3A_2470 : i32
      %broadcast_in_dim3A_2472 = arith.constant true
      %broadcast_in_dim3A_2473 = vector.broadcast %broadcast_in_dim3A_2472 : i1 to vector<16xi1>
      %masked_cumsum3A_2474 = tpu.scan <sum>, %scan3A_2415 masked %broadcast_in_dim3A_2473 : vector<16xf32>, vector<16xi1> -> vector<16xf32>
      %swap3A_2475 = arith.index_cast %add3A_2471 : i32 to index
      %swap3A_2476 = tpu.vector_load %arg18[%swap3A_2475] masked %eq3A_1857 {strides = array<i32>} : memref<528xf32, #tpu.memory_space<vmem>>, vector<16xf32>, vector<16xi1>
      tpu.vector_store %arg18[%swap3A_2475], %masked_cumsum3A_2474 masked %eq3A_1857 {strides = array<i32>} : memref<528xf32, #tpu.memory_space<vmem>>, vector<16xf32>, vector<16xi1>
      %broadcast_in_dim3A_2477 = arith.constant true
      %broadcast_in_dim3A_2478 = vector.broadcast %broadcast_in_dim3A_2477 : i1 to vector<16xi1>
      %masked_cumsum3A_2479 = tpu.scan <sum>, %scan3A_2416 masked %broadcast_in_dim3A_2478 : vector<16xf32>, vector<16xi1> -> vector<16xf32>
      %swap3A_2480 = arith.index_cast %add3A_2471 : i32 to index
      %swap3A_2481 = tpu.vector_load %arg19[%swap3A_2480] masked %eq3A_1857 {strides = array<i32>} : memref<528xf32, #tpu.memory_space<vmem>>, vector<16xf32>, vector<16xi1>
      tpu.vector_store %arg19[%swap3A_2480], %masked_cumsum3A_2479 masked %eq3A_1857 {strides = array<i32>} : memref<528xf32, #tpu.memory_space<vmem>>, vector<16xf32>, vector<16xi1>
      %mul3A_2482 = arith.constant 4 : i32
      %mul3A_2483 = arith.muli %scan3A_2408, %mul3A_2482 : i32
      %add3A_2484 = arith.constant 0 : i32
      %add3A_2485 = arith.addi %mul3A_2483, %add3A_2484 : i32
      %get3A_2486 = arith.index_cast %add3A_2485 : i32 to index
      %get3A_2487 = arith.constant 0 : index
      %get3A_2488 = tpu.vector_load %arg15[%get3A_2486, %get3A_2487] {strides = array<i32>} : memref<128x128xf32, #tpu.memory_space<vmem>>, vector<16xf32>,
      %get3A_2489 = arith.index_cast %add3A_2485 : i32 to index
      %get3A_2490 = arith.constant 0 : index
      %get3A_2491 = tpu.vector_load %arg16[%get3A_2489, %get3A_2490] {strides = array<i32>} : memref<128x128xf32, #tpu.memory_space<vmem>>, vector<16xf32>,
      %mul3A_2492 = arith.mulf %get3A_2488, %get3A_2491 : vector<16xf32>
      %get3A_2493 = arith.index_cast %add3A_2485 : i32 to index
      %get3A_2494 = arith.constant 0 : index
      %get3A_2495 = tpu.vector_load %arg17[%get3A_2493, %get3A_2494] {strides = array<i32>} : memref<128x128xf32, #tpu.memory_space<vmem>>, vector<16xf32>,
      %mul3A_2496 = arith.mulf %get3A_2488, %get3A_2495 : vector<16xf32>
      %get3A_2497 = arith.index_cast %add3A_2485 : i32 to index
      %get3A_2498 = arith.constant 16 : index
      %get3A_2499 = tpu.vector_load %arg15[%get3A_2497, %get3A_2498] {strides = array<i32>} : memref<128x128xf32, #tpu.memory_space<vmem>>, vector<16xf32>,
      %get3A_2500 = arith.index_cast %add3A_2485 : i32 to index
      %get3A_2501 = arith.constant 16 : index
      %get3A_2502 = tpu.vector_load %arg16[%get3A_2500, %get3A_2501] {strides = array<i32>} : memref<128x128xf32, #tpu.memory_space<vmem>>, vector<16xf32>,
      %mul3A_2503 = arith.mulf %get3A_2499, %get3A_2502 : vector<16xf32>
      %add3A_2504 = arith.addf %mul3A_2492, %mul3A_2503 : vector<16xf32>
      %get3A_2505 = arith.index_cast %add3A_2485 : i32 to index
      %get3A_2506 = arith.constant 16 : index
      %get3A_2507 = tpu.vector_load %arg17[%get3A_2505, %get3A_2506] {strides = array<i32>} : memref<128x128xf32, #tpu.memory_space<vmem>>, vector<16xf32>,
      %mul3A_2508 = arith.mulf %get3A_2499, %get3A_2507 : vector<16xf32>
      %add3A_2509 = arith.addf %mul3A_2496, %mul3A_2508 : vector<16xf32>
      %get3A_2510 = arith.index_cast %add3A_2485 : i32 to index
      %get3A_2511 = arith.constant 32 : index
      %get3A_2512 = tpu.vector_load %arg15[%get3A_2510, %get3A_2511] {strides = array<i32>} : memref<128x128xf32, #tpu.memory_space<vmem>>, vector<16xf32>,
      %get3A_2513 = arith.index_cast %add3A_2485 : i32 to index
      %get3A_2514 = arith.constant 32 : index
      %get3A_2515 = tpu.vector_load %arg16[%get3A_2513, %get3A_2514] {strides = array<i32>} : memref<128x128xf32, #tpu.memory_space<vmem>>, vector<16xf32>,
      %mul3A_2516 = arith.mulf %get3A_2512, %get3A_2515 : vector<16xf32>
      %add3A_2517 = arith.addf %add3A_2504, %mul3A_2516 : vector<16xf32>
      %get3A_2518 = arith.index_cast %add3A_2485 : i32 to index
      %get3A_2519 = arith.constant 32 : index
      %get3A_2520 = tpu.vector_load %arg17[%get3A_2518, %get3A_2519] {strides = array<i32>} : memref<128x128xf32, #tpu.memory_space<vmem>>, vector<16xf32>,
      %mul3A_2521 = arith.mulf %get3A_2512, %get3A_2520 : vector<16xf32>
      %add3A_2522 = arith.addf %add3A_2509, %mul3A_2521 : vector<16xf32>
      %get3A_2523 = arith.index_cast %add3A_2485 : i32 to index
      %get3A_2524 = arith.constant 48 : index
      %get3A_2525 = tpu.vector_load %arg15[%get3A_2523, %get3A_2524] {strides = array<i32>} : memref<128x128xf32, #tpu.memory_space<vmem>>, vector<16xf32>,
      %get3A_2526 = arith.index_cast %add3A_2485 : i32 to index
      %get3A_2527 = arith.constant 48 : index
      %get3A_2528 = tpu.vector_load %arg16[%get3A_2526, %get3A_2527] {strides = array<i32>} : memref<128x128xf32, #tpu.memory_space<vmem>>, vector<16xf32>,
      %mul3A_2529 = arith.mulf %get3A_2525, %get3A_2528 : vector<16xf32>
      %add3A_2530 = arith.addf %add3A_2517, %mul3A_2529 : vector<16xf32>
      %get3A_2531 = arith.index_cast %add3A_2485 : i32 to index
      %get3A_2532 = arith.constant 48 : index
      %get3A_2533 = tpu.vector_load %arg17[%get3A_2531, %get3A_2532] {strides = array<i32>} : memref<128x128xf32, #tpu.memory_space<vmem>>, vector<16xf32>,
      %mul3A_2534 = arith.mulf %get3A_2525, %get3A_2533 : vector<16xf32>
      %add3A_2535 = arith.addf %add3A_2522, %mul3A_2534 : vector<16xf32>
      %get3A_2536 = arith.index_cast %add3A_2485 : i32 to index
      %get3A_2537 = arith.constant 64 : index
      %get3A_2538 = tpu.vector_load %arg15[%get3A_2536, %get3A_2537] {strides = array<i32>} : memref<128x128xf32, #tpu.memory_space<vmem>>, vector<16xf32>,
      %get3A_2539 = arith.index_cast %add3A_2485 : i32 to index
      %get3A_2540 = arith.constant 64 : index
      %get3A_2541 = tpu.vector_load %arg16[%get3A_2539, %get3A_2540] {strides = array<i32>} : memref<128x128xf32, #tpu.memory_space<vmem>>, vector<16xf32>,
      %mul3A_2542 = arith.mulf %get3A_2538, %get3A_2541 : vector<16xf32>
      %add3A_2543 = arith.addf %add3A_2530, %mul3A_2542 : vector<16xf32>
      %get3A_2544 = arith.index_cast %add3A_2485 : i32 to index
      %get3A_2545 = arith.constant 64 : index
      %get3A_2546 = tpu.vector_load %arg17[%get3A_2544, %get3A_2545] {strides = array<i32>} : memref<128x128xf32, #tpu.memory_space<vmem>>, vector<16xf32>,
      %mul3A_2547 = arith.mulf %get3A_2538, %get3A_2546 : vector<16xf32>
      %add3A_2548 = arith.addf %add3A_2535, %mul3A_2547 : vector<16xf32>
      %get3A_2549 = arith.index_cast %add3A_2485 : i32 to index
      %get3A_2550 = arith.constant 80 : index
      %get3A_2551 = tpu.vector_load %arg15[%get3A_2549, %get3A_2550] {strides = array<i32>} : memref<128x128xf32, #tpu.memory_space<vmem>>, vector<16xf32>,
      %get3A_2552 = arith.index_cast %add3A_2485 : i32 to index
      %get3A_2553 = arith.constant 80 : index
      %get3A_2554 = tpu.vector_load %arg16[%get3A_2552, %get3A_2553] {strides = array<i32>} : memref<128x128xf32, #tpu.memory_space<vmem>>, vector<16xf32>,
      %mul3A_2555 = arith.mulf %get3A_2551, %get3A_2554 : vector<16xf32>
      %add3A_2556 = arith.addf %add3A_2543, %mul3A_2555 : vector<16xf32>
      %get3A_2557 = arith.index_cast %add3A_2485 : i32 to index
      %get3A_2558 = arith.constant 80 : index
      %get3A_2559 = tpu.vector_load %arg17[%get3A_2557, %get3A_2558] {strides = array<i32>} : memref<128x128xf32, #tpu.memory_space<vmem>>, vector<16xf32>,
      %mul3A_2560 = arith.mulf %get3A_2551, %get3A_2559 : vector<16xf32>
      %add3A_2561 = arith.addf %add3A_2548, %mul3A_2560 : vector<16xf32>
      %get3A_2562 = arith.index_cast %add3A_2485 : i32 to index
      %get3A_2563 = arith.constant 96 : index
      %get3A_2564 = tpu.vector_load %arg15[%get3A_2562, %get3A_2563] {strides = array<i32>} : memref<128x128xf32, #tpu.memory_space<vmem>>, vector<16xf32>,
      %get3A_2565 = arith.index_cast %add3A_2485 : i32 to index
      %get3A_2566 = arith.constant 96 : index
      %get3A_2567 = tpu.vector_load %arg16[%get3A_2565, %get3A_2566] {strides = array<i32>} : memref<128x128xf32, #tpu.memory_space<vmem>>, vector<16xf32>,
      %mul3A_2568 = arith.mulf %get3A_2564, %get3A_2567 : vector<16xf32>
      %add3A_2569 = arith.addf %add3A_2556, %mul3A_2568 : vector<16xf32>
      %get3A_2570 = arith.index_cast %add3A_2485 : i32 to index
      %get3A_2571 = arith.constant 96 : index
      %get3A_2572 = tpu.vector_load %arg17[%get3A_2570, %get3A_2571] {strides = array<i32>} : memref<128x128xf32, #tpu.memory_space<vmem>>, vector<16xf32>,
      %mul3A_2573 = arith.mulf %get3A_2564, %get3A_2572 : vector<16xf32>
      %add3A_2574 = arith.addf %add3A_2561, %mul3A_2573 : vector<16xf32>
      %get3A_2575 = arith.index_cast %add3A_2485 : i32 to index
      %get3A_2576 = arith.constant 112 : index
      %get3A_2577 = tpu.vector_load %arg15[%get3A_2575, %get3A_2576] {strides = array<i32>} : memref<128x128xf32, #tpu.memory_space<vmem>>, vector<16xf32>,
      %get3A_2578 = arith.index_cast %add3A_2485 : i32 to index
      %get3A_2579 = arith.constant 112 : index
      %get3A_2580 = tpu.vector_load %arg16[%get3A_2578, %get3A_2579] {strides = array<i32>} : memref<128x128xf32, #tpu.memory_space<vmem>>, vector<16xf32>,
      %mul3A_2581 = arith.mulf %get3A_2577, %get3A_2580 : vector<16xf32>
      %add3A_2582 = arith.addf %add3A_2569, %mul3A_2581 : vector<16xf32>
      %get3A_2583 = arith.index_cast %add3A_2485 : i32 to index
      %get3A_2584 = arith.constant 112 : index
      %get3A_2585 = tpu.vector_load %arg17[%get3A_2583, %get3A_2584] {strides = array<i32>} : memref<128x128xf32, #tpu.memory_space<vmem>>, vector<16xf32>,
      %mul3A_2586 = arith.mulf %get3A_2577, %get3A_2585 : vector<16xf32>
      %add3A_2587 = arith.addf %add3A_2574, %mul3A_2586 : vector<16xf32>
      %mul3A_2588 = arith.constant 4 : i32
      %mul3A_2589 = arith.muli %scan3A_2408, %mul3A_2588 : i32
      %add3A_2590 = arith.constant 1 : i32
      %add3A_2591 = arith.addi %mul3A_2589, %add3A_2590 : i32
      %get3A_2592 = arith.index_cast %add3A_2591 : i32 to index
      %get3A_2593 = arith.constant 0 : index
      %get3A_2594 = tpu.vector_load %arg15[%get3A_2592, %get3A_2593] {strides = array<i32>} : memref<128x128xf32, #tpu.memory_space<vmem>>, vector<16xf32>,
      %get3A_2595 = arith.index_cast %add3A_2591 : i32 to index
      %get3A_2596 = arith.constant 0 : index
      %get3A_2597 = tpu.vector_load %arg16[%get3A_2595, %get3A_2596] {strides = array<i32>} : memref<128x128xf32, #tpu.memory_space<vmem>>, vector<16xf32>,
      %mul3A_2598 = arith.mulf %get3A_2594, %get3A_2597 : vector<16xf32>
      %get3A_2599 = arith.index_cast %add3A_2591 : i32 to index
      %get3A_2600 = arith.constant 0 : index
      %get3A_2601 = tpu.vector_load %arg17[%get3A_2599, %get3A_2600] {strides = array<i32>} : memref<128x128xf32, #tpu.memory_space<vmem>>, vector<16xf32>,
      %mul3A_2602 = arith.mulf %get3A_2594, %get3A_2601 : vector<16xf32>
      %get3A_2603 = arith.index_cast %add3A_2591 : i32 to index
      %get3A_2604 = arith.constant 16 : index
      %get3A_2605 = tpu.vector_load %arg15[%get3A_2603, %get3A_2604] {strides = array<i32>} : memref<128x128xf32, #tpu.memory_space<vmem>>, vector<16xf32>,
      %get3A_2606 = arith.index_cast %add3A_2591 : i32 to index
      %get3A_2607 = arith.constant 16 : index
      %get3A_2608 = tpu.vector_load %arg16[%get3A_2606, %get3A_2607] {strides = array<i32>} : memref<128x128xf32, #tpu.memory_space<vmem>>, vector<16xf32>,
      %mul3A_2609 = arith.mulf %get3A_2605, %get3A_2608 : vector<16xf32>
      %add3A_2610 = arith.addf %mul3A_2598, %mul3A_2609 : vector<16xf32>
      %get3A_2611 = arith.index_cast %add3A_2591 : i32 to index
      %get3A_2612 = arith.constant 16 : index
      %get3A_2613 = tpu.vector_load %arg17[%get3A_2611, %get3A_2612] {strides = array<i32>} : memref<128x128xf32, #tpu.memory_space<vmem>>, vector<16xf32>,
      %mul3A_2614 = arith.mulf %get3A_2605, %get3A_2613 : vector<16xf32>
      %add3A_2615 = arith.addf %mul3A_2602, %mul3A_2614 : vector<16xf32>
      %get3A_2616 = arith.index_cast %add3A_2591 : i32 to index
      %get3A_2617 = arith.constant 32 : index
      %get3A_2618 = tpu.vector_load %arg15[%get3A_2616, %get3A_2617] {strides = array<i32>} : memref<128x128xf32, #tpu.memory_space<vmem>>, vector<16xf32>,
      %get3A_2619 = arith.index_cast %add3A_2591 : i32 to index
      %get3A_2620 = arith.constant 32 : index
      %get3A_2621 = tpu.vector_load %arg16[%get3A_2619, %get3A_2620] {strides = array<i32>} : memref<128x128xf32, #tpu.memory_space<vmem>>, vector<16xf32>,
      %mul3A_2622 = arith.mulf %get3A_2618, %get3A_2621 : vector<16xf32>
      %add3A_2623 = arith.addf %add3A_2610, %mul3A_2622 : vector<16xf32>
      %get3A_2624 = arith.index_cast %add3A_2591 : i32 to index
      %get3A_2625 = arith.constant 32 : index
      %get3A_2626 = tpu.vector_load %arg17[%get3A_2624, %get3A_2625] {strides = array<i32>} : memref<128x128xf32, #tpu.memory_space<vmem>>, vector<16xf32>,
      %mul3A_2627 = arith.mulf %get3A_2618, %get3A_2626 : vector<16xf32>
      %add3A_2628 = arith.addf %add3A_2615, %mul3A_2627 : vector<16xf32>
      %get3A_2629 = arith.index_cast %add3A_2591 : i32 to index
      %get3A_2630 = arith.constant 48 : index
      %get3A_2631 = tpu.vector_load %arg15[%get3A_2629, %get3A_2630] {strides = array<i32>} : memref<128x128xf32, #tpu.memory_space<vmem>>, vector<16xf32>,
      %get3A_2632 = arith.index_cast %add3A_2591 : i32 to index
      %get3A_2633 = arith.constant 48 : index
      %get3A_2634 = tpu.vector_load %arg16[%get3A_2632, %get3A_2633] {strides = array<i32>} : memref<128x128xf32, #tpu.memory_space<vmem>>, vector<16xf32>,
      %mul3A_2635 = arith.mulf %get3A_2631, %get3A_2634 : vector<16xf32>
      %add3A_2636 = arith.addf %add3A_2623, %mul3A_2635 : vector<16xf32>
      %get3A_2637 = arith.index_cast %add3A_2591 : i32 to index
      %get3A_2638 = arith.constant 48 : index
      %get3A_2639 = tpu.vector_load %arg17[%get3A_2637, %get3A_2638] {strides = array<i32>} : memref<128x128xf32, #tpu.memory_space<vmem>>, vector<16xf32>,
      %mul3A_2640 = arith.mulf %get3A_2631, %get3A_2639 : vector<16xf32>
      %add3A_2641 = arith.addf %add3A_2628, %mul3A_2640 : vector<16xf32>
      %get3A_2642 = arith.index_cast %add3A_2591 : i32 to index
      %get3A_2643 = arith.constant 64 : index
      %get3A_2644 = tpu.vector_load %arg15[%get3A_2642, %get3A_2643] {strides = array<i32>} : memref<128x128xf32, #tpu.memory_space<vmem>>, vector<16xf32>,
      %get3A_2645 = arith.index_cast %add3A_2591 : i32 to index
      %get3A_2646 = arith.constant 64 : index
      %get3A_2647 = tpu.vector_load %arg16[%get3A_2645, %get3A_2646] {strides = array<i32>} : memref<128x128xf32, #tpu.memory_space<vmem>>, vector<16xf32>,
      %mul3A_2648 = arith.mulf %get3A_2644, %get3A_2647 : vector<16xf32>
      %add3A_2649 = arith.addf %add3A_2636, %mul3A_2648 : vector<16xf32>
      %get3A_2650 = arith.index_cast %add3A_2591 : i32 to index
      %get3A_2651 = arith.constant 64 : index
      %get3A_2652 = tpu.vector_load %arg17[%get3A_2650, %get3A_2651] {strides = array<i32>} : memref<128x128xf32, #tpu.memory_space<vmem>>, vector<16xf32>,
      %mul3A_2653 = arith.mulf %get3A_2644, %get3A_2652 : vector<16xf32>
      %add3A_2654 = arith.addf %add3A_2641, %mul3A_2653 : vector<16xf32>
      %get3A_2655 = arith.index_cast %add3A_2591 : i32 to index
      %get3A_2656 = arith.constant 80 : index
      %get3A_2657 = tpu.vector_load %arg15[%get3A_2655, %get3A_2656] {strides = array<i32>} : memref<128x128xf32, #tpu.memory_space<vmem>>, vector<16xf32>,
      %get3A_2658 = arith.index_cast %add3A_2591 : i32 to index
      %get3A_2659 = arith.constant 80 : index
      %get3A_2660 = tpu.vector_load %arg16[%get3A_2658, %get3A_2659] {strides = array<i32>} : memref<128x128xf32, #tpu.memory_space<vmem>>, vector<16xf32>,
      %mul3A_2661 = arith.mulf %get3A_2657, %get3A_2660 : vector<16xf32>
      %add3A_2662 = arith.addf %add3A_2649, %mul3A_2661 : vector<16xf32>
      %get3A_2663 = arith.index_cast %add3A_2591 : i32 to index
      %get3A_2664 = arith.constant 80 : index
      %get3A_2665 = tpu.vector_load %arg17[%get3A_2663, %get3A_2664] {strides = array<i32>} : memref<128x128xf32, #tpu.memory_space<vmem>>, vector<16xf32>,
      %mul3A_2666 = arith.mulf %get3A_2657, %get3A_2665 : vector<16xf32>
      %add3A_2667 = arith.addf %add3A_2654, %mul3A_2666 : vector<16xf32>
      %get3A_2668 = arith.index_cast %add3A_2591 : i32 to index
      %get3A_2669 = arith.constant 96 : index
      %get3A_2670 = tpu.vector_load %arg15[%get3A_2668, %get3A_2669] {strides = array<i32>} : memref<128x128xf32, #tpu.memory_space<vmem>>, vector<16xf32>,
      %get3A_2671 = arith.index_cast %add3A_2591 : i32 to index
      %get3A_2672 = arith.constant 96 : index
      %get3A_2673 = tpu.vector_load %arg16[%get3A_2671, %get3A_2672] {strides = array<i32>} : memref<128x128xf32, #tpu.memory_space<vmem>>, vector<16xf32>,
      %mul3A_2674 = arith.mulf %get3A_2670, %get3A_2673 : vector<16xf32>
      %add3A_2675 = arith.addf %add3A_2662, %mul3A_2674 : vector<16xf32>
      %get3A_2676 = arith.index_cast %add3A_2591 : i32 to index
      %get3A_2677 = arith.constant 96 : index
      %get3A_2678 = tpu.vector_load %arg17[%get3A_2676, %get3A_2677] {strides = array<i32>} : memref<128x128xf32, #tpu.memory_space<vmem>>, vector<16xf32>,
      %mul3A_2679 = arith.mulf %get3A_2670, %get3A_2678 : vector<16xf32>
      %add3A_2680 = arith.addf %add3A_2667, %mul3A_2679 : vector<16xf32>
      %get3A_2681 = arith.index_cast %add3A_2591 : i32 to index
      %get3A_2682 = arith.constant 112 : index
      %get3A_2683 = tpu.vector_load %arg15[%get3A_2681, %get3A_2682] {strides = array<i32>} : memref<128x128xf32, #tpu.memory_space<vmem>>, vector<16xf32>,
      %get3A_2684 = arith.index_cast %add3A_2591 : i32 to index
      %get3A_2685 = arith.constant 112 : index
      %get3A_2686 = tpu.vector_load %arg16[%get3A_2684, %get3A_2685] {strides = array<i32>} : memref<128x128xf32, #tpu.memory_space<vmem>>, vector<16xf32>,
      %mul3A_2687 = arith.mulf %get3A_2683, %get3A_2686 : vector<16xf32>
      %add3A_2688 = arith.addf %add3A_2675, %mul3A_2687 : vector<16xf32>
      %get3A_2689 = arith.index_cast %add3A_2591 : i32 to index
      %get3A_2690 = arith.constant 112 : index
      %get3A_2691 = tpu.vector_load %arg17[%get3A_2689, %get3A_2690] {strides = array<i32>} : memref<128x128xf32, #tpu.memory_space<vmem>>, vector<16xf32>,
      %mul3A_2692 = arith.mulf %get3A_2683, %get3A_2691 : vector<16xf32>
      %add3A_2693 = arith.addf %add3A_2680, %mul3A_2692 : vector<16xf32>
      %mul3A_2694 = arith.constant 4 : i32
      %mul3A_2695 = arith.muli %scan3A_2408, %mul3A_2694 : i32
      %add3A_2696 = arith.constant 2 : i32
      %add3A_2697 = arith.addi %mul3A_2695, %add3A_2696 : i32
      %get3A_2698 = arith.index_cast %add3A_2697 : i32 to index
      %get3A_2699 = arith.constant 0 : index
      %get3A_2700 = tpu.vector_load %arg15[%get3A_2698, %get3A_2699] {strides = array<i32>} : memref<128x128xf32, #tpu.memory_space<vmem>>, vector<16xf32>,
      %get3A_2701 = arith.index_cast %add3A_2697 : i32 to index
      %get3A_2702 = arith.constant 0 : index
      %get3A_2703 = tpu.vector_load %arg16[%get3A_2701, %get3A_2702] {strides = array<i32>} : memref<128x128xf32, #tpu.memory_space<vmem>>, vector<16xf32>,
      %mul3A_2704 = arith.mulf %get3A_2700, %get3A_2703 : vector<16xf32>
      %get3A_2705 = arith.index_cast %add3A_2697 : i32 to index
      %get3A_2706 = arith.constant 0 : index
      %get3A_2707 = tpu.vector_load %arg17[%get3A_2705, %get3A_2706] {strides = array<i32>} : memref<128x128xf32, #tpu.memory_space<vmem>>, vector<16xf32>,
      %mul3A_2708 = arith.mulf %get3A_2700, %get3A_2707 : vector<16xf32>
      %get3A_2709 = arith.index_cast %add3A_2697 : i32 to index
      %get3A_2710 = arith.constant 16 : index
      %get3A_2711 = tpu.vector_load %arg15[%get3A_2709, %get3A_2710] {strides = array<i32>} : memref<128x128xf32, #tpu.memory_space<vmem>>, vector<16xf32>,
      %get3A_2712 = arith.index_cast %add3A_2697 : i32 to index
      %get3A_2713 = arith.constant 16 : index
      %get3A_2714 = tpu.vector_load %arg16[%get3A_2712, %get3A_2713] {strides = array<i32>} : memref<128x128xf32, #tpu.memory_space<vmem>>, vector<16xf32>,
      %mul3A_2715 = arith.mulf %get3A_2711, %get3A_2714 : vector<16xf32>
      %add3A_2716 = arith.addf %mul3A_2704, %mul3A_2715 : vector<16xf32>
      %get3A_2717 = arith.index_cast %add3A_2697 : i32 to index
      %get3A_2718 = arith.constant 16 : index
      %get3A_2719 = tpu.vector_load %arg17[%get3A_2717, %get3A_2718] {strides = array<i32>} : memref<128x128xf32, #tpu.memory_space<vmem>>, vector<16xf32>,
      %mul3A_2720 = arith.mulf %get3A_2711, %get3A_2719 : vector<16xf32>
      %add3A_2721 = arith.addf %mul3A_2708, %mul3A_2720 : vector<16xf32>
      %get3A_2722 = arith.index_cast %add3A_2697 : i32 to index
      %get3A_2723 = arith.constant 32 : index
      %get3A_2724 = tpu.vector_load %arg15[%get3A_2722, %get3A_2723] {strides = array<i32>} : memref<128x128xf32, #tpu.memory_space<vmem>>, vector<16xf32>,
      %get3A_2725 = arith.index_cast %add3A_2697 : i32 to index
      %get3A_2726 = arith.constant 32 : index
      %get3A_2727 = tpu.vector_load %arg16[%get3A_2725, %get3A_2726] {strides = array<i32>} : memref<128x128xf32, #tpu.memory_space<vmem>>, vector<16xf32>,
      %mul3A_2728 = arith.mulf %get3A_2724, %get3A_2727 : vector<16xf32>
      %add3A_2729 = arith.addf %add3A_2716, %mul3A_2728 : vector<16xf32>
      %get3A_2730 = arith.index_cast %add3A_2697 : i32 to index
      %get3A_2731 = arith.constant 32 : index
      %get3A_2732 = tpu.vector_load %arg17[%get3A_2730, %get3A_2731] {strides = array<i32>} : memref<128x128xf32, #tpu.memory_space<vmem>>, vector<16xf32>,
      %mul3A_2733 = arith.mulf %get3A_2724, %get3A_2732 : vector<16xf32>
      %add3A_2734 = arith.addf %add3A_2721, %mul3A_2733 : vector<16xf32>
      %get3A_2735 = arith.index_cast %add3A_2697 : i32 to index
      %get3A_2736 = arith.constant 48 : index
      %get3A_2737 = tpu.vector_load %arg15[%get3A_2735, %get3A_2736] {strides = array<i32>} : memref<128x128xf32, #tpu.memory_space<vmem>>, vector<16xf32>,
      %get3A_2738 = arith.index_cast %add3A_2697 : i32 to index
      %get3A_2739 = arith.constant 48 : index
      %get3A_2740 = tpu.vector_load %arg16[%get3A_2738, %get3A_2739] {strides = array<i32>} : memref<128x128xf32, #tpu.memory_space<vmem>>, vector<16xf32>,
      %mul3A_2741 = arith.mulf %get3A_2737, %get3A_2740 : vector<16xf32>
      %add3A_2742 = arith.addf %add3A_2729, %mul3A_2741 : vector<16xf32>
      %get3A_2743 = arith.index_cast %add3A_2697 : i32 to index
      %get3A_2744 = arith.constant 48 : index
      %get3A_2745 = tpu.vector_load %arg17[%get3A_2743, %get3A_2744] {strides = array<i32>} : memref<128x128xf32, #tpu.memory_space<vmem>>, vector<16xf32>,
      %mul3A_2746 = arith.mulf %get3A_2737, %get3A_2745 : vector<16xf32>
      %add3A_2747 = arith.addf %add3A_2734, %mul3A_2746 : vector<16xf32>
      %get3A_2748 = arith.index_cast %add3A_2697 : i32 to index
      %get3A_2749 = arith.constant 64 : index
      %get3A_2750 = tpu.vector_load %arg15[%get3A_2748, %get3A_2749] {strides = array<i32>} : memref<128x128xf32, #tpu.memory_space<vmem>>, vector<16xf32>,
      %get3A_2751 = arith.index_cast %add3A_2697 : i32 to index
      %get3A_2752 = arith.constant 64 : index
      %get3A_2753 = tpu.vector_load %arg16[%get3A_2751, %get3A_2752] {strides = array<i32>} : memref<128x128xf32, #tpu.memory_space<vmem>>, vector<16xf32>,
      %mul3A_2754 = arith.mulf %get3A_2750, %get3A_2753 : vector<16xf32>
      %add3A_2755 = arith.addf %add3A_2742, %mul3A_2754 : vector<16xf32>
      %get3A_2756 = arith.index_cast %add3A_2697 : i32 to index
      %get3A_2757 = arith.constant 64 : index
      %get3A_2758 = tpu.vector_load %arg17[%get3A_2756, %get3A_2757] {strides = array<i32>} : memref<128x128xf32, #tpu.memory_space<vmem>>, vector<16xf32>,
      %mul3A_2759 = arith.mulf %get3A_2750, %get3A_2758 : vector<16xf32>
      %add3A_2760 = arith.addf %add3A_2747, %mul3A_2759 : vector<16xf32>
      %get3A_2761 = arith.index_cast %add3A_2697 : i32 to index
      %get3A_2762 = arith.constant 80 : index
      %get3A_2763 = tpu.vector_load %arg15[%get3A_2761, %get3A_2762] {strides = array<i32>} : memref<128x128xf32, #tpu.memory_space<vmem>>, vector<16xf32>,
      %get3A_2764 = arith.index_cast %add3A_2697 : i32 to index
      %get3A_2765 = arith.constant 80 : index
      %get3A_2766 = tpu.vector_load %arg16[%get3A_2764, %get3A_2765] {strides = array<i32>} : memref<128x128xf32, #tpu.memory_space<vmem>>, vector<16xf32>,
      %mul3A_2767 = arith.mulf %get3A_2763, %get3A_2766 : vector<16xf32>
      %add3A_2768 = arith.addf %add3A_2755, %mul3A_2767 : vector<16xf32>
      %get3A_2769 = arith.index_cast %add3A_2697 : i32 to index
      %get3A_2770 = arith.constant 80 : index
      %get3A_2771 = tpu.vector_load %arg17[%get3A_2769, %get3A_2770] {strides = array<i32>} : memref<128x128xf32, #tpu.memory_space<vmem>>, vector<16xf32>,
      %mul3A_2772 = arith.mulf %get3A_2763, %get3A_2771 : vector<16xf32>
      %add3A_2773 = arith.addf %add3A_2760, %mul3A_2772 : vector<16xf32>
      %get3A_2774 = arith.index_cast %add3A_2697 : i32 to index
      %get3A_2775 = arith.constant 96 : index
      %get3A_2776 = tpu.vector_load %arg15[%get3A_2774, %get3A_2775] {strides = array<i32>} : memref<128x128xf32, #tpu.memory_space<vmem>>, vector<16xf32>,
      %get3A_2777 = arith.index_cast %add3A_2697 : i32 to index
      %get3A_2778 = arith.constant 96 : index
      %get3A_2779 = tpu.vector_load %arg16[%get3A_2777, %get3A_2778] {strides = array<i32>} : memref<128x128xf32, #tpu.memory_space<vmem>>, vector<16xf32>,
      %mul3A_2780 = arith.mulf %get3A_2776, %get3A_2779 : vector<16xf32>
      %add3A_2781 = arith.addf %add3A_2768, %mul3A_2780 : vector<16xf32>
      %get3A_2782 = arith.index_cast %add3A_2697 : i32 to index
      %get3A_2783 = arith.constant 96 : index
      %get3A_2784 = tpu.vector_load %arg17[%get3A_2782, %get3A_2783] {strides = array<i32>} : memref<128x128xf32, #tpu.memory_space<vmem>>, vector<16xf32>,
      %mul3A_2785 = arith.mulf %get3A_2776, %get3A_2784 : vector<16xf32>
      %add3A_2786 = arith.addf %add3A_2773, %mul3A_2785 : vector<16xf32>
      %get3A_2787 = arith.index_cast %add3A_2697 : i32 to index
      %get3A_2788 = arith.constant 112 : index
      %get3A_2789 = tpu.vector_load %arg15[%get3A_2787, %get3A_2788] {strides = array<i32>} : memref<128x128xf32, #tpu.memory_space<vmem>>, vector<16xf32>,
      %get3A_2790 = arith.index_cast %add3A_2697 : i32 to index
      %get3A_2791 = arith.constant 112 : index
      %get3A_2792 = tpu.vector_load %arg16[%get3A_2790, %get3A_2791] {strides = array<i32>} : memref<128x128xf32, #tpu.memory_space<vmem>>, vector<16xf32>,
      %mul3A_2793 = arith.mulf %get3A_2789, %get3A_2792 : vector<16xf32>
      %add3A_2794 = arith.addf %add3A_2781, %mul3A_2793 : vector<16xf32>
      %get3A_2795 = arith.index_cast %add3A_2697 : i32 to index
      %get3A_2796 = arith.constant 112 : index
      %get3A_2797 = tpu.vector_load %arg17[%get3A_2795, %get3A_2796] {strides = array<i32>} : memref<128x128xf32, #tpu.memory_space<vmem>>, vector<16xf32>,
      %mul3A_2798 = arith.mulf %get3A_2789, %get3A_2797 : vector<16xf32>
      %add3A_2799 = arith.addf %add3A_2786, %mul3A_2798 : vector<16xf32>
      %mul3A_2800 = arith.constant 4 : i32
      %mul3A_2801 = arith.muli %scan3A_2408, %mul3A_2800 : i32
      %add3A_2802 = arith.constant 3 : i32
      %add3A_2803 = arith.addi %mul3A_2801, %add3A_2802 : i32
      %get3A_2804 = arith.index_cast %add3A_2803 : i32 to index
      %get3A_2805 = arith.constant 0 : index
      %get3A_2806 = tpu.vector_load %arg15[%get3A_2804, %get3A_2805] {strides = array<i32>} : memref<128x128xf32, #tpu.memory_space<vmem>>, vector<16xf32>,
      %get3A_2807 = arith.index_cast %add3A_2803 : i32 to index
      %get3A_2808 = arith.constant 0 : index
      %get3A_2809 = tpu.vector_load %arg16[%get3A_2807, %get3A_2808] {strides = array<i32>} : memref<128x128xf32, #tpu.memory_space<vmem>>, vector<16xf32>,
      %mul3A_2810 = arith.mulf %get3A_2806, %get3A_2809 : vector<16xf32>
      %get3A_2811 = arith.index_cast %add3A_2803 : i32 to index
      %get3A_2812 = arith.constant 0 : index
      %get3A_2813 = tpu.vector_load %arg17[%get3A_2811, %get3A_2812] {strides = array<i32>} : memref<128x128xf32, #tpu.memory_space<vmem>>, vector<16xf32>,
      %mul3A_2814 = arith.mulf %get3A_2806, %get3A_2813 : vector<16xf32>
      %get3A_2815 = arith.index_cast %add3A_2803 : i32 to index
      %get3A_2816 = arith.constant 16 : index
      %get3A_2817 = tpu.vector_load %arg15[%get3A_2815, %get3A_2816] {strides = array<i32>} : memref<128x128xf32, #tpu.memory_space<vmem>>, vector<16xf32>,
      %get3A_2818 = arith.index_cast %add3A_2803 : i32 to index
      %get3A_2819 = arith.constant 16 : index
      %get3A_2820 = tpu.vector_load %arg16[%get3A_2818, %get3A_2819] {strides = array<i32>} : memref<128x128xf32, #tpu.memory_space<vmem>>, vector<16xf32>,
      %mul3A_2821 = arith.mulf %get3A_2817, %get3A_2820 : vector<16xf32>
      %add3A_2822 = arith.addf %mul3A_2810, %mul3A_2821 : vector<16xf32>
      %get3A_2823 = arith.index_cast %add3A_2803 : i32 to index
      %get3A_2824 = arith.constant 16 : index
      %get3A_2825 = tpu.vector_load %arg17[%get3A_2823, %get3A_2824] {strides = array<i32>} : memref<128x128xf32, #tpu.memory_space<vmem>>, vector<16xf32>,
      %mul3A_2826 = arith.mulf %get3A_2817, %get3A_2825 : vector<16xf32>
      %add3A_2827 = arith.addf %mul3A_2814, %mul3A_2826 : vector<16xf32>
      %get3A_2828 = arith.index_cast %add3A_2803 : i32 to index
      %get3A_2829 = arith.constant 32 : index
      %get3A_2830 = tpu.vector_load %arg15[%get3A_2828, %get3A_2829] {strides = array<i32>} : memref<128x128xf32, #tpu.memory_space<vmem>>, vector<16xf32>,
      %get3A_2831 = arith.index_cast %add3A_2803 : i32 to index
      %get3A_2832 = arith.constant 32 : index
      %get3A_2833 = tpu.vector_load %arg16[%get3A_2831, %get3A_2832] {strides = array<i32>} : memref<128x128xf32, #tpu.memory_space<vmem>>, vector<16xf32>,
      %mul3A_2834 = arith.mulf %get3A_2830, %get3A_2833 : vector<16xf32>
      %add3A_2835 = arith.addf %add3A_2822, %mul3A_2834 : vector<16xf32>
      %get3A_2836 = arith.index_cast %add3A_2803 : i32 to index
      %get3A_2837 = arith.constant 32 : index
      %get3A_2838 = tpu.vector_load %arg17[%get3A_2836, %get3A_2837] {strides = array<i32>} : memref<128x128xf32, #tpu.memory_space<vmem>>, vector<16xf32>,
      %mul3A_2839 = arith.mulf %get3A_2830, %get3A_2838 : vector<16xf32>
      %add3A_2840 = arith.addf %add3A_2827, %mul3A_2839 : vector<16xf32>
      %get3A_2841 = arith.index_cast %add3A_2803 : i32 to index
      %get3A_2842 = arith.constant 48 : index
      %get3A_2843 = tpu.vector_load %arg15[%get3A_2841, %get3A_2842] {strides = array<i32>} : memref<128x128xf32, #tpu.memory_space<vmem>>, vector<16xf32>,
      %get3A_2844 = arith.index_cast %add3A_2803 : i32 to index
      %get3A_2845 = arith.constant 48 : index
      %get3A_2846 = tpu.vector_load %arg16[%get3A_2844, %get3A_2845] {strides = array<i32>} : memref<128x128xf32, #tpu.memory_space<vmem>>, vector<16xf32>,
      %mul3A_2847 = arith.mulf %get3A_2843, %get3A_2846 : vector<16xf32>
      %add3A_2848 = arith.addf %add3A_2835, %mul3A_2847 : vector<16xf32>
      %get3A_2849 = arith.index_cast %add3A_2803 : i32 to index
      %get3A_2850 = arith.constant 48 : index
      %get3A_2851 = tpu.vector_load %arg17[%get3A_2849, %get3A_2850] {strides = array<i32>} : memref<128x128xf32, #tpu.memory_space<vmem>>, vector<16xf32>,
      %mul3A_2852 = arith.mulf %get3A_2843, %get3A_2851 : vector<16xf32>
      %add3A_2853 = arith.addf %add3A_2840, %mul3A_2852 : vector<16xf32>
      %get3A_2854 = arith.index_cast %add3A_2803 : i32 to index
      %get3A_2855 = arith.constant 64 : index
      %get3A_2856 = tpu.vector_load %arg15[%get3A_2854, %get3A_2855] {strides = array<i32>} : memref<128x128xf32, #tpu.memory_space<vmem>>, vector<16xf32>,
      %get3A_2857 = arith.index_cast %add3A_2803 : i32 to index
      %get3A_2858 = arith.constant 64 : index
      %get3A_2859 = tpu.vector_load %arg16[%get3A_2857, %get3A_2858] {strides = array<i32>} : memref<128x128xf32, #tpu.memory_space<vmem>>, vector<16xf32>,
      %mul3A_2860 = arith.mulf %get3A_2856, %get3A_2859 : vector<16xf32>
      %add3A_2861 = arith.addf %add3A_2848, %mul3A_2860 : vector<16xf32>
      %get3A_2862 = arith.index_cast %add3A_2803 : i32 to index
      %get3A_2863 = arith.constant 64 : index
      %get3A_2864 = tpu.vector_load %arg17[%get3A_2862, %get3A_2863] {strides = array<i32>} : memref<128x128xf32, #tpu.memory_space<vmem>>, vector<16xf32>,
      %mul3A_2865 = arith.mulf %get3A_2856, %get3A_2864 : vector<16xf32>
      %add3A_2866 = arith.addf %add3A_2853, %mul3A_2865 : vector<16xf32>
      %get3A_2867 = arith.index_cast %add3A_2803 : i32 to index
      %get3A_2868 = arith.constant 80 : index
      %get3A_2869 = tpu.vector_load %arg15[%get3A_2867, %get3A_2868] {strides = array<i32>} : memref<128x128xf32, #tpu.memory_space<vmem>>, vector<16xf32>,
      %get3A_2870 = arith.index_cast %add3A_2803 : i32 to index
      %get3A_2871 = arith.constant 80 : index
      %get3A_2872 = tpu.vector_load %arg16[%get3A_2870, %get3A_2871] {strides = array<i32>} : memref<128x128xf32, #tpu.memory_space<vmem>>, vector<16xf32>,
      %mul3A_2873 = arith.mulf %get3A_2869, %get3A_2872 : vector<16xf32>
      %add3A_2874 = arith.addf %add3A_2861, %mul3A_2873 : vector<16xf32>
      %get3A_2875 = arith.index_cast %add3A_2803 : i32 to index
      %get3A_2876 = arith.constant 80 : index
      %get3A_2877 = tpu.vector_load %arg17[%get3A_2875, %get3A_2876] {strides = array<i32>} : memref<128x128xf32, #tpu.memory_space<vmem>>, vector<16xf32>,
      %mul3A_2878 = arith.mulf %get3A_2869, %get3A_2877 : vector<16xf32>
      %add3A_2879 = arith.addf %add3A_2866, %mul3A_2878 : vector<16xf32>
      %get3A_2880 = arith.index_cast %add3A_2803 : i32 to index
      %get3A_2881 = arith.constant 96 : index
      %get3A_2882 = tpu.vector_load %arg15[%get3A_2880, %get3A_2881] {strides = array<i32>} : memref<128x128xf32, #tpu.memory_space<vmem>>, vector<16xf32>,
      %get3A_2883 = arith.index_cast %add3A_2803 : i32 to index
      %get3A_2884 = arith.constant 96 : index
      %get3A_2885 = tpu.vector_load %arg16[%get3A_2883, %get3A_2884] {strides = array<i32>} : memref<128x128xf32, #tpu.memory_space<vmem>>, vector<16xf32>,
      %mul3A_2886 = arith.mulf %get3A_2882, %get3A_2885 : vector<16xf32>
      %add3A_2887 = arith.addf %add3A_2874, %mul3A_2886 : vector<16xf32>
      %get3A_2888 = arith.index_cast %add3A_2803 : i32 to index
      %get3A_2889 = arith.constant 96 : index
      %get3A_2890 = tpu.vector_load %arg17[%get3A_2888, %get3A_2889] {strides = array<i32>} : memref<128x128xf32, #tpu.memory_space<vmem>>, vector<16xf32>,
      %mul3A_2891 = arith.mulf %get3A_2882, %get3A_2890 : vector<16xf32>
      %add3A_2892 = arith.addf %add3A_2879, %mul3A_2891 : vector<16xf32>
      %get3A_2893 = arith.index_cast %add3A_2803 : i32 to index
      %get3A_2894 = arith.constant 112 : index
      %get3A_2895 = tpu.vector_load %arg15[%get3A_2893, %get3A_2894] {strides = array<i32>} : memref<128x128xf32, #tpu.memory_space<vmem>>, vector<16xf32>,
      %get3A_2896 = arith.index_cast %add3A_2803 : i32 to index
      %get3A_2897 = arith.constant 112 : index
      %get3A_2898 = tpu.vector_load %arg16[%get3A_2896, %get3A_2897] {strides = array<i32>} : memref<128x128xf32, #tpu.memory_space<vmem>>, vector<16xf32>,
      %mul3A_2899 = arith.mulf %get3A_2895, %get3A_2898 : vector<16xf32>
      %add3A_2900 = arith.addf %add3A_2887, %mul3A_2899 : vector<16xf32>
      %get3A_2901 = arith.index_cast %add3A_2803 : i32 to index
      %get3A_2902 = arith.constant 112 : index
      %get3A_2903 = tpu.vector_load %arg17[%get3A_2901, %get3A_2902] {strides = array<i32>} : memref<128x128xf32, #tpu.memory_space<vmem>>, vector<16xf32>,
      %mul3A_2904 = arith.mulf %get3A_2895, %get3A_2903 : vector<16xf32>
      %add3A_2905 = arith.addf %add3A_2892, %mul3A_2904 : vector<16xf32>
      scf.yield %add3A_2582, %add3A_2587, %add3A_2688, %add3A_2693, %add3A_2794, %add3A_2799, %add3A_2900, %add3A_2905 : vector<16xf32>, vector<16xf32>, vector<16xf32>, vector<16xf32>, vector<16xf32>, vector<16xf32>, vector<16xf32>, vector<16xf32>
    }
    %scan3A_2367 = arith.constant 31 : i32
    %broadcast_in_dim3A_2368 = arith.constant true
    %broadcast_in_dim3A_2369 = vector.broadcast %broadcast_in_dim3A_2368 : i1 to vector<16xi1>
    %masked_cumsum3A_2370 = tpu.scan <sum>, %scan3A_2366#0 masked %broadcast_in_dim3A_2369 : vector<16xf32>, vector<16xi1> -> vector<16xf32>
    %swap3A_2371 = arith.constant 508 : index
    %swap3A_2372 = tpu.vector_load %arg18[%swap3A_2371] masked %eq3A_1857 {strides = array<i32>} : memref<528xf32, #tpu.memory_space<vmem>>, vector<16xf32>, vector<16xi1>
    tpu.vector_store %arg18[%swap3A_2371], %masked_cumsum3A_2370 masked %eq3A_1857 {strides = array<i32>} : memref<528xf32, #tpu.memory_space<vmem>>, vector<16xf32>, vector<16xi1>
    %broadcast_in_dim3A_2373 = arith.constant true
    %broadcast_in_dim3A_2374 = vector.broadcast %broadcast_in_dim3A_2373 : i1 to vector<16xi1>
    %masked_cumsum3A_2375 = tpu.scan <sum>, %scan3A_2366#1 masked %broadcast_in_dim3A_2374 : vector<16xf32>, vector<16xi1> -> vector<16xf32>
    %swap3A_2376 = arith.constant 508 : index
    %swap3A_2377 = tpu.vector_load %arg19[%swap3A_2376] masked %eq3A_1857 {strides = array<i32>} : memref<528xf32, #tpu.memory_space<vmem>>, vector<16xf32>, vector<16xi1>
    tpu.vector_store %arg19[%swap3A_2376], %masked_cumsum3A_2375 masked %eq3A_1857 {strides = array<i32>} : memref<528xf32, #tpu.memory_space<vmem>>, vector<16xf32>, vector<16xi1>
    %broadcast_in_dim3A_2378 = arith.constant true
    %broadcast_in_dim3A_2379 = vector.broadcast %broadcast_in_dim3A_2378 : i1 to vector<16xi1>
    %masked_cumsum3A_2380 = tpu.scan <sum>, %scan3A_2366#2 masked %broadcast_in_dim3A_2379 : vector<16xf32>, vector<16xi1> -> vector<16xf32>
    %swap3A_2381 = arith.constant 509 : index
    %swap3A_2382 = tpu.vector_load %arg18[%swap3A_2381] masked %eq3A_1857 {strides = array<i32>} : memref<528xf32, #tpu.memory_space<vmem>>, vector<16xf32>, vector<16xi1>
    tpu.vector_store %arg18[%swap3A_2381], %masked_cumsum3A_2380 masked %eq3A_1857 {strides = array<i32>} : memref<528xf32, #tpu.memory_space<vmem>>, vector<16xf32>, vector<16xi1>
    %broadcast_in_dim3A_2383 = arith.constant true
    %broadcast_in_dim3A_2384 = vector.broadcast %broadcast_in_dim3A_2383 : i1 to vector<16xi1>
    %masked_cumsum3A_2385 = tpu.scan <sum>, %scan3A_2366#3 masked %broadcast_in_dim3A_2384 : vector<16xf32>, vector<16xi1> -> vector<16xf32>
    %swap3A_2386 = arith.constant 509 : index
    %swap3A_2387 = tpu.vector_load %arg19[%swap3A_2386] masked %eq3A_1857 {strides = array<i32>} : memref<528xf32, #tpu.memory_space<vmem>>, vector<16xf32>, vector<16xi1>
    tpu.vector_store %arg19[%swap3A_2386], %masked_cumsum3A_2385 masked %eq3A_1857 {strides = array<i32>} : memref<528xf32, #tpu.memory_space<vmem>>, vector<16xf32>, vector<16xi1>
    %broadcast_in_dim3A_2388 = arith.constant true
    %broadcast_in_dim3A_2389 = vector.broadcast %broadcast_in_dim3A_2388 : i1 to vector<16xi1>
    %masked_cumsum3A_2390 = tpu.scan <sum>, %scan3A_2366#4 masked %broadcast_in_dim3A_2389 : vector<16xf32>, vector<16xi1> -> vector<16xf32>
    %swap3A_2391 = arith.constant 510 : index
    %swap3A_2392 = tpu.vector_load %arg18[%swap3A_2391] masked %eq3A_1857 {strides = array<i32>} : memref<528xf32, #tpu.memory_space<vmem>>, vector<16xf32>, vector<16xi1>
    tpu.vector_store %arg18[%swap3A_2391], %masked_cumsum3A_2390 masked %eq3A_1857 {strides = array<i32>} : memref<528xf32, #tpu.memory_space<vmem>>, vector<16xf32>, vector<16xi1>
    %broadcast_in_dim3A_2393 = arith.constant true
    %broadcast_in_dim3A_2394 = vector.broadcast %broadcast_in_dim3A_2393 : i1 to vector<16xi1>
    %masked_cumsum3A_2395 = tpu.scan <sum>, %scan3A_2366#5 masked %broadcast_in_dim3A_2394 : vector<16xf32>, vector<16xi1> -> vector<16xf32>
    %swap3A_2396 = arith.constant 510 : index
    %swap3A_2397 = tpu.vector_load %arg19[%swap3A_2396] masked %eq3A_1857 {strides = array<i32>} : memref<528xf32, #tpu.memory_space<vmem>>, vector<16xf32>, vector<16xi1>
    tpu.vector_store %arg19[%swap3A_2396], %masked_cumsum3A_2395 masked %eq3A_1857 {strides = array<i32>} : memref<528xf32, #tpu.memory_space<vmem>>, vector<16xf32>, vector<16xi1>
    %broadcast_in_dim3A_2398 = arith.constant true
    %broadcast_in_dim3A_2399 = vector.broadcast %broadcast_in_dim3A_2398 : i1 to vector<16xi1>
    %masked_cumsum3A_2400 = tpu.scan <sum>, %scan3A_2366#6 masked %broadcast_in_dim3A_2399 : vector<16xf32>, vector<16xi1> -> vector<16xf32>
    %swap3A_2401 = arith.constant 511 : index
    %swap3A_2402 = tpu.vector_load %arg18[%swap3A_2401] masked %eq3A_1857 {strides = array<i32>} : memref<528xf32, #tpu.memory_space<vmem>>, vector<16xf32>, vector<16xi1>
    tpu.vector_store %arg18[%swap3A_2401], %masked_cumsum3A_2400 masked %eq3A_1857 {strides = array<i32>} : memref<528xf32, #tpu.memory_space<vmem>>, vector<16xf32>, vector<16xi1>
    %broadcast_in_dim3A_2403 = arith.constant true
    %broadcast_in_dim3A_2404 = vector.broadcast %broadcast_in_dim3A_2403 : i1 to vector<16xi1>
    %masked_cumsum3A_2405 = tpu.scan <sum>, %scan3A_2366#7 masked %broadcast_in_dim3A_2404 : vector<16xf32>, vector<16xi1> -> vector<16xf32>
    %swap3A_2406 = arith.constant 511 : index
    %swap3A_2407 = tpu.vector_load %arg19[%swap3A_2406] masked %eq3A_1857 {strides = array<i32>} : memref<528xf32, #tpu.memory_space<vmem>>, vector<16xf32>, vector<16xi1>
    tpu.vector_store %arg19[%swap3A_2406], %masked_cumsum3A_2405 masked %eq3A_1857 {strides = array<i32>} : memref<528xf32, #tpu.memory_space<vmem>>, vector<16xf32>, vector<16xi1>
    "tpu.region"() ({
      %run_scoped3A = tpu.sem_alloc : memref<!tpu.dma_semaphore, #tpu.memory_space<semaphore_mem>>
      %dma_start3A_2408 = arith.constant 0 : i32
      %dma_start3A_2409 = tpu.memref_slice %arg18[%dma_start3A_2408] : memref<528xf32, #tpu.memory_space<vmem>> -> memref<512xf32, #tpu.memory_space<vmem>>
      %dma_start3A_2410 = tpu.memref_slice %arg7[%mul3A_2] : memref<16384xf32, #tpu.memory_space<hbm>> -> memref<512xf32, #tpu.memory_space<hbm>>
      %dma_start3A_2411 = tpu.memref_slice %arg7[%mul3A_2] : memref<16384xf32, #tpu.memory_space<hbm>> -> memref<512xf32, #tpu.memory_space<hbm>>
      %dma_start3A_2412 = arith.constant 0 : i32
      %dma_start3A_2413 = tpu.memref_slice %arg18[%dma_start3A_2412] : memref<528xf32, #tpu.memory_space<vmem>> -> memref<512xf32, #tpu.memory_space<vmem>>
      tpu.enqueue_dma source(%dma_start3A_2413 : memref<512xf32, #tpu.memory_space<vmem>>) target(%dma_start3A_2411 : memref<512xf32, #tpu.memory_space<hbm>>) target_semaphore(%run_scoped3A : memref<!tpu.dma_semaphore, #tpu.memory_space<semaphore_mem>>)
      %dma_wait3A_2414 = arith.constant 0 : i32
      %dma_wait3A_2415 = tpu.memref_slice %arg18[%dma_wait3A_2414] : memref<528xf32, #tpu.memory_space<vmem>> -> memref<512xf32, #tpu.memory_space<vmem>>
      %dma_wait3A_2416 = tpu.memref_slice %arg7[%mul3A_2] : memref<16384xf32, #tpu.memory_space<hbm>> -> memref<512xf32, #tpu.memory_space<hbm>>
      %dma_wait3A_2417 = tpu.memref_slice %arg7[%mul3A_2] : memref<16384xf32, #tpu.memory_space<hbm>> -> memref<512xf32, #tpu.memory_space<hbm>>
      %dma_wait3A_2418 = arith.constant 0 : i32
      %dma_wait3A_2419 = tpu.memref_slice %arg18[%dma_wait3A_2418] : memref<528xf32, #tpu.memory_space<vmem>> -> memref<512xf32, #tpu.memory_space<vmem>>
      tpu.wait_dma2 semaphore(%run_scoped3A : memref<!tpu.dma_semaphore, #tpu.memory_space<semaphore_mem>>) src(%dma_wait3A_2419 : memref<512xf32, #tpu.memory_space<vmem>>) dst(%dma_wait3A_2417 : memref<512xf32, #tpu.memory_space<hbm>>)
      tpu.yield
    }) : () -> ()
    "tpu.region"() ({
      %run_scoped3A = tpu.sem_alloc : memref<!tpu.dma_semaphore, #tpu.memory_space<semaphore_mem>>
      %dma_start3A_2408 = arith.constant 0 : i32
      %dma_start3A_2409 = tpu.memref_slice %arg19[%dma_start3A_2408] : memref<528xf32, #tpu.memory_space<vmem>> -> memref<512xf32, #tpu.memory_space<vmem>>
      %dma_start3A_2410 = tpu.memref_slice %arg8[%mul3A_2] : memref<16384xf32, #tpu.memory_space<hbm>> -> memref<512xf32, #tpu.memory_space<hbm>>
      %dma_start3A_2411 = tpu.memref_slice %arg8[%mul3A_2] : memref<16384xf32, #tpu.memory_space<hbm>> -> memref<512xf32, #tpu.memory_space<hbm>>
      %dma_start3A_2412 = arith.constant 0 : i32
      %dma_start3A_2413 = tpu.memref_slice %arg19[%dma_start3A_2412] : memref<528xf32, #tpu.memory_space<vmem>> -> memref<512xf32, #tpu.memory_space<vmem>>
      tpu.enqueue_dma source(%dma_start3A_2413 : memref<512xf32, #tpu.memory_space<vmem>>) target(%dma_start3A_2411 : memref<512xf32, #tpu.memory_space<hbm>>) target_semaphore(%run_scoped3A : memref<!tpu.dma_semaphore, #tpu.memory_space<semaphore_mem>>)
      %dma_wait3A_2414 = arith.constant 0 : i32
      %dma_wait3A_2415 = tpu.memref_slice %arg19[%dma_wait3A_2414] : memref<528xf32, #tpu.memory_space<vmem>> -> memref<512xf32, #tpu.memory_space<vmem>>
      %dma_wait3A_2416 = tpu.memref_slice %arg8[%mul3A_2] : memref<16384xf32, #tpu.memory_space<hbm>> -> memref<512xf32, #tpu.memory_space<hbm>>
      %dma_wait3A_2417 = tpu.memref_slice %arg8[%mul3A_2] : memref<16384xf32, #tpu.memory_space<hbm>> -> memref<512xf32, #tpu.memory_space<hbm>>
      %dma_wait3A_2418 = arith.constant 0 : i32
      %dma_wait3A_2419 = tpu.memref_slice %arg19[%dma_wait3A_2418] : memref<528xf32, #tpu.memory_space<vmem>> -> memref<512xf32, #tpu.memory_space<vmem>>
      tpu.wait_dma2 semaphore(%run_scoped3A : memref<!tpu.dma_semaphore, #tpu.memory_space<semaphore_mem>>) src(%dma_wait3A_2419 : memref<512xf32, #tpu.memory_space<vmem>>) dst(%dma_wait3A_2417 : memref<512xf32, #tpu.memory_space<hbm>>)
      tpu.yield
    }) : () -> ()
    return
  }
}

</mosaic_0001>

<sc_bundles>
// kernel: _scores.3.cloned.1.call-start
scs
__scs_entry_jumppad:
0x0: {  	(pc) =	sbr.rel $0x88, $3  }
0x1: {  	(tag) =	ssettag $0x0;
	lr =	simm.s32 $0x1  }
0x2: {  	[smem:$0x3F9C] =	sst lr;
	_ =	strace $0xD0000000  }
0x3: {  	_ = 	snop  }
0x4: {  	_ = 	snop  }
0x5: {  	_ = 	snop  }
0x6: {  	_ = 	snop  }
0x7: {  	_ = 	snop  }
__scs_overlays_trampoline_lowered:
0x8: {  	[smem:$0x3FAB] =	sst s0  }
0x9: {  	[smem:$0x3FAC] =	sst s1  }
0xa: {  	[smem:$0x3FAD] =	sst s2  }
0xb: {  	[smem:$0x3FAE] =	sst s3  }
0xc: {  	[smem:$0x3FAF] =	sst s4  }
0xd: {  	[smem:$0x3FB0] =	sst s5  }
0xe: {  	[smem:$0x3FB1] =	sst s6  }
0xf: {  	[smem:$0x3FB2] =	sst s7  }
0x10: {  	[smem:$0x3FB3] =	sst s8  }
0x11: {  	[smem:$0x3FB4] =	sst s9;
	s0 =	simm.s32 @!p0 $0x0  }
0x12: {  	s1 =	sld [smem:$0x3F9A];
	s0 =	simm.s32 @p0 $0x1  }
0x13: {  	[smem:$0x3FB5] =	sst s0;
	s0 =	simm.s32 @!p1 $0x0  }
0x14: {  	s2 =	sld [smem:$0x3F99];
	s0 =	simm.s32 @p1 $0x1  }
0x15: {  	[smem:$0x3FB6] =	sst s0;
	s0 =	simm.s32 @!p2 $0x0  }
0x16: {  	s3 =	sld [smem:$0x3FDB];
	s0 =	simm.s32 @p2 $0x1  }
0x17: {  	s4 =	simm.s32 $0x1BF5;
	[smem:$0x3FB8] =	sst s0  }
0x18: {  	s0 =	sld [smem:$0x3F9B];
	_ =	swait.ge [sflag:s4], $0x0  }
0x19: {  	s7 =	sld [smem:$0x3F9C]  }
0x1a: {  	s8 =	sadd.s32 $0xFFFFE003, lr  }
0x1b: {  	s9 =	sadd.s32 $0xFFFFFEF7, lr;
	s5 =	simm.s32 $0xFFFFFFFF;
	p2 =	slt.u32 s8, $0xFFFFF086  }
0x1c: {  	p1 =	slt.u32 s9, $0xF7A;
	s5 =	simm.s32 @!p2 $0x0  }
0x1d: {  	s5 =	simm.s32 @p1 $0x1;
	p0 =	seq.s32 s7, s2  }
0x1e: {  	s7 =	smul.u32 @!p0 $0xF7A, s2;
	p2 =	seq.s32 @!p0 s5, $0x0  }
0x1f: {  	s9 =	smul.u32 $0xF7A, s1;
	s8 =	simm.s32 @!p0 $0x1BF5;
	p2 =	por !p2, p0  }
0x20: {  	[sflag:s8] =	ssyncset.s32 @!p0 $0xFFFFF086;
	s6 =	sadd.s32 @!p0 s3, s7;
	s7 =	simm.s32 @!p0 $0x108  }
0x21: {  	s3 =	sadd.s32 s3, s9;
	s6 =	sadd.s32 @!p0 $0x88, s6;
	s7 =	simm.s32 @p2 $0x1082  }
0x22: {  	[simem:s7], [sflag:s8] =	dma.local @!p0 [hbm:s6], $0xF7A  }
0x23: {  	s9 =	sor.u32 $0xD0000000, s2;
	s6 =	simm.s32 $0x108;
	_ =	swait.ge @!p0 [sflag:s8], $0x0  }
0x24: {  	s3 =	sadd.s32 $0x88, s3;
	s6 =	simm.s32 @!p1 $0x1082;
	[sflag:s4] =	ssyncset.s32 $0xFFFFF086  }
0x25: {  	[simem:s6], [sflag:s4] =	dma.local [hbm:s3], $0xF7A  }
0x26: {  	[smem:$0x3F9C] =	sst s1;
	(tag) =	ssettag s2;
	_ =	strace s9  }
0x27: {  	s1 =	sld [smem:$0x3FAC]  }
0x28: {  	s2 =	sld [smem:$0x3FAD]  }
0x29: {  	s4 =	sld [smem:$0x3FAF]  }
0x2a: {  	p0 =	seq.s32 s5, $0x0;
	s5 =	sld [smem:$0x3FB0]  }
0x2b: {  	s6 =	sld [smem:$0x3FB1]  }
0x2c: {  	s7 =	sld [smem:$0x3FB2]  }
0x2d: {  	s3 =	simm.s32 $0x108;
	s8 =	sld [smem:$0x3FB3]  }
0x2e: {  	s3 =	simm.s32 @!p0 $0x1082;
	s9 =	sld [smem:$0x3FB4]  }
0x2f: {  	lr =	sadd.s32 s0, s3;
	s0 =	sld [smem:$0x3FAB]  }
0x30: {  	s3 =	sld [smem:$0x3FAE]  }
0x31: {  	[smem:$0x3FB7] =	sst s10  }
0x32: {  	s10 =	sld [smem:$0x3FB5];
	_ =	sdelay $0x3  }
0x33: {  	p0 =	seq.s32 s10, $0x1;
	s10 =	sld [smem:$0x3FB7];
	_ =	sdelay $0x3  }
0x34: {  	[smem:$0x3FB7] =	sst s10  }
0x35: {  	s10 =	sld [smem:$0x3FB6];
	_ =	sdelay $0x3  }
0x36: {  	p1 =	seq.s32 s10, $0x1;
	s10 =	sld [smem:$0x3FB7];
	_ =	sdelay $0x3  }
0x37: {  	[smem:$0x3FB7] =	sst s10  }
0x38: {  	s10 =	sld [smem:$0x3FB8]  }
0x39: {  	_ = 	snop;
	(pc) =	sbr.ind lr, $3  }
0x3a: {  	_ = 	snop  }
0x3b: {  	_ = 	snop  }
0x3c: {  	p2 =	seq.s32 s10, $0x1;
	s10 =	sld [smem:$0x3FB7]  }
0x3d: {  	_ =	shalt  }
0x3e: {  	_ =	shalt  }
0x3f: {  	_ =	shalt  }
0x40: {  	_ =	shalt  }
0x41: {  	_ =	shalt  }
0x42: {  	_ =	shalt  }
0x43: {  	_ =	shalt  }
0x44: {  	_ =	shalt  }
0x45: {  	_ =	shalt  }
0x46: {  	_ =	shalt  }
0x47: {  	_ =	shalt  }
0x48: {  	_ =	shalt  }
0x49: {  	_ =	shalt  }
0x4a: {  	_ =	shalt  }
0x4b: {  	_ =	shalt  }
0x4c: {  	_ =	shalt  }
0x4d: {  	_ =	shalt  }
0x4e: {  	_ =	shalt  }
0x4f: {  	_ =	shalt  }
0x50: {  	_ =	shalt  }
0x51: {  	_ =	shalt  }
0x52: {  	_ =	shalt  }
0x53: {  	_ =	shalt  }
0x54: {  	_ =	shalt  }
0x55: {  	_ =	shalt  }
0x56: {  	_ =	shalt  }
0x57: {  	_ =	shalt  }
0x58: {  	_ =	shalt  }
0x59: {  	_ =	shalt  }
0x5a: {  	_ =	shalt  }
0x5b: {  	_ =	shalt  }
0x5c: {  	_ =	shalt  }
0x5d: {  	_ =	shalt  }
0x5e: {  	_ =	shalt  }
0x5f: {  	_ =	shalt  }
0x60: {  	_ =	shalt  }
0x61: {  	_ =	shalt  }
0x62: {  	_ =	shalt  }
0x63: {  	_ =	shalt  }
0x64: {  	_ =	shalt  }
0x65: {  	_ =	shalt  }
0x66: {  	_ =	shalt  }
0x67: {  	_ =	shalt  }
0x68: {  	_ =	shalt  }
0x69: {  	_ =	shalt  }
0x6a: {  	_ =	shalt  }
0x6b: {  	_ =	shalt  }
0x6c: {  	_ =	shalt  }
0x6d: {  	_ =	shalt  }
0x6e: {  	_ =	shalt  }
0x6f: {  	_ =	shalt  }
0x70: {  	_ =	shalt  }
0x71: {  	_ =	shalt  }
0x72: {  	_ =	shalt  }
0x73: {  	_ =	shalt  }
0x74: {  	_ =	shalt  }
0x75: {  	_ =	shalt  }
0x76: {  	_ =	shalt  }
0x77: {  	_ =	shalt  }
0x78: {  	_ =	shalt  }
0x79: {  	_ =	shalt  }
0x7a: {  	_ =	shalt  }
0x7b: {  	_ =	shalt  }
0x7c: {  	_ =	shalt  }
0x7d: {  	_ =	shalt  }
0x7e: {  	_ =	shalt  }
0x7f: {  	_ =	shalt  }
0x80: {  	_ =	shalt  }
0x81: {  	_ =	shalt  }
0x82: {  	_ =	shalt  }
0x83: {  	_ =	shalt  }
0x84: {  	_ =	shalt  }
0x85: {  	_ =	shalt  }
0x86: {  	_ =	shalt  }
0x87: {  	_ =	shalt  }
.Lfunc_end0:
.L_simem_size_0:
called_computation_lowered:
.L_overlay_start_0:
0x88: {  	s2 =	sld [smem:$0x3FD9]  }
0x89: {  	s3 =	sld [smem:$0x3FFE];
	_ =	sdelay $0x1  }
0x8a: {  	s1 =	srdreg.scid  }
0x8b: {  	s0 =	sand.u32 $0x1, s1  }
0x8c: {  	s15 =	sshll.u32 s0, $0xA;
	s2 =	sadd.s32 s3, s2  }
0x8d: {  	s2 =	sadd.s32 s2, s15  }
0x8e: {  	[smem:$0x3FC3] =	sst s2  }
0x8f: {  	_ = 	snop  }
0x90: {  	s2 =	sld [smem:$0x3FC9]  }
0x91: {  	s16 =	sld [smem:$0x3FC8]  }
0x92: {  	s4 =	sld [smem:$0x3FD0]  }
0x93: {  	s5 =	sld [smem:$0x3FC7]  }
0x94: {  	s6 =	sld [smem:$0x3FC6]  }
0x95: {  	s8 =	simm.s32 $0xA;
	s9 =	simm.s32 $0x10;
	s7 =	sld [smem:$0x3FC5]  }
0x96: {  	[smem:s9], [sflag:s8] =	dma.local [hbm:s4], $0x1  }
0x97: {  	_ =	swait.eq [sflag:s8], $0x1  }
0x98: {  	[sflag:s8] =	ssyncset.done $0x0  }
0x99: {  	s17 =	sld [smem:$0x10];
	[sflag:s8] =	ssyncadd.s32 $0xFFFFFFFF  }
0x9a: {  	s18 =	sld [smem:$0x11];
	(tm) =	ssettm $0x1  }
0x9b: {  	s19 =	sld [smem:$0x3FFB];
	_ =	sdelay $0x3  }
0x9c: {  	_ =	strace s19  }
0x9d: {  	s9 =	sld [smem:$0x3FFC];
	_ =	sdelay $0x3  }
0x9e: {  	_ =	strace s9  }
0x9f: {  	s9 =	sld [smem:$0x3FFD];
	_ =	sdelay $0x3  }
0xa0: {  	_ =	strace s9  }
0xa1: {  	_ =	strace $0x8FFFFFFF  }
0xa2: {  	s20 =	sld [smem:$0x3FDB];
	_ =	sdelay $0x1  }
0xa3: {  	s10 =	simm.s32 $_scs_section_size  }
0xa4: {  	s11 =	simm.s32 $_size__tile_overlayer_lowered;
	s12 =	simm.s32 $_tile_overlayer_lowered  }
0xa5: {  	s23 =	simm.s32 $0x1BFF;
	s22 =	sshll.u32 s12, $0x1;
	s9 =	sadd.s32 s10, s20  }
0xa6: {  	s13 =	simm.s32 $0x0;
	s21 =	sshll.u32 s11, $0x1;
	s11 =	sadd.s32 s22, s9  }
0xa7: {  	[timem:s13], [sflag:s23] =	dma.local [hbm:s11], s21  }
0xa8: {  	_ =	swait.ge [sflag:s23], s21  }
0xa9: {  	s10 =	ssub.s32 $0x0, s21;
	[sflag:s23] =	ssyncset.done $0x0  }
0xaa: {  	[sflag:s23] =	ssyncadd.s32 s10;
	_ =	sdelay $0x1  }
0xab: {  	s24 =	simm.s32 $0x1B8B  }
0xac: {  	_ =	swait.ge [sflag:s24], $0x1  }
0xad: {  	[sflag:s24] =	ssyncset.done $0x0  }
0xae: {  	s25 =	simm.s32 $0x1B8E;
	[sflag:s24] =	ssyncadd.s32 $0xFFFFFFFF  }
0xaf: {  	s26 =	simm.s32 $execute0_lowered;
	[smem:$0x3FD2] =	sst s25  }
0xb0: {  	s10 =	sshll.u32 s26, $0x1;
	_ =	strace $0x80000046;
	[dreg:$0x1] =	wrdreg $0xFFFFFFFF  }
0xb1: {  	s28 =	simm.s32 $_size_execute0_lowered;
	s9 =	sadd.s32 s9, s10;
	[dreg:$0x0] =	wrdreg $0x0  }
0xb2: {  	s10 =	sshll.u32 s28, $0x1;
	[dreg:$0x2] =	wrdreg s9  }
0xb3: {  	[dreg:$0x3] =	wrdreg s10  }
0xb4: {  	[dreg:$0x4] =	wrdreg $0xC0  }
0xb5: {  	_ =	task [dreg:s13], $0x5FFFF  }
0xb6: {  	[dreg:$0x1] =	wrdreg $0xFFFFFFFF  }
0xb7: {  	[dreg:$0x0] =	wrdreg $0x60  }
0xb8: {  	[dreg:$0x2] =	wrdreg s2  }
0xb9: {  	[dreg:$0x3] =	wrdreg s16  }
0xba: {  	[dreg:$0x4] =	wrdreg s5  }
0xbb: {  	[dreg:$0x5] =	wrdreg s6  }
0xbc: {  	[dreg:$0x6] =	wrdreg s7  }
0xbd: {  	[dreg:$0x7] =	wrdreg s17  }
0xbe: {  	[dreg:$0x8] =	wrdreg s18  }
0xbf: {  	[dreg:$0x9] =	wrdreg $0x9  }
0xc0: {  	_ =	task.clear_ibuf [dreg:s13], $0xAFFFF;
	_ =	strace $0x90000046  }
0xc1: {  	s29 =	simm.s32 $0x9;
	_ =	strace $0x80000048  }
0xc2: {  	_ =	swait.ge [sflag:s29], $0x1  }
0xc3: {  	[sflag:s29] =	ssyncadd.s32 $0xFFFFFFFF  }
0xc4: {  	_ =	strace $0x90000048  }
0xc5: {  	_ =	sfence  }
0xc6: {  	s30 =	sld [smem:$0x0];
	_ =	sdelay $0x2  }
0xc7: {  	s31 =	sshll.u32 s1, $0xD;
	s1 =	sshrl.u32 s1, $0x2  }
0xc8: {  	s3 =	sand.u32 $0x4000, s31;
	s1 =	sadd.s32 s1, s30  }
0xc9: {  	s0 =	sor.u32 s3, s0;
	s1 =	sshll.u32 s1, $0x11  }
0xca: {  	s0 =	sor.u32 s1, s0  }
0xcb: {  	s0 =	sadd.s32 $0x8F2B, s0  }
0xcc: {  	[sflag:s0] =	ssyncadd.remote.s32 $0x1  }
0xcd: {  	_ =	sfence.sel $0xFFFF  }
0xce: {  	[dreg:$0x0] =	wrdreg $0xFFFFFFFF;
	(pc) =	sbr.abs _section_cstart, $3  }
0xcf: {  	[dreg:$0x1] =	wrdreg $0xFFFFFFFF  }
0xd0: {  	_ =	task.clear_ibuf [dreg:s13], $0x2FFFF;
	_ =	strace $0x9FFFFFFF  }
0xd1: {  	(tm) =	ssettm $0x7FFFFFFF  }
tec
execute0_lowered:
.L_overlay_start_1:
0x0: {  	(tag) =	ssettag $0x1  }
0x1: {  	s0 =	rddreg [dreg:$0x0]  }
0x2: {  	s3 =	rddreg [dreg:$0x1]  }
0x3: {  	s10 =	rddreg [dreg:$0x2]  }
0x4: {  	s1 =	rddreg [dreg:$0x3]  }
0x5: {  	s2 =	rddreg [dreg:$0x4]  }
0x6: {  	s11 =	rddreg [dreg:$0x5]  }
0x7: {  	s12 =	rddreg [dreg:$0x6]  }
0x8: {  	s4 =	simm.s32 $0x0;
	s5 =	srdreg.scid;
	s7 =	stileid.u32  }
0x9: {  	s16 =	simm.s32 $0x80;
	s17 =	simm.s32 $0x280;
	s18 =	simm.s32 $0x480  }
0xa: {  	s19 =	simm.s32 $0x1;
	s20 =	simm.s32 $0x600;
	s21 =	simm.s32 $0x4600  }
0xb: {  	s22 =	simm.s32 $0x8600;
	s23 =	simm.s32 $0x2;
	s24 =	simm.s32 $0xC600  }
0xc: {  	s25 =	simm.s32 $0x10600;
	s26 =	simm.s32 $0x14600;
	s5 =	sand.u32 $0x1, s5  }
0xd: {  	s31 =	simm.s32 $0x3;
	[smem:$0x7FF] =	sst s4;
	s6 =	ssub.s32 $0x2, s5  }
0xe: {  	s7 =	sshll.u32 s7, $0x7;
	s5 =	sshll.u32 s5, $0x6;
	s8 =	sshrl.u32 s6, $0x1  }
0xf: {  	_ =	strace $0x80000047;
	s13 =	sor.u32 s5, s7;
	s14 =	ssub.s32 s6, s8  }
0x10: {  	s5 =	sadd.s32 s0, s13;
	s15 =	sor.u32 $0x10, s13;
	s6 =	sadd.s32 s3, s13  }
0x11: {  	s7 =	sadd.s32 s10, s13;
	s11 =	sadd.s32 s11, s13;
	s12 =	sadd.s32 s12, s13  }
0x12: {  	s8 =	sadd.s32 s0, s15;
	s9 =	sadd.s32 s3, s15;
	s10 =	sadd.s32 s10, s15  }
0x13: {  	vm0 =	vcmask $0x3F3C;
	s13 =	smax.u32 s14, $0x1;
	s15 =	simm.s32 $0x400;
	s3 =	simm.s32 $0x0  }
.LBB2_1:
0x14: {  	[tilespmem:s4], [sflag:$0x1] =	stream.linear.gather [hbm4b:s5+s4], $0x80, $0x38;
	[tilespmem:$0x18B00] =	vst v63  }
0x15: {  	s0 =	simm.s32 $0x200  }
0x16: {  	[tilespmem:s0], [sflag:$0x1] =	stream.linear.gather [hbm4b:s6+s4], $0x80, $0x38;
	[tilespmem:$0x18B00] =	vst v63  }
0x17: {  	_ = 	snop  }
0x18: {  	[tilespmem:s15], [sflag:$0x1] =	stream.linear.gather [hbm4b:s7+s4], $0x80, $0x38;
	[tilespmem:$0x18B00] =	vst v63  }
0x19: {  	_ = 	snop  }
0x1a: {  	[tilespmem:s16], [sflag:$0x2] =	stream.linear.gather [hbm4b:s8+s4], $0x180, $0x38;
	[tilespmem:$0x18B00] =	vst v63  }
0x1b: {  	_ = 	snop  }
0x1c: {  	[tilespmem:s17], [sflag:$0x2] =	stream.linear.gather [hbm4b:s9+s4], $0x180, $0x38;
	[tilespmem:$0x18B00] =	vst v63  }
0x1d: {  	_ = 	snop  }
0x1e: {  	[tilespmem:s18], [sflag:$0x2] =	stream.linear.gather [hbm4b:s10+s4], $0x180, $0x38;
	[tilespmem:$0x18B00] =	vst v63  }
0x1f: {  	_ =	swait.ge [sflag:s19], $0x80  }
0x20: {  	[sflag:s19] =	ssyncset.done $0x0  }
0x21: {  	[sflag:s19] =	ssyncadd.s32 $0xFFFFFF80  }
0x22: {  	_ =	swait.ge [sflag:s19], $0x80  }
0x23: {  	[sflag:s19] =	ssyncset.done $0x0  }
0x24: {  	[sflag:s19] =	ssyncadd.s32 $0xFFFFFF80  }
0x25: {  	_ =	swait.ge [sflag:s19], $0x80  }
0x26: {  	[sflag:s19] =	ssyncset.done $0x0  }
0x27: {  	[sflag:s19] =	ssyncadd.s32 $0xFFFFFF80  }
0x28: {  	[tilespmem:s20], [sflag:$0x1] =	stream.indirect.gather [hbm4b:s1+s16], $0x80, s4, s16, $0xb8;
	[tilespmem:$0x18B00] =	vst v63  }
0x29: {  	_ = 	snop  }
0x2a: {  	[tilespmem:s21], [sflag:$0x1] =	stream.indirect.gather [hbm4b:s2+s16], $0x80, s0, s16, $0xb8;
	[tilespmem:$0x18B00] =	vst v63  }
0x2b: {  	_ = 	snop  }
0x2c: {  	[tilespmem:s22], [sflag:$0x1] =	stream.indirect.gather [hbm4b:s2+s16], $0x80, s15, s16, $0xb8;
	[tilespmem:$0x18B00] =	vst v63  }
0x2d: {  	_ =	swait.ge [sflag:s23], $0x180  }
0x2e: {  	[sflag:s23] =	ssyncset.done $0x0  }
0x2f: {  	[sflag:s23] =	ssyncadd.s32 $0xFFFFFE80  }
0x30: {  	_ =	swait.ge [sflag:s23], $0x180  }
0x31: {  	[sflag:s23] =	ssyncset.done $0x0  }
0x32: {  	[sflag:s23] =	ssyncadd.s32 $0xFFFFFE80  }
0x33: {  	_ =	swait.ge [sflag:s23], $0x180  }
0x34: {  	[sflag:s23] =	ssyncset.done $0x0  }
0x35: {  	[sflag:s23] =	ssyncadd.s32 $0xFFFFFE80  }
0x36: {  	[tilespmem:s24], [sflag:$0x2] =	stream.indirect.gather [hbm4b:s1+s16], $0x80, s16, s16, $0xb8;
	[tilespmem:$0x18B00] =	vst v63  }
0x37: {  	_ = 	snop  }
0x38: {  	[tilespmem:s25], [sflag:$0x2] =	stream.indirect.gather [hbm4b:s2+s16], $0x80, s17, s16, $0xb8;
	[tilespmem:$0x18B00] =	vst v63  }
0x39: {  	_ = 	snop  }
0x3a: {  	[tilespmem:s26], [sflag:$0x2] =	stream.indirect.gather [hbm4b:s2+s16], $0x80, s18, s16, $0xb8;
	[tilespmem:$0x18B00] =	vst v63  }
0x3b: {  	_ =	swait.ge [sflag:s19], $0x4000  }
0x3c: {  	[sflag:s19] =	ssyncset.done $0x0  }
0x3d: {  	[sflag:s19] =	ssyncadd.s32 $0xFFFFC000  }
0x3e: {  	_ =	swait.ge [sflag:s19], $0x4000  }
0x3f: {  	[sflag:s19] =	ssyncset.done $0x0  }
0x40: {  	[sflag:s19] =	ssyncadd.s32 $0xFFFFC000  }
0x41: {  	_ =	swait.ge [sflag:s19], $0x4000  }
0x42: {  	[sflag:s19] =	ssyncset.done $0x0  }
0x43: {  	[sflag:s19] =	ssyncadd.s32 $0xFFFFC000  }
0x44: {  	v0 =	vld [tilespmem:$0x600]  }
0x45: {  	v1 =	vld [tilespmem:$0x4600]  }
0x46: {  	v2 =	vld [tilespmem:$0x8600]  }
0x47: {  	v3 =	vld [tilespmem:$0x610]  }
0x48: {  	v4 =	vld [tilespmem:$0x4610]  }
0x49: {  	v5 =	vld [tilespmem:$0x8610]  }
0x4a: {  	v6 =	vld [tilespmem:$0x620]  }
0x4b: {  	v7 =	vld [tilespmem:$0x4620]  }
0x4c: {  	v8 =	vld [tilespmem:$0x8620]  }
0x4d: {  	v9 =	vld [tilespmem:$0x630]  }
0x4e: {  	v10 =	vld [tilespmem:$0x4630]  }
0x4f: {  	v11 =	vld [tilespmem:$0x8630]  }
0x50: {  	v12 =	vld [tilespmem:$0x640]  }
0x51: {  	v13 =	vld [tilespmem:$0x4640]  }
0x52: {  	v14 =	vld [tilespmem:$0x8640]  }
0x53: {  	v15 =	vld [tilespmem:$0x650]  }
0x54: {  	v16 =	vld [tilespmem:$0x4650]  }
0x55: {  	v17 =	vld [tilespmem:$0x8650]  }
0x56: {  	v18 =	vld [tilespmem:$0x660]  }
0x57: {  	v19 =	vld [tilespmem:$0x4660]  }
0x58: {  	v20 =	vld [tilespmem:$0x8660]  }
0x59: {  	v21 =	vld [tilespmem:$0x670]  }
0x5a: {  	v22 =	vld [tilespmem:$0x4670]  }
0x5b: {  	v23 =	vld [tilespmem:$0x8670]  }
0x5c: {  	v24 =	vld [tilespmem:$0x680]  }
0x5d: {  	v25 =	vld [tilespmem:$0x4680]  }
0x5e: {  	v26 =	vld [tilespmem:$0x8680]  }
0x5f: {  	v27 =	vld [tilespmem:$0x690]  }
0x60: {  	v28 =	vld [tilespmem:$0x4690]  }
0x61: {  	v29 =	vld [tilespmem:$0x8690]  }
0x62: {  	v30 =	vld [tilespmem:$0x6A0]  }
0x63: {  	v31 =	vld [tilespmem:$0x46A0]  }
0x64: {  	v32 =	vld [tilespmem:$0x86A0]  }
0x65: {  	v33 =	vld [tilespmem:$0x6B0]  }
0x66: {  	v34 =	vld [tilespmem:$0x46B0]  }
0x67: {  	v35 =	vld [tilespmem:$0x86B0]  }
0x68: {  	v36 =	vld [tilespmem:$0x6C0]  }
0x69: {  	v37 =	vld [tilespmem:$0x46C0]  }
0x6a: {  	v38 =	vld [tilespmem:$0x86C0]  }
0x6b: {  	v39 =	vld [tilespmem:$0x6D0]  }
0x6c: {  	v40 =	vld [tilespmem:$0x46D0]  }
0x6d: {  	v41 =	vld [tilespmem:$0x86D0]  }
0x6e: {  	v42 =	vld [tilespmem:$0x6E0]  }
0x6f: {  	v43 =	vld [tilespmem:$0x46E0]  }
0x70: {  	v44 =	vld [tilespmem:$0x86E0]  }
0x71: {  	v45 =	vld [tilespmem:$0x6F0]  }
0x72: {  	v46 =	vld [tilespmem:$0x46F0]  }
0x73: {  	v47 =	vld [tilespmem:$0x86F0]  }
0x74: {  	v48 =	vld [tilespmem:$0x700]  }
0x75: {  	v49 =	vld [tilespmem:$0x4700]  }
0x76: {  	v50 =	vld [tilespmem:$0x8700]  }
0x77: {  	v51 =	vld [tilespmem:$0x710]  }
0x78: {  	v52 =	vld [tilespmem:$0x4710]  }
0x79: {  	v53 =	vld [tilespmem:$0x8710]  }
0x7a: {  	v54 =	vld [tilespmem:$0x720]  }
0x7b: {  	v55 =	vld [tilespmem:$0x4720]  }
0x7c: {  	v56 =	vld [tilespmem:$0x8720]  }
0x7d: {  	v57 =	vld [tilespmem:$0x730]  }
0x7e: {  	v58 =	vld [tilespmem:$0x4730]  }
0x7f: {  	v59 =	vld [tilespmem:$0x8730]  }
0x80: {  	v61 =	vld [tilespmem:$0x47B0]  }
0x81: {  	v63 =	vld [tilespmem:$0x87B0];
	v1 =	vmul.f32 v1, v0;
	v4 =	vmul.f32 v4, v3  }
0x82: {  	v0 =	vmul.f32 v2, v0;
	v2 =	vmul.f32 v5, v3;
	v5 =	vld [tilespmem:$0x740]  }
0x83: {  	v3 =	vmul.f32 v7, v6;
	v7 =	vld [tilespmem:$0x750];
	v31 =	vmul.f32 v31, v30;
	v1 =	vadd.f32 v4, v1  }
0x84: {  	v32 =	vmul.f32 v32, v30;
	v30 =	vld [tilespmem:$0x7B0];
	v0 =	vadd.f32 v2, v0;
	v2 =	vmul.f32 v8, v6  }
0x85: {  	v62 =	vmul.f32 v55, v54;
	v55 =	vld [tilespmem:$0x87E0];
	v1 =	vadd.f32 v3, v1;
	v3 =	vmul.f32 v10, v9  }
0x86: {  	v4 =	vld [tilespmem:$0x4740];
	v0 =	vadd.f32 v2, v0;
	v2 =	vmul.f32 v11, v9  }
0x87: {  	v34 =	vmul.f32 v34, v33;
	v6 =	vld [tilespmem:$0x8740];
	v1 =	vadd.f32 v3, v1;
	v3 =	vmul.f32 v13, v12  }
0x88: {  	v22 =	vmul.f32 v22, v21;
	v8 =	vld [tilespmem:$0x4750];
	v0 =	vadd.f32 v2, v0;
	v2 =	vmul.f32 v14, v12  }
0x89: {  	v21 =	vmul.f32 v23, v21;
	v9 =	vld [tilespmem:$0x8750];
	v1 =	vadd.f32 v3, v1;
	v3 =	vmul.f32 v16, v15  }
0x8a: {  	v60 =	vmul.f32 v53, v51;
	v10 =	vld [tilespmem:$0x760];
	v0 =	vadd.f32 v2, v0;
	v2 =	vmul.f32 v17, v15  }
0x8b: {  	v11 =	vld [tilespmem:$0x4760];
	v1 =	vadd.f32 v3, v1;
	v3 =	vmul.f32 v25, v24;
	v25 =	vmul.f32 v28, v27  }
0x8c: {  	v12 =	vld [tilespmem:$0x8760];
	v0 =	vadd.f32 v2, v0;
	v2 =	vmul.f32 v26, v24;
	v28 =	vmul.f32 v29, v27  }
0x8d: {  	v14 =	vld [tilespmem:$0x770];
	v4 =	vmul.f32 v4, v5;
	v5 =	vmul.f32 v6, v5  }
0x8e: {  	v6 =	vld [tilespmem:$0x87C0];
	v29 =	vmul.f32 v19, v18;
	v18 =	vmul.f32 v20, v18;
	v2 =	vadd.f32 v28, v2  }
0x8f: {  	v8 =	vmul.f32 v8, v7;
	v16 =	vld [tilespmem:$0x4770];
	v7 =	vmul.f32 v9, v7;
	v3 =	vadd.f32 v25, v3  }
0x90: {  	v17 =	vld [tilespmem:$0x4780];
	v18 =	vadd.f32 v18, v0;
	v0 =	vadd.f32 v32, v2;
	v2 =	vmul.f32 v35, v33  }
0x91: {  	v15 =	vld [tilespmem:$0x8780];
	v3 =	vadd.f32 v31, v3;
	v35 =	vmul.f32 v37, v36;
	v37 =	vmul.f32 v38, v36  }
0x92: {  	v19 =	vld [tilespmem:$0x8770];
	v1 =	vadd.f32 v29, v1;
	v38 =	vmul.f32 v40, v39;
	v40 =	vmul.f32 v41, v39  }
0x93: {  	v20 =	vld [tilespmem:$0x780];
	v41 =	vmul.f32 v43, v42;
	v43 =	vmul.f32 v44, v42;
	v3 =	vadd.f32 v34, v3  }
0x94: {  	v24 =	vld [tilespmem:$0x790];
	v44 =	vmul.f32 v46, v45;
	v46 =	vmul.f32 v47, v45;
	v2 =	vadd.f32 v2, v0  }
0x95: {  	v25 =	vld [tilespmem:$0x4790];
	v47 =	vmul.f32 v49, v48;
	v49 =	vmul.f32 v52, v51;
	v3 =	vadd.f32 v35, v3  }
0x96: {  	v26 =	vld [tilespmem:$0x47A0];
	v52 =	vmul.f32 v50, v48;
	v0 =	vadd.f32 v22, v1;
	v2 =	vadd.f32 v37, v2  }
0x97: {  	v39 =	vmul.f32 v58, v57;
	v22 =	vld [tilespmem:$0x8790];
	v1 =	vadd.f32 v21, v18;
	v3 =	vadd.f32 v38, v3  }
0x98: {  	v17 =	vmul.f32 v17, v20;
	v21 =	vld [tilespmem:$0x7A0];
	v13 =	vadd.f32 v49, v47;
	v2 =	vadd.f32 v40, v2  }
0x99: {  	v28 =	vld [tilespmem:$0x87A0];
	v15 =	vmul.f32 v15, v20;
	v36 =	vadd.f32 v60, v52;
	v3 =	vadd.f32 v41, v3  }
0x9a: {  	v45 =	vld [tilespmem:$0x47D0];
	v42 =	vmul.f32 v25, v24;
	v37 =	vmul.f32 v56, v54;
	v23 =	vadd.f32 v43, v2  }
0x9b: {  	v13 =	vadd.f32 v62, v13;
	v38 =	vld [tilespmem:$0x7C0];
	v40 =	vmul.f32 v59, v57;
	v2 =	vadd.f32 v44, v3  }
0x9c: {  	v41 =	vld [tilespmem:$0x47C0];
	v3 =	vadd.f32 v46, v23;
	v23 =	vadd.f32 v37, v36;
	v44 =	vmul.f32 v22, v24  }
0x9d: {  	v48 =	vld [tilespmem:$0x87D0];
	v13 =	vadd.f32 v39, v13;
	v47 =	vmul.f32 v26, v21;
	v46 =	vadd.f32 v42, v17  }
0x9e: {  	v49 =	vmul.f32 v28, v21;
	v43 =	vld [tilespmem:$0x7D0];
	v23 =	vadd.f32 v40, v23;
	v15 =	vadd.f32 v44, v15  }
0x9f: {  	v50 =	vld [tilespmem:$0x7E0];
	v51 =	vmul.f32 v61, v30;
	v4 =	vadd.f32 v4, v13;
	v13 =	vadd.f32 v47, v46  }
0xa0: {  	v52 =	vld [tilespmem:$0x47E0];
	v54 =	vmul.f32 v63, v30;
	v5 =	vadd.f32 v5, v23;
	v53 =	vadd.f32 v49, v15  }
0xa1: {  	v58 =	vld [tilespmem:$0x47F0];
	v4 =	vadd.f32 v8, v4;
	v56 =	vmul.f32 v41, v38;
	v8 =	vadd.f32 v51, v13  }
0xa2: {  	v57 =	vld [tilespmem:$0x7F0];
	v6 =	vmul.f32 v6, v38;
	v5 =	vadd.f32 v7, v5;
	v7 =	vadd.f32 v54, v53  }
0xa3: {  	v11 =	vmul.f32 v11, v10;
	v60 =	vld [tilespmem:$0x87F0];
	v59 =	vmul.f32 v45, v43;
	v8 =	vadd.f32 v56, v8  }
0xa4: {  	v10 =	vmul.f32 v12, v10;
	v6 =	vadd.f32 v6, v7;
	v7 =	vmul.f32 v48, v43  }
0xa5: {  	v62 =	vmul.f32 v19, v14;
	v61 =	vmul.f32 v52, v50;
	v8 =	vadd.f32 v59, v8  }
0xa6: {  	v10 =	vadd.f32 v10, v5;
	v5 =	vadd.f32 v7, v6;
	v6 =	vmul.f32 v55, v50  }
0xa7: {  	v9 =	vmul.f32 v58, v57;
	v4 =	vadd.f32 v11, v4;
	v7 =	vmul.f32 v16, v14  }
0xa8: {  	v63 =	vmul.f32 v60, v57;
	v8 =	vadd.f32 v61, v8;
	v6 =	vadd.f32 v6, v5  }
0xa9: {  	s28 =	simm.s32 $0x89F0;
	v5 =	vadd.f32 v7, v4;
	v4 =	vadd.f32 v62, v10  }
0xaa: {  	s29 =	simm.s32 $0x49F0;
	s30 =	simm.s32 $0x9F0;
	s0 =	simm.s32 $0x0;
	v7 =	vadd.f32 v9, v8;
	v6 =	vadd.f32 v63, v6  }
.LBB2_2:
0xab: {  	(xrf2) =	vadd.scan.msk.f32 $0xffff, v0  }
0xac: {  	(xrf2) =	vadd.scan.msk.f32 $0xffff, v1  }
0xad: {  	(xrf2) =	vadd.scan.msk.f32 $0xffff, v2  }
0xae: {  	(xrf2) =	vadd.scan.msk.f32 $0xffff, v3  }
0xaf: {  	(xrf2) =	vadd.scan.msk.f32 $0xffff, v5  }
0xb0: {  	(xrf2) =	vadd.scan.msk.f32 $0xffff, v4  }
0xb1: {  	(xrf2) =	vadd.scan.msk.f32 $0xffff, v7  }
0xb2: {  	(xrf2) =	vadd.scan.msk.f32 $0xffff, v6;
	_ =	sdelay $0x2  }
0xb3: {  	s14 =	sshra.s32 s0, $0x2;
	v0, _, _ =	vpop (xrf2)  }
0xb4: {  	v1, _, _ =	vpop (xrf2);
	[tilespmem:s14+$0x18600] =	vst.msk vm0, v0  }
0xb5: {  	v0, _, _ =	vpop (xrf2);
	[tilespmem:s14+$0x18880] =	vst.msk vm0, v1  }
0xb6: {  	v1, _, _ =	vpop (xrf2);
	[tilespmem:s14+$0x18601] =	vst.msk vm0, v0  }
0xb7: {  	v0, _, _ =	vpop (xrf2);
	[tilespmem:s14+$0x18881] =	vst.msk vm0, v1  }
0xb8: {  	v1, _, _ =	vpop (xrf2);
	[tilespmem:s14+$0x18602] =	vst.msk vm0, v0  }
0xb9: {  	v0, _, _ =	vpop (xrf2);
	[tilespmem:s14+$0x18882] =	vst.msk vm0, v1  }
0xba: {  	[tilespmem:s14+$0x18603] =	vst.msk vm0, v0;
	v0, _, _ =	vpop (xrf2)  }
0xbb: {  	[tilespmem:s14+$0x18883] =	vst.msk vm0, v0  }
0xbc: {  	v0 =	vld [tilespmem:s30+$0xFFFFFE10]  }
0xbd: {  	v1 =	vld [tilespmem:s29+$0xFFFFFE10]  }
0xbe: {  	v2 =	vld [tilespmem:s28+$0xFFFFFE10]  }
0xbf: {  	v3 =	vld [tilespmem:s30+$0xFFFFFE20]  }
0xc0: {  	v4 =	vld [tilespmem:s29+$0xFFFFFE20]  }
0xc1: {  	v5 =	vld [tilespmem:s28+$0xFFFFFE20]  }
0xc2: {  	v6 =	vld [tilespmem:s30+$0xFFFFFE30]  }
0xc3: {  	v7 =	vld [tilespmem:s29+$0xFFFFFE30]  }
0xc4: {  	v8 =	vld [tilespmem:s28+$0xFFFFFE30]  }
0xc5: {  	v9 =	vld [tilespmem:s30+$0xFFFFFE40]  }
0xc6: {  	v10 =	vld [tilespmem:s29+$0xFFFFFE40]  }
0xc7: {  	v11 =	vld [tilespmem:s28+$0xFFFFFE40]  }
0xc8: {  	v12 =	vld [tilespmem:s30+$0xFFFFFE50]  }
0xc9: {  	v13 =	vld [tilespmem:s29+$0xFFFFFE50]  }
0xca: {  	v14 =	vld [tilespmem:s28+$0xFFFFFE50]  }
0xcb: {  	v15 =	vld [tilespmem:s30+$0xFFFFFE60]  }
0xcc: {  	v16 =	vld [tilespmem:s29+$0xFFFFFE60]  }
0xcd: {  	v17 =	vld [tilespmem:s28+$0xFFFFFE60]  }
0xce: {  	v18 =	vld [tilespmem:s30+$0xFFFFFE70]  }
0xcf: {  	v19 =	vld [tilespmem:s29+$0xFFFFFE70]  }
0xd0: {  	v20 =	vld [tilespmem:s28+$0xFFFFFE70]  }
0xd1: {  	v21 =	vld [tilespmem:s30+$0xFFFFFE80]  }
0xd2: {  	v22 =	vld [tilespmem:s29+$0xFFFFFE80]  }
0xd3: {  	v23 =	vld [tilespmem:s28+$0xFFFFFE80]  }
0xd4: {  	v24 =	vld [tilespmem:s30+$0xFFFFFE90]  }
0xd5: {  	v25 =	vld [tilespmem:s29+$0xFFFFFE90]  }
0xd6: {  	v26 =	vld [tilespmem:s28+$0xFFFFFE90]  }
0xd7: {  	v27 =	vld [tilespmem:s30+$0xFFFFFEA0]  }
0xd8: {  	v28 =	vld [tilespmem:s29+$0xFFFFFEA0]  }
0xd9: {  	v29 =	vld [tilespmem:s28+$0xFFFFFEA0]  }
0xda: {  	v30 =	vld [tilespmem:s30+$0xFFFFFEB0]  }
0xdb: {  	v31 =	vld [tilespmem:s29+$0xFFFFFEB0]  }
0xdc: {  	v32 =	vld [tilespmem:s28+$0xFFFFFEB0]  }
0xdd: {  	v33 =	vld [tilespmem:s30+$0xFFFFFEC0]  }
0xde: {  	v34 =	vld [tilespmem:s29+$0xFFFFFEC0]  }
0xdf: {  	v35 =	vld [tilespmem:s28+$0xFFFFFEC0]  }
0xe0: {  	v36 =	vld [tilespmem:s30+$0xFFFFFED0]  }
0xe1: {  	v37 =	vld [tilespmem:s29+$0xFFFFFED0]  }
0xe2: {  	v38 =	vld [tilespmem:s28+$0xFFFFFED0]  }
0xe3: {  	v39 =	vld [tilespmem:s30+$0xFFFFFEE0]  }
0xe4: {  	v40 =	vld [tilespmem:s29+$0xFFFFFEE0]  }
0xe5: {  	v41 =	vld [tilespmem:s28+$0xFFFFFEE0]  }
0xe6: {  	v42 =	vld [tilespmem:s30+$0xFFFFFEF0]  }
0xe7: {  	v43 =	vld [tilespmem:s29+$0xFFFFFEF0]  }
0xe8: {  	v44 =	vld [tilespmem:s28+$0xFFFFFEF0]  }
0xe9: {  	v45 =	vld [tilespmem:s30+$0xFFFFFF00]  }
0xea: {  	v46 =	vld [tilespmem:s29+$0xFFFFFF00]  }
0xeb: {  	v47 =	vld [tilespmem:s28+$0xFFFFFF00]  }
0xec: {  	v48 =	vld [tilespmem:s30+$0xFFFFFF10]  }
0xed: {  	v49 =	vld [tilespmem:s29+$0xFFFFFF10]  }
0xee: {  	v50 =	vld [tilespmem:s28+$0xFFFFFF10]  }
0xef: {  	v51 =	vld [tilespmem:s30+$0xFFFFFF20]  }
0xf0: {  	v52 =	vld [tilespmem:s29+$0xFFFFFF20]  }
0xf1: {  	v53 =	vld [tilespmem:s28+$0xFFFFFF20]  }
0xf2: {  	v54 =	vld [tilespmem:s30+$0xFFFFFF30]  }
0xf3: {  	v55 =	vld [tilespmem:s29+$0xFFFFFF30]  }
0xf4: {  	v56 =	vld [tilespmem:s28+$0xFFFFFF30]  }
0xf5: {  	v57 =	vld [tilespmem:s30+$0xFFFFFF40]  }
0xf6: {  	v58 =	vld [tilespmem:s29+$0xFFFFFF40]  }
0xf7: {  	v59 =	vld [tilespmem:s28+$0xFFFFFF40]  }
0xf8: {  	v61 =	vld [tilespmem:s29+$0xFFFFFFC0]  }
0xf9: {  	v63 =	vld [tilespmem:s28+$0xFFFFFFC0];
	v1 =	vmul.f32 v1, v0;
	v4 =	vmul.f32 v4, v3  }
0xfa: {  	v0 =	vmul.f32 v2, v0;
	v2 =	vmul.f32 v5, v3;
	v5 =	vld [tilespmem:s30+$0xFFFFFF50]  }
0xfb: {  	v3 =	vmul.f32 v7, v6;
	v7 =	vld [tilespmem:s30+$0xFFFFFF60];
	v31 =	vmul.f32 v31, v30;
	v1 =	vadd.f32 v4, v1  }
0xfc: {  	v32 =	vmul.f32 v32, v30;
	v30 =	vld [tilespmem:s30+$0xFFFFFFC0];
	v0 =	vadd.f32 v2, v0;
	v2 =	vmul.f32 v8, v6  }
0xfd: {  	v62 =	vmul.f32 v55, v54;
	v55 =	vld [tilespmem:s28+$0xFFFFFFF0];
	v1 =	vadd.f32 v3, v1;
	v3 =	vmul.f32 v10, v9  }
0xfe: {  	v4 =	vld [tilespmem:s29+$0xFFFFFF50];
	v0 =	vadd.f32 v2, v0;
	v2 =	vmul.f32 v11, v9  }
0xff: {  	v34 =	vmul.f32 v34, v33;
	v6 =	vld [tilespmem:s28+$0xFFFFFF50];
	v1 =	vadd.f32 v3, v1;
	v3 =	vmul.f32 v13, v12  }
0x100: {  	v22 =	vmul.f32 v22, v21;
	v8 =	vld [tilespmem:s29+$0xFFFFFF60];
	v0 =	vadd.f32 v2, v0;
	v2 =	vmul.f32 v14, v12  }
0x101: {  	v21 =	vmul.f32 v23, v21;
	v9 =	vld [tilespmem:s28+$0xFFFFFF60];
	v1 =	vadd.f32 v3, v1;
	v3 =	vmul.f32 v16, v15  }
0x102: {  	v60 =	vmul.f32 v53, v51;
	v10 =	vld [tilespmem:s30+$0xFFFFFF70];
	v0 =	vadd.f32 v2, v0;
	v2 =	vmul.f32 v17, v15  }
0x103: {  	v11 =	vld [tilespmem:s29+$0xFFFFFF70];
	v1 =	vadd.f32 v3, v1;
	v3 =	vmul.f32 v25, v24;
	v25 =	vmul.f32 v28, v27  }
0x104: {  	v12 =	vld [tilespmem:s28+$0xFFFFFF70];
	v0 =	vadd.f32 v2, v0;
	v2 =	vmul.f32 v26, v24;
	v28 =	vmul.f32 v29, v27  }
0x105: {  	v14 =	vld [tilespmem:s30+$0xFFFFFF80];
	v4 =	vmul.f32 v4, v5;
	v5 =	vmul.f32 v6, v5  }
0x106: {  	v6 =	vld [tilespmem:s28+$0xFFFFFFD0];
	v29 =	vmul.f32 v19, v18;
	v18 =	vmul.f32 v20, v18;
	v2 =	vadd.f32 v28, v2  }
0x107: {  	v8 =	vmul.f32 v8, v7;
	v16 =	vld [tilespmem:s29+$0xFFFFFF80];
	v7 =	vmul.f32 v9, v7;
	v3 =	vadd.f32 v25, v3  }
0x108: {  	v17 =	vld [tilespmem:s29+$0xFFFFFF90];
	v18 =	vadd.f32 v18, v0;
	v0 =	vadd.f32 v32, v2;
	v2 =	vmul.f32 v35, v33  }
0x109: {  	v15 =	vld [tilespmem:s28+$0xFFFFFF90];
	v3 =	vadd.f32 v31, v3;
	v35 =	vmul.f32 v37, v36;
	v37 =	vmul.f32 v38, v36  }
0x10a: {  	v19 =	vld [tilespmem:s28+$0xFFFFFF80];
	v1 =	vadd.f32 v29, v1;
	v38 =	vmul.f32 v40, v39;
	v40 =	vmul.f32 v41, v39  }
0x10b: {  	v20 =	vld [tilespmem:s30+$0xFFFFFF90];
	v41 =	vmul.f32 v43, v42;
	v43 =	vmul.f32 v44, v42;
	v3 =	vadd.f32 v34, v3  }
0x10c: {  	v24 =	vld [tilespmem:s30+$0xFFFFFFA0];
	v44 =	vmul.f32 v46, v45;
	v46 =	vmul.f32 v47, v45;
	v2 =	vadd.f32 v2, v0  }
0x10d: {  	v25 =	vld [tilespmem:s29+$0xFFFFFFA0];
	v47 =	vmul.f32 v49, v48;
	v49 =	vmul.f32 v52, v51;
	v3 =	vadd.f32 v35, v3  }
0x10e: {  	v26 =	vld [tilespmem:s29+$0xFFFFFFB0];
	v52 =	vmul.f32 v50, v48;
	v0 =	vadd.f32 v22, v1;
	v2 =	vadd.f32 v37, v2  }
0x10f: {  	v39 =	vmul.f32 v58, v57;
	v22 =	vld [tilespmem:s28+$0xFFFFFFA0];
	v1 =	vadd.f32 v21, v18;
	v3 =	vadd.f32 v38, v3  }
0x110: {  	v17 =	vmul.f32 v17, v20;
	v21 =	vld [tilespmem:s30+$0xFFFFFFB0];
	v13 =	vadd.f32 v49, v47;
	v2 =	vadd.f32 v40, v2  }
0x111: {  	v28 =	vld [tilespmem:s28+$0xFFFFFFB0];
	v15 =	vmul.f32 v15, v20;
	v36 =	vadd.f32 v60, v52;
	v3 =	vadd.f32 v41, v3  }
0x112: {  	v45 =	vld [tilespmem:s29+$0xFFFFFFE0];
	v42 =	vmul.f32 v25, v24;
	v37 =	vmul.f32 v56, v54;
	v23 =	vadd.f32 v43, v2  }
0x113: {  	v13 =	vadd.f32 v62, v13;
	v38 =	vld [tilespmem:s30+$0xFFFFFFD0];
	v40 =	vmul.f32 v59, v57;
	v2 =	vadd.f32 v44, v3  }
0x114: {  	v41 =	vld [tilespmem:s29+$0xFFFFFFD0];
	v3 =	vadd.f32 v46, v23;
	v23 =	vadd.f32 v37, v36;
	v44 =	vmul.f32 v22, v24  }
0x115: {  	v48 =	vld [tilespmem:s28+$0xFFFFFFE0];
	v13 =	vadd.f32 v39, v13;
	v47 =	vmul.f32 v26, v21;
	v46 =	vadd.f32 v42, v17  }
0x116: {  	v49 =	vmul.f32 v28, v21;
	v43 =	vld [tilespmem:s30+$0xFFFFFFE0];
	v23 =	vadd.f32 v40, v23;
	v15 =	vadd.f32 v44, v15  }
0x117: {  	v50 =	vld [tilespmem:s30+$0xFFFFFFF0];
	v51 =	vmul.f32 v61, v30;
	v4 =	vadd.f32 v4, v13;
	v13 =	vadd.f32 v47, v46  }
0x118: {  	v52 =	vld [tilespmem:s29+$0xFFFFFFF0];
	v54 =	vmul.f32 v63, v30;
	v5 =	vadd.f32 v5, v23;
	v53 =	vadd.f32 v49, v15  }
0x119: {  	v58 =	vld [tilespmem:s29+$0x0];
	v4 =	vadd.f32 v8, v4;
	v56 =	vmul.f32 v41, v38;
	v8 =	vadd.f32 v51, v13  }
0x11a: {  	v57 =	vld [tilespmem:s30+$0x0];
	v6 =	vmul.f32 v6, v38;
	v5 =	vadd.f32 v7, v5;
	v7 =	vadd.f32 v54, v53  }
0x11b: {  	v11 =	vmul.f32 v11, v10;
	v60 =	vld [tilespmem:s28+$0x0];
	v59 =	vmul.f32 v45, v43;
	v8 =	vadd.f32 v56, v8  }
0x11c: {  	v10 =	vmul.f32 v12, v10;
	v6 =	vadd.f32 v6, v7;
	v7 =	vmul.f32 v48, v43  }
0x11d: {  	p0 =	sne.s32 s0, $0x1E0;
	v62 =	vmul.f32 v19, v14;
	v61 =	vmul.f32 v52, v50;
	v8 =	vadd.f32 v59, v8  }
.Ltmp0:
0x11e: {  	v10 =	vadd.f32 v10, v5;
	v5 =	vadd.f32 v7, v6;
	v6 =	vmul.f32 v55, v50;
	(pc) =	sbr.rel @p0 .LBB2_2-.Ltmp0, $4  }
0x11f: {  	v9 =	vmul.f32 v58, v57;
	v4 =	vadd.f32 v11, v4;
	v7 =	vmul.f32 v16, v14  }
0x120: {  	v63 =	vmul.f32 v60, v57;
	v8 =	vadd.f32 v61, v8;
	v6 =	vadd.f32 v6, v5  }
0x121: {  	s0 =	sadd.s32 $0x10, s0;
	v5 =	vadd.f32 v7, v4;
	v4 =	vadd.f32 v62, v10  }
0x122: {  	s28 =	sadd.s32 $0x200, s28;
	s29 =	sadd.s32 $0x200, s29;
	s30 =	sadd.s32 $0x200, s30;
	v7 =	vadd.f32 v9, v8;
	v6 =	vadd.f32 v63, v6  }
0x123: {  	(xrf2) =	vadd.scan.msk.f32 $0xffff, v0  }
0x124: {  	(xrf2) =	vadd.scan.msk.f32 $0xffff, v1  }
0x125: {  	(xrf2) =	vadd.scan.msk.f32 $0xffff, v2  }
0x126: {  	(xrf2) =	vadd.scan.msk.f32 $0xffff, v3  }
0x127: {  	(xrf2) =	vadd.scan.msk.f32 $0xffff, v5  }
0x128: {  	(xrf2) =	vadd.scan.msk.f32 $0xffff, v4  }
0x129: {  	(xrf2) =	vadd.scan.msk.f32 $0xffff, v7  }
0x12a: {  	(xrf2) =	vadd.scan.msk.f32 $0xffff, v6;
	_ =	sdelay $0x2  }
0x12b: {  	s0 =	simm.s32 $0x1867C;
	v0, _, _ =	vpop (xrf2)  }
0x12c: {  	s14 =	simm.s32 $0x188FC;
	v1, _, _ =	vpop (xrf2);
	[tilespmem:s0+$0x0] =	vst.msk vm0, v0  }
0x12d: {  	v0, _, _ =	vpop (xrf2);
	[tilespmem:s14+$0x0] =	vst.msk vm0, v1;
	s14 =	simm.s32 $0x1867D  }
0x12e: {  	v1, _, _ =	vpop (xrf2);
	[tilespmem:s14+$0x0] =	vst.msk vm0, v0;
	s14 =	simm.s32 $0x188FD  }
0x12f: {  	v0, _, _ =	vpop (xrf2);
	[tilespmem:s14+$0x0] =	vst.msk vm0, v1;
	s14 =	simm.s32 $0x1867E  }
0x130: {  	v1, _, _ =	vpop (xrf2);
	[tilespmem:s14+$0x0] =	vst.msk vm0, v0;
	s14 =	simm.s32 $0x188FE  }
0x131: {  	v0, _, _ =	vpop (xrf2);
	[tilespmem:s14+$0x0] =	vst.msk vm0, v1;
	s14 =	simm.s32 $0x1867F  }
0x132: {  	[tilespmem:s14+$0x0] =	vst.msk vm0, v0;
	v0, _, _ =	vpop (xrf2);
	s14 =	simm.s32 $0x188FF  }
0x133: {  	[tilespmem:s14+$0x0] =	vst.msk vm0, v0;
	s14 =	simm.s32 $0x100  }
0x134: {  	[tilespmem:s20], [sflag:$0x1] =	stream.indirect.gather [hbm4b:s1+s16], $0x80, s14, s16, $0xb8;
	[tilespmem:$0x18B00] =	vst v63  }
0x135: {  	s14 =	simm.s32 $0x300  }
0x136: {  	[tilespmem:s21], [sflag:$0x1] =	stream.indirect.gather [hbm4b:s2+s16], $0x80, s14, s16, $0xb8;
	[tilespmem:$0x18B00] =	vst v63  }
0x137: {  	s14 =	simm.s32 $0x500  }
0x138: {  	[tilespmem:s22], [sflag:$0x1] =	stream.indirect.gather [hbm4b:s2+s16], $0x80, s14, s16, $0xb8;
	[tilespmem:$0x18B00] =	vst v63  }
0x139: {  	_ =	swait.ge [sflag:s23], $0x4000  }
0x13a: {  	[sflag:s23] =	ssyncset.done $0x0  }
0x13b: {  	[sflag:s23] =	ssyncadd.s32 $0xFFFFC000  }
0x13c: {  	_ =	swait.ge [sflag:s23], $0x4000  }
0x13d: {  	[sflag:s23] =	ssyncset.done $0x0  }
0x13e: {  	[sflag:s23] =	ssyncadd.s32 $0xFFFFC000  }
0x13f: {  	_ =	swait.ge [sflag:s23], $0x4000  }
0x140: {  	[sflag:s23] =	ssyncset.done $0x0  }
0x141: {  	[sflag:s23] =	ssyncadd.s32 $0xFFFFC000  }
0x142: {  	v0 =	vld [tilespmem:$0xC600]  }
0x143: {  	v1 =	vld [tilespmem:$0x10600]  }
0x144: {  	v2 =	vld [tilespmem:$0x14600]  }
0x145: {  	v3 =	vld [tilespmem:$0xC610]  }
0x146: {  	v4 =	vld [tilespmem:$0x10610]  }
0x147: {  	v5 =	vld [tilespmem:$0x14610]  }
0x148: {  	v6 =	vld [tilespmem:$0xC620]  }
0x149: {  	v7 =	vld [tilespmem:$0x10620]  }
0x14a: {  	v8 =	vld [tilespmem:$0x14620]  }
0x14b: {  	v9 =	vld [tilespmem:$0xC630]  }
0x14c: {  	v10 =	vld [tilespmem:$0x10630]  }
0x14d: {  	v11 =	vld [tilespmem:$0x14630]  }
0x14e: {  	v12 =	vld [tilespmem:$0xC640]  }
0x14f: {  	v13 =	vld [tilespmem:$0x10640]  }
0x150: {  	v14 =	vld [tilespmem:$0x14640]  }
0x151: {  	v15 =	vld [tilespmem:$0xC650]  }
0x152: {  	v16 =	vld [tilespmem:$0x10650]  }
0x153: {  	v17 =	vld [tilespmem:$0x14650]  }
0x154: {  	v18 =	vld [tilespmem:$0xC660]  }
0x155: {  	v19 =	vld [tilespmem:$0x10660]  }
0x156: {  	v20 =	vld [tilespmem:$0x14660]  }
0x157: {  	v21 =	vld [tilespmem:$0xC670]  }
0x158: {  	v22 =	vld [tilespmem:$0x10670]  }
0x159: {  	v23 =	vld [tilespmem:$0x14670]  }
0x15a: {  	v24 =	vld [tilespmem:$0xC680]  }
0x15b: {  	v25 =	vld [tilespmem:$0x10680]  }
0x15c: {  	v26 =	vld [tilespmem:$0x14680]  }
0x15d: {  	v27 =	vld [tilespmem:$0xC690]  }
0x15e: {  	v28 =	vld [tilespmem:$0x10690]  }
0x15f: {  	v29 =	vld [tilespmem:$0x14690]  }
0x160: {  	v30 =	vld [tilespmem:$0xC6A0]  }
0x161: {  	v31 =	vld [tilespmem:$0x106A0]  }
0x162: {  	v32 =	vld [tilespmem:$0x146A0]  }
0x163: {  	v33 =	vld [tilespmem:$0xC6B0]  }
0x164: {  	v34 =	vld [tilespmem:$0x106B0]  }
0x165: {  	v35 =	vld [tilespmem:$0x146B0]  }
0x166: {  	v36 =	vld [tilespmem:$0xC6C0]  }
0x167: {  	v37 =	vld [tilespmem:$0x106C0]  }
0x168: {  	v38 =	vld [tilespmem:$0x146C0]  }
0x169: {  	v39 =	vld [tilespmem:$0xC6D0]  }
0x16a: {  	v40 =	vld [tilespmem:$0x106D0]  }
0x16b: {  	v41 =	vld [tilespmem:$0x146D0]  }
0x16c: {  	v42 =	vld [tilespmem:$0xC6E0]  }
0x16d: {  	v43 =	vld [tilespmem:$0x106E0]  }
0x16e: {  	v44 =	vld [tilespmem:$0x146E0]  }
0x16f: {  	v45 =	vld [tilespmem:$0xC6F0]  }
0x170: {  	v46 =	vld [tilespmem:$0x106F0]  }
0x171: {  	v47 =	vld [tilespmem:$0x146F0]  }
0x172: {  	v48 =	vld [tilespmem:$0xC700]  }
0x173: {  	v49 =	vld [tilespmem:$0x10700]  }
0x174: {  	v50 =	vld [tilespmem:$0x14700]  }
0x175: {  	v51 =	vld [tilespmem:$0xC710]  }
0x176: {  	v52 =	vld [tilespmem:$0x10710]  }
0x177: {  	v53 =	vld [tilespmem:$0x14710]  }
0x178: {  	v54 =	vld [tilespmem:$0xC720]  }
0x179: {  	v55 =	vld [tilespmem:$0x10720]  }
0x17a: {  	v56 =	vld [tilespmem:$0x14720]  }
0x17b: {  	v57 =	vld [tilespmem:$0xC730]  }
0x17c: {  	v58 =	vld [tilespmem:$0x10730]  }
0x17d: {  	v59 =	vld [tilespmem:$0x14730]  }
0x17e: {  	v61 =	vld [tilespmem:$0x107B0]  }
0x17f: {  	v63 =	vld [tilespmem:$0x147B0];
	v1 =	vmul.f32 v1, v0;
	v4 =	vmul.f32 v4, v3  }
0x180: {  	v0 =	vmul.f32 v2, v0;
	v2 =	vmul.f32 v5, v3;
	v5 =	vld [tilespmem:$0xC740]  }
0x181: {  	v3 =	vmul.f32 v7, v6;
	v7 =	vld [tilespmem:$0xC750];
	v31 =	vmul.f32 v31, v30;
	v1 =	vadd.f32 v4, v1  }
0x182: {  	v32 =	vmul.f32 v32, v30;
	v30 =	vld [tilespmem:$0xC7B0];
	v0 =	vadd.f32 v2, v0;
	v2 =	vmul.f32 v8, v6  }
0x183: {  	v62 =	vmul.f32 v55, v54;
	v55 =	vld [tilespmem:$0x147E0];
	v1 =	vadd.f32 v3, v1;
	v3 =	vmul.f32 v10, v9  }
0x184: {  	v4 =	vld [tilespmem:$0x10740];
	v0 =	vadd.f32 v2, v0;
	v2 =	vmul.f32 v11, v9  }
0x185: {  	v34 =	vmul.f32 v34, v33;
	v6 =	vld [tilespmem:$0x14740];
	v1 =	vadd.f32 v3, v1;
	v3 =	vmul.f32 v13, v12  }
0x186: {  	v22 =	vmul.f32 v22, v21;
	v8 =	vld [tilespmem:$0x10750];
	v0 =	vadd.f32 v2, v0;
	v2 =	vmul.f32 v14, v12  }
0x187: {  	v21 =	vmul.f32 v23, v21;
	v9 =	vld [tilespmem:$0x14750];
	v1 =	vadd.f32 v3, v1;
	v3 =	vmul.f32 v16, v15  }
0x188: {  	v60 =	vmul.f32 v53, v51;
	v10 =	vld [tilespmem:$0xC760];
	v0 =	vadd.f32 v2, v0;
	v2 =	vmul.f32 v17, v15  }
0x189: {  	v11 =	vld [tilespmem:$0x10760];
	v1 =	vadd.f32 v3, v1;
	v3 =	vmul.f32 v25, v24;
	v25 =	vmul.f32 v28, v27  }
0x18a: {  	v12 =	vld [tilespmem:$0x14760];
	v0 =	vadd.f32 v2, v0;
	v2 =	vmul.f32 v26, v24;
	v28 =	vmul.f32 v29, v27  }
0x18b: {  	v14 =	vld [tilespmem:$0xC770];
	v4 =	vmul.f32 v4, v5;
	v5 =	vmul.f32 v6, v5  }
0x18c: {  	v6 =	vld [tilespmem:$0x147C0];
	v29 =	vmul.f32 v19, v18;
	v18 =	vmul.f32 v20, v18;
	v2 =	vadd.f32 v28, v2  }
0x18d: {  	v8 =	vmul.f32 v8, v7;
	v16 =	vld [tilespmem:$0x10770];
	v7 =	vmul.f32 v9, v7;
	v3 =	vadd.f32 v25, v3  }
0x18e: {  	v17 =	vld [tilespmem:$0x10780];
	v18 =	vadd.f32 v18, v0;
	v0 =	vadd.f32 v32, v2;
	v2 =	vmul.f32 v35, v33  }
0x18f: {  	v15 =	vld [tilespmem:$0x14780];
	v3 =	vadd.f32 v31, v3;
	v35 =	vmul.f32 v37, v36;
	v37 =	vmul.f32 v38, v36  }
0x190: {  	v19 =	vld [tilespmem:$0x14770];
	v1 =	vadd.f32 v29, v1;
	v38 =	vmul.f32 v40, v39;
	v40 =	vmul.f32 v41, v39  }
0x191: {  	v20 =	vld [tilespmem:$0xC780];
	v41 =	vmul.f32 v43, v42;
	v43 =	vmul.f32 v44, v42;
	v3 =	vadd.f32 v34, v3  }
0x192: {  	v24 =	vld [tilespmem:$0xC790];
	v44 =	vmul.f32 v46, v45;
	v46 =	vmul.f32 v47, v45;
	v2 =	vadd.f32 v2, v0  }
0x193: {  	v25 =	vld [tilespmem:$0x10790];
	v47 =	vmul.f32 v49, v48;
	v49 =	vmul.f32 v52, v51;
	v3 =	vadd.f32 v35, v3  }
0x194: {  	v26 =	vld [tilespmem:$0x107A0];
	v52 =	vmul.f32 v50, v48;
	v0 =	vadd.f32 v22, v1;
	v2 =	vadd.f32 v37, v2  }
0x195: {  	v39 =	vmul.f32 v58, v57;
	v22 =	vld [tilespmem:$0x14790];
	v1 =	vadd.f32 v21, v18;
	v3 =	vadd.f32 v38, v3  }
0x196: {  	v17 =	vmul.f32 v17, v20;
	v21 =	vld [tilespmem:$0xC7A0];
	v13 =	vadd.f32 v49, v47;
	v2 =	vadd.f32 v40, v2  }
0x197: {  	v28 =	vld [tilespmem:$0x147A0];
	v15 =	vmul.f32 v15, v20;
	v36 =	vadd.f32 v60, v52;
	v3 =	vadd.f32 v41, v3  }
0x198: {  	v45 =	vld [tilespmem:$0x107D0];
	v42 =	vmul.f32 v25, v24;
	v37 =	vmul.f32 v56, v54;
	v23 =	vadd.f32 v43, v2  }
0x199: {  	v13 =	vadd.f32 v62, v13;
	v38 =	vld [tilespmem:$0xC7C0];
	v40 =	vmul.f32 v59, v57;
	v2 =	vadd.f32 v44, v3  }
0x19a: {  	v41 =	vld [tilespmem:$0x107C0];
	v3 =	vadd.f32 v46, v23;
	v23 =	vadd.f32 v37, v36;
	v44 =	vmul.f32 v22, v24  }
0x19b: {  	v48 =	vld [tilespmem:$0x147D0];
	v13 =	vadd.f32 v39, v13;
	v47 =	vmul.f32 v26, v21;
	v46 =	vadd.f32 v42, v17  }
0x19c: {  	v49 =	vmul.f32 v28, v21;
	v43 =	vld [tilespmem:$0xC7D0];
	v23 =	vadd.f32 v40, v23;
	v15 =	vadd.f32 v44, v15  }
0x19d: {  	v50 =	vld [tilespmem:$0xC7E0];
	v51 =	vmul.f32 v61, v30;
	v4 =	vadd.f32 v4, v13;
	v13 =	vadd.f32 v47, v46  }
0x19e: {  	v52 =	vld [tilespmem:$0x107E0];
	v54 =	vmul.f32 v63, v30;
	v5 =	vadd.f32 v5, v23;
	v53 =	vadd.f32 v49, v15  }
0x19f: {  	v58 =	vld [tilespmem:$0x107F0];
	v4 =	vadd.f32 v8, v4;
	v56 =	vmul.f32 v41, v38;
	v8 =	vadd.f32 v51, v13  }
0x1a0: {  	v57 =	vld [tilespmem:$0xC7F0];
	v6 =	vmul.f32 v6, v38;
	v5 =	vadd.f32 v7, v5;
	v7 =	vadd.f32 v54, v53  }
0x1a1: {  	v11 =	vmul.f32 v11, v10;
	v60 =	vld [tilespmem:$0x147F0];
	v59 =	vmul.f32 v45, v43;
	v8 =	vadd.f32 v56, v8  }
0x1a2: {  	v10 =	vmul.f32 v12, v10;
	v6 =	vadd.f32 v6, v7;
	v7 =	vmul.f32 v48, v43  }
0x1a3: {  	v62 =	vmul.f32 v19, v14;
	v61 =	vmul.f32 v52, v50;
	v8 =	vadd.f32 v59, v8  }
0x1a4: {  	v10 =	vadd.f32 v10, v5;
	v5 =	vadd.f32 v7, v6;
	v6 =	vmul.f32 v55, v50  }
0x1a5: {  	v9 =	vmul.f32 v58, v57;
	v4 =	vadd.f32 v11, v4;
	v7 =	vmul.f32 v16, v14  }
0x1a6: {  	v63 =	vmul.f32 v60, v57;
	v8 =	vadd.f32 v61, v8;
	v6 =	vadd.f32 v6, v5  }
0x1a7: {  	s28 =	simm.s32 $0x0;
	v5 =	vadd.f32 v7, v4;
	v4 =	vadd.f32 v62, v10  }
0x1a8: {  	s29 =	simm.s32 $0x149F0;
	s30 =	simm.s32 $0x109F0;
	s0 =	simm.s32 $0xC9F0;
	v7 =	vadd.f32 v9, v8;
	v6 =	vadd.f32 v63, v6  }
.LBB2_4:
0x1a9: {  	(xrf2) =	vadd.scan.msk.f32 $0xffff, v0  }
0x1aa: {  	(xrf2) =	vadd.scan.msk.f32 $0xffff, v1  }
0x1ab: {  	(xrf2) =	vadd.scan.msk.f32 $0xffff, v2  }
0x1ac: {  	(xrf2) =	vadd.scan.msk.f32 $0xffff, v3  }
0x1ad: {  	(xrf2) =	vadd.scan.msk.f32 $0xffff, v5  }
0x1ae: {  	(xrf2) =	vadd.scan.msk.f32 $0xffff, v4  }
0x1af: {  	(xrf2) =	vadd.scan.msk.f32 $0xffff, v7  }
0x1b0: {  	(xrf2) =	vadd.scan.msk.f32 $0xffff, v6;
	_ =	sdelay $0x2  }
0x1b1: {  	s14 =	sshra.s32 s28, $0x2;
	v0, _, _ =	vpop (xrf2)  }
0x1b2: {  	v1, _, _ =	vpop (xrf2);
	[tilespmem:s14+$0x18680] =	vst.msk vm0, v0  }
0x1b3: {  	v0, _, _ =	vpop (xrf2);
	[tilespmem:s14+$0x18900] =	vst.msk vm0, v1  }
0x1b4: {  	v1, _, _ =	vpop (xrf2);
	[tilespmem:s14+$0x18681] =	vst.msk vm0, v0  }
0x1b5: {  	v0, _, _ =	vpop (xrf2);
	[tilespmem:s14+$0x18901] =	vst.msk vm0, v1  }
0x1b6: {  	v1, _, _ =	vpop (xrf2);
	[tilespmem:s14+$0x18682] =	vst.msk vm0, v0  }
0x1b7: {  	v0, _, _ =	vpop (xrf2);
	[tilespmem:s14+$0x18902] =	vst.msk vm0, v1  }
0x1b8: {  	[tilespmem:s14+$0x18683] =	vst.msk vm0, v0;
	v0, _, _ =	vpop (xrf2)  }
0x1b9: {  	[tilespmem:s14+$0x18903] =	vst.msk vm0, v0  }
0x1ba: {  	v0 =	vld [tilespmem:s0+$0xFFFFFE10]  }
0x1bb: {  	v1 =	vld [tilespmem:s30+$0xFFFFFE10]  }
0x1bc: {  	v2 =	vld [tilespmem:s29+$0xFFFFFE10]  }
0x1bd: {  	v3 =	vld [tilespmem:s0+$0xFFFFFE20]  }
0x1be: {  	v4 =	vld [tilespmem:s30+$0xFFFFFE20]  }
0x1bf: {  	v5 =	vld [tilespmem:s29+$0xFFFFFE20]  }
0x1c0: {  	v6 =	vld [tilespmem:s0+$0xFFFFFE30]  }
0x1c1: {  	v7 =	vld [tilespmem:s30+$0xFFFFFE30]  }
0x1c2: {  	v8 =	vld [tilespmem:s29+$0xFFFFFE30]  }
0x1c3: {  	v9 =	vld [tilespmem:s0+$0xFFFFFE40]  }
0x1c4: {  	v10 =	vld [tilespmem:s30+$0xFFFFFE40]  }
0x1c5: {  	v11 =	vld [tilespmem:s29+$0xFFFFFE40]  }
0x1c6: {  	v12 =	vld [tilespmem:s0+$0xFFFFFE50]  }
0x1c7: {  	v13 =	vld [tilespmem:s30+$0xFFFFFE50]  }
0x1c8: {  	v14 =	vld [tilespmem:s29+$0xFFFFFE50]  }
0x1c9: {  	v15 =	vld [tilespmem:s0+$0xFFFFFE60]  }
0x1ca: {  	v16 =	vld [tilespmem:s30+$0xFFFFFE60]  }
0x1cb: {  	v17 =	vld [tilespmem:s29+$0xFFFFFE60]  }
0x1cc: {  	v18 =	vld [tilespmem:s0+$0xFFFFFE70]  }
0x1cd: {  	v19 =	vld [tilespmem:s30+$0xFFFFFE70]  }
0x1ce: {  	v20 =	vld [tilespmem:s29+$0xFFFFFE70]  }
0x1cf: {  	v21 =	vld [tilespmem:s0+$0xFFFFFE80]  }
0x1d0: {  	v22 =	vld [tilespmem:s30+$0xFFFFFE80]  }
0x1d1: {  	v23 =	vld [tilespmem:s29+$0xFFFFFE80]  }
0x1d2: {  	v24 =	vld [tilespmem:s0+$0xFFFFFE90]  }
0x1d3: {  	v25 =	vld [tilespmem:s30+$0xFFFFFE90]  }
0x1d4: {  	v26 =	vld [tilespmem:s29+$0xFFFFFE90]  }
0x1d5: {  	v27 =	vld [tilespmem:s0+$0xFFFFFEA0]  }
0x1d6: {  	v28 =	vld [tilespmem:s30+$0xFFFFFEA0]  }
0x1d7: {  	v29 =	vld [tilespmem:s29+$0xFFFFFEA0]  }
0x1d8: {  	v30 =	vld [tilespmem:s0+$0xFFFFFEB0]  }
0x1d9: {  	v31 =	vld [tilespmem:s30+$0xFFFFFEB0]  }
0x1da: {  	v32 =	vld [tilespmem:s29+$0xFFFFFEB0]  }
0x1db: {  	v33 =	vld [tilespmem:s0+$0xFFFFFEC0]  }
0x1dc: {  	v34 =	vld [tilespmem:s30+$0xFFFFFEC0]  }
0x1dd: {  	v35 =	vld [tilespmem:s29+$0xFFFFFEC0]  }
0x1de: {  	v36 =	vld [tilespmem:s0+$0xFFFFFED0]  }
0x1df: {  	v37 =	vld [tilespmem:s30+$0xFFFFFED0]  }
0x1e0: {  	v38 =	vld [tilespmem:s29+$0xFFFFFED0]  }
0x1e1: {  	v39 =	vld [tilespmem:s0+$0xFFFFFEE0]  }
0x1e2: {  	v40 =	vld [tilespmem:s30+$0xFFFFFEE0]  }
0x1e3: {  	v41 =	vld [tilespmem:s29+$0xFFFFFEE0]  }
0x1e4: {  	v42 =	vld [tilespmem:s0+$0xFFFFFEF0]  }
0x1e5: {  	v43 =	vld [tilespmem:s30+$0xFFFFFEF0]  }
0x1e6: {  	v44 =	vld [tilespmem:s29+$0xFFFFFEF0]  }
0x1e7: {  	v45 =	vld [tilespmem:s0+$0xFFFFFF00]  }
0x1e8: {  	v46 =	vld [tilespmem:s30+$0xFFFFFF00]  }
0x1e9: {  	v47 =	vld [tilespmem:s29+$0xFFFFFF00]  }
0x1ea: {  	v48 =	vld [tilespmem:s0+$0xFFFFFF10]  }
0x1eb: {  	v49 =	vld [tilespmem:s30+$0xFFFFFF10]  }
0x1ec: {  	v50 =	vld [tilespmem:s29+$0xFFFFFF10]  }
0x1ed: {  	v51 =	vld [tilespmem:s0+$0xFFFFFF20]  }
0x1ee: {  	v52 =	vld [tilespmem:s30+$0xFFFFFF20]  }
0x1ef: {  	v53 =	vld [tilespmem:s29+$0xFFFFFF20]  }
0x1f0: {  	v54 =	vld [tilespmem:s0+$0xFFFFFF30]  }
0x1f1: {  	v55 =	vld [tilespmem:s30+$0xFFFFFF30]  }
0x1f2: {  	v56 =	vld [tilespmem:s29+$0xFFFFFF30]  }
0x1f3: {  	v57 =	vld [tilespmem:s0+$0xFFFFFF40]  }
0x1f4: {  	v58 =	vld [tilespmem:s30+$0xFFFFFF40]  }
0x1f5: {  	v59 =	vld [tilespmem:s29+$0xFFFFFF40]  }
0x1f6: {  	v61 =	vld [tilespmem:s30+$0xFFFFFFC0]  }
0x1f7: {  	v63 =	vld [tilespmem:s29+$0xFFFFFFC0];
	v1 =	vmul.f32 v1, v0;
	v4 =	vmul.f32 v4, v3  }
0x1f8: {  	v0 =	vmul.f32 v2, v0;
	v2 =	vmul.f32 v5, v3;
	v5 =	vld [tilespmem:s0+$0xFFFFFF50]  }
0x1f9: {  	v3 =	vmul.f32 v7, v6;
	v7 =	vld [tilespmem:s0+$0xFFFFFF60];
	v31 =	vmul.f32 v31, v30;
	v1 =	vadd.f32 v4, v1  }
0x1fa: {  	v32 =	vmul.f32 v32, v30;
	v30 =	vld [tilespmem:s0+$0xFFFFFFC0];
	v0 =	vadd.f32 v2, v0;
	v2 =	vmul.f32 v8, v6  }
0x1fb: {  	v62 =	vmul.f32 v55, v54;
	v55 =	vld [tilespmem:s29+$0xFFFFFFF0];
	v1 =	vadd.f32 v3, v1;
	v3 =	vmul.f32 v10, v9  }
0x1fc: {  	v4 =	vld [tilespmem:s30+$0xFFFFFF50];
	v0 =	vadd.f32 v2, v0;
	v2 =	vmul.f32 v11, v9  }
0x1fd: {  	v34 =	vmul.f32 v34, v33;
	v6 =	vld [tilespmem:s29+$0xFFFFFF50];
	v1 =	vadd.f32 v3, v1;
	v3 =	vmul.f32 v13, v12  }
0x1fe: {  	v22 =	vmul.f32 v22, v21;
	v8 =	vld [tilespmem:s30+$0xFFFFFF60];
	v0 =	vadd.f32 v2, v0;
	v2 =	vmul.f32 v14, v12  }
0x1ff: {  	v21 =	vmul.f32 v23, v21;
	v9 =	vld [tilespmem:s29+$0xFFFFFF60];
	v1 =	vadd.f32 v3, v1;
	v3 =	vmul.f32 v16, v15  }
0x200: {  	v60 =	vmul.f32 v53, v51;
	v10 =	vld [tilespmem:s0+$0xFFFFFF70];
	v0 =	vadd.f32 v2, v0;
	v2 =	vmul.f32 v17, v15  }
0x201: {  	v11 =	vld [tilespmem:s30+$0xFFFFFF70];
	v1 =	vadd.f32 v3, v1;
	v3 =	vmul.f32 v25, v24;
	v25 =	vmul.f32 v28, v27  }
0x202: {  	v12 =	vld [tilespmem:s29+$0xFFFFFF70];
	v0 =	vadd.f32 v2, v0;
	v2 =	vmul.f32 v26, v24;
	v28 =	vmul.f32 v29, v27  }
0x203: {  	v14 =	vld [tilespmem:s0+$0xFFFFFF80];
	v4 =	vmul.f32 v4, v5;
	v5 =	vmul.f32 v6, v5  }
0x204: {  	v6 =	vld [tilespmem:s29+$0xFFFFFFD0];
	v29 =	vmul.f32 v19, v18;
	v18 =	vmul.f32 v20, v18;
	v2 =	vadd.f32 v28, v2  }
0x205: {  	v8 =	vmul.f32 v8, v7;
	v16 =	vld [tilespmem:s30+$0xFFFFFF80];
	v7 =	vmul.f32 v9, v7;
	v3 =	vadd.f32 v25, v3  }
0x206: {  	v17 =	vld [tilespmem:s30+$0xFFFFFF90];
	v18 =	vadd.f32 v18, v0;
	v0 =	vadd.f32 v32, v2;
	v2 =	vmul.f32 v35, v33  }
0x207: {  	v15 =	vld [tilespmem:s29+$0xFFFFFF90];
	v3 =	vadd.f32 v31, v3;
	v35 =	vmul.f32 v37, v36;
	v37 =	vmul.f32 v38, v36  }
0x208: {  	v19 =	vld [tilespmem:s29+$0xFFFFFF80];
	v1 =	vadd.f32 v29, v1;
	v38 =	vmul.f32 v40, v39;
	v40 =	vmul.f32 v41, v39  }
0x209: {  	v20 =	vld [tilespmem:s0+$0xFFFFFF90];
	v41 =	vmul.f32 v43, v42;
	v43 =	vmul.f32 v44, v42;
	v3 =	vadd.f32 v34, v3  }
0x20a: {  	v24 =	vld [tilespmem:s0+$0xFFFFFFA0];
	v44 =	vmul.f32 v46, v45;
	v46 =	vmul.f32 v47, v45;
	v2 =	vadd.f32 v2, v0  }
0x20b: {  	v25 =	vld [tilespmem:s30+$0xFFFFFFA0];
	v47 =	vmul.f32 v49, v48;
	v49 =	vmul.f32 v52, v51;
	v3 =	vadd.f32 v35, v3  }
0x20c: {  	v26 =	vld [tilespmem:s30+$0xFFFFFFB0];
	v52 =	vmul.f32 v50, v48;
	v0 =	vadd.f32 v22, v1;
	v2 =	vadd.f32 v37, v2  }
0x20d: {  	v39 =	vmul.f32 v58, v57;
	v22 =	vld [tilespmem:s29+$0xFFFFFFA0];
	v1 =	vadd.f32 v21, v18;
	v3 =	vadd.f32 v38, v3  }
0x20e: {  	v17 =	vmul.f32 v17, v20;
	v21 =	vld [tilespmem:s0+$0xFFFFFFB0];
	v13 =	vadd.f32 v49, v47;
	v2 =	vadd.f32 v40, v2  }
0x20f: {  	v28 =	vld [tilespmem:s29+$0xFFFFFFB0];
	v15 =	vmul.f32 v15, v20;
	v36 =	vadd.f32 v60, v52;
	v3 =	vadd.f32 v41, v3  }
0x210: {  	v45 =	vld [tilespmem:s30+$0xFFFFFFE0];
	v42 =	vmul.f32 v25, v24;
	v37 =	vmul.f32 v56, v54;
	v23 =	vadd.f32 v43, v2  }
0x211: {  	v13 =	vadd.f32 v62, v13;
	v38 =	vld [tilespmem:s0+$0xFFFFFFD0];
	v40 =	vmul.f32 v59, v57;
	v2 =	vadd.f32 v44, v3  }
0x212: {  	v41 =	vld [tilespmem:s30+$0xFFFFFFD0];
	v3 =	vadd.f32 v46, v23;
	v23 =	vadd.f32 v37, v36;
	v44 =	vmul.f32 v22, v24  }
0x213: {  	v48 =	vld [tilespmem:s29+$0xFFFFFFE0];
	v13 =	vadd.f32 v39, v13;
	v47 =	vmul.f32 v26, v21;
	v46 =	vadd.f32 v42, v17  }
0x214: {  	v49 =	vmul.f32 v28, v21;
	v43 =	vld [tilespmem:s0+$0xFFFFFFE0];
	v23 =	vadd.f32 v40, v23;
	v15 =	vadd.f32 v44, v15  }
0x215: {  	v50 =	vld [tilespmem:s0+$0xFFFFFFF0];
	v51 =	vmul.f32 v61, v30;
	v4 =	vadd.f32 v4, v13;
	v13 =	vadd.f32 v47, v46  }
0x216: {  	v52 =	vld [tilespmem:s30+$0xFFFFFFF0];
	v54 =	vmul.f32 v63, v30;
	v5 =	vadd.f32 v5, v23;
	v53 =	vadd.f32 v49, v15  }
0x217: {  	v58 =	vld [tilespmem:s30+$0x0];
	v4 =	vadd.f32 v8, v4;
	v56 =	vmul.f32 v41, v38;
	v8 =	vadd.f32 v51, v13  }
0x218: {  	v57 =	vld [tilespmem:s0+$0x0];
	v6 =	vmul.f32 v6, v38;
	v5 =	vadd.f32 v7, v5;
	v7 =	vadd.f32 v54, v53  }
0x219: {  	v11 =	vmul.f32 v11, v10;
	v60 =	vld [tilespmem:s29+$0x0];
	v59 =	vmul.f32 v45, v43;
	v8 =	vadd.f32 v56, v8  }
0x21a: {  	v10 =	vmul.f32 v12, v10;
	v6 =	vadd.f32 v6, v7;
	v7 =	vmul.f32 v48, v43  }
0x21b: {  	p0 =	sne.s32 s28, $0x1E0;
	v62 =	vmul.f32 v19, v14;
	v61 =	vmul.f32 v52, v50;
	v8 =	vadd.f32 v59, v8  }
.Ltmp1:
0x21c: {  	v10 =	vadd.f32 v10, v5;
	v5 =	vadd.f32 v7, v6;
	v6 =	vmul.f32 v55, v50;
	(pc) =	sbr.rel @p0 .LBB2_4-.Ltmp1, $4  }
0x21d: {  	v9 =	vmul.f32 v58, v57;
	v4 =	vadd.f32 v11, v4;
	v7 =	vmul.f32 v16, v14  }
0x21e: {  	v63 =	vmul.f32 v60, v57;
	v8 =	vadd.f32 v61, v8;
	v6 =	vadd.f32 v6, v5  }
0x21f: {  	s28 =	sadd.s32 $0x10, s28;
	v5 =	vadd.f32 v7, v4;
	v4 =	vadd.f32 v62, v10  }
0x220: {  	s29 =	sadd.s32 $0x200, s29;
	s30 =	sadd.s32 $0x200, s30;
	s0 =	sadd.s32 $0x200, s0;
	v7 =	vadd.f32 v9, v8;
	v6 =	vadd.f32 v63, v6  }
0x221: {  	(xrf2) =	vadd.scan.msk.f32 $0xffff, v0  }
0x222: {  	(xrf2) =	vadd.scan.msk.f32 $0xffff, v1  }
0x223: {  	(xrf2) =	vadd.scan.msk.f32 $0xffff, v2  }
0x224: {  	(xrf2) =	vadd.scan.msk.f32 $0xffff, v3  }
0x225: {  	(xrf2) =	vadd.scan.msk.f32 $0xffff, v5  }
0x226: {  	(xrf2) =	vadd.scan.msk.f32 $0xffff, v4  }
0x227: {  	(xrf2) =	vadd.scan.msk.f32 $0xffff, v7  }
0x228: {  	(xrf2) =	vadd.scan.msk.f32 $0xffff, v6;
	_ =	sdelay $0x2  }
0x229: {  	s0 =	simm.s32 $0x186FC;
	v0, _, _ =	vpop (xrf2)  }
0x22a: {  	s14 =	simm.s32 $0x1897C;
	v1, _, _ =	vpop (xrf2);
	[tilespmem:s0+$0x0] =	vst.msk vm0, v0  }
0x22b: {  	v0, _, _ =	vpop (xrf2);
	[tilespmem:s14+$0x0] =	vst.msk vm0, v1;
	s14 =	simm.s32 $0x186FD  }
0x22c: {  	v1, _, _ =	vpop (xrf2);
	[tilespmem:s14+$0x0] =	vst.msk vm0, v0;
	s14 =	simm.s32 $0x1897D  }
0x22d: {  	v0, _, _ =	vpop (xrf2);
	[tilespmem:s14+$0x0] =	vst.msk vm0, v1;
	s14 =	simm.s32 $0x186FE  }
0x22e: {  	v1, _, _ =	vpop (xrf2);
	[tilespmem:s14+$0x0] =	vst.msk vm0, v0;
	s14 =	simm.s32 $0x1897E  }
0x22f: {  	v0, _, _ =	vpop (xrf2);
	[tilespmem:s14+$0x0] =	vst.msk vm0, v1;
	s14 =	simm.s32 $0x186FF  }
0x230: {  	[tilespmem:s14+$0x0] =	vst.msk vm0, v0;
	v0, _, _ =	vpop (xrf2);
	s14 =	simm.s32 $0x1897F  }
0x231: {  	[tilespmem:s14+$0x0] =	vst.msk vm0, v0;
	s14 =	simm.s32 $0x180  }
0x232: {  	[tilespmem:s24], [sflag:$0x2] =	stream.indirect.gather [hbm4b:s1+s16], $0x80, s14, s16, $0xb8;
	[tilespmem:$0x18B00] =	vst v63  }
0x233: {  	s14 =	simm.s32 $0x380  }
0x234: {  	[tilespmem:s25], [sflag:$0x2] =	stream.indirect.gather [hbm4b:s2+s16], $0x80, s14, s16, $0xb8;
	[tilespmem:$0x18B00] =	vst v63  }
0x235: {  	s14 =	simm.s32 $0x580  }
0x236: {  	[tilespmem:s26], [sflag:$0x2] =	stream.indirect.gather [hbm4b:s2+s16], $0x80, s14, s16, $0xb8;
	[tilespmem:$0x18B00] =	vst v63  }
0x237: {  	_ =	swait.ge [sflag:s19], $0x4000  }
0x238: {  	[sflag:s19] =	ssyncset.done $0x0  }
0x239: {  	[sflag:s19] =	ssyncadd.s32 $0xFFFFC000  }
0x23a: {  	_ =	swait.ge [sflag:s19], $0x4000  }
0x23b: {  	[sflag:s19] =	ssyncset.done $0x0  }
0x23c: {  	[sflag:s19] =	ssyncadd.s32 $0xFFFFC000  }
0x23d: {  	_ =	swait.ge [sflag:s19], $0x4000  }
0x23e: {  	[sflag:s19] =	ssyncset.done $0x0  }
0x23f: {  	[sflag:s19] =	ssyncadd.s32 $0xFFFFC000  }
0x240: {  	v0 =	vld [tilespmem:$0x600]  }
0x241: {  	v1 =	vld [tilespmem:$0x4600]  }
0x242: {  	v2 =	vld [tilespmem:$0x8600]  }
0x243: {  	v3 =	vld [tilespmem:$0x610]  }
0x244: {  	v4 =	vld [tilespmem:$0x4610]  }
0x245: {  	v5 =	vld [tilespmem:$0x8610]  }
0x246: {  	v6 =	vld [tilespmem:$0x620]  }
0x247: {  	v7 =	vld [tilespmem:$0x4620]  }
0x248: {  	v8 =	vld [tilespmem:$0x8620]  }
0x249: {  	v9 =	vld [tilespmem:$0x630]  }
0x24a: {  	v10 =	vld [tilespmem:$0x4630]  }
0x24b: {  	v11 =	vld [tilespmem:$0x8630]  }
0x24c: {  	v12 =	vld [tilespmem:$0x640]  }
0x24d: {  	v13 =	vld [tilespmem:$0x4640]  }
0x24e: {  	v14 =	vld [tilespmem:$0x8640]  }
0x24f: {  	v15 =	vld [tilespmem:$0x650]  }
0x250: {  	v16 =	vld [tilespmem:$0x4650]  }
0x251: {  	v17 =	vld [tilespmem:$0x8650]  }
0x252: {  	v18 =	vld [tilespmem:$0x660]  }
0x253: {  	v19 =	vld [tilespmem:$0x4660]  }
0x254: {  	v20 =	vld [tilespmem:$0x8660]  }
0x255: {  	v21 =	vld [tilespmem:$0x670]  }
0x256: {  	v22 =	vld [tilespmem:$0x4670]  }
0x257: {  	v23 =	vld [tilespmem:$0x8670]  }
0x258: {  	v24 =	vld [tilespmem:$0x680]  }
0x259: {  	v25 =	vld [tilespmem:$0x4680]  }
0x25a: {  	v26 =	vld [tilespmem:$0x8680]  }
0x25b: {  	v27 =	vld [tilespmem:$0x690]  }
0x25c: {  	v28 =	vld [tilespmem:$0x4690]  }
0x25d: {  	v29 =	vld [tilespmem:$0x8690]  }
0x25e: {  	v30 =	vld [tilespmem:$0x6A0]  }
0x25f: {  	v31 =	vld [tilespmem:$0x46A0]  }
0x260: {  	v32 =	vld [tilespmem:$0x86A0]  }
0x261: {  	v33 =	vld [tilespmem:$0x6B0]  }
0x262: {  	v34 =	vld [tilespmem:$0x46B0]  }
0x263: {  	v35 =	vld [tilespmem:$0x86B0]  }
0x264: {  	v36 =	vld [tilespmem:$0x6C0]  }
0x265: {  	v37 =	vld [tilespmem:$0x46C0]  }
0x266: {  	v38 =	vld [tilespmem:$0x86C0]  }
0x267: {  	v39 =	vld [tilespmem:$0x6D0]  }
0x268: {  	v40 =	vld [tilespmem:$0x46D0]  }
0x269: {  	v41 =	vld [tilespmem:$0x86D0]  }
0x26a: {  	v42 =	vld [tilespmem:$0x6E0]  }
0x26b: {  	v43 =	vld [tilespmem:$0x46E0]  }
0x26c: {  	v44 =	vld [tilespmem:$0x86E0]  }
0x26d: {  	v45 =	vld [tilespmem:$0x6F0]  }
0x26e: {  	v46 =	vld [tilespmem:$0x46F0]  }
0x26f: {  	v47 =	vld [tilespmem:$0x86F0]  }
0x270: {  	v48 =	vld [tilespmem:$0x700]  }
0x271: {  	v49 =	vld [tilespmem:$0x4700]  }
0x272: {  	v50 =	vld [tilespmem:$0x8700]  }
0x273: {  	v51 =	vld [tilespmem:$0x710]  }
0x274: {  	v52 =	vld [tilespmem:$0x4710]  }
0x275: {  	v53 =	vld [tilespmem:$0x8710]  }
0x276: {  	v54 =	vld [tilespmem:$0x720]  }
0x277: {  	v55 =	vld [tilespmem:$0x4720]  }
0x278: {  	v56 =	vld [tilespmem:$0x8720]  }
0x279: {  	v57 =	vld [tilespmem:$0x730]  }
0x27a: {  	v58 =	vld [tilespmem:$0x4730]  }
0x27b: {  	v59 =	vld [tilespmem:$0x8730]  }
0x27c: {  	v61 =	vld [tilespmem:$0x47B0]  }
0x27d: {  	v63 =	vld [tilespmem:$0x87B0];
	v1 =	vmul.f32 v1, v0;
	v4 =	vmul.f32 v4, v3  }
0x27e: {  	v0 =	vmul.f32 v2, v0;
	v2 =	vmul.f32 v5, v3;
	v5 =	vld [tilespmem:$0x740]  }
0x27f: {  	v3 =	vmul.f32 v7, v6;
	v7 =	vld [tilespmem:$0x750];
	v31 =	vmul.f32 v31, v30;
	v1 =	vadd.f32 v4, v1  }
0x280: {  	v32 =	vmul.f32 v32, v30;
	v30 =	vld [tilespmem:$0x7B0];
	v0 =	vadd.f32 v2, v0;
	v2 =	vmul.f32 v8, v6  }
0x281: {  	v62 =	vmul.f32 v55, v54;
	v55 =	vld [tilespmem:$0x87E0];
	v1 =	vadd.f32 v3, v1;
	v3 =	vmul.f32 v10, v9  }
0x282: {  	v4 =	vld [tilespmem:$0x4740];
	v0 =	vadd.f32 v2, v0;
	v2 =	vmul.f32 v11, v9  }
0x283: {  	v34 =	vmul.f32 v34, v33;
	v6 =	vld [tilespmem:$0x8740];
	v1 =	vadd.f32 v3, v1;
	v3 =	vmul.f32 v13, v12  }
0x284: {  	v22 =	vmul.f32 v22, v21;
	v8 =	vld [tilespmem:$0x4750];
	v0 =	vadd.f32 v2, v0;
	v2 =	vmul.f32 v14, v12  }
0x285: {  	v21 =	vmul.f32 v23, v21;
	v9 =	vld [tilespmem:$0x8750];
	v1 =	vadd.f32 v3, v1;
	v3 =	vmul.f32 v16, v15  }
0x286: {  	v60 =	vmul.f32 v53, v51;
	v10 =	vld [tilespmem:$0x760];
	v0 =	vadd.f32 v2, v0;
	v2 =	vmul.f32 v17, v15  }
0x287: {  	v11 =	vld [tilespmem:$0x4760];
	v1 =	vadd.f32 v3, v1;
	v3 =	vmul.f32 v25, v24;
	v25 =	vmul.f32 v28, v27  }
0x288: {  	v12 =	vld [tilespmem:$0x8760];
	v0 =	vadd.f32 v2, v0;
	v2 =	vmul.f32 v26, v24;
	v28 =	vmul.f32 v29, v27  }
0x289: {  	v14 =	vld [tilespmem:$0x770];
	v4 =	vmul.f32 v4, v5;
	v5 =	vmul.f32 v6, v5  }
0x28a: {  	v6 =	vld [tilespmem:$0x87C0];
	v29 =	vmul.f32 v19, v18;
	v18 =	vmul.f32 v20, v18;
	v2 =	vadd.f32 v28, v2  }
0x28b: {  	v8 =	vmul.f32 v8, v7;
	v16 =	vld [tilespmem:$0x4770];
	v7 =	vmul.f32 v9, v7;
	v3 =	vadd.f32 v25, v3  }
0x28c: {  	v17 =	vld [tilespmem:$0x4780];
	v18 =	vadd.f32 v18, v0;
	v0 =	vadd.f32 v32, v2;
	v2 =	vmul.f32 v35, v33  }
0x28d: {  	v15 =	vld [tilespmem:$0x8780];
	v3 =	vadd.f32 v31, v3;
	v35 =	vmul.f32 v37, v36;
	v37 =	vmul.f32 v38, v36  }
0x28e: {  	v19 =	vld [tilespmem:$0x8770];
	v1 =	vadd.f32 v29, v1;
	v38 =	vmul.f32 v40, v39;
	v40 =	vmul.f32 v41, v39  }
0x28f: {  	v20 =	vld [tilespmem:$0x780];
	v41 =	vmul.f32 v43, v42;
	v43 =	vmul.f32 v44, v42;
	v3 =	vadd.f32 v34, v3  }
0x290: {  	v24 =	vld [tilespmem:$0x790];
	v44 =	vmul.f32 v46, v45;
	v46 =	vmul.f32 v47, v45;
	v2 =	vadd.f32 v2, v0  }
0x291: {  	v25 =	vld [tilespmem:$0x4790];
	v47 =	vmul.f32 v49, v48;
	v49 =	vmul.f32 v52, v51;
	v3 =	vadd.f32 v35, v3  }
0x292: {  	v26 =	vld [tilespmem:$0x47A0];
	v52 =	vmul.f32 v50, v48;
	v0 =	vadd.f32 v22, v1;
	v2 =	vadd.f32 v37, v2  }
0x293: {  	v39 =	vmul.f32 v58, v57;
	v22 =	vld [tilespmem:$0x8790];
	v1 =	vadd.f32 v21, v18;
	v3 =	vadd.f32 v38, v3  }
0x294: {  	v17 =	vmul.f32 v17, v20;
	v21 =	vld [tilespmem:$0x7A0];
	v13 =	vadd.f32 v49, v47;
	v2 =	vadd.f32 v40, v2  }
0x295: {  	v28 =	vld [tilespmem:$0x87A0];
	v15 =	vmul.f32 v15, v20;
	v36 =	vadd.f32 v60, v52;
	v3 =	vadd.f32 v41, v3  }
0x296: {  	v45 =	vld [tilespmem:$0x47D0];
	v42 =	vmul.f32 v25, v24;
	v37 =	vmul.f32 v56, v54;
	v23 =	vadd.f32 v43, v2  }
0x297: {  	v13 =	vadd.f32 v62, v13;
	v38 =	vld [tilespmem:$0x7C0];
	v40 =	vmul.f32 v59, v57;
	v2 =	vadd.f32 v44, v3  }
0x298: {  	v41 =	vld [tilespmem:$0x47C0];
	v3 =	vadd.f32 v46, v23;
	v23 =	vadd.f32 v37, v36;
	v44 =	vmul.f32 v22, v24  }
0x299: {  	v48 =	vld [tilespmem:$0x87D0];
	v13 =	vadd.f32 v39, v13;
	v47 =	vmul.f32 v26, v21;
	v46 =	vadd.f32 v42, v17  }
0x29a: {  	v49 =	vmul.f32 v28, v21;
	v43 =	vld [tilespmem:$0x7D0];
	v23 =	vadd.f32 v40, v23;
	v15 =	vadd.f32 v44, v15  }
0x29b: {  	v50 =	vld [tilespmem:$0x7E0];
	v51 =	vmul.f32 v61, v30;
	v4 =	vadd.f32 v4, v13;
	v13 =	vadd.f32 v47, v46  }
0x29c: {  	v52 =	vld [tilespmem:$0x47E0];
	v54 =	vmul.f32 v63, v30;
	v5 =	vadd.f32 v5, v23;
	v53 =	vadd.f32 v49, v15  }
0x29d: {  	v58 =	vld [tilespmem:$0x47F0];
	v4 =	vadd.f32 v8, v4;
	v56 =	vmul.f32 v41, v38;
	v8 =	vadd.f32 v51, v13  }
0x29e: {  	v57 =	vld [tilespmem:$0x7F0];
	v6 =	vmul.f32 v6, v38;
	v5 =	vadd.f32 v7, v5;
	v7 =	vadd.f32 v54, v53  }
0x29f: {  	v11 =	vmul.f32 v11, v10;
	v60 =	vld [tilespmem:$0x87F0];
	v59 =	vmul.f32 v45, v43;
	v8 =	vadd.f32 v56, v8  }
0x2a0: {  	v10 =	vmul.f32 v12, v10;
	v6 =	vadd.f32 v6, v7;
	v7 =	vmul.f32 v48, v43  }
0x2a1: {  	v62 =	vmul.f32 v19, v14;
	v61 =	vmul.f32 v52, v50;
	v8 =	vadd.f32 v59, v8  }
0x2a2: {  	v10 =	vadd.f32 v10, v5;
	v5 =	vadd.f32 v7, v6;
	v6 =	vmul.f32 v55, v50  }
0x2a3: {  	v9 =	vmul.f32 v58, v57;
	v4 =	vadd.f32 v11, v4;
	v7 =	vmul.f32 v16, v14  }
0x2a4: {  	v63 =	vmul.f32 v60, v57;
	v8 =	vadd.f32 v61, v8;
	v6 =	vadd.f32 v6, v5  }
0x2a5: {  	s28 =	simm.s32 $0x0;
	v5 =	vadd.f32 v7, v4;
	v4 =	vadd.f32 v62, v10  }
0x2a6: {  	s29 =	simm.s32 $0x89F0;
	s30 =	simm.s32 $0x49F0;
	s0 =	simm.s32 $0x9F0;
	v7 =	vadd.f32 v9, v8;
	v6 =	vadd.f32 v63, v6  }
.LBB2_6:
0x2a7: {  	(xrf2) =	vadd.scan.msk.f32 $0xffff, v0  }
0x2a8: {  	(xrf2) =	vadd.scan.msk.f32 $0xffff, v1  }
0x2a9: {  	(xrf2) =	vadd.scan.msk.f32 $0xffff, v2  }
0x2aa: {  	(xrf2) =	vadd.scan.msk.f32 $0xffff, v3  }
0x2ab: {  	(xrf2) =	vadd.scan.msk.f32 $0xffff, v5  }
0x2ac: {  	(xrf2) =	vadd.scan.msk.f32 $0xffff, v4  }
0x2ad: {  	(xrf2) =	vadd.scan.msk.f32 $0xffff, v7  }
0x2ae: {  	(xrf2) =	vadd.scan.msk.f32 $0xffff, v6;
	_ =	sdelay $0x2  }
0x2af: {  	s14 =	sshra.s32 s28, $0x2;
	v0, _, _ =	vpop (xrf2)  }
0x2b0: {  	v1, _, _ =	vpop (xrf2);
	[tilespmem:s14+$0x18700] =	vst.msk vm0, v0  }
0x2b1: {  	v0, _, _ =	vpop (xrf2);
	[tilespmem:s14+$0x18980] =	vst.msk vm0, v1  }
0x2b2: {  	v1, _, _ =	vpop (xrf2);
	[tilespmem:s14+$0x18701] =	vst.msk vm0, v0  }
0x2b3: {  	v0, _, _ =	vpop (xrf2);
	[tilespmem:s14+$0x18981] =	vst.msk vm0, v1  }
0x2b4: {  	v1, _, _ =	vpop (xrf2);
	[tilespmem:s14+$0x18702] =	vst.msk vm0, v0  }
0x2b5: {  	v0, _, _ =	vpop (xrf2);
	[tilespmem:s14+$0x18982] =	vst.msk vm0, v1  }
0x2b6: {  	[tilespmem:s14+$0x18703] =	vst.msk vm0, v0;
	v0, _, _ =	vpop (xrf2)  }
0x2b7: {  	[tilespmem:s14+$0x18983] =	vst.msk vm0, v0  }
0x2b8: {  	v0 =	vld [tilespmem:s0+$0xFFFFFE10]  }
0x2b9: {  	v1 =	vld [tilespmem:s30+$0xFFFFFE10]  }
0x2ba: {  	v2 =	vld [tilespmem:s29+$0xFFFFFE10]  }
0x2bb: {  	v3 =	vld [tilespmem:s0+$0xFFFFFE20]  }
0x2bc: {  	v4 =	vld [tilespmem:s30+$0xFFFFFE20]  }
0x2bd: {  	v5 =	vld [tilespmem:s29+$0xFFFFFE20]  }
0x2be: {  	v6 =	vld [tilespmem:s0+$0xFFFFFE30]  }
0x2bf: {  	v7 =	vld [tilespmem:s30+$0xFFFFFE30]  }
0x2c0: {  	v8 =	vld [tilespmem:s29+$0xFFFFFE30]  }
0x2c1: {  	v9 =	vld [tilespmem:s0+$0xFFFFFE40]  }
0x2c2: {  	v10 =	vld [tilespmem:s30+$0xFFFFFE40]  }
0x2c3: {  	v11 =	vld [tilespmem:s29+$0xFFFFFE40]  }
0x2c4: {  	v12 =	vld [tilespmem:s0+$0xFFFFFE50]  }
0x2c5: {  	v13 =	vld [tilespmem:s30+$0xFFFFFE50]  }
0x2c6: {  	v14 =	vld [tilespmem:s29+$0xFFFFFE50]  }
0x2c7: {  	v15 =	vld [tilespmem:s0+$0xFFFFFE60]  }
0x2c8: {  	v16 =	vld [tilespmem:s30+$0xFFFFFE60]  }
0x2c9: {  	v17 =	vld [tilespmem:s29+$0xFFFFFE60]  }
0x2ca: {  	v18 =	vld [tilespmem:s0+$0xFFFFFE70]  }
0x2cb: {  	v19 =	vld [tilespmem:s30+$0xFFFFFE70]  }
0x2cc: {  	v20 =	vld [tilespmem:s29+$0xFFFFFE70]  }
0x2cd: {  	v21 =	vld [tilespmem:s0+$0xFFFFFE80]  }
0x2ce: {  	v22 =	vld [tilespmem:s30+$0xFFFFFE80]  }
0x2cf: {  	v23 =	vld [tilespmem:s29+$0xFFFFFE80]  }
0x2d0: {  	v24 =	vld [tilespmem:s0+$0xFFFFFE90]  }
0x2d1: {  	v25 =	vld [tilespmem:s30+$0xFFFFFE90]  }
0x2d2: {  	v26 =	vld [tilespmem:s29+$0xFFFFFE90]  }
0x2d3: {  	v27 =	vld [tilespmem:s0+$0xFFFFFEA0]  }
0x2d4: {  	v28 =	vld [tilespmem:s30+$0xFFFFFEA0]  }
0x2d5: {  	v29 =	vld [tilespmem:s29+$0xFFFFFEA0]  }
0x2d6: {  	v30 =	vld [tilespmem:s0+$0xFFFFFEB0]  }
0x2d7: {  	v31 =	vld [tilespmem:s30+$0xFFFFFEB0]  }
0x2d8: {  	v32 =	vld [tilespmem:s29+$0xFFFFFEB0]  }
0x2d9: {  	v33 =	vld [tilespmem:s0+$0xFFFFFEC0]  }
0x2da: {  	v34 =	vld [tilespmem:s30+$0xFFFFFEC0]  }
0x2db: {  	v35 =	vld [tilespmem:s29+$0xFFFFFEC0]  }
0x2dc: {  	v36 =	vld [tilespmem:s0+$0xFFFFFED0]  }
0x2dd: {  	v37 =	vld [tilespmem:s30+$0xFFFFFED0]  }
0x2de: {  	v38 =	vld [tilespmem:s29+$0xFFFFFED0]  }
0x2df: {  	v39 =	vld [tilespmem:s0+$0xFFFFFEE0]  }
0x2e0: {  	v40 =	vld [tilespmem:s30+$0xFFFFFEE0]  }
0x2e1: {  	v41 =	vld [tilespmem:s29+$0xFFFFFEE0]  }
0x2e2: {  	v42 =	vld [tilespmem:s0+$0xFFFFFEF0]  }
0x2e3: {  	v43 =	vld [tilespmem:s30+$0xFFFFFEF0]  }
0x2e4: {  	v44 =	vld [tilespmem:s29+$0xFFFFFEF0]  }
0x2e5: {  	v45 =	vld [tilespmem:s0+$0xFFFFFF00]  }
0x2e6: {  	v46 =	vld [tilespmem:s30+$0xFFFFFF00]  }
0x2e7: {  	v47 =	vld [tilespmem:s29+$0xFFFFFF00]  }
0x2e8: {  	v48 =	vld [tilespmem:s0+$0xFFFFFF10]  }
0x2e9: {  	v49 =	vld [tilespmem:s30+$0xFFFFFF10]  }
0x2ea: {  	v50 =	vld [tilespmem:s29+$0xFFFFFF10]  }
0x2eb: {  	v51 =	vld [tilespmem:s0+$0xFFFFFF20]  }
0x2ec: {  	v52 =	vld [tilespmem:s30+$0xFFFFFF20]  }
0x2ed: {  	v53 =	vld [tilespmem:s29+$0xFFFFFF20]  }
0x2ee: {  	v54 =	vld [tilespmem:s0+$0xFFFFFF30]  }
0x2ef: {  	v55 =	vld [tilespmem:s30+$0xFFFFFF30]  }
0x2f0: {  	v56 =	vld [tilespmem:s29+$0xFFFFFF30]  }
0x2f1: {  	v57 =	vld [tilespmem:s0+$0xFFFFFF40]  }
0x2f2: {  	v58 =	vld [tilespmem:s30+$0xFFFFFF40]  }
0x2f3: {  	v59 =	vld [tilespmem:s29+$0xFFFFFF40]  }
0x2f4: {  	v61 =	vld [tilespmem:s30+$0xFFFFFFC0]  }
0x2f5: {  	v63 =	vld [tilespmem:s29+$0xFFFFFFC0];
	v1 =	vmul.f32 v1, v0;
	v4 =	vmul.f32 v4, v3  }
0x2f6: {  	v0 =	vmul.f32 v2, v0;
	v2 =	vmul.f32 v5, v3;
	v5 =	vld [tilespmem:s0+$0xFFFFFF50]  }
0x2f7: {  	v3 =	vmul.f32 v7, v6;
	v7 =	vld [tilespmem:s0+$0xFFFFFF60];
	v31 =	vmul.f32 v31, v30;
	v1 =	vadd.f32 v4, v1  }
0x2f8: {  	v32 =	vmul.f32 v32, v30;
	v30 =	vld [tilespmem:s0+$0xFFFFFFC0];
	v0 =	vadd.f32 v2, v0;
	v2 =	vmul.f32 v8, v6  }
0x2f9: {  	v62 =	vmul.f32 v55, v54;
	v55 =	vld [tilespmem:s29+$0xFFFFFFF0];
	v1 =	vadd.f32 v3, v1;
	v3 =	vmul.f32 v10, v9  }
0x2fa: {  	v4 =	vld [tilespmem:s30+$0xFFFFFF50];
	v0 =	vadd.f32 v2, v0;
	v2 =	vmul.f32 v11, v9  }
0x2fb: {  	v34 =	vmul.f32 v34, v33;
	v6 =	vld [tilespmem:s29+$0xFFFFFF50];
	v1 =	vadd.f32 v3, v1;
	v3 =	vmul.f32 v13, v12  }
0x2fc: {  	v22 =	vmul.f32 v22, v21;
	v8 =	vld [tilespmem:s30+$0xFFFFFF60];
	v0 =	vadd.f32 v2, v0;
	v2 =	vmul.f32 v14, v12  }
0x2fd: {  	v21 =	vmul.f32 v23, v21;
	v9 =	vld [tilespmem:s29+$0xFFFFFF60];
	v1 =	vadd.f32 v3, v1;
	v3 =	vmul.f32 v16, v15  }
0x2fe: {  	v60 =	vmul.f32 v53, v51;
	v10 =	vld [tilespmem:s0+$0xFFFFFF70];
	v0 =	vadd.f32 v2, v0;
	v2 =	vmul.f32 v17, v15  }
0x2ff: {  	v11 =	vld [tilespmem:s30+$0xFFFFFF70];
	v1 =	vadd.f32 v3, v1;
	v3 =	vmul.f32 v25, v24;
	v25 =	vmul.f32 v28, v27  }
0x300: {  	v12 =	vld [tilespmem:s29+$0xFFFFFF70];
	v0 =	vadd.f32 v2, v0;
	v2 =	vmul.f32 v26, v24;
	v28 =	vmul.f32 v29, v27  }
0x301: {  	v14 =	vld [tilespmem:s0+$0xFFFFFF80];
	v4 =	vmul.f32 v4, v5;
	v5 =	vmul.f32 v6, v5  }
0x302: {  	v6 =	vld [tilespmem:s29+$0xFFFFFFD0];
	v29 =	vmul.f32 v19, v18;
	v18 =	vmul.f32 v20, v18;
	v2 =	vadd.f32 v28, v2  }
0x303: {  	v8 =	vmul.f32 v8, v7;
	v16 =	vld [tilespmem:s30+$0xFFFFFF80];
	v7 =	vmul.f32 v9, v7;
	v3 =	vadd.f32 v25, v3  }
0x304: {  	v17 =	vld [tilespmem:s30+$0xFFFFFF90];
	v18 =	vadd.f32 v18, v0;
	v0 =	vadd.f32 v32, v2;
	v2 =	vmul.f32 v35, v33  }
0x305: {  	v15 =	vld [tilespmem:s29+$0xFFFFFF90];
	v3 =	vadd.f32 v31, v3;
	v35 =	vmul.f32 v37, v36;
	v37 =	vmul.f32 v38, v36  }
0x306: {  	v19 =	vld [tilespmem:s29+$0xFFFFFF80];
	v1 =	vadd.f32 v29, v1;
	v38 =	vmul.f32 v40, v39;
	v40 =	vmul.f32 v41, v39  }
0x307: {  	v20 =	vld [tilespmem:s0+$0xFFFFFF90];
	v41 =	vmul.f32 v43, v42;
	v43 =	vmul.f32 v44, v42;
	v3 =	vadd.f32 v34, v3  }
0x308: {  	v24 =	vld [tilespmem:s0+$0xFFFFFFA0];
	v44 =	vmul.f32 v46, v45;
	v46 =	vmul.f32 v47, v45;
	v2 =	vadd.f32 v2, v0  }
0x309: {  	v25 =	vld [tilespmem:s30+$0xFFFFFFA0];
	v47 =	vmul.f32 v49, v48;
	v49 =	vmul.f32 v52, v51;
	v3 =	vadd.f32 v35, v3  }
0x30a: {  	v26 =	vld [tilespmem:s30+$0xFFFFFFB0];
	v52 =	vmul.f32 v50, v48;
	v0 =	vadd.f32 v22, v1;
	v2 =	vadd.f32 v37, v2  }
0x30b: {  	v39 =	vmul.f32 v58, v57;
	v22 =	vld [tilespmem:s29+$0xFFFFFFA0];
	v1 =	vadd.f32 v21, v18;
	v3 =	vadd.f32 v38, v3  }
0x30c: {  	v17 =	vmul.f32 v17, v20;
	v21 =	vld [tilespmem:s0+$0xFFFFFFB0];
	v13 =	vadd.f32 v49, v47;
	v2 =	vadd.f32 v40, v2  }
0x30d: {  	v28 =	vld [tilespmem:s29+$0xFFFFFFB0];
	v15 =	vmul.f32 v15, v20;
	v36 =	vadd.f32 v60, v52;
	v3 =	vadd.f32 v41, v3  }
0x30e: {  	v45 =	vld [tilespmem:s30+$0xFFFFFFE0];
	v42 =	vmul.f32 v25, v24;
	v37 =	vmul.f32 v56, v54;
	v23 =	vadd.f32 v43, v2  }
0x30f: {  	v13 =	vadd.f32 v62, v13;
	v38 =	vld [tilespmem:s0+$0xFFFFFFD0];
	v40 =	vmul.f32 v59, v57;
	v2 =	vadd.f32 v44, v3  }
0x310: {  	v41 =	vld [tilespmem:s30+$0xFFFFFFD0];
	v3 =	vadd.f32 v46, v23;
	v23 =	vadd.f32 v37, v36;
	v44 =	vmul.f32 v22, v24  }
0x311: {  	v48 =	vld [tilespmem:s29+$0xFFFFFFE0];
	v13 =	vadd.f32 v39, v13;
	v47 =	vmul.f32 v26, v21;
	v46 =	vadd.f32 v42, v17  }
0x312: {  	v49 =	vmul.f32 v28, v21;
	v43 =	vld [tilespmem:s0+$0xFFFFFFE0];
	v23 =	vadd.f32 v40, v23;
	v15 =	vadd.f32 v44, v15  }
0x313: {  	v50 =	vld [tilespmem:s0+$0xFFFFFFF0];
	v51 =	vmul.f32 v61, v30;
	v4 =	vadd.f32 v4, v13;
	v13 =	vadd.f32 v47, v46  }
0x314: {  	v52 =	vld [tilespmem:s30+$0xFFFFFFF0];
	v54 =	vmul.f32 v63, v30;
	v5 =	vadd.f32 v5, v23;
	v53 =	vadd.f32 v49, v15  }
0x315: {  	v58 =	vld [tilespmem:s30+$0x0];
	v4 =	vadd.f32 v8, v4;
	v56 =	vmul.f32 v41, v38;
	v8 =	vadd.f32 v51, v13  }
0x316: {  	v57 =	vld [tilespmem:s0+$0x0];
	v6 =	vmul.f32 v6, v38;
	v5 =	vadd.f32 v7, v5;
	v7 =	vadd.f32 v54, v53  }
0x317: {  	v11 =	vmul.f32 v11, v10;
	v60 =	vld [tilespmem:s29+$0x0];
	v59 =	vmul.f32 v45, v43;
	v8 =	vadd.f32 v56, v8  }
0x318: {  	v10 =	vmul.f32 v12, v10;
	v6 =	vadd.f32 v6, v7;
	v7 =	vmul.f32 v48, v43  }
0x319: {  	p0 =	sne.s32 s28, $0x1E0;
	v62 =	vmul.f32 v19, v14;
	v61 =	vmul.f32 v52, v50;
	v8 =	vadd.f32 v59, v8  }
.Ltmp2:
0x31a: {  	v10 =	vadd.f32 v10, v5;
	v5 =	vadd.f32 v7, v6;
	v6 =	vmul.f32 v55, v50;
	(pc) =	sbr.rel @p0 .LBB2_6-.Ltmp2, $4  }
0x31b: {  	v9 =	vmul.f32 v58, v57;
	v4 =	vadd.f32 v11, v4;
	v7 =	vmul.f32 v16, v14  }
0x31c: {  	v63 =	vmul.f32 v60, v57;
	v8 =	vadd.f32 v61, v8;
	v6 =	vadd.f32 v6, v5  }
0x31d: {  	s28 =	sadd.s32 $0x10, s28;
	v5 =	vadd.f32 v7, v4;
	v4 =	vadd.f32 v62, v10  }
0x31e: {  	s29 =	sadd.s32 $0x200, s29;
	s30 =	sadd.s32 $0x200, s30;
	s0 =	sadd.s32 $0x200, s0;
	v7 =	vadd.f32 v9, v8;
	v6 =	vadd.f32 v63, v6  }
0x31f: {  	(xrf2) =	vadd.scan.msk.f32 $0xffff, v0  }
0x320: {  	(xrf2) =	vadd.scan.msk.f32 $0xffff, v1  }
0x321: {  	(xrf2) =	vadd.scan.msk.f32 $0xffff, v2  }
0x322: {  	(xrf2) =	vadd.scan.msk.f32 $0xffff, v3  }
0x323: {  	(xrf2) =	vadd.scan.msk.f32 $0xffff, v5  }
0x324: {  	(xrf2) =	vadd.scan.msk.f32 $0xffff, v4  }
0x325: {  	(xrf2) =	vadd.scan.msk.f32 $0xffff, v7  }
0x326: {  	(xrf2) =	vadd.scan.msk.f32 $0xffff, v6;
	_ =	sdelay $0x2  }
0x327: {  	s0 =	simm.s32 $0x1877C;
	v0, _, _ =	vpop (xrf2)  }
0x328: {  	s14 =	simm.s32 $0x189FC;
	v1, _, _ =	vpop (xrf2);
	[tilespmem:s0+$0x0] =	vst.msk vm0, v0  }
0x329: {  	v0, _, _ =	vpop (xrf2);
	[tilespmem:s14+$0x0] =	vst.msk vm0, v1;
	s14 =	simm.s32 $0x1877D  }
0x32a: {  	v1, _, _ =	vpop (xrf2);
	[tilespmem:s14+$0x0] =	vst.msk vm0, v0;
	s14 =	simm.s32 $0x189FD  }
0x32b: {  	v0, _, _ =	vpop (xrf2);
	[tilespmem:s14+$0x0] =	vst.msk vm0, v1;
	s14 =	simm.s32 $0x1877E  }
0x32c: {  	v1, _, _ =	vpop (xrf2);
	[tilespmem:s14+$0x0] =	vst.msk vm0, v0;
	s14 =	simm.s32 $0x189FE  }
0x32d: {  	v0, _, _ =	vpop (xrf2);
	[tilespmem:s14+$0x0] =	vst.msk vm0, v1;
	s14 =	simm.s32 $0x1877F  }
0x32e: {  	[tilespmem:s14+$0x0] =	vst.msk vm0, v0;
	v0, _, _ =	vpop (xrf2);
	s14 =	simm.s32 $0x189FF  }
0x32f: {  	[tilespmem:s14+$0x0] =	vst.msk vm0, v0  }
0x330: {  	_ =	swait.ge [sflag:s23], $0x4000  }
0x331: {  	[sflag:s23] =	ssyncset.done $0x0  }
0x332: {  	[sflag:s23] =	ssyncadd.s32 $0xFFFFC000  }
0x333: {  	_ =	swait.ge [sflag:s23], $0x4000  }
0x334: {  	[sflag:s23] =	ssyncset.done $0x0  }
0x335: {  	[sflag:s23] =	ssyncadd.s32 $0xFFFFC000  }
0x336: {  	_ =	swait.ge [sflag:s23], $0x4000  }
0x337: {  	[sflag:s23] =	ssyncset.done $0x0  }
0x338: {  	[sflag:s23] =	ssyncadd.s32 $0xFFFFC000  }
0x339: {  	v0 =	vld [tilespmem:$0xC600]  }
0x33a: {  	v1 =	vld [tilespmem:$0x10600]  }
0x33b: {  	v2 =	vld [tilespmem:$0x14600]  }
0x33c: {  	v3 =	vld [tilespmem:$0xC610]  }
0x33d: {  	v4 =	vld [tilespmem:$0x10610]  }
0x33e: {  	v5 =	vld [tilespmem:$0x14610]  }
0x33f: {  	v6 =	vld [tilespmem:$0xC620]  }
0x340: {  	v7 =	vld [tilespmem:$0x10620]  }
0x341: {  	v8 =	vld [tilespmem:$0x14620]  }
0x342: {  	v9 =	vld [tilespmem:$0xC630]  }
0x343: {  	v10 =	vld [tilespmem:$0x10630]  }
0x344: {  	v11 =	vld [tilespmem:$0x14630]  }
0x345: {  	v12 =	vld [tilespmem:$0xC640]  }
0x346: {  	v13 =	vld [tilespmem:$0x10640]  }
0x347: {  	v14 =	vld [tilespmem:$0x14640]  }
0x348: {  	v15 =	vld [tilespmem:$0xC650]  }
0x349: {  	v16 =	vld [tilespmem:$0x10650]  }
0x34a: {  	v17 =	vld [tilespmem:$0x14650]  }
0x34b: {  	v18 =	vld [tilespmem:$0xC660]  }
0x34c: {  	v19 =	vld [tilespmem:$0x10660]  }
0x34d: {  	v20 =	vld [tilespmem:$0x14660]  }
0x34e: {  	v21 =	vld [tilespmem:$0xC670]  }
0x34f: {  	v22 =	vld [tilespmem:$0x10670]  }
0x350: {  	v23 =	vld [tilespmem:$0x14670]  }
0x351: {  	v24 =	vld [tilespmem:$0xC680]  }
0x352: {  	v25 =	vld [tilespmem:$0x10680]  }
0x353: {  	v26 =	vld [tilespmem:$0x14680]  }
0x354: {  	v27 =	vld [tilespmem:$0xC690]  }
0x355: {  	v28 =	vld [tilespmem:$0x10690]  }
0x356: {  	v29 =	vld [tilespmem:$0x14690]  }
0x357: {  	v30 =	vld [tilespmem:$0xC6A0]  }
0x358: {  	v31 =	vld [tilespmem:$0x106A0]  }
0x359: {  	v32 =	vld [tilespmem:$0x146A0]  }
0x35a: {  	v33 =	vld [tilespmem:$0xC6B0]  }
0x35b: {  	v34 =	vld [tilespmem:$0x106B0]  }
0x35c: {  	v35 =	vld [tilespmem:$0x146B0]  }
0x35d: {  	v36 =	vld [tilespmem:$0xC6C0]  }
0x35e: {  	v37 =	vld [tilespmem:$0x106C0]  }
0x35f: {  	v38 =	vld [tilespmem:$0x146C0]  }
0x360: {  	v39 =	vld [tilespmem:$0xC6D0]  }
0x361: {  	v40 =	vld [tilespmem:$0x106D0]  }
0x362: {  	v41 =	vld [tilespmem:$0x146D0]  }
0x363: {  	v42 =	vld [tilespmem:$0xC6E0]  }
0x364: {  	v43 =	vld [tilespmem:$0x106E0]  }
0x365: {  	v44 =	vld [tilespmem:$0x146E0]  }
0x366: {  	v45 =	vld [tilespmem:$0xC6F0]  }
0x367: {  	v46 =	vld [tilespmem:$0x106F0]  }
0x368: {  	v47 =	vld [tilespmem:$0x146F0]  }
0x369: {  	v48 =	vld [tilespmem:$0xC700]  }
0x36a: {  	v49 =	vld [tilespmem:$0x10700]  }
0x36b: {  	v50 =	vld [tilespmem:$0x14700]  }
0x36c: {  	v51 =	vld [tilespmem:$0xC710]  }
0x36d: {  	v52 =	vld [tilespmem:$0x10710]  }
0x36e: {  	v53 =	vld [tilespmem:$0x14710]  }
0x36f: {  	v54 =	vld [tilespmem:$0xC720]  }
0x370: {  	v55 =	vld [tilespmem:$0x10720]  }
0x371: {  	v56 =	vld [tilespmem:$0x14720]  }
0x372: {  	v57 =	vld [tilespmem:$0xC730]  }
0x373: {  	v58 =	vld [tilespmem:$0x10730]  }
0x374: {  	v59 =	vld [tilespmem:$0x14730]  }
0x375: {  	v61 =	vld [tilespmem:$0x107B0]  }
0x376: {  	v63 =	vld [tilespmem:$0x147B0];
	v1 =	vmul.f32 v1, v0;
	v4 =	vmul.f32 v4, v3  }
0x377: {  	v0 =	vmul.f32 v2, v0;
	v2 =	vmul.f32 v5, v3;
	v5 =	vld [tilespmem:$0xC740]  }
0x378: {  	v3 =	vmul.f32 v7, v6;
	v7 =	vld [tilespmem:$0xC750];
	v31 =	vmul.f32 v31, v30;
	v1 =	vadd.f32 v4, v1  }
0x379: {  	v32 =	vmul.f32 v32, v30;
	v30 =	vld [tilespmem:$0xC7B0];
	v0 =	vadd.f32 v2, v0;
	v2 =	vmul.f32 v8, v6  }
0x37a: {  	v62 =	vmul.f32 v55, v54;
	v55 =	vld [tilespmem:$0x147E0];
	v1 =	vadd.f32 v3, v1;
	v3 =	vmul.f32 v10, v9  }
0x37b: {  	v4 =	vld [tilespmem:$0x10740];
	v0 =	vadd.f32 v2, v0;
	v2 =	vmul.f32 v11, v9  }
0x37c: {  	v34 =	vmul.f32 v34, v33;
	v6 =	vld [tilespmem:$0x14740];
	v1 =	vadd.f32 v3, v1;
	v3 =	vmul.f32 v13, v12  }
0x37d: {  	v22 =	vmul.f32 v22, v21;
	v8 =	vld [tilespmem:$0x10750];
	v0 =	vadd.f32 v2, v0;
	v2 =	vmul.f32 v14, v12  }
0x37e: {  	v21 =	vmul.f32 v23, v21;
	v9 =	vld [tilespmem:$0x14750];
	v1 =	vadd.f32 v3, v1;
	v3 =	vmul.f32 v16, v15  }
0x37f: {  	v60 =	vmul.f32 v53, v51;
	v10 =	vld [tilespmem:$0xC760];
	v0 =	vadd.f32 v2, v0;
	v2 =	vmul.f32 v17, v15  }
0x380: {  	v11 =	vld [tilespmem:$0x10760];
	v1 =	vadd.f32 v3, v1;
	v3 =	vmul.f32 v25, v24;
	v25 =	vmul.f32 v28, v27  }
0x381: {  	v12 =	vld [tilespmem:$0x14760];
	v0 =	vadd.f32 v2, v0;
	v2 =	vmul.f32 v26, v24;
	v28 =	vmul.f32 v29, v27  }
0x382: {  	v14 =	vld [tilespmem:$0xC770];
	v4 =	vmul.f32 v4, v5;
	v5 =	vmul.f32 v6, v5  }
0x383: {  	v6 =	vld [tilespmem:$0x147C0];
	v29 =	vmul.f32 v19, v18;
	v18 =	vmul.f32 v20, v18;
	v2 =	vadd.f32 v28, v2  }
0x384: {  	v8 =	vmul.f32 v8, v7;
	v16 =	vld [tilespmem:$0x10770];
	v7 =	vmul.f32 v9, v7;
	v3 =	vadd.f32 v25, v3  }
0x385: {  	v17 =	vld [tilespmem:$0x10780];
	v18 =	vadd.f32 v18, v0;
	v0 =	vadd.f32 v32, v2;
	v2 =	vmul.f32 v35, v33  }
0x386: {  	v15 =	vld [tilespmem:$0x14780];
	v3 =	vadd.f32 v31, v3;
	v35 =	vmul.f32 v37, v36;
	v37 =	vmul.f32 v38, v36  }
0x387: {  	v19 =	vld [tilespmem:$0x14770];
	v1 =	vadd.f32 v29, v1;
	v38 =	vmul.f32 v40, v39;
	v40 =	vmul.f32 v41, v39  }
0x388: {  	v20 =	vld [tilespmem:$0xC780];
	v41 =	vmul.f32 v43, v42;
	v43 =	vmul.f32 v44, v42;
	v3 =	vadd.f32 v34, v3  }
0x389: {  	v24 =	vld [tilespmem:$0xC790];
	v44 =	vmul.f32 v46, v45;
	v46 =	vmul.f32 v47, v45;
	v2 =	vadd.f32 v2, v0  }
0x38a: {  	v25 =	vld [tilespmem:$0x10790];
	v47 =	vmul.f32 v49, v48;
	v49 =	vmul.f32 v52, v51;
	v3 =	vadd.f32 v35, v3  }
0x38b: {  	v26 =	vld [tilespmem:$0x107A0];
	v52 =	vmul.f32 v50, v48;
	v0 =	vadd.f32 v22, v1;
	v2 =	vadd.f32 v37, v2  }
0x38c: {  	v39 =	vmul.f32 v58, v57;
	v22 =	vld [tilespmem:$0x14790];
	v1 =	vadd.f32 v21, v18;
	v3 =	vadd.f32 v38, v3  }
0x38d: {  	v17 =	vmul.f32 v17, v20;
	v21 =	vld [tilespmem:$0xC7A0];
	v13 =	vadd.f32 v49, v47;
	v2 =	vadd.f32 v40, v2  }
0x38e: {  	v28 =	vld [tilespmem:$0x147A0];
	v15 =	vmul.f32 v15, v20;
	v36 =	vadd.f32 v60, v52;
	v3 =	vadd.f32 v41, v3  }
0x38f: {  	v45 =	vld [tilespmem:$0x107D0];
	v42 =	vmul.f32 v25, v24;
	v37 =	vmul.f32 v56, v54;
	v23 =	vadd.f32 v43, v2  }
0x390: {  	v13 =	vadd.f32 v62, v13;
	v38 =	vld [tilespmem:$0xC7C0];
	v40 =	vmul.f32 v59, v57;
	v2 =	vadd.f32 v44, v3  }
0x391: {  	v41 =	vld [tilespmem:$0x107C0];
	v3 =	vadd.f32 v46, v23;
	v23 =	vadd.f32 v37, v36;
	v44 =	vmul.f32 v22, v24  }
0x392: {  	v48 =	vld [tilespmem:$0x147D0];
	v13 =	vadd.f32 v39, v13;
	v47 =	vmul.f32 v26, v21;
	v46 =	vadd.f32 v42, v17  }
0x393: {  	v49 =	vmul.f32 v28, v21;
	v43 =	vld [tilespmem:$0xC7D0];
	v23 =	vadd.f32 v40, v23;
	v15 =	vadd.f32 v44, v15  }
0x394: {  	v50 =	vld [tilespmem:$0xC7E0];
	v51 =	vmul.f32 v61, v30;
	v4 =	vadd.f32 v4, v13;
	v13 =	vadd.f32 v47, v46  }
0x395: {  	v52 =	vld [tilespmem:$0x107E0];
	v54 =	vmul.f32 v63, v30;
	v5 =	vadd.f32 v5, v23;
	v53 =	vadd.f32 v49, v15  }
0x396: {  	v58 =	vld [tilespmem:$0x107F0];
	v4 =	vadd.f32 v8, v4;
	v56 =	vmul.f32 v41, v38;
	v8 =	vadd.f32 v51, v13  }
0x397: {  	v57 =	vld [tilespmem:$0xC7F0];
	v6 =	vmul.f32 v6, v38;
	v5 =	vadd.f32 v7, v5;
	v7 =	vadd.f32 v54, v53  }
0x398: {  	v11 =	vmul.f32 v11, v10;
	v60 =	vld [tilespmem:$0x147F0];
	v59 =	vmul.f32 v45, v43;
	v8 =	vadd.f32 v56, v8  }
0x399: {  	v10 =	vmul.f32 v12, v10;
	v6 =	vadd.f32 v6, v7;
	v7 =	vmul.f32 v48, v43  }
0x39a: {  	v62 =	vmul.f32 v19, v14;
	v61 =	vmul.f32 v52, v50;
	v8 =	vadd.f32 v59, v8  }
0x39b: {  	v10 =	vadd.f32 v10, v5;
	v5 =	vadd.f32 v7, v6;
	v6 =	vmul.f32 v55, v50  }
0x39c: {  	v9 =	vmul.f32 v58, v57;
	v4 =	vadd.f32 v11, v4;
	v7 =	vmul.f32 v16, v14  }
0x39d: {  	v63 =	vmul.f32 v60, v57;
	v8 =	vadd.f32 v61, v8;
	v6 =	vadd.f32 v6, v5  }
0x39e: {  	s28 =	simm.s32 $0x0;
	v5 =	vadd.f32 v7, v4;
	v4 =	vadd.f32 v62, v10  }
0x39f: {  	s29 =	simm.s32 $0x149F0;
	s30 =	simm.s32 $0x109F0;
	s0 =	simm.s32 $0xC9F0;
	v7 =	vadd.f32 v9, v8;
	v6 =	vadd.f32 v63, v6  }
.LBB2_8:
0x3a0: {  	(xrf2) =	vadd.scan.msk.f32 $0xffff, v0  }
0x3a1: {  	(xrf2) =	vadd.scan.msk.f32 $0xffff, v1  }
0x3a2: {  	(xrf2) =	vadd.scan.msk.f32 $0xffff, v2  }
0x3a3: {  	(xrf2) =	vadd.scan.msk.f32 $0xffff, v3  }
0x3a4: {  	(xrf2) =	vadd.scan.msk.f32 $0xffff, v5  }
0x3a5: {  	(xrf2) =	vadd.scan.msk.f32 $0xffff, v4  }
0x3a6: {  	(xrf2) =	vadd.scan.msk.f32 $0xffff, v7  }
0x3a7: {  	(xrf2) =	vadd.scan.msk.f32 $0xffff, v6;
	_ =	sdelay $0x2  }
0x3a8: {  	s14 =	sshra.s32 s28, $0x2;
	v0, _, _ =	vpop (xrf2)  }
0x3a9: {  	v1, _, _ =	vpop (xrf2);
	[tilespmem:s14+$0x18780] =	vst.msk vm0, v0  }
0x3aa: {  	v0, _, _ =	vpop (xrf2);
	[tilespmem:s14+$0x18A00] =	vst.msk vm0, v1  }
0x3ab: {  	v1, _, _ =	vpop (xrf2);
	[tilespmem:s14+$0x18781] =	vst.msk vm0, v0  }
0x3ac: {  	v0, _, _ =	vpop (xrf2);
	[tilespmem:s14+$0x18A01] =	vst.msk vm0, v1  }
0x3ad: {  	v1, _, _ =	vpop (xrf2);
	[tilespmem:s14+$0x18782] =	vst.msk vm0, v0  }
0x3ae: {  	v0, _, _ =	vpop (xrf2);
	[tilespmem:s14+$0x18A02] =	vst.msk vm0, v1  }
0x3af: {  	[tilespmem:s14+$0x18783] =	vst.msk vm0, v0;
	v0, _, _ =	vpop (xrf2)  }
0x3b0: {  	[tilespmem:s14+$0x18A03] =	vst.msk vm0, v0  }
0x3b1: {  	v0 =	vld [tilespmem:s0+$0xFFFFFE10]  }
0x3b2: {  	v1 =	vld [tilespmem:s30+$0xFFFFFE10]  }
0x3b3: {  	v2 =	vld [tilespmem:s29+$0xFFFFFE10]  }
0x3b4: {  	v3 =	vld [tilespmem:s0+$0xFFFFFE20]  }
0x3b5: {  	v4 =	vld [tilespmem:s30+$0xFFFFFE20]  }
0x3b6: {  	v5 =	vld [tilespmem:s29+$0xFFFFFE20]  }
0x3b7: {  	v6 =	vld [tilespmem:s0+$0xFFFFFE30]  }
0x3b8: {  	v7 =	vld [tilespmem:s30+$0xFFFFFE30]  }
0x3b9: {  	v8 =	vld [tilespmem:s29+$0xFFFFFE30]  }
0x3ba: {  	v9 =	vld [tilespmem:s0+$0xFFFFFE40]  }
0x3bb: {  	v10 =	vld [tilespmem:s30+$0xFFFFFE40]  }
0x3bc: {  	v11 =	vld [tilespmem:s29+$0xFFFFFE40]  }
0x3bd: {  	v12 =	vld [tilespmem:s0+$0xFFFFFE50]  }
0x3be: {  	v13 =	vld [tilespmem:s30+$0xFFFFFE50]  }
0x3bf: {  	v14 =	vld [tilespmem:s29+$0xFFFFFE50]  }
0x3c0: {  	v15 =	vld [tilespmem:s0+$0xFFFFFE60]  }
0x3c1: {  	v16 =	vld [tilespmem:s30+$0xFFFFFE60]  }
0x3c2: {  	v17 =	vld [tilespmem:s29+$0xFFFFFE60]  }
0x3c3: {  	v18 =	vld [tilespmem:s0+$0xFFFFFE70]  }
0x3c4: {  	v19 =	vld [tilespmem:s30+$0xFFFFFE70]  }
0x3c5: {  	v20 =	vld [tilespmem:s29+$0xFFFFFE70]  }
0x3c6: {  	v21 =	vld [tilespmem:s0+$0xFFFFFE80]  }
0x3c7: {  	v22 =	vld [tilespmem:s30+$0xFFFFFE80]  }
0x3c8: {  	v23 =	vld [tilespmem:s29+$0xFFFFFE80]  }
0x3c9: {  	v24 =	vld [tilespmem:s0+$0xFFFFFE90]  }
0x3ca: {  	v25 =	vld [tilespmem:s30+$0xFFFFFE90]  }
0x3cb: {  	v26 =	vld [tilespmem:s29+$0xFFFFFE90]  }
0x3cc: {  	v27 =	vld [tilespmem:s0+$0xFFFFFEA0]  }
0x3cd: {  	v28 =	vld [tilespmem:s30+$0xFFFFFEA0]  }
0x3ce: {  	v29 =	vld [tilespmem:s29+$0xFFFFFEA0]  }
0x3cf: {  	v30 =	vld [tilespmem:s0+$0xFFFFFEB0]  }
0x3d0: {  	v31 =	vld [tilespmem:s30+$0xFFFFFEB0]  }
0x3d1: {  	v32 =	vld [tilespmem:s29+$0xFFFFFEB0]  }
0x3d2: {  	v33 =	vld [tilespmem:s0+$0xFFFFFEC0]  }
0x3d3: {  	v34 =	vld [tilespmem:s30+$0xFFFFFEC0]  }
0x3d4: {  	v35 =	vld [tilespmem:s29+$0xFFFFFEC0]  }
0x3d5: {  	v36 =	vld [tilespmem:s0+$0xFFFFFED0]  }
0x3d6: {  	v37 =	vld [tilespmem:s30+$0xFFFFFED0]  }
0x3d7: {  	v38 =	vld [tilespmem:s29+$0xFFFFFED0]  }
0x3d8: {  	v39 =	vld [tilespmem:s0+$0xFFFFFEE0]  }
0x3d9: {  	v40 =	vld [tilespmem:s30+$0xFFFFFEE0]  }
0x3da: {  	v41 =	vld [tilespmem:s29+$0xFFFFFEE0]  }
0x3db: {  	v42 =	vld [tilespmem:s0+$0xFFFFFEF0]  }
0x3dc: {  	v43 =	vld [tilespmem:s30+$0xFFFFFEF0]  }
0x3dd: {  	v44 =	vld [tilespmem:s29+$0xFFFFFEF0]  }
0x3de: {  	v45 =	vld [tilespmem:s0+$0xFFFFFF00]  }
0x3df: {  	v46 =	vld [tilespmem:s30+$0xFFFFFF00]  }
0x3e0: {  	v47 =	vld [tilespmem:s29+$0xFFFFFF00]  }
0x3e1: {  	v48 =	vld [tilespmem:s0+$0xFFFFFF10]  }
0x3e2: {  	v49 =	vld [tilespmem:s30+$0xFFFFFF10]  }
0x3e3: {  	v50 =	vld [tilespmem:s29+$0xFFFFFF10]  }
0x3e4: {  	v51 =	vld [tilespmem:s0+$0xFFFFFF20]  }
0x3e5: {  	v52 =	vld [tilespmem:s30+$0xFFFFFF20]  }
0x3e6: {  	v53 =	vld [tilespmem:s29+$0xFFFFFF20]  }
0x3e7: {  	v54 =	vld [tilespmem:s0+$0xFFFFFF30]  }
0x3e8: {  	v55 =	vld [tilespmem:s30+$0xFFFFFF30]  }
0x3e9: {  	v56 =	vld [tilespmem:s29+$0xFFFFFF30]  }
0x3ea: {  	v57 =	vld [tilespmem:s0+$0xFFFFFF40]  }
0x3eb: {  	v58 =	vld [tilespmem:s30+$0xFFFFFF40]  }
0x3ec: {  	v59 =	vld [tilespmem:s29+$0xFFFFFF40]  }
0x3ed: {  	v61 =	vld [tilespmem:s30+$0xFFFFFFC0]  }
0x3ee: {  	v63 =	vld [tilespmem:s29+$0xFFFFFFC0];
	v1 =	vmul.f32 v1, v0;
	v4 =	vmul.f32 v4, v3  }
0x3ef: {  	v0 =	vmul.f32 v2, v0;
	v2 =	vmul.f32 v5, v3;
	v5 =	vld [tilespmem:s0+$0xFFFFFF50]  }
0x3f0: {  	v3 =	vmul.f32 v7, v6;
	v7 =	vld [tilespmem:s0+$0xFFFFFF60];
	v31 =	vmul.f32 v31, v30;
	v1 =	vadd.f32 v4, v1  }
0x3f1: {  	v32 =	vmul.f32 v32, v30;
	v30 =	vld [tilespmem:s0+$0xFFFFFFC0];
	v0 =	vadd.f32 v2, v0;
	v2 =	vmul.f32 v8, v6  }
0x3f2: {  	v62 =	vmul.f32 v55, v54;
	v55 =	vld [tilespmem:s29+$0xFFFFFFF0];
	v1 =	vadd.f32 v3, v1;
	v3 =	vmul.f32 v10, v9  }
0x3f3: {  	v4 =	vld [tilespmem:s30+$0xFFFFFF50];
	v0 =	vadd.f32 v2, v0;
	v2 =	vmul.f32 v11, v9  }
0x3f4: {  	v34 =	vmul.f32 v34, v33;
	v6 =	vld [tilespmem:s29+$0xFFFFFF50];
	v1 =	vadd.f32 v3, v1;
	v3 =	vmul.f32 v13, v12  }
0x3f5: {  	v22 =	vmul.f32 v22, v21;
	v8 =	vld [tilespmem:s30+$0xFFFFFF60];
	v0 =	vadd.f32 v2, v0;
	v2 =	vmul.f32 v14, v12  }
0x3f6: {  	v21 =	vmul.f32 v23, v21;
	v9 =	vld [tilespmem:s29+$0xFFFFFF60];
	v1 =	vadd.f32 v3, v1;
	v3 =	vmul.f32 v16, v15  }
0x3f7: {  	v60 =	vmul.f32 v53, v51;
	v10 =	vld [tilespmem:s0+$0xFFFFFF70];
	v0 =	vadd.f32 v2, v0;
	v2 =	vmul.f32 v17, v15  }
0x3f8: {  	v11 =	vld [tilespmem:s30+$0xFFFFFF70];
	v1 =	vadd.f32 v3, v1;
	v3 =	vmul.f32 v25, v24;
	v25 =	vmul.f32 v28, v27  }
0x3f9: {  	v12 =	vld [tilespmem:s29+$0xFFFFFF70];
	v0 =	vadd.f32 v2, v0;
	v2 =	vmul.f32 v26, v24;
	v28 =	vmul.f32 v29, v27  }
0x3fa: {  	v14 =	vld [tilespmem:s0+$0xFFFFFF80];
	v4 =	vmul.f32 v4, v5;
	v5 =	vmul.f32 v6, v5  }
0x3fb: {  	v6 =	vld [tilespmem:s29+$0xFFFFFFD0];
	v29 =	vmul.f32 v19, v18;
	v18 =	vmul.f32 v20, v18;
	v2 =	vadd.f32 v28, v2  }
0x3fc: {  	v8 =	vmul.f32 v8, v7;
	v16 =	vld [tilespmem:s30+$0xFFFFFF80];
	v7 =	vmul.f32 v9, v7;
	v3 =	vadd.f32 v25, v3  }
0x3fd: {  	v17 =	vld [tilespmem:s30+$0xFFFFFF90];
	v18 =	vadd.f32 v18, v0;
	v0 =	vadd.f32 v32, v2;
	v2 =	vmul.f32 v35, v33  }
0x3fe: {  	v15 =	vld [tilespmem:s29+$0xFFFFFF90];
	v3 =	vadd.f32 v31, v3;
	v35 =	vmul.f32 v37, v36;
	v37 =	vmul.f32 v38, v36  }
0x3ff: {  	v19 =	vld [tilespmem:s29+$0xFFFFFF80];
	v1 =	vadd.f32 v29, v1;
	v38 =	vmul.f32 v40, v39;
	v40 =	vmul.f32 v41, v39  }
0x400: {  	v20 =	vld [tilespmem:s0+$0xFFFFFF90];
	v41 =	vmul.f32 v43, v42;
	v43 =	vmul.f32 v44, v42;
	v3 =	vadd.f32 v34, v3  }
0x401: {  	v24 =	vld [tilespmem:s0+$0xFFFFFFA0];
	v44 =	vmul.f32 v46, v45;
	v46 =	vmul.f32 v47, v45;
	v2 =	vadd.f32 v2, v0  }
0x402: {  	v25 =	vld [tilespmem:s30+$0xFFFFFFA0];
	v47 =	vmul.f32 v49, v48;
	v49 =	vmul.f32 v52, v51;
	v3 =	vadd.f32 v35, v3  }
0x403: {  	v26 =	vld [tilespmem:s30+$0xFFFFFFB0];
	v52 =	vmul.f32 v50, v48;
	v0 =	vadd.f32 v22, v1;
	v2 =	vadd.f32 v37, v2  }
0x404: {  	v39 =	vmul.f32 v58, v57;
	v22 =	vld [tilespmem:s29+$0xFFFFFFA0];
	v1 =	vadd.f32 v21, v18;
	v3 =	vadd.f32 v38, v3  }
0x405: {  	v17 =	vmul.f32 v17, v20;
	v21 =	vld [tilespmem:s0+$0xFFFFFFB0];
	v13 =	vadd.f32 v49, v47;
	v2 =	vadd.f32 v40, v2  }
0x406: {  	v28 =	vld [tilespmem:s29+$0xFFFFFFB0];
	v15 =	vmul.f32 v15, v20;
	v36 =	vadd.f32 v60, v52;
	v3 =	vadd.f32 v41, v3  }
0x407: {  	v45 =	vld [tilespmem:s30+$0xFFFFFFE0];
	v42 =	vmul.f32 v25, v24;
	v37 =	vmul.f32 v56, v54;
	v23 =	vadd.f32 v43, v2  }
0x408: {  	v13 =	vadd.f32 v62, v13;
	v38 =	vld [tilespmem:s0+$0xFFFFFFD0];
	v40 =	vmul.f32 v59, v57;
	v2 =	vadd.f32 v44, v3  }
0x409: {  	v41 =	vld [tilespmem:s30+$0xFFFFFFD0];
	v3 =	vadd.f32 v46, v23;
	v23 =	vadd.f32 v37, v36;
	v44 =	vmul.f32 v22, v24  }
0x40a: {  	v48 =	vld [tilespmem:s29+$0xFFFFFFE0];
	v13 =	vadd.f32 v39, v13;
	v47 =	vmul.f32 v26, v21;
	v46 =	vadd.f32 v42, v17  }
0x40b: {  	v49 =	vmul.f32 v28, v21;
	v43 =	vld [tilespmem:s0+$0xFFFFFFE0];
	v23 =	vadd.f32 v40, v23;
	v15 =	vadd.f32 v44, v15  }
0x40c: {  	v50 =	vld [tilespmem:s0+$0xFFFFFFF0];
	v51 =	vmul.f32 v61, v30;
	v4 =	vadd.f32 v4, v13;
	v13 =	vadd.f32 v47, v46  }
0x40d: {  	v52 =	vld [tilespmem:s30+$0xFFFFFFF0];
	v54 =	vmul.f32 v63, v30;
	v5 =	vadd.f32 v5, v23;
	v53 =	vadd.f32 v49, v15  }
0x40e: {  	v58 =	vld [tilespmem:s30+$0x0];
	v4 =	vadd.f32 v8, v4;
	v56 =	vmul.f32 v41, v38;
	v8 =	vadd.f32 v51, v13  }
0x40f: {  	v57 =	vld [tilespmem:s0+$0x0];
	v6 =	vmul.f32 v6, v38;
	v5 =	vadd.f32 v7, v5;
	v7 =	vadd.f32 v54, v53  }
0x410: {  	v11 =	vmul.f32 v11, v10;
	v60 =	vld [tilespmem:s29+$0x0];
	v59 =	vmul.f32 v45, v43;
	v8 =	vadd.f32 v56, v8  }
0x411: {  	v10 =	vmul.f32 v12, v10;
	v6 =	vadd.f32 v6, v7;
	v7 =	vmul.f32 v48, v43  }
0x412: {  	p0 =	sne.s32 s28, $0x1E0;
	v62 =	vmul.f32 v19, v14;
	v61 =	vmul.f32 v52, v50;
	v8 =	vadd.f32 v59, v8  }
.Ltmp3:
0x413: {  	v10 =	vadd.f32 v10, v5;
	v5 =	vadd.f32 v7, v6;
	v6 =	vmul.f32 v55, v50;
	(pc) =	sbr.rel @p0 .LBB2_8-.Ltmp3, $4  }
0x414: {  	v9 =	vmul.f32 v58, v57;
	v4 =	vadd.f32 v11, v4;
	v7 =	vmul.f32 v16, v14  }
0x415: {  	v63 =	vmul.f32 v60, v57;
	v8 =	vadd.f32 v61, v8;
	v6 =	vadd.f32 v6, v5  }
0x416: {  	s28 =	sadd.s32 $0x10, s28;
	v5 =	vadd.f32 v7, v4;
	v4 =	vadd.f32 v62, v10  }
0x417: {  	s29 =	sadd.s32 $0x200, s29;
	s30 =	sadd.s32 $0x200, s30;
	s0 =	sadd.s32 $0x200, s0;
	v7 =	vadd.f32 v9, v8;
	v6 =	vadd.f32 v63, v6  }
0x418: {  	(xrf2) =	vadd.scan.msk.f32 $0xffff, v0  }
0x419: {  	(xrf2) =	vadd.scan.msk.f32 $0xffff, v1  }
0x41a: {  	(xrf2) =	vadd.scan.msk.f32 $0xffff, v2  }
0x41b: {  	(xrf2) =	vadd.scan.msk.f32 $0xffff, v3  }
0x41c: {  	(xrf2) =	vadd.scan.msk.f32 $0xffff, v5  }
0x41d: {  	(xrf2) =	vadd.scan.msk.f32 $0xffff, v4  }
0x41e: {  	(xrf2) =	vadd.scan.msk.f32 $0xffff, v7  }
0x41f: {  	(xrf2) =	vadd.scan.msk.f32 $0xffff, v6;
	_ =	sdelay $0x2  }
0x420: {  	s0 =	simm.s32 $0x187FC;
	v0, _, _ =	vpop (xrf2)  }
0x421: {  	s30 =	simm.s32 $0x18A7C;
	v1, _, _ =	vpop (xrf2);
	[tilespmem:s0+$0x0] =	vst.msk vm0, v0  }
0x422: {  	s14 =	simm.s32 $0x187FD;
	v58, _, _ =	vpop (xrf2);
	[tilespmem:s30+$0x0] =	vst.msk vm0, v1  }
0x423: {  	s28 =	simm.s32 $0x18A7D;
	v59, _, _ =	vpop (xrf2);
	[tilespmem:s14+$0x0] =	vst.msk vm0, v58  }
0x424: {  	s29 =	simm.s32 $0x187FE;
	v60, _, _ =	vpop (xrf2);
	[tilespmem:s28+$0x0] =	vst.msk vm0, v59  }
0x425: {  	s30 =	simm.s32 $0x18A7E;
	v61, _, _ =	vpop (xrf2);
	[tilespmem:s29+$0x0] =	vst.msk vm0, v60  }
0x426: {  	s14 =	simm.s32 $0x187FF;
	v62, _, _ =	vpop (xrf2);
	[tilespmem:s30+$0x0] =	vst.msk vm0, v61  }
0x427: {  	s28 =	simm.s32 $0x18A7F;
	[tilespmem:s14+$0x0] =	vst.msk vm0, v62;
	v63, _, _ =	vpop (xrf2)  }
0x428: {  	s29 =	simm.s32 $0x18600;
	[tilespmem:s28+$0x0] =	vst.msk vm0, v63  }
0x429: {  	[hbm4b:s11+s4] =	stream.linear.scatter [tilespmem:s29], [sflag:$0x3], $0x200, $0x38;
	[tilespmem:$0x18B00] =	vst v63  }
0x42a: {  	s3 =	sadd.s32 $0x1, s3;
	_ =	swait.ge [sflag:s31], $0x200  }
0x42b: {  	p0 =	sne.s32 s3, s13;
	[sflag:s31] =	ssyncset.done $0x0  }
.Ltmp4:
0x42c: {  	s30 =	simm.s32 $0x18880;
	[sflag:s31] =	ssyncadd.s32 $0xFFFFFE00;
	(pc) =	sbr.rel @p0 .LBB2_1-.Ltmp4, $4  }
0x42d: {  	[hbm4b:s12+s4] =	stream.linear.scatter [tilespmem:s30], [sflag:$0x3], $0x200, $0x38;
	[tilespmem:$0x18B00] =	vst v63  }
0x42e: {  	_ =	swait.ge [sflag:s31], $0x200  }
0x42f: {  	[sflag:s31] =	ssyncset.done $0x0  }
0x430: {  	[sflag:s31] =	ssyncadd.s32 $0xFFFFFE00  }
0x431: {  	_ =	sfence.sel $0x180000  }
0x432: {  	[bflag:$0x0] =	sbarrier.arrive $0xFFFF  }
0x433: {  	_ =	strace $0x90000047  }
0x434: {  	s0 =	stileid.u32;
	[bflag:$0x2] =	sbarrier.arrive $0xFFFF  }
0x435: {  	p0 =	sne.s32 s0, $0x0;
	s0 =	rddreg [dreg:$0x7]  }
0x436: {  	s0 =	sadd.s32 @!p0 $0x100000, s0  }
0x437: {  	[sflag:s0] =	ssyncadd.tile.s32 @!p0 $0x1;
	_ =	shalt  }
.Lfunc_end2:
_tile_overlayer_lowered:
.L_overlay_start_2:
0x438: {  	(tag) =	ssettag $0x2  }
0x439: {  	s0 =	rddreg [dreg:$0x0];
	s2 =	stileid.u32  }
0x43a: {  	s1 =	rddreg [dreg:$0x1];
	p0 =	sne.s32 s2, $0x0  }
0x43b: {  	s3 =	rddreg [dreg:$0x2];
	[bflag:$0x3] =	sbarrier.arrive $0xFFFF;
	s2 =	simm.s32 @!p0 $0x1C03  }
0x43c: {  	[timem:s3], [sflag:s2] =	dma.local @!p0 [hbm:s0], s1  }
0x43d: {  	s0 =	simm.s32 @!p0 $0x3  }
0x43e: {  	_ =	swait.ge @!p0 [sflag:s0], s1  }
0x43f: {  	s1 =	ssub.s32 @!p0 $0x0, s1;
	[sflag:s0] =	ssyncset.done @!p0 $0x0  }
0x440: {  	[sflag:s0] =	ssyncadd.s32 @!p0 s1  }
0x441: {  	[bflag:$0x3] =	sbarrier.arrive $0xFFFF  }
0x442: {  	_ =	shalt  }

</sc_bundles>
